<compile_context>
chip_gen: v7x
topology: tpu7x:2x2x1
jax: 0.10.2.dev20260603
libtpu: 0.0.44.dev20260713+nightly
codegen_flags: <defaults>
</compile_context>

<pallas_src>
import functools

import jax
import jax.numpy as jnp
from jax import lax
from jax.experimental import pallas as pl
from jax.experimental.pallas import tpu as pltpu
from jax.experimental.pallas import tpu_sc as plsc

KK = 256
NROWS = 128
NCOLS = 32768
NC, NS, L = 2, 16, 16
NW = NC * NS
RPW = NROWS // NW
NV = NCOLS // L
NG = NV // L
NB = 256
CCAP = NCOLS + 16
WCAP = KK + 16

_mesh = plsc.VectorSubcoreMesh(core_axis_name="c", subcore_axis_name="s",
                               num_cores=NC, num_subcores=NS)


def _sc_body(sim_hbm, out_hbm, row_v, cidx_v, hist_v, pfx_v, win_v,
             sem_in, sem_out):
    iota = lax.iota(jnp.int32, L)
    ones = jnp.ones((L,), jnp.int32)
    zeros = jnp.zeros((L,), jnp.int32)
    zerosf = jnp.zeros((L,), jnp.float32)

    def tokey(v):
        b = lax.bitcast_convert_type(v, jnp.uint32)
        return jnp.where(b >= jnp.uint32(0x80000000), ~b,
                         b | jnp.uint32(0x80000000))

    def topdig(v):
        t = (lax.bitcast_convert_type(v, jnp.uint32) >> jnp.uint32(24)
             ).astype(jnp.int32)
        return jnp.where(t >= 128, 255 - t, t + 128)

    def keyat(rb, ix):
        return tokey(plsc.load_gather(
            row_v, [(ix & jnp.int32(NCOLS - 1)) + rb]))

    def scalar(x):
        return jnp.max(x) if x.ndim else x

    def hist_full(rb):
        for g in range(L):
            hist_v[pl.ds(g * L, L)] = zeros

        @plsc.parallel_loop(0, NV, 1, unroll=8)
        def _hist(i):
            d = topdig(row_v[pl.ds(rb + i * L, L)])
            cnts, last = plsc.scan_count(d)
            plsc.addupdate_scatter(hist_v, [d], cnts, mask=last)

    def select8(k_rem):
        def gbody(gr, st):
            carry, found, digit, above = st
            g = jnp.int32(L - 1) - gr
            M = hist_v[pl.ds(g * L, L)]
            revg = lax.rev(M, (0,))
            rcg = plsc.cumsum(revg) + carry
            ge = rcg >= k_rem
            anyge = jnp.max(ge.astype(jnp.int32))
            istar = scalar(plsc.all_reduce_ffs(ge))
            selrc = jnp.max(jnp.where(iota == istar, rcg, 0))
            selbin = jnp.max(jnp.where(iota == istar, revg, 0))
            hit = (anyge == 1) & (found == 0)
            digit = jnp.where(hit, g * L + (jnp.int32(L - 1) - istar), digit)
            above = jnp.where(hit, selrc - selbin, above)
            found = jnp.where(anyge == 1, jnp.int32(1), found)
            return (rcg[L - 1], found, digit, above)

        st = (jnp.int32(0), jnp.int32(0), jnp.int32(0), jnp.int32(0))
        _, _, digit, above = lax.fori_loop(0, L, gbody, st)
        return digit, k_rem - above

    def compact(rb, d1):
        @plsc.parallel_loop(0, NG, 1, unroll=2)
        def _pa(i):
            acc = zeros
            for t in range(L):
                m = topdig(row_v[pl.ds(rb + (i * L + t) * L, L)]) == d1
                c = plsc.all_reduce_population_count(m)
                acc = jnp.where(iota == t, c, acc)
            pfx_v[pl.ds(i * L, L)] = acc

        def _pb(i, carry):
            c = pfx_v[pl.ds(i * L, L)]
            inc = plsc.cumsum(c)
            pfx_v[pl.ds(i * L, L)] = inc - c + carry
            return carry + inc[L - 1]

        n = lax.fori_loop(0, NG, _pb, jnp.int32(0))

        @plsc.parallel_loop(0, NV, 1, unroll=8)
        def _pc(i):
            m = topdig(row_v[pl.ds(rb + i * L, L)]) == d1
            base = pfx_v[pl.ds(i, L)][0]
            plsc.store_compressed(cidx_v.at[pl.ds(base, L)], i * L + iota,
                                  mask=m)

        return n

    def hist_cand(rb, n, prefix, sp, sd):
        hist_v[pl.ds(0, L)] = zeros
        trips = (n + L - 1) // L

        @plsc.parallel_loop(0, trips, 1, unroll=4)
        def _hc(i):
            k = keyat(rb, cidx_v[pl.ds(i * L, L)])
            act = ((i * L + iota) < n) & ((k >> jnp.uint32(sp)) == prefix)
            d = ((k >> jnp.uint32(sd)) & jnp.uint32(15)).astype(jnp.int32)
            cnts, last = plsc.scan_count(d, act)
            plsc.addupdate_scatter(hist_v, [d], cnts, mask=last & act)

    def select4(k_rem):
        M = hist_v[pl.ds(0, L)]
        rev = lax.rev(M, (0,))
        rc = plsc.cumsum(rev)
        istar = scalar(plsc.all_reduce_ffs(rc >= k_rem))
        sel = jnp.max(jnp.where(iota == istar, rc, 0))
        bincnt = jnp.max(jnp.where(iota == istar, rev, 0))
        digit = jnp.int32(L - 1) - istar
        return digit, k_rem - (sel - bincnt)

    wid = lax.axis_index("s") * NC + lax.axis_index("c")

    def row_body(j, carry):
        sslot = j & 1
        rb = sslot * NCOLS
        r = wid * RPW + j
        dst = row_v.at[pl.ds(rb, NCOLS)]
        pltpu.make_async_copy(sim_hbm.at[r], dst, sem_in).wait()

        hist_full(rb)

        @pl.when(j > 0)
        def _():
            pltpu.make_async_copy(dst, out_hbm.at[r], sem_out).wait()

        @pl.when(j < RPW - 1)
        def _():
            nb = (1 - sslot) * NCOLS
            pltpu.async_copy(sim_hbm.at[r + 1],
                             row_v.at[pl.ds(nb, NCOLS)], sem_in)

        d1, k_rem = select8(jnp.int32(KK))
        prefix = d1.astype(jnp.uint32)
        n = compact(rb, d1)

        for lvl in range(6):
            sd = 20 - 4 * lvl
            hist_cand(rb, n, prefix, sd + 4, sd)
            dl, k_rem = select4(k_rem)
            prefix = (prefix << jnp.uint32(4)) | dl.astype(jnp.uint32)

        T = prefix
        m_take = k_rem

        trips = (n + L - 1) // L

        def wbody(i, st):
            cnt_eq, cnt_w = st
            ix = cidx_v[pl.ds(i * L, L)]
            k = keyat(rb, ix)
            eq = ((i * L + iota) < n) & (k == T)
            eqi = eq.astype(jnp.int32)
            excl = plsc.cumsum(eqi) - eqi + cnt_eq
            win = eq & (excl < m_take)
            plsc.store_compressed(win_v.at[pl.ds(cnt_w, L)], ix, mask=win)
            cnt_eq = cnt_eq + scalar(plsc.all_reduce_population_count(eq))
            cnt_w = cnt_w + scalar(plsc.all_reduce_population_count(win))
            return (cnt_eq, cnt_w)

        lax.fori_loop(0, trips, wbody, (jnp.int32(0), jnp.int32(0)))

        @plsc.parallel_loop(0, NV, 1, unroll=8)
        def _mask(i):
            k = tokey(row_v[pl.ds(rb + i * L, L)])
            row_v[pl.ds(rb + i * L, L)] = jnp.where(
                k > T, jnp.float32(0), jnp.float32(jnp.inf))

        wtrips = (m_take + L - 1) // L

        def pbody(i, c):
            ixw = (win_v[pl.ds(i * L, L)] & jnp.int32(NCOLS - 1)) + rb
            lanem = (i * L + iota) < m_take
            plsc.store_scatter(row_v, [ixw], zerosf, mask=lanem)
            return c

        lax.fori_loop(0, wtrips, pbody, jnp.int32(0))

        pltpu.async_copy(dst, out_hbm.at[r], sem_out)
        return carry

    pltpu.async_copy(sim_hbm.at[wid * RPW], row_v.at[pl.ds(0, NCOLS)],
                     sem_in)
    lax.fori_loop(0, RPW, row_body, jnp.int32(0))
    pltpu.make_async_copy(sim_hbm.at[wid * RPW],
                          row_v.at[pl.ds(0, NCOLS)], sem_out).wait()


_sc_kernel = functools.partial(
    pl.kernel,
    out_type=jax.ShapeDtypeStruct((NROWS, NCOLS), jnp.float32),
    mesh=_mesh,
    compiler_params=pltpu.CompilerParams(needs_layout_passes=False),
    scratch_types=[
        pltpu.VMEM((2 * NCOLS,), jnp.float32),
        pltpu.VMEM((CCAP,), jnp.int32),
        pltpu.VMEM((NB,), jnp.int32),
        pltpu.VMEM((NV + L,), jnp.int32),
        pltpu.VMEM((WCAP,), jnp.int32),
        pltpu.SemaphoreType.DMA,
        pltpu.SemaphoreType.DMA,
    ],
)(_sc_body)


def kernel(sim):
    return _sc_kernel(sim)

# --- scband reference (transcript-rebuilt; emitter-appended) ---
"""Pipeline reference for scband-knnmask-32169305047733 (READ-ONLY COPY).

The authoritative reference and input builder live on the scoring server;
editing this copy changes nothing except your own understanding.
"""

import jax, jax.numpy as jnp
import numpy as np

K = 256

def setup_inputs(seed: int = 0) -> dict:
    key = jax.random.key(seed)
    sim = jax.random.normal(key, (128, 32768), dtype=jnp.float32)
    return {"sim": sim}

def reference(sim):
    # torch.topk(sim, k, dim=1) -> jax.lax.top_k over last axis
    _, top_k_indices = jax.lax.top_k(sim, K)
    # mask = inf * ones_like(sim)
    mask = jnp.full_like(sim, jnp.inf)
    # mask.scatter_(1, top_k_indices, 0)
    batch_idx = jnp.arange(sim.shape[0])[:, None]
    mask = mask.at[batch_idx, top_k_indices].set(0.0)
    return mask

if __name__ == "__main__":
    import jax
    _d = setup_inputs()
    print(jax.jit(kernel)(*tuple(_d.values())))

</pallas_src>

<mosaic_0001>
#map = affine_map<(d0, d1) -> (0, 0)>
module attributes {stable_mosaic.version = 14 : i64} {
  func.func @_sc_body(%arg0: i32, %arg1: i32, %arg2: memref<128x32768xf32, #tpu.memory_space<hbm>>, %arg3: memref<128x32768xf32, #tpu.memory_space<hbm>>, %arg4: memref<65536xf32, #tpu.memory_space<vmem>>, %arg5: memref<32784xi32, #tpu.memory_space<vmem>>, %arg6: memref<256xi32, #tpu.memory_space<vmem>>, %arg7: memref<2064xi32, #tpu.memory_space<vmem>>, %arg8: memref<272xi32, #tpu.memory_space<vmem>>, %arg9: memref<!tpu.dma_semaphore, #tpu.memory_space<semaphore_mem>>, %arg10: memref<!tpu.dma_semaphore, #tpu.memory_space<semaphore_mem>>) attributes {dimension_semantics = [#tpu.dimension_semantics<core_parallel>, #tpu.dimension_semantics<subcore_parallel>], iteration_bounds = array<i64: 2, 16>, scalar_prefetch = 0 : i64, scratch_operands = 7 : i64, tpu.core_type = #tpu.core_type<sc_vector_subcore>, window_params = [{transform_indices = #map}, {transform_indices = #map}]} {
    %iota3A = tpu.iota {dimensions = array<i32: 0>} : vector<16xi32>
    %broadcast_in_dim3A = arith.constant 1 : i32
    %broadcast_in_dim3A_0 = vector.broadcast %broadcast_in_dim3A : i32 to vector<16xi32>
    %broadcast_in_dim3A_1 = arith.constant 0 : i32
    %broadcast_in_dim3A_2 = vector.broadcast %broadcast_in_dim3A_1 : i32 to vector<16xi32>
    %broadcast_in_dim3A_3 = arith.constant 0.000000e+00 : f32
    %broadcast_in_dim3A_4 = vector.broadcast %broadcast_in_dim3A_3 : f32 to vector<16xf32>
    %mul3A = arith.constant 2 : i32
    %mul3A_5 = arith.muli %arg1, %mul3A : i32
    %add3A = arith.addi %mul3A_5, %arg0 : i32
    %mul3A_6 = arith.constant 4 : i32
    %mul3A_7 = arith.muli %add3A, %mul3A_6 : i32
    %dma_start3A = arith.constant 0 : i32
    %dma_start3A_8 = tpu.memref_slice %arg4[%dma_start3A] : memref<65536xf32, #tpu.memory_space<vmem>> -> memref<32768xf32, #tpu.memory_space<vmem>>
    %dma_start3A_9 = arith.constant 0 : i32
    %dma_start3A_10 = tpu.memref_slice %arg2[%mul3A_7, %dma_start3A_9] : memref<128x32768xf32, #tpu.memory_space<hbm>> -> memref<1x32768xf32, #tpu.memory_space<hbm>>
    %dma_start3A_11 = tpu.memref_squeeze %dma_start3A_10 : memref<1x32768xf32, #tpu.memory_space<hbm>> -> memref<32768xf32, #tpu.memory_space<hbm>>
    %dma_start3A_12 = arith.constant 0 : i32
    %dma_start3A_13 = tpu.memref_slice %arg4[%dma_start3A_12] : memref<65536xf32, #tpu.memory_space<vmem>> -> memref<32768xf32, #tpu.memory_space<vmem>>
    %dma_start3A_14 = arith.constant 0 : i32
    %dma_start3A_15 = tpu.memref_slice %arg2[%mul3A_7, %dma_start3A_14] : memref<128x32768xf32, #tpu.memory_space<hbm>> -> memref<1x32768xf32, #tpu.memory_space<hbm>>
    %dma_start3A_16 = tpu.memref_squeeze %dma_start3A_15 : memref<1x32768xf32, #tpu.memory_space<hbm>> -> memref<32768xf32, #tpu.memory_space<hbm>>
    tpu.enqueue_dma source(%dma_start3A_16 : memref<32768xf32, #tpu.memory_space<hbm>>) target(%dma_start3A_13 : memref<32768xf32, #tpu.memory_space<vmem>>) target_semaphore(%arg9 : memref<!tpu.dma_semaphore, #tpu.memory_space<semaphore_mem>>)
    %scan3A = arith.constant 0 : i32
    %scan3A_17 = arith.constant 0 : i32
    %scan3A_18 = arith.constant 4 : i32
    %scan3A_19 = arith.addi %scan3A_17, %scan3A_18 : i32
    %scan3A_20 = arith.constant 1 : i32
    scf.for %scan3A_33 = %scan3A_17 to %scan3A_19 step %scan3A_20  : i32 {
      %and3A = arith.constant 1 : i32
      %and3A_34 = arith.andi %scan3A_33, %and3A : i32
      %mul3A_35 = arith.constant 32768 : i32
      %mul3A_36 = arith.muli %and3A_34, %mul3A_35 : i32
      %mul3A_37 = arith.constant 4 : i32
      %mul3A_38 = arith.muli %add3A, %mul3A_37 : i32
      %add3A_39 = arith.addi %mul3A_38, %scan3A_33 : i32
      %dma_wait3A_40 = tpu.memref_slice %arg4[%mul3A_36] : memref<65536xf32, #tpu.memory_space<vmem>> -> memref<32768xf32, #tpu.memory_space<vmem>>
      %dma_wait3A_41 = arith.constant 0 : i32
      %dma_wait3A_42 = tpu.memref_slice %arg2[%add3A_39, %dma_wait3A_41] : memref<128x32768xf32, #tpu.memory_space<hbm>> -> memref<1x32768xf32, #tpu.memory_space<hbm>>
      %dma_wait3A_43 = tpu.memref_squeeze %dma_wait3A_42 : memref<1x32768xf32, #tpu.memory_space<hbm>> -> memref<32768xf32, #tpu.memory_space<hbm>>
      %dma_wait3A_44 = tpu.memref_slice %arg4[%mul3A_36] : memref<65536xf32, #tpu.memory_space<vmem>> -> memref<32768xf32, #tpu.memory_space<vmem>>
      %dma_wait3A_45 = arith.constant 0 : i32
      %dma_wait3A_46 = tpu.memref_slice %arg2[%add3A_39, %dma_wait3A_45] : memref<128x32768xf32, #tpu.memory_space<hbm>> -> memref<1x32768xf32, #tpu.memory_space<hbm>>
      %dma_wait3A_47 = tpu.memref_squeeze %dma_wait3A_46 : memref<1x32768xf32, #tpu.memory_space<hbm>> -> memref<32768xf32, #tpu.memory_space<hbm>>
      tpu.wait_dma2 semaphore(%arg9 : memref<!tpu.dma_semaphore, #tpu.memory_space<semaphore_mem>>) src(%dma_wait3A_47 : memref<32768xf32, #tpu.memory_space<hbm>>) dst(%dma_wait3A_44 : memref<32768xf32, #tpu.memory_space<vmem>>)
      %swap3A = arith.constant 0 : index
      %swap3A_48 = tpu.vector_load %arg6[%swap3A] {strides = array<i32>} : memref<256xi32, #tpu.memory_space<vmem>>, vector<16xi32>,
      tpu.vector_store %arg6[%swap3A], %broadcast_in_dim3A_2 {strides = array<i32>} : memref<256xi32, #tpu.memory_space<vmem>>, vector<16xi32>,
      %swap3A_49 = arith.constant 16 : index
      %swap3A_50 = tpu.vector_load %arg6[%swap3A_49] {strides = array<i32>} : memref<256xi32, #tpu.memory_space<vmem>>, vector<16xi32>,
      tpu.vector_store %arg6[%swap3A_49], %broadcast_in_dim3A_2 {strides = array<i32>} : memref<256xi32, #tpu.memory_space<vmem>>, vector<16xi32>,
      %swap3A_51 = arith.constant 32 : index
      %swap3A_52 = tpu.vector_load %arg6[%swap3A_51] {strides = array<i32>} : memref<256xi32, #tpu.memory_space<vmem>>, vector<16xi32>,
      tpu.vector_store %arg6[%swap3A_51], %broadcast_in_dim3A_2 {strides = array<i32>} : memref<256xi32, #tpu.memory_space<vmem>>, vector<16xi32>,
      %swap3A_53 = arith.constant 48 : index
      %swap3A_54 = tpu.vector_load %arg6[%swap3A_53] {strides = array<i32>} : memref<256xi32, #tpu.memory_space<vmem>>, vector<16xi32>,
      tpu.vector_store %arg6[%swap3A_53], %broadcast_in_dim3A_2 {strides = array<i32>} : memref<256xi32, #tpu.memory_space<vmem>>, vector<16xi32>,
      %swap3A_55 = arith.constant 64 : index
      %swap3A_56 = tpu.vector_load %arg6[%swap3A_55] {strides = array<i32>} : memref<256xi32, #tpu.memory_space<vmem>>, vector<16xi32>,
      tpu.vector_store %arg6[%swap3A_55], %broadcast_in_dim3A_2 {strides = array<i32>} : memref<256xi32, #tpu.memory_space<vmem>>, vector<16xi32>,
      %swap3A_57 = arith.constant 80 : index
      %swap3A_58 = tpu.vector_load %arg6[%swap3A_57] {strides = array<i32>} : memref<256xi32, #tpu.memory_space<vmem>>, vector<16xi32>,
      tpu.vector_store %arg6[%swap3A_57], %broadcast_in_dim3A_2 {strides = array<i32>} : memref<256xi32, #tpu.memory_space<vmem>>, vector<16xi32>,
      %swap3A_59 = arith.constant 96 : index
      %swap3A_60 = tpu.vector_load %arg6[%swap3A_59] {strides = array<i32>} : memref<256xi32, #tpu.memory_space<vmem>>, vector<16xi32>,
      tpu.vector_store %arg6[%swap3A_59], %broadcast_in_dim3A_2 {strides = array<i32>} : memref<256xi32, #tpu.memory_space<vmem>>, vector<16xi32>,
      %swap3A_61 = arith.constant 112 : index
      %swap3A_62 = tpu.vector_load %arg6[%swap3A_61] {strides = array<i32>} : memref<256xi32, #tpu.memory_space<vmem>>, vector<16xi32>,
      tpu.vector_store %arg6[%swap3A_61], %broadcast_in_dim3A_2 {strides = array<i32>} : memref<256xi32, #tpu.memory_space<vmem>>, vector<16xi32>,
      %swap3A_63 = arith.constant 128 : index
      %swap3A_64 = tpu.vector_load %arg6[%swap3A_63] {strides = array<i32>} : memref<256xi32, #tpu.memory_space<vmem>>, vector<16xi32>,
      tpu.vector_store %arg6[%swap3A_63], %broadcast_in_dim3A_2 {strides = array<i32>} : memref<256xi32, #tpu.memory_space<vmem>>, vector<16xi32>,
      %swap3A_65 = arith.constant 144 : index
      %swap3A_66 = tpu.vector_load %arg6[%swap3A_65] {strides = array<i32>} : memref<256xi32, #tpu.memory_space<vmem>>, vector<16xi32>,
      tpu.vector_store %arg6[%swap3A_65], %broadcast_in_dim3A_2 {strides = array<i32>} : memref<256xi32, #tpu.memory_space<vmem>>, vector<16xi32>,
      %swap3A_67 = arith.constant 160 : index
      %swap3A_68 = tpu.vector_load %arg6[%swap3A_67] {strides = array<i32>} : memref<256xi32, #tpu.memory_space<vmem>>, vector<16xi32>,
      tpu.vector_store %arg6[%swap3A_67], %broadcast_in_dim3A_2 {strides = array<i32>} : memref<256xi32, #tpu.memory_space<vmem>>, vector<16xi32>,
      %swap3A_69 = arith.constant 176 : index
      %swap3A_70 = tpu.vector_load %arg6[%swap3A_69] {strides = array<i32>} : memref<256xi32, #tpu.memory_space<vmem>>, vector<16xi32>,
      tpu.vector_store %arg6[%swap3A_69], %broadcast_in_dim3A_2 {strides = array<i32>} : memref<256xi32, #tpu.memory_space<vmem>>, vector<16xi32>,
      %swap3A_71 = arith.constant 192 : index
      %swap3A_72 = tpu.vector_load %arg6[%swap3A_71] {strides = array<i32>} : memref<256xi32, #tpu.memory_space<vmem>>, vector<16xi32>,
      tpu.vector_store %arg6[%swap3A_71], %broadcast_in_dim3A_2 {strides = array<i32>} : memref<256xi32, #tpu.memory_space<vmem>>, vector<16xi32>,
      %swap3A_73 = arith.constant 208 : index
      %swap3A_74 = tpu.vector_load %arg6[%swap3A_73] {strides = array<i32>} : memref<256xi32, #tpu.memory_space<vmem>>, vector<16xi32>,
      tpu.vector_store %arg6[%swap3A_73], %broadcast_in_dim3A_2 {strides = array<i32>} : memref<256xi32, #tpu.memory_space<vmem>>, vector<16xi32>,
      %swap3A_75 = arith.constant 224 : index
      %swap3A_76 = tpu.vector_load %arg6[%swap3A_75] {strides = array<i32>} : memref<256xi32, #tpu.memory_space<vmem>>, vector<16xi32>,
      tpu.vector_store %arg6[%swap3A_75], %broadcast_in_dim3A_2 {strides = array<i32>} : memref<256xi32, #tpu.memory_space<vmem>>, vector<16xi32>,
      %swap3A_77 = arith.constant 240 : index
      %swap3A_78 = tpu.vector_load %arg6[%swap3A_77] {strides = array<i32>} : memref<256xi32, #tpu.memory_space<vmem>>, vector<16xi32>,
      tpu.vector_store %arg6[%swap3A_77], %broadcast_in_dim3A_2 {strides = array<i32>} : memref<256xi32, #tpu.memory_space<vmem>>, vector<16xi32>,
      %parallel_loop3A = arith.constant 0 : i32
      %parallel_loop3A_79 = arith.constant 2048 : i32
      %parallel_loop3A_80 = arith.constant 1 : i32
      scf.for %parallel_loop3A_702 = %parallel_loop3A to %parallel_loop3A_79 step %parallel_loop3A_80  : i32 {
        %parallel_loop3A_703 = arith.constant 16 : i32
        %parallel_loop3A_704 = arith.muli %parallel_loop3A_702, %parallel_loop3A_703 : i32
        %parallel_loop3A_705 = arith.addi %mul3A_36, %parallel_loop3A_704 : i32
        %parallel_loop3A_706 = arith.index_cast %parallel_loop3A_705 : i32 to index
        %parallel_loop3A_707 = tpu.vector_load %arg4[%parallel_loop3A_706] {strides = array<i32>} : memref<65536xf32, #tpu.memory_space<vmem>>, vector<16xf32>,
        %parallel_loop3A_708 = tpu.bitcast %parallel_loop3A_707 : vector<16xf32> -> vector<16xi32>
        %parallel_loop3A_709 = arith.constant 24 : i32
        %parallel_loop3A_710 = vector.broadcast %parallel_loop3A_709 : i32 to vector<16xi32>
        %parallel_loop3A_711 = arith.shrui %parallel_loop3A_708, %parallel_loop3A_710 : vector<16xi32>
        %parallel_loop3A_712 = arith.constant 128 : i32
        %parallel_loop3A_713 = vector.broadcast %parallel_loop3A_712 : i32 to vector<16xi32>
        %parallel_loop3A_714 = arith.cmpi sge, %parallel_loop3A_711, %parallel_loop3A_713 : vector<16xi32>
        %parallel_loop3A_715 = arith.constant 255 : i32
        %parallel_loop3A_716 = vector.broadcast %parallel_loop3A_715 : i32 to vector<16xi32>
        %parallel_loop3A_717 = arith.subi %parallel_loop3A_716, %parallel_loop3A_711 : vector<16xi32>
        %parallel_loop3A_718 = arith.constant 128 : i32
        %parallel_loop3A_719 = vector.broadcast %parallel_loop3A_718 : i32 to vector<16xi32>
        %parallel_loop3A_720 = arith.addi %parallel_loop3A_711, %parallel_loop3A_719 : vector<16xi32>
        %parallel_loop3A_721 = arith.select %parallel_loop3A_714, %parallel_loop3A_717, %parallel_loop3A_720 : vector<16xi1>, vector<16xi32>
        %parallel_loop3A_722 = arith.constant true
        %parallel_loop3A_723 = vector.broadcast %parallel_loop3A_722 : i1 to vector<16xi1>
        %parallel_loop3A_724, %parallel_loop3A_725 = tpu.scan_count mask(%parallel_loop3A_723 : vector<16xi1>) value(%parallel_loop3A_721 : vector<16xi32>) : vector<16xi1>, vector<16xi32>
        tpu.vector_store_idx %arg6[%parallel_loop3A_721], %parallel_loop3A_725 masked %parallel_loop3A_724 {add = true} : memref<256xi32, #tpu.memory_space<vmem>>[vector<16xi32>], vector<16xi32>, vector<16xi1>
      } {sc.loop_unroll_factor = 8 : i64, sc.parallel_access}
      %gt3A = arith.constant 0 : i32
      %gt3A_81 = arith.cmpi sgt, %scan3A_33, %gt3A : i32
      %convert_element_type3A = arith.extui %gt3A_81 : i1 to i32
      %cond3A = arith.constant 0 : i32
      %cond3A_82 = arith.cmpi ne, %convert_element_type3A, %cond3A : i32
      scf.if %cond3A_82 {
        %dma_wait3A_702 = tpu.memref_slice %arg4[%mul3A_36] : memref<65536xf32, #tpu.memory_space<vmem>> -> memref<32768xf32, #tpu.memory_space<vmem>>
        %dma_wait3A_703 = arith.constant 0 : i32
        %dma_wait3A_704 = tpu.memref_slice %arg3[%add3A_39, %dma_wait3A_703] : memref<128x32768xf32, #tpu.memory_space<hbm>> -> memref<1x32768xf32, #tpu.memory_space<hbm>>
        %dma_wait3A_705 = tpu.memref_squeeze %dma_wait3A_704 : memref<1x32768xf32, #tpu.memory_space<hbm>> -> memref<32768xf32, #tpu.memory_space<hbm>>
        %dma_wait3A_706 = arith.constant 0 : i32
        %dma_wait3A_707 = tpu.memref_slice %arg3[%add3A_39, %dma_wait3A_706] : memref<128x32768xf32, #tpu.memory_space<hbm>> -> memref<1x32768xf32, #tpu.memory_space<hbm>>
        %dma_wait3A_708 = tpu.memref_squeeze %dma_wait3A_707 : memref<1x32768xf32, #tpu.memory_space<hbm>> -> memref<32768xf32, #tpu.memory_space<hbm>>
        %dma_wait3A_709 = tpu.memref_slice %arg4[%mul3A_36] : memref<65536xf32, #tpu.memory_space<vmem>> -> memref<32768xf32, #tpu.memory_space<vmem>>
        tpu.wait_dma2 semaphore(%arg10 : memref<!tpu.dma_semaphore, #tpu.memory_space<semaphore_mem>>) src(%dma_wait3A_709 : memref<32768xf32, #tpu.memory_space<vmem>>) dst(%dma_wait3A_708 : memref<32768xf32, #tpu.memory_space<hbm>>)
      } else {
      }
      %lt3A = arith.constant 3 : i32
      %lt3A_83 = arith.cmpi slt, %scan3A_33, %lt3A : i32
      %convert_element_type3A_84 = arith.extui %lt3A_83 : i1 to i32
      %cond3A_85 = arith.constant 0 : i32
      %cond3A_86 = arith.cmpi ne, %convert_element_type3A_84, %cond3A_85 : i32
      scf.if %cond3A_86 {
        %sub3A_702 = arith.constant 1 : i32
        %sub3A_703 = arith.subi %sub3A_702, %and3A_34 : i32
        %mul3A_704 = arith.constant 32768 : i32
        %mul3A_705 = arith.muli %sub3A_703, %mul3A_704 : i32
        %add3A_706 = arith.constant 1 : i32
        %add3A_707 = arith.addi %add3A_39, %add3A_706 : i32
        %dma_start3A_708 = tpu.memref_slice %arg4[%mul3A_705] : memref<65536xf32, #tpu.memory_space<vmem>> -> memref<32768xf32, #tpu.memory_space<vmem>>
        %dma_start3A_709 = arith.constant 0 : i32
        %dma_start3A_710 = tpu.memref_slice %arg2[%add3A_707, %dma_start3A_709] : memref<128x32768xf32, #tpu.memory_space<hbm>> -> memref<1x32768xf32, #tpu.memory_space<hbm>>
        %dma_start3A_711 = tpu.memref_squeeze %dma_start3A_710 : memref<1x32768xf32, #tpu.memory_space<hbm>> -> memref<32768xf32, #tpu.memory_space<hbm>>
        %dma_start3A_712 = tpu.memref_slice %arg4[%mul3A_705] : memref<65536xf32, #tpu.memory_space<vmem>> -> memref<32768xf32, #tpu.memory_space<vmem>>
        %dma_start3A_713 = arith.constant 0 : i32
        %dma_start3A_714 = tpu.memref_slice %arg2[%add3A_707, %dma_start3A_713] : memref<128x32768xf32, #tpu.memory_space<hbm>> -> memref<1x32768xf32, #tpu.memory_space<hbm>>
        %dma_start3A_715 = tpu.memref_squeeze %dma_start3A_714 : memref<1x32768xf32, #tpu.memory_space<hbm>> -> memref<32768xf32, #tpu.memory_space<hbm>>
        tpu.enqueue_dma source(%dma_start3A_715 : memref<32768xf32, #tpu.memory_space<hbm>>) target(%dma_start3A_712 : memref<32768xf32, #tpu.memory_space<vmem>>) target_semaphore(%arg9 : memref<!tpu.dma_semaphore, #tpu.memory_space<semaphore_mem>>)
      } else {
      }
      %scan3A_87 = arith.constant 256 : i32
      %scan3A_88 = arith.constant 0 : i32
      %scan3A_89 = arith.constant 0 : i32
      %scan3A_90 = arith.constant 0 : i32
      %scan3A_91 = arith.constant 0 : i32
      %scan3A_92 = arith.constant 0 : i32
      %scan3A_93 = arith.constant 16 : i32
      %scan3A_94 = arith.addi %scan3A_92, %scan3A_93 : i32
      %scan3A_95 = arith.constant 1 : i32
      %scan3A_96:4 = scf.for %scan3A_702 = %scan3A_92 to %scan3A_94 step %scan3A_95 iter_args(%scan3A_703 = %scan3A_88, %scan3A_704 = %scan3A_89, %scan3A_705 = %scan3A_90, %scan3A_706 = %scan3A_91) -> (i32, i32, i32, i32)  : i32 {
        %sub3A_707 = arith.constant 15 : i32
        %sub3A_708 = arith.subi %sub3A_707, %scan3A_702 : i32
        %mul3A_709 = arith.constant 16 : i32
        %mul3A_710 = arith.muli %sub3A_708, %mul3A_709 : i32
        %get3A_711 = arith.index_cast %mul3A_710 : i32 to index
        %get3A_712 = tpu.vector_load %arg6[%get3A_711] {strides = array<i32>} : memref<256xi32, #tpu.memory_space<vmem>>, vector<16xi32>,
        %rev3A_713 = arith.constant 15 : i32
        %rev3A_714 = vector.broadcast %rev3A_713 : i32 to vector<16xi32>
        %rev3A_715 = tpu.iota {dimensions = array<i32: 0>} : vector<16xi32>
        %rev3A_716 = arith.subi %rev3A_714, %rev3A_715 : vector<16xi32>
        %rev3A_717 = tpu.dynamic_gather %get3A_712[%rev3A_716] in [0] : vector<16xi32>, vector<16xi32> -> vector<16xi32>
        %broadcast_in_dim3A_718 = arith.constant true
        %broadcast_in_dim3A_719 = vector.broadcast %broadcast_in_dim3A_718 : i1 to vector<16xi1>
        %masked_cumsum3A_720 = tpu.scan <sum>, %rev3A_717 masked %broadcast_in_dim3A_719 : vector<16xi32>, vector<16xi1> -> vector<16xi32>
        %add3A_721 = vector.broadcast %scan3A_703 : i32 to vector<16xi32>
        %add3A_722 = arith.addi %masked_cumsum3A_720, %add3A_721 : vector<16xi32>
        %ge3A_723 = vector.broadcast %scan3A_87 : i32 to vector<16xi32>
        %ge3A_724 = arith.cmpi sge, %add3A_722, %ge3A_723 : vector<16xi32>
        %convert_element_type3A_725 = arith.extui %ge3A_724 : vector<16xi1> to vector<16xi32>
        %reduce_max3A_726 = arith.constant true
        %reduce_max3A_727 = vector.broadcast %reduce_max3A_726 : i1 to vector<16xi1>
        %reduce_max3A_728 = arith.constant -2147483648 : i32
        %reduce_max3A_729 = vector.broadcast %reduce_max3A_728 : i32 to vector<16xi32>
        %reduce_max3A_730 = arith.xori %convert_element_type3A_725, %reduce_max3A_729 : vector<16xi32>
        %reduce_max3A_731 = tpu.scan <max>, %reduce_max3A_730 masked %reduce_max3A_727 : vector<16xi32>, vector<16xi1> -> vector<16xi32>
        %reduce_max3A_732 = arith.xori %reduce_max3A_731, %reduce_max3A_729 : vector<16xi32>
        %reduce_max3A_733 = vector.extract %reduce_max3A_732[15] : i32 from vector<16xi32>
        %all_reduce_ffs3A_734 = tpu.all_reduce %ge3A_724 {dim = 0 : i64, kind = #tpu.reduction_kind<find_first_set>} : vector<16xi1> -> vector<16xi32>
        %reduce_max3A_735 = arith.constant true
        %reduce_max3A_736 = vector.broadcast %reduce_max3A_735 : i1 to vector<16xi1>
        %reduce_max3A_737 = arith.constant -2147483648 : i32
        %reduce_max3A_738 = vector.broadcast %reduce_max3A_737 : i32 to vector<16xi32>
        %reduce_max3A_739 = arith.xori %all_reduce_ffs3A_734, %reduce_max3A_738 : vector<16xi32>
        %reduce_max3A_740 = tpu.scan <max>, %reduce_max3A_739 masked %reduce_max3A_736 : vector<16xi32>, vector<16xi1> -> vector<16xi32>
        %reduce_max3A_741 = arith.xori %reduce_max3A_740, %reduce_max3A_738 : vector<16xi32>
        %reduce_max3A_742 = vector.extract %reduce_max3A_741[15] : i32 from vector<16xi32>
        %eq3A_743 = vector.broadcast %reduce_max3A_742 : i32 to vector<16xi32>
        %eq3A_744 = arith.cmpi eq, %iota3A, %eq3A_743 : vector<16xi32>
        %jit3A_745 = arith.constant 0 : i32
        %broadcast_in_dim3A_746 = vector.broadcast %jit3A_745 : i32 to vector<16xi32>
        %select_n3A_747 = arith.select %eq3A_744, %add3A_722, %broadcast_in_dim3A_746 : vector<16xi1>, vector<16xi32>
        %reduce_max3A_748 = arith.constant true
        %reduce_max3A_749 = vector.broadcast %reduce_max3A_748 : i1 to vector<16xi1>
        %reduce_max3A_750 = arith.constant -2147483648 : i32
        %reduce_max3A_751 = vector.broadcast %reduce_max3A_750 : i32 to vector<16xi32>
        %reduce_max3A_752 = arith.xori %select_n3A_747, %reduce_max3A_751 : vector<16xi32>
        %reduce_max3A_753 = tpu.scan <max>, %reduce_max3A_752 masked %reduce_max3A_749 : vector<16xi32>, vector<16xi1> -> vector<16xi32>
        %reduce_max3A_754 = arith.xori %reduce_max3A_753, %reduce_max3A_751 : vector<16xi32>
        %reduce_max3A_755 = vector.extract %reduce_max3A_754[15] : i32 from vector<16xi32>
        %eq3A_756 = vector.broadcast %reduce_max3A_742 : i32 to vector<16xi32>
        %eq3A_757 = arith.cmpi eq, %iota3A, %eq3A_756 : vector<16xi32>
        %jit3A_758 = arith.constant 0 : i32
        %broadcast_in_dim3A_759 = vector.broadcast %jit3A_758 : i32 to vector<16xi32>
        %select_n3A_760 = arith.select %eq3A_757, %rev3A_717, %broadcast_in_dim3A_759 : vector<16xi1>, vector<16xi32>
        %reduce_max3A_761 = arith.constant true
        %reduce_max3A_762 = vector.broadcast %reduce_max3A_761 : i1 to vector<16xi1>
        %reduce_max3A_763 = arith.constant -2147483648 : i32
        %reduce_max3A_764 = vector.broadcast %reduce_max3A_763 : i32 to vector<16xi32>
        %reduce_max3A_765 = arith.xori %select_n3A_760, %reduce_max3A_764 : vector<16xi32>
        %reduce_max3A_766 = tpu.scan <max>, %reduce_max3A_765 masked %reduce_max3A_762 : vector<16xi32>, vector<16xi1> -> vector<16xi32>
        %reduce_max3A_767 = arith.xori %reduce_max3A_766, %reduce_max3A_764 : vector<16xi32>
        %reduce_max3A_768 = vector.extract %reduce_max3A_767[15] : i32 from vector<16xi32>
        %eq3A_769 = arith.constant 1 : i32
        %eq3A_770 = arith.cmpi eq, %reduce_max3A_733, %eq3A_769 : i32
        %eq3A_771 = arith.constant 0 : i32
        %eq3A_772 = arith.cmpi eq, %scan3A_704, %eq3A_771 : i32
        %and3A_773 = arith.andi %eq3A_770, %eq3A_772 : i1
        %mul3A_774 = arith.constant 16 : i32
        %mul3A_775 = arith.muli %sub3A_708, %mul3A_774 : i32
        %sub3A_776 = arith.constant 15 : i32
        %sub3A_777 = arith.subi %sub3A_776, %reduce_max3A_742 : i32
        %add3A_778 = arith.addi %mul3A_775, %sub3A_777 : i32
        %select_n3A_779 = arith.select %and3A_773, %add3A_778, %scan3A_705 : i32
        %sub3A_780 = arith.subi %reduce_max3A_755, %reduce_max3A_768 : i32
        %select_n3A_781 = arith.select %and3A_773, %sub3A_780, %scan3A_706 : i32
        %eq3A_782 = arith.constant 1 : i32
        %eq3A_783 = arith.cmpi eq, %reduce_max3A_733, %eq3A_782 : i32
        %jit3A_784 = arith.constant 1 : i32
        %select_n3A_785 = arith.select %eq3A_783, %jit3A_784, %scan3A_704 : i32
        %slice3A = vector.extract_strided_slice %add3A_722 {offsets = [15], sizes = [1], strides = [1]} : vector<16xi32> to vector<1xi32>
        %squeeze3A = vector.extract %slice3A[0] : i32 from vector<1xi32>
        scf.yield %squeeze3A, %select_n3A_785, %select_n3A_779, %select_n3A_781 : i32, i32, i32, i32
      }
      %scan3A_97 = arith.constant 16 : i32
      %sub3A = arith.constant 256 : i32
      %sub3A_98 = arith.subi %sub3A, %scan3A_96#3 : i32
      %parallel_loop3A_99 = arith.constant 0 : i32
      %parallel_loop3A_100 = arith.constant 128 : i32
      %parallel_loop3A_101 = arith.constant 1 : i32
      scf.for %parallel_loop3A_702 = %parallel_loop3A_99 to %parallel_loop3A_100 step %parallel_loop3A_101  : i32 {
        %parallel_loop3A_703 = arith.constant 16 : i32
        %parallel_loop3A_704 = arith.muli %parallel_loop3A_702, %parallel_loop3A_703 : i32
        %parallel_loop3A_705 = arith.constant 0 : i32
        %parallel_loop3A_706 = arith.addi %parallel_loop3A_704, %parallel_loop3A_705 : i32
        %parallel_loop3A_707 = arith.constant 16 : i32
        %parallel_loop3A_708 = arith.muli %parallel_loop3A_706, %parallel_loop3A_707 : i32
        %parallel_loop3A_709 = arith.addi %mul3A_36, %parallel_loop3A_708 : i32
        %parallel_loop3A_710 = arith.index_cast %parallel_loop3A_709 : i32 to index
        %parallel_loop3A_711 = tpu.vector_load %arg4[%parallel_loop3A_710] {strides = array<i32>} : memref<65536xf32, #tpu.memory_space<vmem>>, vector<16xf32>,
        %parallel_loop3A_712 = tpu.bitcast %parallel_loop3A_711 : vector<16xf32> -> vector<16xi32>
        %parallel_loop3A_713 = arith.constant 24 : i32
        %parallel_loop3A_714 = vector.broadcast %parallel_loop3A_713 : i32 to vector<16xi32>
        %parallel_loop3A_715 = arith.shrui %parallel_loop3A_712, %parallel_loop3A_714 : vector<16xi32>
        %parallel_loop3A_716 = arith.constant 128 : i32
        %parallel_loop3A_717 = vector.broadcast %parallel_loop3A_716 : i32 to vector<16xi32>
        %parallel_loop3A_718 = arith.cmpi sge, %parallel_loop3A_715, %parallel_loop3A_717 : vector<16xi32>
        %parallel_loop3A_719 = arith.constant 255 : i32
        %parallel_loop3A_720 = vector.broadcast %parallel_loop3A_719 : i32 to vector<16xi32>
        %parallel_loop3A_721 = arith.subi %parallel_loop3A_720, %parallel_loop3A_715 : vector<16xi32>
        %parallel_loop3A_722 = arith.constant 128 : i32
        %parallel_loop3A_723 = vector.broadcast %parallel_loop3A_722 : i32 to vector<16xi32>
        %parallel_loop3A_724 = arith.addi %parallel_loop3A_715, %parallel_loop3A_723 : vector<16xi32>
        %parallel_loop3A_725 = arith.select %parallel_loop3A_718, %parallel_loop3A_721, %parallel_loop3A_724 : vector<16xi1>, vector<16xi32>
        %parallel_loop3A_726 = vector.broadcast %scan3A_96#2 : i32 to vector<16xi32>
        %parallel_loop3A_727 = arith.cmpi eq, %parallel_loop3A_725, %parallel_loop3A_726 : vector<16xi32>
        %parallel_loop3A_728 = tpu.all_reduce %parallel_loop3A_727 {dim = 0 : i64, kind = #tpu.reduction_kind<sum>} : vector<16xi1> -> vector<16xi32>
        %parallel_loop3A_729 = arith.constant 0 : i32
        %parallel_loop3A_730 = vector.broadcast %parallel_loop3A_729 : i32 to vector<16xi32>
        %parallel_loop3A_731 = arith.cmpi eq, %iota3A, %parallel_loop3A_730 : vector<16xi32>
        %parallel_loop3A_732 = arith.select %parallel_loop3A_731, %parallel_loop3A_728, %broadcast_in_dim3A_2 : vector<16xi1>, vector<16xi32>
        %parallel_loop3A_733 = arith.constant 16 : i32
        %parallel_loop3A_734 = arith.muli %parallel_loop3A_702, %parallel_loop3A_733 : i32
        %parallel_loop3A_735 = arith.constant 1 : i32
        %parallel_loop3A_736 = arith.addi %parallel_loop3A_734, %parallel_loop3A_735 : i32
        %parallel_loop3A_737 = arith.constant 16 : i32
        %parallel_loop3A_738 = arith.muli %parallel_loop3A_736, %parallel_loop3A_737 : i32
        %parallel_loop3A_739 = arith.addi %mul3A_36, %parallel_loop3A_738 : i32
        %parallel_loop3A_740 = arith.index_cast %parallel_loop3A_739 : i32 to index
        %parallel_loop3A_741 = tpu.vector_load %arg4[%parallel_loop3A_740] {strides = array<i32>} : memref<65536xf32, #tpu.memory_space<vmem>>, vector<16xf32>,
        %parallel_loop3A_742 = tpu.bitcast %parallel_loop3A_741 : vector<16xf32> -> vector<16xi32>
        %parallel_loop3A_743 = arith.constant 24 : i32
        %parallel_loop3A_744 = vector.broadcast %parallel_loop3A_743 : i32 to vector<16xi32>
        %parallel_loop3A_745 = arith.shrui %parallel_loop3A_742, %parallel_loop3A_744 : vector<16xi32>
        %parallel_loop3A_746 = arith.constant 128 : i32
        %parallel_loop3A_747 = vector.broadcast %parallel_loop3A_746 : i32 to vector<16xi32>
        %parallel_loop3A_748 = arith.cmpi sge, %parallel_loop3A_745, %parallel_loop3A_747 : vector<16xi32>
        %parallel_loop3A_749 = arith.constant 255 : i32
        %parallel_loop3A_750 = vector.broadcast %parallel_loop3A_749 : i32 to vector<16xi32>
        %parallel_loop3A_751 = arith.subi %parallel_loop3A_750, %parallel_loop3A_745 : vector<16xi32>
        %parallel_loop3A_752 = arith.constant 128 : i32
        %parallel_loop3A_753 = vector.broadcast %parallel_loop3A_752 : i32 to vector<16xi32>
        %parallel_loop3A_754 = arith.addi %parallel_loop3A_745, %parallel_loop3A_753 : vector<16xi32>
        %parallel_loop3A_755 = arith.select %parallel_loop3A_748, %parallel_loop3A_751, %parallel_loop3A_754 : vector<16xi1>, vector<16xi32>
        %parallel_loop3A_756 = vector.broadcast %scan3A_96#2 : i32 to vector<16xi32>
        %parallel_loop3A_757 = arith.cmpi eq, %parallel_loop3A_755, %parallel_loop3A_756 : vector<16xi32>
        %parallel_loop3A_758 = tpu.all_reduce %parallel_loop3A_757 {dim = 0 : i64, kind = #tpu.reduction_kind<sum>} : vector<16xi1> -> vector<16xi32>
        %parallel_loop3A_759 = arith.constant 1 : i32
        %parallel_loop3A_760 = vector.broadcast %parallel_loop3A_759 : i32 to vector<16xi32>
        %parallel_loop3A_761 = arith.cmpi eq, %iota3A, %parallel_loop3A_760 : vector<16xi32>
        %parallel_loop3A_762 = arith.select %parallel_loop3A_761, %parallel_loop3A_758, %parallel_loop3A_732 : vector<16xi1>, vector<16xi32>
        %parallel_loop3A_763 = arith.constant 16 : i32
        %parallel_loop3A_764 = arith.muli %parallel_loop3A_702, %parallel_loop3A_763 : i32
        %parallel_loop3A_765 = arith.constant 2 : i32
        %parallel_loop3A_766 = arith.addi %parallel_loop3A_764, %parallel_loop3A_765 : i32
        %parallel_loop3A_767 = arith.constant 16 : i32
        %parallel_loop3A_768 = arith.muli %parallel_loop3A_766, %parallel_loop3A_767 : i32
        %parallel_loop3A_769 = arith.addi %mul3A_36, %parallel_loop3A_768 : i32
        %parallel_loop3A_770 = arith.index_cast %parallel_loop3A_769 : i32 to index
        %parallel_loop3A_771 = tpu.vector_load %arg4[%parallel_loop3A_770] {strides = array<i32>} : memref<65536xf32, #tpu.memory_space<vmem>>, vector<16xf32>,
        %parallel_loop3A_772 = tpu.bitcast %parallel_loop3A_771 : vector<16xf32> -> vector<16xi32>
        %parallel_loop3A_773 = arith.constant 24 : i32
        %parallel_loop3A_774 = vector.broadcast %parallel_loop3A_773 : i32 to vector<16xi32>
        %parallel_loop3A_775 = arith.shrui %parallel_loop3A_772, %parallel_loop3A_774 : vector<16xi32>
        %parallel_loop3A_776 = arith.constant 128 : i32
        %parallel_loop3A_777 = vector.broadcast %parallel_loop3A_776 : i32 to vector<16xi32>
        %parallel_loop3A_778 = arith.cmpi sge, %parallel_loop3A_775, %parallel_loop3A_777 : vector<16xi32>
        %parallel_loop3A_779 = arith.constant 255 : i32
        %parallel_loop3A_780 = vector.broadcast %parallel_loop3A_779 : i32 to vector<16xi32>
        %parallel_loop3A_781 = arith.subi %parallel_loop3A_780, %parallel_loop3A_775 : vector<16xi32>
        %parallel_loop3A_782 = arith.constant 128 : i32
        %parallel_loop3A_783 = vector.broadcast %parallel_loop3A_782 : i32 to vector<16xi32>
        %parallel_loop3A_784 = arith.addi %parallel_loop3A_775, %parallel_loop3A_783 : vector<16xi32>
        %parallel_loop3A_785 = arith.select %parallel_loop3A_778, %parallel_loop3A_781, %parallel_loop3A_784 : vector<16xi1>, vector<16xi32>
        %parallel_loop3A_786 = vector.broadcast %scan3A_96#2 : i32 to vector<16xi32>
        %parallel_loop3A_787 = arith.cmpi eq, %parallel_loop3A_785, %parallel_loop3A_786 : vector<16xi32>
        %parallel_loop3A_788 = tpu.all_reduce %parallel_loop3A_787 {dim = 0 : i64, kind = #tpu.reduction_kind<sum>} : vector<16xi1> -> vector<16xi32>
        %parallel_loop3A_789 = arith.constant 2 : i32
        %parallel_loop3A_790 = vector.broadcast %parallel_loop3A_789 : i32 to vector<16xi32>
        %parallel_loop3A_791 = arith.cmpi eq, %iota3A, %parallel_loop3A_790 : vector<16xi32>
        %parallel_loop3A_792 = arith.select %parallel_loop3A_791, %parallel_loop3A_788, %parallel_loop3A_762 : vector<16xi1>, vector<16xi32>
        %parallel_loop3A_793 = arith.constant 16 : i32
        %parallel_loop3A_794 = arith.muli %parallel_loop3A_702, %parallel_loop3A_793 : i32
        %parallel_loop3A_795 = arith.constant 3 : i32
        %parallel_loop3A_796 = arith.addi %parallel_loop3A_794, %parallel_loop3A_795 : i32
        %parallel_loop3A_797 = arith.constant 16 : i32
        %parallel_loop3A_798 = arith.muli %parallel_loop3A_796, %parallel_loop3A_797 : i32
        %parallel_loop3A_799 = arith.addi %mul3A_36, %parallel_loop3A_798 : i32
        %parallel_loop3A_800 = arith.index_cast %parallel_loop3A_799 : i32 to index
        %parallel_loop3A_801 = tpu.vector_load %arg4[%parallel_loop3A_800] {strides = array<i32>} : memref<65536xf32, #tpu.memory_space<vmem>>, vector<16xf32>,
        %parallel_loop3A_802 = tpu.bitcast %parallel_loop3A_801 : vector<16xf32> -> vector<16xi32>
        %parallel_loop3A_803 = arith.constant 24 : i32
        %parallel_loop3A_804 = vector.broadcast %parallel_loop3A_803 : i32 to vector<16xi32>
        %parallel_loop3A_805 = arith.shrui %parallel_loop3A_802, %parallel_loop3A_804 : vector<16xi32>
        %parallel_loop3A_806 = arith.constant 128 : i32
        %parallel_loop3A_807 = vector.broadcast %parallel_loop3A_806 : i32 to vector<16xi32>
        %parallel_loop3A_808 = arith.cmpi sge, %parallel_loop3A_805, %parallel_loop3A_807 : vector<16xi32>
        %parallel_loop3A_809 = arith.constant 255 : i32
        %parallel_loop3A_810 = vector.broadcast %parallel_loop3A_809 : i32 to vector<16xi32>
        %parallel_loop3A_811 = arith.subi %parallel_loop3A_810, %parallel_loop3A_805 : vector<16xi32>
        %parallel_loop3A_812 = arith.constant 128 : i32
        %parallel_loop3A_813 = vector.broadcast %parallel_loop3A_812 : i32 to vector<16xi32>
        %parallel_loop3A_814 = arith.addi %parallel_loop3A_805, %parallel_loop3A_813 : vector<16xi32>
        %parallel_loop3A_815 = arith.select %parallel_loop3A_808, %parallel_loop3A_811, %parallel_loop3A_814 : vector<16xi1>, vector<16xi32>
        %parallel_loop3A_816 = vector.broadcast %scan3A_96#2 : i32 to vector<16xi32>
        %parallel_loop3A_817 = arith.cmpi eq, %parallel_loop3A_815, %parallel_loop3A_816 : vector<16xi32>
        %parallel_loop3A_818 = tpu.all_reduce %parallel_loop3A_817 {dim = 0 : i64, kind = #tpu.reduction_kind<sum>} : vector<16xi1> -> vector<16xi32>
        %parallel_loop3A_819 = arith.constant 3 : i32
        %parallel_loop3A_820 = vector.broadcast %parallel_loop3A_819 : i32 to vector<16xi32>
        %parallel_loop3A_821 = arith.cmpi eq, %iota3A, %parallel_loop3A_820 : vector<16xi32>
        %parallel_loop3A_822 = arith.select %parallel_loop3A_821, %parallel_loop3A_818, %parallel_loop3A_792 : vector<16xi1>, vector<16xi32>
        %parallel_loop3A_823 = arith.constant 16 : i32
        %parallel_loop3A_824 = arith.muli %parallel_loop3A_702, %parallel_loop3A_823 : i32
        %parallel_loop3A_825 = arith.constant 4 : i32
        %parallel_loop3A_826 = arith.addi %parallel_loop3A_824, %parallel_loop3A_825 : i32
        %parallel_loop3A_827 = arith.constant 16 : i32
        %parallel_loop3A_828 = arith.muli %parallel_loop3A_826, %parallel_loop3A_827 : i32
        %parallel_loop3A_829 = arith.addi %mul3A_36, %parallel_loop3A_828 : i32
        %parallel_loop3A_830 = arith.index_cast %parallel_loop3A_829 : i32 to index
        %parallel_loop3A_831 = tpu.vector_load %arg4[%parallel_loop3A_830] {strides = array<i32>} : memref<65536xf32, #tpu.memory_space<vmem>>, vector<16xf32>,
        %parallel_loop3A_832 = tpu.bitcast %parallel_loop3A_831 : vector<16xf32> -> vector<16xi32>
        %parallel_loop3A_833 = arith.constant 24 : i32
        %parallel_loop3A_834 = vector.broadcast %parallel_loop3A_833 : i32 to vector<16xi32>
        %parallel_loop3A_835 = arith.shrui %parallel_loop3A_832, %parallel_loop3A_834 : vector<16xi32>
        %parallel_loop3A_836 = arith.constant 128 : i32
        %parallel_loop3A_837 = vector.broadcast %parallel_loop3A_836 : i32 to vector<16xi32>
        %parallel_loop3A_838 = arith.cmpi sge, %parallel_loop3A_835, %parallel_loop3A_837 : vector<16xi32>
        %parallel_loop3A_839 = arith.constant 255 : i32
        %parallel_loop3A_840 = vector.broadcast %parallel_loop3A_839 : i32 to vector<16xi32>
        %parallel_loop3A_841 = arith.subi %parallel_loop3A_840, %parallel_loop3A_835 : vector<16xi32>
        %parallel_loop3A_842 = arith.constant 128 : i32
        %parallel_loop3A_843 = vector.broadcast %parallel_loop3A_842 : i32 to vector<16xi32>
        %parallel_loop3A_844 = arith.addi %parallel_loop3A_835, %parallel_loop3A_843 : vector<16xi32>
        %parallel_loop3A_845 = arith.select %parallel_loop3A_838, %parallel_loop3A_841, %parallel_loop3A_844 : vector<16xi1>, vector<16xi32>
        %parallel_loop3A_846 = vector.broadcast %scan3A_96#2 : i32 to vector<16xi32>
        %parallel_loop3A_847 = arith.cmpi eq, %parallel_loop3A_845, %parallel_loop3A_846 : vector<16xi32>
        %parallel_loop3A_848 = tpu.all_reduce %parallel_loop3A_847 {dim = 0 : i64, kind = #tpu.reduction_kind<sum>} : vector<16xi1> -> vector<16xi32>
        %parallel_loop3A_849 = arith.constant 4 : i32
        %parallel_loop3A_850 = vector.broadcast %parallel_loop3A_849 : i32 to vector<16xi32>
        %parallel_loop3A_851 = arith.cmpi eq, %iota3A, %parallel_loop3A_850 : vector<16xi32>
        %parallel_loop3A_852 = arith.select %parallel_loop3A_851, %parallel_loop3A_848, %parallel_loop3A_822 : vector<16xi1>, vector<16xi32>
        %parallel_loop3A_853 = arith.constant 16 : i32
        %parallel_loop3A_854 = arith.muli %parallel_loop3A_702, %parallel_loop3A_853 : i32
        %parallel_loop3A_855 = arith.constant 5 : i32
        %parallel_loop3A_856 = arith.addi %parallel_loop3A_854, %parallel_loop3A_855 : i32
        %parallel_loop3A_857 = arith.constant 16 : i32
        %parallel_loop3A_858 = arith.muli %parallel_loop3A_856, %parallel_loop3A_857 : i32
        %parallel_loop3A_859 = arith.addi %mul3A_36, %parallel_loop3A_858 : i32
        %parallel_loop3A_860 = arith.index_cast %parallel_loop3A_859 : i32 to index
        %parallel_loop3A_861 = tpu.vector_load %arg4[%parallel_loop3A_860] {strides = array<i32>} : memref<65536xf32, #tpu.memory_space<vmem>>, vector<16xf32>,
        %parallel_loop3A_862 = tpu.bitcast %parallel_loop3A_861 : vector<16xf32> -> vector<16xi32>
        %parallel_loop3A_863 = arith.constant 24 : i32
        %parallel_loop3A_864 = vector.broadcast %parallel_loop3A_863 : i32 to vector<16xi32>
        %parallel_loop3A_865 = arith.shrui %parallel_loop3A_862, %parallel_loop3A_864 : vector<16xi32>
        %parallel_loop3A_866 = arith.constant 128 : i32
        %parallel_loop3A_867 = vector.broadcast %parallel_loop3A_866 : i32 to vector<16xi32>
        %parallel_loop3A_868 = arith.cmpi sge, %parallel_loop3A_865, %parallel_loop3A_867 : vector<16xi32>
        %parallel_loop3A_869 = arith.constant 255 : i32
        %parallel_loop3A_870 = vector.broadcast %parallel_loop3A_869 : i32 to vector<16xi32>
        %parallel_loop3A_871 = arith.subi %parallel_loop3A_870, %parallel_loop3A_865 : vector<16xi32>
        %parallel_loop3A_872 = arith.constant 128 : i32
        %parallel_loop3A_873 = vector.broadcast %parallel_loop3A_872 : i32 to vector<16xi32>
        %parallel_loop3A_874 = arith.addi %parallel_loop3A_865, %parallel_loop3A_873 : vector<16xi32>
        %parallel_loop3A_875 = arith.select %parallel_loop3A_868, %parallel_loop3A_871, %parallel_loop3A_874 : vector<16xi1>, vector<16xi32>
        %parallel_loop3A_876 = vector.broadcast %scan3A_96#2 : i32 to vector<16xi32>
        %parallel_loop3A_877 = arith.cmpi eq, %parallel_loop3A_875, %parallel_loop3A_876 : vector<16xi32>
        %parallel_loop3A_878 = tpu.all_reduce %parallel_loop3A_877 {dim = 0 : i64, kind = #tpu.reduction_kind<sum>} : vector<16xi1> -> vector<16xi32>
        %parallel_loop3A_879 = arith.constant 5 : i32
        %parallel_loop3A_880 = vector.broadcast %parallel_loop3A_879 : i32 to vector<16xi32>
        %parallel_loop3A_881 = arith.cmpi eq, %iota3A, %parallel_loop3A_880 : vector<16xi32>
        %parallel_loop3A_882 = arith.select %parallel_loop3A_881, %parallel_loop3A_878, %parallel_loop3A_852 : vector<16xi1>, vector<16xi32>
        %parallel_loop3A_883 = arith.constant 16 : i32
        %parallel_loop3A_884 = arith.muli %parallel_loop3A_702, %parallel_loop3A_883 : i32
        %parallel_loop3A_885 = arith.constant 6 : i32
        %parallel_loop3A_886 = arith.addi %parallel_loop3A_884, %parallel_loop3A_885 : i32
        %parallel_loop3A_887 = arith.constant 16 : i32
        %parallel_loop3A_888 = arith.muli %parallel_loop3A_886, %parallel_loop3A_887 : i32
        %parallel_loop3A_889 = arith.addi %mul3A_36, %parallel_loop3A_888 : i32
        %parallel_loop3A_890 = arith.index_cast %parallel_loop3A_889 : i32 to index
        %parallel_loop3A_891 = tpu.vector_load %arg4[%parallel_loop3A_890] {strides = array<i32>} : memref<65536xf32, #tpu.memory_space<vmem>>, vector<16xf32>,
        %parallel_loop3A_892 = tpu.bitcast %parallel_loop3A_891 : vector<16xf32> -> vector<16xi32>
        %parallel_loop3A_893 = arith.constant 24 : i32
        %parallel_loop3A_894 = vector.broadcast %parallel_loop3A_893 : i32 to vector<16xi32>
        %parallel_loop3A_895 = arith.shrui %parallel_loop3A_892, %parallel_loop3A_894 : vector<16xi32>
        %parallel_loop3A_896 = arith.constant 128 : i32
        %parallel_loop3A_897 = vector.broadcast %parallel_loop3A_896 : i32 to vector<16xi32>
        %parallel_loop3A_898 = arith.cmpi sge, %parallel_loop3A_895, %parallel_loop3A_897 : vector<16xi32>
        %parallel_loop3A_899 = arith.constant 255 : i32
        %parallel_loop3A_900 = vector.broadcast %parallel_loop3A_899 : i32 to vector<16xi32>
        %parallel_loop3A_901 = arith.subi %parallel_loop3A_900, %parallel_loop3A_895 : vector<16xi32>
        %parallel_loop3A_902 = arith.constant 128 : i32
        %parallel_loop3A_903 = vector.broadcast %parallel_loop3A_902 : i32 to vector<16xi32>
        %parallel_loop3A_904 = arith.addi %parallel_loop3A_895, %parallel_loop3A_903 : vector<16xi32>
        %parallel_loop3A_905 = arith.select %parallel_loop3A_898, %parallel_loop3A_901, %parallel_loop3A_904 : vector<16xi1>, vector<16xi32>
        %parallel_loop3A_906 = vector.broadcast %scan3A_96#2 : i32 to vector<16xi32>
        %parallel_loop3A_907 = arith.cmpi eq, %parallel_loop3A_905, %parallel_loop3A_906 : vector<16xi32>
        %parallel_loop3A_908 = tpu.all_reduce %parallel_loop3A_907 {dim = 0 : i64, kind = #tpu.reduction_kind<sum>} : vector<16xi1> -> vector<16xi32>
        %parallel_loop3A_909 = arith.constant 6 : i32
        %parallel_loop3A_910 = vector.broadcast %parallel_loop3A_909 : i32 to vector<16xi32>
        %parallel_loop3A_911 = arith.cmpi eq, %iota3A, %parallel_loop3A_910 : vector<16xi32>
        %parallel_loop3A_912 = arith.select %parallel_loop3A_911, %parallel_loop3A_908, %parallel_loop3A_882 : vector<16xi1>, vector<16xi32>
        %parallel_loop3A_913 = arith.constant 16 : i32
        %parallel_loop3A_914 = arith.muli %parallel_loop3A_702, %parallel_loop3A_913 : i32
        %parallel_loop3A_915 = arith.constant 7 : i32
        %parallel_loop3A_916 = arith.addi %parallel_loop3A_914, %parallel_loop3A_915 : i32
        %parallel_loop3A_917 = arith.constant 16 : i32
        %parallel_loop3A_918 = arith.muli %parallel_loop3A_916, %parallel_loop3A_917 : i32
        %parallel_loop3A_919 = arith.addi %mul3A_36, %parallel_loop3A_918 : i32
        %parallel_loop3A_920 = arith.index_cast %parallel_loop3A_919 : i32 to index
        %parallel_loop3A_921 = tpu.vector_load %arg4[%parallel_loop3A_920] {strides = array<i32>} : memref<65536xf32, #tpu.memory_space<vmem>>, vector<16xf32>,
        %parallel_loop3A_922 = tpu.bitcast %parallel_loop3A_921 : vector<16xf32> -> vector<16xi32>
        %parallel_loop3A_923 = arith.constant 24 : i32
        %parallel_loop3A_924 = vector.broadcast %parallel_loop3A_923 : i32 to vector<16xi32>
        %parallel_loop3A_925 = arith.shrui %parallel_loop3A_922, %parallel_loop3A_924 : vector<16xi32>
        %parallel_loop3A_926 = arith.constant 128 : i32
        %parallel_loop3A_927 = vector.broadcast %parallel_loop3A_926 : i32 to vector<16xi32>
        %parallel_loop3A_928 = arith.cmpi sge, %parallel_loop3A_925, %parallel_loop3A_927 : vector<16xi32>
        %parallel_loop3A_929 = arith.constant 255 : i32
        %parallel_loop3A_930 = vector.broadcast %parallel_loop3A_929 : i32 to vector<16xi32>
        %parallel_loop3A_931 = arith.subi %parallel_loop3A_930, %parallel_loop3A_925 : vector<16xi32>
        %parallel_loop3A_932 = arith.constant 128 : i32
        %parallel_loop3A_933 = vector.broadcast %parallel_loop3A_932 : i32 to vector<16xi32>
        %parallel_loop3A_934 = arith.addi %parallel_loop3A_925, %parallel_loop3A_933 : vector<16xi32>
        %parallel_loop3A_935 = arith.select %parallel_loop3A_928, %parallel_loop3A_931, %parallel_loop3A_934 : vector<16xi1>, vector<16xi32>
        %parallel_loop3A_936 = vector.broadcast %scan3A_96#2 : i32 to vector<16xi32>
        %parallel_loop3A_937 = arith.cmpi eq, %parallel_loop3A_935, %parallel_loop3A_936 : vector<16xi32>
        %parallel_loop3A_938 = tpu.all_reduce %parallel_loop3A_937 {dim = 0 : i64, kind = #tpu.reduction_kind<sum>} : vector<16xi1> -> vector<16xi32>
        %parallel_loop3A_939 = arith.constant 7 : i32
        %parallel_loop3A_940 = vector.broadcast %parallel_loop3A_939 : i32 to vector<16xi32>
        %parallel_loop3A_941 = arith.cmpi eq, %iota3A, %parallel_loop3A_940 : vector<16xi32>
        %parallel_loop3A_942 = arith.select %parallel_loop3A_941, %parallel_loop3A_938, %parallel_loop3A_912 : vector<16xi1>, vector<16xi32>
        %parallel_loop3A_943 = arith.constant 16 : i32
        %parallel_loop3A_944 = arith.muli %parallel_loop3A_702, %parallel_loop3A_943 : i32
        %parallel_loop3A_945 = arith.constant 8 : i32
        %parallel_loop3A_946 = arith.addi %parallel_loop3A_944, %parallel_loop3A_945 : i32
        %parallel_loop3A_947 = arith.constant 16 : i32
        %parallel_loop3A_948 = arith.muli %parallel_loop3A_946, %parallel_loop3A_947 : i32
        %parallel_loop3A_949 = arith.addi %mul3A_36, %parallel_loop3A_948 : i32
        %parallel_loop3A_950 = arith.index_cast %parallel_loop3A_949 : i32 to index
        %parallel_loop3A_951 = tpu.vector_load %arg4[%parallel_loop3A_950] {strides = array<i32>} : memref<65536xf32, #tpu.memory_space<vmem>>, vector<16xf32>,
        %parallel_loop3A_952 = tpu.bitcast %parallel_loop3A_951 : vector<16xf32> -> vector<16xi32>
        %parallel_loop3A_953 = arith.constant 24 : i32
        %parallel_loop3A_954 = vector.broadcast %parallel_loop3A_953 : i32 to vector<16xi32>
        %parallel_loop3A_955 = arith.shrui %parallel_loop3A_952, %parallel_loop3A_954 : vector<16xi32>
        %parallel_loop3A_956 = arith.constant 128 : i32
        %parallel_loop3A_957 = vector.broadcast %parallel_loop3A_956 : i32 to vector<16xi32>
        %parallel_loop3A_958 = arith.cmpi sge, %parallel_loop3A_955, %parallel_loop3A_957 : vector<16xi32>
        %parallel_loop3A_959 = arith.constant 255 : i32
        %parallel_loop3A_960 = vector.broadcast %parallel_loop3A_959 : i32 to vector<16xi32>
        %parallel_loop3A_961 = arith.subi %parallel_loop3A_960, %parallel_loop3A_955 : vector<16xi32>
        %parallel_loop3A_962 = arith.constant 128 : i32
        %parallel_loop3A_963 = vector.broadcast %parallel_loop3A_962 : i32 to vector<16xi32>
        %parallel_loop3A_964 = arith.addi %parallel_loop3A_955, %parallel_loop3A_963 : vector<16xi32>
        %parallel_loop3A_965 = arith.select %parallel_loop3A_958, %parallel_loop3A_961, %parallel_loop3A_964 : vector<16xi1>, vector<16xi32>
        %parallel_loop3A_966 = vector.broadcast %scan3A_96#2 : i32 to vector<16xi32>
        %parallel_loop3A_967 = arith.cmpi eq, %parallel_loop3A_965, %parallel_loop3A_966 : vector<16xi32>
        %parallel_loop3A_968 = tpu.all_reduce %parallel_loop3A_967 {dim = 0 : i64, kind = #tpu.reduction_kind<sum>} : vector<16xi1> -> vector<16xi32>
        %parallel_loop3A_969 = arith.constant 8 : i32
        %parallel_loop3A_970 = vector.broadcast %parallel_loop3A_969 : i32 to vector<16xi32>
        %parallel_loop3A_971 = arith.cmpi eq, %iota3A, %parallel_loop3A_970 : vector<16xi32>
        %parallel_loop3A_972 = arith.select %parallel_loop3A_971, %parallel_loop3A_968, %parallel_loop3A_942 : vector<16xi1>, vector<16xi32>
        %parallel_loop3A_973 = arith.constant 16 : i32
        %parallel_loop3A_974 = arith.muli %parallel_loop3A_702, %parallel_loop3A_973 : i32
        %parallel_loop3A_975 = arith.constant 9 : i32
        %parallel_loop3A_976 = arith.addi %parallel_loop3A_974, %parallel_loop3A_975 : i32
        %parallel_loop3A_977 = arith.constant 16 : i32
        %parallel_loop3A_978 = arith.muli %parallel_loop3A_976, %parallel_loop3A_977 : i32
        %parallel_loop3A_979 = arith.addi %mul3A_36, %parallel_loop3A_978 : i32
        %parallel_loop3A_980 = arith.index_cast %parallel_loop3A_979 : i32 to index
        %parallel_loop3A_981 = tpu.vector_load %arg4[%parallel_loop3A_980] {strides = array<i32>} : memref<65536xf32, #tpu.memory_space<vmem>>, vector<16xf32>,
        %parallel_loop3A_982 = tpu.bitcast %parallel_loop3A_981 : vector<16xf32> -> vector<16xi32>
        %parallel_loop3A_983 = arith.constant 24 : i32
        %parallel_loop3A_984 = vector.broadcast %parallel_loop3A_983 : i32 to vector<16xi32>
        %parallel_loop3A_985 = arith.shrui %parallel_loop3A_982, %parallel_loop3A_984 : vector<16xi32>
        %parallel_loop3A_986 = arith.constant 128 : i32
        %parallel_loop3A_987 = vector.broadcast %parallel_loop3A_986 : i32 to vector<16xi32>
        %parallel_loop3A_988 = arith.cmpi sge, %parallel_loop3A_985, %parallel_loop3A_987 : vector<16xi32>
        %parallel_loop3A_989 = arith.constant 255 : i32
        %parallel_loop3A_990 = vector.broadcast %parallel_loop3A_989 : i32 to vector<16xi32>
        %parallel_loop3A_991 = arith.subi %parallel_loop3A_990, %parallel_loop3A_985 : vector<16xi32>
        %parallel_loop3A_992 = arith.constant 128 : i32
        %parallel_loop3A_993 = vector.broadcast %parallel_loop3A_992 : i32 to vector<16xi32>
        %parallel_loop3A_994 = arith.addi %parallel_loop3A_985, %parallel_loop3A_993 : vector<16xi32>
        %parallel_loop3A_995 = arith.select %parallel_loop3A_988, %parallel_loop3A_991, %parallel_loop3A_994 : vector<16xi1>, vector<16xi32>
        %parallel_loop3A_996 = vector.broadcast %scan3A_96#2 : i32 to vector<16xi32>
        %parallel_loop3A_997 = arith.cmpi eq, %parallel_loop3A_995, %parallel_loop3A_996 : vector<16xi32>
        %parallel_loop3A_998 = tpu.all_reduce %parallel_loop3A_997 {dim = 0 : i64, kind = #tpu.reduction_kind<sum>} : vector<16xi1> -> vector<16xi32>
        %parallel_loop3A_999 = arith.constant 9 : i32
        %parallel_loop3A_1000 = vector.broadcast %parallel_loop3A_999 : i32 to vector<16xi32>
        %parallel_loop3A_1001 = arith.cmpi eq, %iota3A, %parallel_loop3A_1000 : vector<16xi32>
        %parallel_loop3A_1002 = arith.select %parallel_loop3A_1001, %parallel_loop3A_998, %parallel_loop3A_972 : vector<16xi1>, vector<16xi32>
        %parallel_loop3A_1003 = arith.constant 16 : i32
        %parallel_loop3A_1004 = arith.muli %parallel_loop3A_702, %parallel_loop3A_1003 : i32
        %parallel_loop3A_1005 = arith.constant 10 : i32
        %parallel_loop3A_1006 = arith.addi %parallel_loop3A_1004, %parallel_loop3A_1005 : i32
        %parallel_loop3A_1007 = arith.constant 16 : i32
        %parallel_loop3A_1008 = arith.muli %parallel_loop3A_1006, %parallel_loop3A_1007 : i32
        %parallel_loop3A_1009 = arith.addi %mul3A_36, %parallel_loop3A_1008 : i32
        %parallel_loop3A_1010 = arith.index_cast %parallel_loop3A_1009 : i32 to index
        %parallel_loop3A_1011 = tpu.vector_load %arg4[%parallel_loop3A_1010] {strides = array<i32>} : memref<65536xf32, #tpu.memory_space<vmem>>, vector<16xf32>,
        %parallel_loop3A_1012 = tpu.bitcast %parallel_loop3A_1011 : vector<16xf32> -> vector<16xi32>
        %parallel_loop3A_1013 = arith.constant 24 : i32
        %parallel_loop3A_1014 = vector.broadcast %parallel_loop3A_1013 : i32 to vector<16xi32>
        %parallel_loop3A_1015 = arith.shrui %parallel_loop3A_1012, %parallel_loop3A_1014 : vector<16xi32>
        %parallel_loop3A_1016 = arith.constant 128 : i32
        %parallel_loop3A_1017 = vector.broadcast %parallel_loop3A_1016 : i32 to vector<16xi32>
        %parallel_loop3A_1018 = arith.cmpi sge, %parallel_loop3A_1015, %parallel_loop3A_1017 : vector<16xi32>
        %parallel_loop3A_1019 = arith.constant 255 : i32
        %parallel_loop3A_1020 = vector.broadcast %parallel_loop3A_1019 : i32 to vector<16xi32>
        %parallel_loop3A_1021 = arith.subi %parallel_loop3A_1020, %parallel_loop3A_1015 : vector<16xi32>
        %parallel_loop3A_1022 = arith.constant 128 : i32
        %parallel_loop3A_1023 = vector.broadcast %parallel_loop3A_1022 : i32 to vector<16xi32>
        %parallel_loop3A_1024 = arith.addi %parallel_loop3A_1015, %parallel_loop3A_1023 : vector<16xi32>
        %parallel_loop3A_1025 = arith.select %parallel_loop3A_1018, %parallel_loop3A_1021, %parallel_loop3A_1024 : vector<16xi1>, vector<16xi32>
        %parallel_loop3A_1026 = vector.broadcast %scan3A_96#2 : i32 to vector<16xi32>
        %parallel_loop3A_1027 = arith.cmpi eq, %parallel_loop3A_1025, %parallel_loop3A_1026 : vector<16xi32>
        %parallel_loop3A_1028 = tpu.all_reduce %parallel_loop3A_1027 {dim = 0 : i64, kind = #tpu.reduction_kind<sum>} : vector<16xi1> -> vector<16xi32>
        %parallel_loop3A_1029 = arith.constant 10 : i32
        %parallel_loop3A_1030 = vector.broadcast %parallel_loop3A_1029 : i32 to vector<16xi32>
        %parallel_loop3A_1031 = arith.cmpi eq, %iota3A, %parallel_loop3A_1030 : vector<16xi32>
        %parallel_loop3A_1032 = arith.select %parallel_loop3A_1031, %parallel_loop3A_1028, %parallel_loop3A_1002 : vector<16xi1>, vector<16xi32>
        %parallel_loop3A_1033 = arith.constant 16 : i32
        %parallel_loop3A_1034 = arith.muli %parallel_loop3A_702, %parallel_loop3A_1033 : i32
        %parallel_loop3A_1035 = arith.constant 11 : i32
        %parallel_loop3A_1036 = arith.addi %parallel_loop3A_1034, %parallel_loop3A_1035 : i32
        %parallel_loop3A_1037 = arith.constant 16 : i32
        %parallel_loop3A_1038 = arith.muli %parallel_loop3A_1036, %parallel_loop3A_1037 : i32
        %parallel_loop3A_1039 = arith.addi %mul3A_36, %parallel_loop3A_1038 : i32
        %parallel_loop3A_1040 = arith.index_cast %parallel_loop3A_1039 : i32 to index
        %parallel_loop3A_1041 = tpu.vector_load %arg4[%parallel_loop3A_1040] {strides = array<i32>} : memref<65536xf32, #tpu.memory_space<vmem>>, vector<16xf32>,
        %parallel_loop3A_1042 = tpu.bitcast %parallel_loop3A_1041 : vector<16xf32> -> vector<16xi32>
        %parallel_loop3A_1043 = arith.constant 24 : i32
        %parallel_loop3A_1044 = vector.broadcast %parallel_loop3A_1043 : i32 to vector<16xi32>
        %parallel_loop3A_1045 = arith.shrui %parallel_loop3A_1042, %parallel_loop3A_1044 : vector<16xi32>
        %parallel_loop3A_1046 = arith.constant 128 : i32
        %parallel_loop3A_1047 = vector.broadcast %parallel_loop3A_1046 : i32 to vector<16xi32>
        %parallel_loop3A_1048 = arith.cmpi sge, %parallel_loop3A_1045, %parallel_loop3A_1047 : vector<16xi32>
        %parallel_loop3A_1049 = arith.constant 255 : i32
        %parallel_loop3A_1050 = vector.broadcast %parallel_loop3A_1049 : i32 to vector<16xi32>
        %parallel_loop3A_1051 = arith.subi %parallel_loop3A_1050, %parallel_loop3A_1045 : vector<16xi32>
        %parallel_loop3A_1052 = arith.constant 128 : i32
        %parallel_loop3A_1053 = vector.broadcast %parallel_loop3A_1052 : i32 to vector<16xi32>
        %parallel_loop3A_1054 = arith.addi %parallel_loop3A_1045, %parallel_loop3A_1053 : vector<16xi32>
        %parallel_loop3A_1055 = arith.select %parallel_loop3A_1048, %parallel_loop3A_1051, %parallel_loop3A_1054 : vector<16xi1>, vector<16xi32>
        %parallel_loop3A_1056 = vector.broadcast %scan3A_96#2 : i32 to vector<16xi32>
        %parallel_loop3A_1057 = arith.cmpi eq, %parallel_loop3A_1055, %parallel_loop3A_1056 : vector<16xi32>
        %parallel_loop3A_1058 = tpu.all_reduce %parallel_loop3A_1057 {dim = 0 : i64, kind = #tpu.reduction_kind<sum>} : vector<16xi1> -> vector<16xi32>
        %parallel_loop3A_1059 = arith.constant 11 : i32
        %parallel_loop3A_1060 = vector.broadcast %parallel_loop3A_1059 : i32 to vector<16xi32>
        %parallel_loop3A_1061 = arith.cmpi eq, %iota3A, %parallel_loop3A_1060 : vector<16xi32>
        %parallel_loop3A_1062 = arith.select %parallel_loop3A_1061, %parallel_loop3A_1058, %parallel_loop3A_1032 : vector<16xi1>, vector<16xi32>
        %parallel_loop3A_1063 = arith.constant 16 : i32
        %parallel_loop3A_1064 = arith.muli %parallel_loop3A_702, %parallel_loop3A_1063 : i32
        %parallel_loop3A_1065 = arith.constant 12 : i32
        %parallel_loop3A_1066 = arith.addi %parallel_loop3A_1064, %parallel_loop3A_1065 : i32
        %parallel_loop3A_1067 = arith.constant 16 : i32
        %parallel_loop3A_1068 = arith.muli %parallel_loop3A_1066, %parallel_loop3A_1067 : i32
        %parallel_loop3A_1069 = arith.addi %mul3A_36, %parallel_loop3A_1068 : i32
        %parallel_loop3A_1070 = arith.index_cast %parallel_loop3A_1069 : i32 to index
        %parallel_loop3A_1071 = tpu.vector_load %arg4[%parallel_loop3A_1070] {strides = array<i32>} : memref<65536xf32, #tpu.memory_space<vmem>>, vector<16xf32>,
        %parallel_loop3A_1072 = tpu.bitcast %parallel_loop3A_1071 : vector<16xf32> -> vector<16xi32>
        %parallel_loop3A_1073 = arith.constant 24 : i32
        %parallel_loop3A_1074 = vector.broadcast %parallel_loop3A_1073 : i32 to vector<16xi32>
        %parallel_loop3A_1075 = arith.shrui %parallel_loop3A_1072, %parallel_loop3A_1074 : vector<16xi32>
        %parallel_loop3A_1076 = arith.constant 128 : i32
        %parallel_loop3A_1077 = vector.broadcast %parallel_loop3A_1076 : i32 to vector<16xi32>
        %parallel_loop3A_1078 = arith.cmpi sge, %parallel_loop3A_1075, %parallel_loop3A_1077 : vector<16xi32>
        %parallel_loop3A_1079 = arith.constant 255 : i32
        %parallel_loop3A_1080 = vector.broadcast %parallel_loop3A_1079 : i32 to vector<16xi32>
        %parallel_loop3A_1081 = arith.subi %parallel_loop3A_1080, %parallel_loop3A_1075 : vector<16xi32>
        %parallel_loop3A_1082 = arith.constant 128 : i32
        %parallel_loop3A_1083 = vector.broadcast %parallel_loop3A_1082 : i32 to vector<16xi32>
        %parallel_loop3A_1084 = arith.addi %parallel_loop3A_1075, %parallel_loop3A_1083 : vector<16xi32>
        %parallel_loop3A_1085 = arith.select %parallel_loop3A_1078, %parallel_loop3A_1081, %parallel_loop3A_1084 : vector<16xi1>, vector<16xi32>
        %parallel_loop3A_1086 = vector.broadcast %scan3A_96#2 : i32 to vector<16xi32>
        %parallel_loop3A_1087 = arith.cmpi eq, %parallel_loop3A_1085, %parallel_loop3A_1086 : vector<16xi32>
        %parallel_loop3A_1088 = tpu.all_reduce %parallel_loop3A_1087 {dim = 0 : i64, kind = #tpu.reduction_kind<sum>} : vector<16xi1> -> vector<16xi32>
        %parallel_loop3A_1089 = arith.constant 12 : i32
        %parallel_loop3A_1090 = vector.broadcast %parallel_loop3A_1089 : i32 to vector<16xi32>
        %parallel_loop3A_1091 = arith.cmpi eq, %iota3A, %parallel_loop3A_1090 : vector<16xi32>
        %parallel_loop3A_1092 = arith.select %parallel_loop3A_1091, %parallel_loop3A_1088, %parallel_loop3A_1062 : vector<16xi1>, vector<16xi32>
        %parallel_loop3A_1093 = arith.constant 16 : i32
        %parallel_loop3A_1094 = arith.muli %parallel_loop3A_702, %parallel_loop3A_1093 : i32
        %parallel_loop3A_1095 = arith.constant 13 : i32
        %parallel_loop3A_1096 = arith.addi %parallel_loop3A_1094, %parallel_loop3A_1095 : i32
        %parallel_loop3A_1097 = arith.constant 16 : i32
        %parallel_loop3A_1098 = arith.muli %parallel_loop3A_1096, %parallel_loop3A_1097 : i32
        %parallel_loop3A_1099 = arith.addi %mul3A_36, %parallel_loop3A_1098 : i32
        %parallel_loop3A_1100 = arith.index_cast %parallel_loop3A_1099 : i32 to index
        %parallel_loop3A_1101 = tpu.vector_load %arg4[%parallel_loop3A_1100] {strides = array<i32>} : memref<65536xf32, #tpu.memory_space<vmem>>, vector<16xf32>,
        %parallel_loop3A_1102 = tpu.bitcast %parallel_loop3A_1101 : vector<16xf32> -> vector<16xi32>
        %parallel_loop3A_1103 = arith.constant 24 : i32
        %parallel_loop3A_1104 = vector.broadcast %parallel_loop3A_1103 : i32 to vector<16xi32>
        %parallel_loop3A_1105 = arith.shrui %parallel_loop3A_1102, %parallel_loop3A_1104 : vector<16xi32>
        %parallel_loop3A_1106 = arith.constant 128 : i32
        %parallel_loop3A_1107 = vector.broadcast %parallel_loop3A_1106 : i32 to vector<16xi32>
        %parallel_loop3A_1108 = arith.cmpi sge, %parallel_loop3A_1105, %parallel_loop3A_1107 : vector<16xi32>
        %parallel_loop3A_1109 = arith.constant 255 : i32
        %parallel_loop3A_1110 = vector.broadcast %parallel_loop3A_1109 : i32 to vector<16xi32>
        %parallel_loop3A_1111 = arith.subi %parallel_loop3A_1110, %parallel_loop3A_1105 : vector<16xi32>
        %parallel_loop3A_1112 = arith.constant 128 : i32
        %parallel_loop3A_1113 = vector.broadcast %parallel_loop3A_1112 : i32 to vector<16xi32>
        %parallel_loop3A_1114 = arith.addi %parallel_loop3A_1105, %parallel_loop3A_1113 : vector<16xi32>
        %parallel_loop3A_1115 = arith.select %parallel_loop3A_1108, %parallel_loop3A_1111, %parallel_loop3A_1114 : vector<16xi1>, vector<16xi32>
        %parallel_loop3A_1116 = vector.broadcast %scan3A_96#2 : i32 to vector<16xi32>
        %parallel_loop3A_1117 = arith.cmpi eq, %parallel_loop3A_1115, %parallel_loop3A_1116 : vector<16xi32>
        %parallel_loop3A_1118 = tpu.all_reduce %parallel_loop3A_1117 {dim = 0 : i64, kind = #tpu.reduction_kind<sum>} : vector<16xi1> -> vector<16xi32>
        %parallel_loop3A_1119 = arith.constant 13 : i32
        %parallel_loop3A_1120 = vector.broadcast %parallel_loop3A_1119 : i32 to vector<16xi32>
        %parallel_loop3A_1121 = arith.cmpi eq, %iota3A, %parallel_loop3A_1120 : vector<16xi32>
        %parallel_loop3A_1122 = arith.select %parallel_loop3A_1121, %parallel_loop3A_1118, %parallel_loop3A_1092 : vector<16xi1>, vector<16xi32>
        %parallel_loop3A_1123 = arith.constant 16 : i32
        %parallel_loop3A_1124 = arith.muli %parallel_loop3A_702, %parallel_loop3A_1123 : i32
        %parallel_loop3A_1125 = arith.constant 14 : i32
        %parallel_loop3A_1126 = arith.addi %parallel_loop3A_1124, %parallel_loop3A_1125 : i32
        %parallel_loop3A_1127 = arith.constant 16 : i32
        %parallel_loop3A_1128 = arith.muli %parallel_loop3A_1126, %parallel_loop3A_1127 : i32
        %parallel_loop3A_1129 = arith.addi %mul3A_36, %parallel_loop3A_1128 : i32
        %parallel_loop3A_1130 = arith.index_cast %parallel_loop3A_1129 : i32 to index
        %parallel_loop3A_1131 = tpu.vector_load %arg4[%parallel_loop3A_1130] {strides = array<i32>} : memref<65536xf32, #tpu.memory_space<vmem>>, vector<16xf32>,
        %parallel_loop3A_1132 = tpu.bitcast %parallel_loop3A_1131 : vector<16xf32> -> vector<16xi32>
        %parallel_loop3A_1133 = arith.constant 24 : i32
        %parallel_loop3A_1134 = vector.broadcast %parallel_loop3A_1133 : i32 to vector<16xi32>
        %parallel_loop3A_1135 = arith.shrui %parallel_loop3A_1132, %parallel_loop3A_1134 : vector<16xi32>
        %parallel_loop3A_1136 = arith.constant 128 : i32
        %parallel_loop3A_1137 = vector.broadcast %parallel_loop3A_1136 : i32 to vector<16xi32>
        %parallel_loop3A_1138 = arith.cmpi sge, %parallel_loop3A_1135, %parallel_loop3A_1137 : vector<16xi32>
        %parallel_loop3A_1139 = arith.constant 255 : i32
        %parallel_loop3A_1140 = vector.broadcast %parallel_loop3A_1139 : i32 to vector<16xi32>
        %parallel_loop3A_1141 = arith.subi %parallel_loop3A_1140, %parallel_loop3A_1135 : vector<16xi32>
        %parallel_loop3A_1142 = arith.constant 128 : i32
        %parallel_loop3A_1143 = vector.broadcast %parallel_loop3A_1142 : i32 to vector<16xi32>
        %parallel_loop3A_1144 = arith.addi %parallel_loop3A_1135, %parallel_loop3A_1143 : vector<16xi32>
        %parallel_loop3A_1145 = arith.select %parallel_loop3A_1138, %parallel_loop3A_1141, %parallel_loop3A_1144 : vector<16xi1>, vector<16xi32>
        %parallel_loop3A_1146 = vector.broadcast %scan3A_96#2 : i32 to vector<16xi32>
        %parallel_loop3A_1147 = arith.cmpi eq, %parallel_loop3A_1145, %parallel_loop3A_1146 : vector<16xi32>
        %parallel_loop3A_1148 = tpu.all_reduce %parallel_loop3A_1147 {dim = 0 : i64, kind = #tpu.reduction_kind<sum>} : vector<16xi1> -> vector<16xi32>
        %parallel_loop3A_1149 = arith.constant 14 : i32
        %parallel_loop3A_1150 = vector.broadcast %parallel_loop3A_1149 : i32 to vector<16xi32>
        %parallel_loop3A_1151 = arith.cmpi eq, %iota3A, %parallel_loop3A_1150 : vector<16xi32>
        %parallel_loop3A_1152 = arith.select %parallel_loop3A_1151, %parallel_loop3A_1148, %parallel_loop3A_1122 : vector<16xi1>, vector<16xi32>
        %parallel_loop3A_1153 = arith.constant 16 : i32
        %parallel_loop3A_1154 = arith.muli %parallel_loop3A_702, %parallel_loop3A_1153 : i32
        %parallel_loop3A_1155 = arith.constant 15 : i32
        %parallel_loop3A_1156 = arith.addi %parallel_loop3A_1154, %parallel_loop3A_1155 : i32
        %parallel_loop3A_1157 = arith.constant 16 : i32
        %parallel_loop3A_1158 = arith.muli %parallel_loop3A_1156, %parallel_loop3A_1157 : i32
        %parallel_loop3A_1159 = arith.addi %mul3A_36, %parallel_loop3A_1158 : i32
        %parallel_loop3A_1160 = arith.index_cast %parallel_loop3A_1159 : i32 to index
        %parallel_loop3A_1161 = tpu.vector_load %arg4[%parallel_loop3A_1160] {strides = array<i32>} : memref<65536xf32, #tpu.memory_space<vmem>>, vector<16xf32>,
        %parallel_loop3A_1162 = tpu.bitcast %parallel_loop3A_1161 : vector<16xf32> -> vector<16xi32>
        %parallel_loop3A_1163 = arith.constant 24 : i32
        %parallel_loop3A_1164 = vector.broadcast %parallel_loop3A_1163 : i32 to vector<16xi32>
        %parallel_loop3A_1165 = arith.shrui %parallel_loop3A_1162, %parallel_loop3A_1164 : vector<16xi32>
        %parallel_loop3A_1166 = arith.constant 128 : i32
        %parallel_loop3A_1167 = vector.broadcast %parallel_loop3A_1166 : i32 to vector<16xi32>
        %parallel_loop3A_1168 = arith.cmpi sge, %parallel_loop3A_1165, %parallel_loop3A_1167 : vector<16xi32>
        %parallel_loop3A_1169 = arith.constant 255 : i32
        %parallel_loop3A_1170 = vector.broadcast %parallel_loop3A_1169 : i32 to vector<16xi32>
        %parallel_loop3A_1171 = arith.subi %parallel_loop3A_1170, %parallel_loop3A_1165 : vector<16xi32>
        %parallel_loop3A_1172 = arith.constant 128 : i32
        %parallel_loop3A_1173 = vector.broadcast %parallel_loop3A_1172 : i32 to vector<16xi32>
        %parallel_loop3A_1174 = arith.addi %parallel_loop3A_1165, %parallel_loop3A_1173 : vector<16xi32>
        %parallel_loop3A_1175 = arith.select %parallel_loop3A_1168, %parallel_loop3A_1171, %parallel_loop3A_1174 : vector<16xi1>, vector<16xi32>
        %parallel_loop3A_1176 = vector.broadcast %scan3A_96#2 : i32 to vector<16xi32>
        %parallel_loop3A_1177 = arith.cmpi eq, %parallel_loop3A_1175, %parallel_loop3A_1176 : vector<16xi32>
        %parallel_loop3A_1178 = tpu.all_reduce %parallel_loop3A_1177 {dim = 0 : i64, kind = #tpu.reduction_kind<sum>} : vector<16xi1> -> vector<16xi32>
        %parallel_loop3A_1179 = arith.constant 15 : i32
        %parallel_loop3A_1180 = vector.broadcast %parallel_loop3A_1179 : i32 to vector<16xi32>
        %parallel_loop3A_1181 = arith.cmpi eq, %iota3A, %parallel_loop3A_1180 : vector<16xi32>
        %parallel_loop3A_1182 = arith.select %parallel_loop3A_1181, %parallel_loop3A_1178, %parallel_loop3A_1152 : vector<16xi1>, vector<16xi32>
        %parallel_loop3A_1183 = arith.constant 16 : i32
        %parallel_loop3A_1184 = arith.muli %parallel_loop3A_702, %parallel_loop3A_1183 : i32
        %parallel_loop3A_1185 = arith.index_cast %parallel_loop3A_1184 : i32 to index
        %parallel_loop3A_1186 = tpu.vector_load %arg7[%parallel_loop3A_1185] {strides = array<i32>} : memref<2064xi32, #tpu.memory_space<vmem>>, vector<16xi32>,
        tpu.vector_store %arg7[%parallel_loop3A_1185], %parallel_loop3A_1182 {strides = array<i32>} : memref<2064xi32, #tpu.memory_space<vmem>>, vector<16xi32>,
      } {sc.loop_unroll_factor = 2 : i64, sc.parallel_access}
      %scan3A_102 = arith.constant 0 : i32
      %scan3A_103 = arith.constant 0 : i32
      %scan3A_104 = arith.constant 128 : i32
      %scan3A_105 = arith.addi %scan3A_103, %scan3A_104 : i32
      %scan3A_106 = arith.constant 1 : i32
      %scan3A_107 = scf.for %scan3A_702 = %scan3A_103 to %scan3A_105 step %scan3A_106 iter_args(%scan3A_703 = %scan3A_102) -> (i32)  : i32 {
        %mul3A_704 = arith.constant 16 : i32
        %mul3A_705 = arith.muli %scan3A_702, %mul3A_704 : i32
        %get3A_706 = arith.index_cast %mul3A_705 : i32 to index
        %get3A_707 = tpu.vector_load %arg7[%get3A_706] {strides = array<i32>} : memref<2064xi32, #tpu.memory_space<vmem>>, vector<16xi32>,
        %broadcast_in_dim3A_708 = arith.constant true
        %broadcast_in_dim3A_709 = vector.broadcast %broadcast_in_dim3A_708 : i1 to vector<16xi1>
        %masked_cumsum3A_710 = tpu.scan <sum>, %get3A_707 masked %broadcast_in_dim3A_709 : vector<16xi32>, vector<16xi1> -> vector<16xi32>
        %sub3A_711 = arith.subi %masked_cumsum3A_710, %get3A_707 : vector<16xi32>
        %add3A_712 = vector.broadcast %scan3A_703 : i32 to vector<16xi32>
        %add3A_713 = arith.addi %sub3A_711, %add3A_712 : vector<16xi32>
        %mul3A_714 = arith.constant 16 : i32
        %mul3A_715 = arith.muli %scan3A_702, %mul3A_714 : i32
        %swap3A_716 = arith.index_cast %mul3A_715 : i32 to index
        %swap3A_717 = tpu.vector_load %arg7[%swap3A_716] {strides = array<i32>} : memref<2064xi32, #tpu.memory_space<vmem>>, vector<16xi32>,
        tpu.vector_store %arg7[%swap3A_716], %add3A_713 {strides = array<i32>} : memref<2064xi32, #tpu.memory_space<vmem>>, vector<16xi32>,
        %slice3A = vector.extract_strided_slice %masked_cumsum3A_710 {offsets = [15], sizes = [1], strides = [1]} : vector<16xi32> to vector<1xi32>
        %squeeze3A = vector.extract %slice3A[0] : i32 from vector<1xi32>
        %add3A_718 = arith.addi %scan3A_703, %squeeze3A : i32
        scf.yield %add3A_718 : i32
      }
      %scan3A_108 = arith.constant 128 : i32
      %parallel_loop3A_109 = arith.constant 0 : i32
      %parallel_loop3A_110 = arith.constant 2048 : i32
      %parallel_loop3A_111 = arith.constant 1 : i32
      scf.for %parallel_loop3A_702 = %parallel_loop3A_109 to %parallel_loop3A_110 step %parallel_loop3A_111  : i32 {
        %parallel_loop3A_703 = arith.constant 16 : i32
        %parallel_loop3A_704 = arith.muli %parallel_loop3A_702, %parallel_loop3A_703 : i32
        %parallel_loop3A_705 = arith.addi %mul3A_36, %parallel_loop3A_704 : i32
        %parallel_loop3A_706 = arith.index_cast %parallel_loop3A_705 : i32 to index
        %parallel_loop3A_707 = tpu.vector_load %arg4[%parallel_loop3A_706] {strides = array<i32>} : memref<65536xf32, #tpu.memory_space<vmem>>, vector<16xf32>,
        %parallel_loop3A_708 = tpu.bitcast %parallel_loop3A_707 : vector<16xf32> -> vector<16xi32>
        %parallel_loop3A_709 = arith.constant 24 : i32
        %parallel_loop3A_710 = vector.broadcast %parallel_loop3A_709 : i32 to vector<16xi32>
        %parallel_loop3A_711 = arith.shrui %parallel_loop3A_708, %parallel_loop3A_710 : vector<16xi32>
        %parallel_loop3A_712 = arith.constant 128 : i32
        %parallel_loop3A_713 = vector.broadcast %parallel_loop3A_712 : i32 to vector<16xi32>
        %parallel_loop3A_714 = arith.cmpi sge, %parallel_loop3A_711, %parallel_loop3A_713 : vector<16xi32>
        %parallel_loop3A_715 = arith.constant 255 : i32
        %parallel_loop3A_716 = vector.broadcast %parallel_loop3A_715 : i32 to vector<16xi32>
        %parallel_loop3A_717 = arith.subi %parallel_loop3A_716, %parallel_loop3A_711 : vector<16xi32>
        %parallel_loop3A_718 = arith.constant 128 : i32
        %parallel_loop3A_719 = vector.broadcast %parallel_loop3A_718 : i32 to vector<16xi32>
        %parallel_loop3A_720 = arith.addi %parallel_loop3A_711, %parallel_loop3A_719 : vector<16xi32>
        %parallel_loop3A_721 = arith.select %parallel_loop3A_714, %parallel_loop3A_717, %parallel_loop3A_720 : vector<16xi1>, vector<16xi32>
        %parallel_loop3A_722 = vector.broadcast %scan3A_96#2 : i32 to vector<16xi32>
        %parallel_loop3A_723 = arith.cmpi eq, %parallel_loop3A_721, %parallel_loop3A_722 : vector<16xi32>
        %parallel_loop3A_724 = arith.index_cast %parallel_loop3A_702 : i32 to index
        %parallel_loop3A_725 = tpu.vector_load %arg7[%parallel_loop3A_724] {strides = array<i32>} : memref<2064xi32, #tpu.memory_space<vmem>>, vector<16xi32>,
        %parallel_loop3A_726 = vector.extract_strided_slice %parallel_loop3A_725 {offsets = [0], sizes = [1], strides = [1]} : vector<16xi32> to vector<1xi32>
        %parallel_loop3A_727 = vector.extract %parallel_loop3A_726[0] : i32 from vector<1xi32>
        %parallel_loop3A_728 = arith.constant 16 : i32
        %parallel_loop3A_729 = arith.muli %parallel_loop3A_702, %parallel_loop3A_728 : i32
        %parallel_loop3A_730 = vector.broadcast %parallel_loop3A_729 : i32 to vector<16xi32>
        %parallel_loop3A_731 = arith.addi %parallel_loop3A_730, %iota3A : vector<16xi32>
        %parallel_loop3A_732 = arith.index_cast %parallel_loop3A_727 : i32 to index
        %parallel_loop3A_733 = tpu.vector_load %arg5[%parallel_loop3A_732] masked %parallel_loop3A_723 {strides = array<i32>} : memref<32784xi32, #tpu.memory_space<vmem>>, vector<16xi32>, vector<16xi1>
        tpu.vector_store %arg5[%parallel_loop3A_732], %parallel_loop3A_731 masked %parallel_loop3A_723 {strides = array<i32>} : memref<32784xi32, #tpu.memory_space<vmem>>, vector<16xi32>, vector<16xi1>
      } {sc.loop_unroll_factor = 8 : i64, sc.parallel_access}
      %swap3A_112 = arith.constant 0 : index
      %swap3A_113 = tpu.vector_load %arg6[%swap3A_112] {strides = array<i32>} : memref<256xi32, #tpu.memory_space<vmem>>, vector<16xi32>,
      tpu.vector_store %arg6[%swap3A_112], %broadcast_in_dim3A_2 {strides = array<i32>} : memref<256xi32, #tpu.memory_space<vmem>>, vector<16xi32>,
      %add3A_114 = arith.constant 16 : i32
      %add3A_115 = arith.addi %scan3A_107, %add3A_114 : i32
      %sub3A_116 = arith.constant 1 : i32
      %sub3A_117 = arith.subi %add3A_115, %sub3A_116 : i32
      %jit3A = arith.constant 16 : i32
      %div3A = arith.divsi %sub3A_117, %jit3A : i32
      %sign3A = arith.constant 0 : i32
      %sign3A_118 = arith.cmpi sgt, %sub3A_117, %sign3A : i32
      %sign3A_119 = arith.extui %sign3A_118 : i1 to i32
      %sign3A_120 = arith.constant 0 : i32
      %sign3A_121 = arith.cmpi slt, %sub3A_117, %sign3A_120 : i32
      %sign3A_122 = arith.extui %sign3A_121 : i1 to i32
      %sign3A_123 = arith.subi %sign3A_119, %sign3A_122 : i32
      %sign3A_124 = arith.constant 0 : i32
      %sign3A_125 = arith.cmpi sgt, %jit3A, %sign3A_124 : i32
      %sign3A_126 = arith.extui %sign3A_125 : i1 to i32
      %sign3A_127 = arith.constant 0 : i32
      %sign3A_128 = arith.cmpi slt, %jit3A, %sign3A_127 : i32
      %sign3A_129 = arith.extui %sign3A_128 : i1 to i32
      %sign3A_130 = arith.subi %sign3A_126, %sign3A_129 : i32
      %ne3A = arith.cmpi ne, %sign3A_123, %sign3A_130 : i32
      %rem3A = arith.remsi %sub3A_117, %jit3A : i32
      %ne3A_131 = arith.constant 0 : i32
      %ne3A_132 = arith.cmpi ne, %rem3A, %ne3A_131 : i32
      %and3A_133 = arith.andi %ne3A, %ne3A_132 : i1
      %sub3A_134 = arith.constant 1 : i32
      %sub3A_135 = arith.subi %div3A, %sub3A_134 : i32
      %select_n3A = arith.select %and3A_133, %sub3A_135, %div3A : i32
      %parallel_loop3A_136 = arith.constant 0 : i32
      %parallel_loop3A_137 = arith.constant 1 : i32
      scf.for %parallel_loop3A_702 = %parallel_loop3A_136 to %select_n3A step %parallel_loop3A_137  : i32 {
        %parallel_loop3A_703 = arith.constant 16 : i32
        %parallel_loop3A_704 = arith.muli %parallel_loop3A_702, %parallel_loop3A_703 : i32
        %parallel_loop3A_705 = arith.index_cast %parallel_loop3A_704 : i32 to index
        %parallel_loop3A_706 = tpu.vector_load %arg5[%parallel_loop3A_705] {strides = array<i32>} : memref<32784xi32, #tpu.memory_space<vmem>>, vector<16xi32>,
        %parallel_loop3A_707 = arith.constant 32767 : i32
        %parallel_loop3A_708 = vector.broadcast %parallel_loop3A_707 : i32 to vector<16xi32>
        %parallel_loop3A_709 = arith.andi %parallel_loop3A_706, %parallel_loop3A_708 : vector<16xi32>
        %parallel_loop3A_710 = vector.broadcast %mul3A_36 : i32 to vector<16xi32>
        %parallel_loop3A_711 = arith.addi %parallel_loop3A_709, %parallel_loop3A_710 : vector<16xi32>
        %parallel_loop3A_712 = tpu.vector_load_idx %arg4[%parallel_loop3A_711] : memref<65536xf32, #tpu.memory_space<vmem>>[vector<16xi32>], vector<16xf32>,
        %parallel_loop3A_713 = tpu.bitcast %parallel_loop3A_712 : vector<16xf32> -> vector<16xi32>
        %parallel_loop3A_714 = arith.constant -2147483648 : i32
        %parallel_loop3A_715 = vector.broadcast %parallel_loop3A_714 : i32 to vector<16xi32>
        %parallel_loop3A_716 = arith.cmpi uge, %parallel_loop3A_713, %parallel_loop3A_715 : vector<16xi32>
        %parallel_loop3A_717 = arith.constant dense<-1> : vector<16xi32>
        %parallel_loop3A_718 = arith.xori %parallel_loop3A_713, %parallel_loop3A_717 : vector<16xi32>
        %parallel_loop3A_719 = arith.constant -2147483648 : i32
        %parallel_loop3A_720 = vector.broadcast %parallel_loop3A_719 : i32 to vector<16xi32>
        %parallel_loop3A_721 = arith.ori %parallel_loop3A_713, %parallel_loop3A_720 : vector<16xi32>
        %parallel_loop3A_722 = arith.select %parallel_loop3A_716, %parallel_loop3A_718, %parallel_loop3A_721 : vector<16xi1>, vector<16xi32>
        %parallel_loop3A_723 = arith.constant 16 : i32
        %parallel_loop3A_724 = arith.muli %parallel_loop3A_702, %parallel_loop3A_723 : i32
        %parallel_loop3A_725 = vector.broadcast %parallel_loop3A_724 : i32 to vector<16xi32>
        %parallel_loop3A_726 = arith.addi %parallel_loop3A_725, %iota3A : vector<16xi32>
        %parallel_loop3A_727 = vector.broadcast %scan3A_107 : i32 to vector<16xi32>
        %parallel_loop3A_728 = arith.cmpi slt, %parallel_loop3A_726, %parallel_loop3A_727 : vector<16xi32>
        %parallel_loop3A_729 = arith.constant 24 : i32
        %parallel_loop3A_730 = vector.broadcast %parallel_loop3A_729 : i32 to vector<16xi32>
        %parallel_loop3A_731 = arith.shrui %parallel_loop3A_722, %parallel_loop3A_730 : vector<16xi32>
        %parallel_loop3A_732 = vector.broadcast %scan3A_96#2 : i32 to vector<16xi32>
        %parallel_loop3A_733 = arith.cmpi eq, %parallel_loop3A_731, %parallel_loop3A_732 : vector<16xi32>
        %parallel_loop3A_734 = arith.andi %parallel_loop3A_728, %parallel_loop3A_733 : vector<16xi1>
        %parallel_loop3A_735 = arith.constant 20 : i32
        %parallel_loop3A_736 = vector.broadcast %parallel_loop3A_735 : i32 to vector<16xi32>
        %parallel_loop3A_737 = arith.shrui %parallel_loop3A_722, %parallel_loop3A_736 : vector<16xi32>
        %parallel_loop3A_738 = arith.constant 15 : i32
        %parallel_loop3A_739 = vector.broadcast %parallel_loop3A_738 : i32 to vector<16xi32>
        %parallel_loop3A_740 = arith.andi %parallel_loop3A_737, %parallel_loop3A_739 : vector<16xi32>
        %parallel_loop3A_741, %parallel_loop3A_742 = tpu.scan_count mask(%parallel_loop3A_734 : vector<16xi1>) value(%parallel_loop3A_740 : vector<16xi32>) : vector<16xi1>, vector<16xi32>
        %parallel_loop3A_743 = arith.andi %parallel_loop3A_741, %parallel_loop3A_734 : vector<16xi1>
        tpu.vector_store_idx %arg6[%parallel_loop3A_740], %parallel_loop3A_742 masked %parallel_loop3A_743 {add = true} : memref<256xi32, #tpu.memory_space<vmem>>[vector<16xi32>], vector<16xi32>, vector<16xi1>
      } {sc.loop_unroll_factor = 4 : i64, sc.parallel_access}
      %get3A = arith.constant 0 : index
      %get3A_138 = tpu.vector_load %arg6[%get3A] {strides = array<i32>} : memref<256xi32, #tpu.memory_space<vmem>>, vector<16xi32>,
      %rev3A = arith.constant 15 : i32
      %rev3A_139 = vector.broadcast %rev3A : i32 to vector<16xi32>
      %rev3A_140 = tpu.iota {dimensions = array<i32: 0>} : vector<16xi32>
      %rev3A_141 = arith.subi %rev3A_139, %rev3A_140 : vector<16xi32>
      %rev3A_142 = tpu.dynamic_gather %get3A_138[%rev3A_141] in [0] : vector<16xi32>, vector<16xi32> -> vector<16xi32>
      %broadcast_in_dim3A_143 = arith.constant true
      %broadcast_in_dim3A_144 = vector.broadcast %broadcast_in_dim3A_143 : i1 to vector<16xi1>
      %masked_cumsum3A = tpu.scan <sum>, %rev3A_142 masked %broadcast_in_dim3A_144 : vector<16xi32>, vector<16xi1> -> vector<16xi32>
      %ge3A = vector.broadcast %sub3A_98 : i32 to vector<16xi32>
      %ge3A_145 = arith.cmpi sge, %masked_cumsum3A, %ge3A : vector<16xi32>
      %all_reduce_ffs3A = tpu.all_reduce %ge3A_145 {dim = 0 : i64, kind = #tpu.reduction_kind<find_first_set>} : vector<16xi1> -> vector<16xi32>
      %reduce_max3A = arith.constant true
      %reduce_max3A_146 = vector.broadcast %reduce_max3A : i1 to vector<16xi1>
      %reduce_max3A_147 = arith.constant -2147483648 : i32
      %reduce_max3A_148 = vector.broadcast %reduce_max3A_147 : i32 to vector<16xi32>
      %reduce_max3A_149 = arith.xori %all_reduce_ffs3A, %reduce_max3A_148 : vector<16xi32>
      %reduce_max3A_150 = tpu.scan <max>, %reduce_max3A_149 masked %reduce_max3A_146 : vector<16xi32>, vector<16xi1> -> vector<16xi32>
      %reduce_max3A_151 = arith.xori %reduce_max3A_150, %reduce_max3A_148 : vector<16xi32>
      %reduce_max3A_152 = vector.extract %reduce_max3A_151[15] : i32 from vector<16xi32>
      %eq3A = vector.broadcast %reduce_max3A_152 : i32 to vector<16xi32>
      %eq3A_153 = arith.cmpi eq, %iota3A, %eq3A : vector<16xi32>
      %jit3A_154 = arith.constant 0 : i32
      %broadcast_in_dim3A_155 = vector.broadcast %jit3A_154 : i32 to vector<16xi32>
      %select_n3A_156 = arith.select %eq3A_153, %masked_cumsum3A, %broadcast_in_dim3A_155 : vector<16xi1>, vector<16xi32>
      %reduce_max3A_157 = arith.constant true
      %reduce_max3A_158 = vector.broadcast %reduce_max3A_157 : i1 to vector<16xi1>
      %reduce_max3A_159 = arith.constant -2147483648 : i32
      %reduce_max3A_160 = vector.broadcast %reduce_max3A_159 : i32 to vector<16xi32>
      %reduce_max3A_161 = arith.xori %select_n3A_156, %reduce_max3A_160 : vector<16xi32>
      %reduce_max3A_162 = tpu.scan <max>, %reduce_max3A_161 masked %reduce_max3A_158 : vector<16xi32>, vector<16xi1> -> vector<16xi32>
      %reduce_max3A_163 = arith.xori %reduce_max3A_162, %reduce_max3A_160 : vector<16xi32>
      %reduce_max3A_164 = vector.extract %reduce_max3A_163[15] : i32 from vector<16xi32>
      %eq3A_165 = vector.broadcast %reduce_max3A_152 : i32 to vector<16xi32>
      %eq3A_166 = arith.cmpi eq, %iota3A, %eq3A_165 : vector<16xi32>
      %jit3A_167 = arith.constant 0 : i32
      %broadcast_in_dim3A_168 = vector.broadcast %jit3A_167 : i32 to vector<16xi32>
      %select_n3A_169 = arith.select %eq3A_166, %rev3A_142, %broadcast_in_dim3A_168 : vector<16xi1>, vector<16xi32>
      %reduce_max3A_170 = arith.constant true
      %reduce_max3A_171 = vector.broadcast %reduce_max3A_170 : i1 to vector<16xi1>
      %reduce_max3A_172 = arith.constant -2147483648 : i32
      %reduce_max3A_173 = vector.broadcast %reduce_max3A_172 : i32 to vector<16xi32>
      %reduce_max3A_174 = arith.xori %select_n3A_169, %reduce_max3A_173 : vector<16xi32>
      %reduce_max3A_175 = tpu.scan <max>, %reduce_max3A_174 masked %reduce_max3A_171 : vector<16xi32>, vector<16xi1> -> vector<16xi32>
      %reduce_max3A_176 = arith.xori %reduce_max3A_175, %reduce_max3A_173 : vector<16xi32>
      %reduce_max3A_177 = vector.extract %reduce_max3A_176[15] : i32 from vector<16xi32>
      %sub3A_178 = arith.constant 15 : i32
      %sub3A_179 = arith.subi %sub3A_178, %reduce_max3A_152 : i32
      %sub3A_180 = arith.subi %reduce_max3A_164, %reduce_max3A_177 : i32
      %sub3A_181 = arith.subi %sub3A_98, %sub3A_180 : i32
      %shift_left3A = arith.constant 4 : i32
      %shift_left3A_182 = arith.shli %scan3A_96#2, %shift_left3A : i32
      %or3A = arith.ori %shift_left3A_182, %sub3A_179 : i32
      %swap3A_183 = arith.constant 0 : index
      %swap3A_184 = tpu.vector_load %arg6[%swap3A_183] {strides = array<i32>} : memref<256xi32, #tpu.memory_space<vmem>>, vector<16xi32>,
      tpu.vector_store %arg6[%swap3A_183], %broadcast_in_dim3A_2 {strides = array<i32>} : memref<256xi32, #tpu.memory_space<vmem>>, vector<16xi32>,
      %add3A_185 = arith.constant 16 : i32
      %add3A_186 = arith.addi %scan3A_107, %add3A_185 : i32
      %sub3A_187 = arith.constant 1 : i32
      %sub3A_188 = arith.subi %add3A_186, %sub3A_187 : i32
      %jit3A_189 = arith.constant 16 : i32
      %div3A_190 = arith.divsi %sub3A_188, %jit3A_189 : i32
      %sign3A_191 = arith.constant 0 : i32
      %sign3A_192 = arith.cmpi sgt, %sub3A_188, %sign3A_191 : i32
      %sign3A_193 = arith.extui %sign3A_192 : i1 to i32
      %sign3A_194 = arith.constant 0 : i32
      %sign3A_195 = arith.cmpi slt, %sub3A_188, %sign3A_194 : i32
      %sign3A_196 = arith.extui %sign3A_195 : i1 to i32
      %sign3A_197 = arith.subi %sign3A_193, %sign3A_196 : i32
      %sign3A_198 = arith.constant 0 : i32
      %sign3A_199 = arith.cmpi sgt, %jit3A_189, %sign3A_198 : i32
      %sign3A_200 = arith.extui %sign3A_199 : i1 to i32
      %sign3A_201 = arith.constant 0 : i32
      %sign3A_202 = arith.cmpi slt, %jit3A_189, %sign3A_201 : i32
      %sign3A_203 = arith.extui %sign3A_202 : i1 to i32
      %sign3A_204 = arith.subi %sign3A_200, %sign3A_203 : i32
      %ne3A_205 = arith.cmpi ne, %sign3A_197, %sign3A_204 : i32
      %rem3A_206 = arith.remsi %sub3A_188, %jit3A_189 : i32
      %ne3A_207 = arith.constant 0 : i32
      %ne3A_208 = arith.cmpi ne, %rem3A_206, %ne3A_207 : i32
      %and3A_209 = arith.andi %ne3A_205, %ne3A_208 : i1
      %sub3A_210 = arith.constant 1 : i32
      %sub3A_211 = arith.subi %div3A_190, %sub3A_210 : i32
      %select_n3A_212 = arith.select %and3A_209, %sub3A_211, %div3A_190 : i32
      %parallel_loop3A_213 = arith.constant 0 : i32
      %parallel_loop3A_214 = arith.constant 1 : i32
      scf.for %parallel_loop3A_702 = %parallel_loop3A_213 to %select_n3A_212 step %parallel_loop3A_214  : i32 {
        %parallel_loop3A_703 = arith.constant 16 : i32
        %parallel_loop3A_704 = arith.muli %parallel_loop3A_702, %parallel_loop3A_703 : i32
        %parallel_loop3A_705 = arith.index_cast %parallel_loop3A_704 : i32 to index
        %parallel_loop3A_706 = tpu.vector_load %arg5[%parallel_loop3A_705] {strides = array<i32>} : memref<32784xi32, #tpu.memory_space<vmem>>, vector<16xi32>,
        %parallel_loop3A_707 = arith.constant 32767 : i32
        %parallel_loop3A_708 = vector.broadcast %parallel_loop3A_707 : i32 to vector<16xi32>
        %parallel_loop3A_709 = arith.andi %parallel_loop3A_706, %parallel_loop3A_708 : vector<16xi32>
        %parallel_loop3A_710 = vector.broadcast %mul3A_36 : i32 to vector<16xi32>
        %parallel_loop3A_711 = arith.addi %parallel_loop3A_709, %parallel_loop3A_710 : vector<16xi32>
        %parallel_loop3A_712 = tpu.vector_load_idx %arg4[%parallel_loop3A_711] : memref<65536xf32, #tpu.memory_space<vmem>>[vector<16xi32>], vector<16xf32>,
        %parallel_loop3A_713 = tpu.bitcast %parallel_loop3A_712 : vector<16xf32> -> vector<16xi32>
        %parallel_loop3A_714 = arith.constant -2147483648 : i32
        %parallel_loop3A_715 = vector.broadcast %parallel_loop3A_714 : i32 to vector<16xi32>
        %parallel_loop3A_716 = arith.cmpi uge, %parallel_loop3A_713, %parallel_loop3A_715 : vector<16xi32>
        %parallel_loop3A_717 = arith.constant dense<-1> : vector<16xi32>
        %parallel_loop3A_718 = arith.xori %parallel_loop3A_713, %parallel_loop3A_717 : vector<16xi32>
        %parallel_loop3A_719 = arith.constant -2147483648 : i32
        %parallel_loop3A_720 = vector.broadcast %parallel_loop3A_719 : i32 to vector<16xi32>
        %parallel_loop3A_721 = arith.ori %parallel_loop3A_713, %parallel_loop3A_720 : vector<16xi32>
        %parallel_loop3A_722 = arith.select %parallel_loop3A_716, %parallel_loop3A_718, %parallel_loop3A_721 : vector<16xi1>, vector<16xi32>
        %parallel_loop3A_723 = arith.constant 16 : i32
        %parallel_loop3A_724 = arith.muli %parallel_loop3A_702, %parallel_loop3A_723 : i32
        %parallel_loop3A_725 = vector.broadcast %parallel_loop3A_724 : i32 to vector<16xi32>
        %parallel_loop3A_726 = arith.addi %parallel_loop3A_725, %iota3A : vector<16xi32>
        %parallel_loop3A_727 = vector.broadcast %scan3A_107 : i32 to vector<16xi32>
        %parallel_loop3A_728 = arith.cmpi slt, %parallel_loop3A_726, %parallel_loop3A_727 : vector<16xi32>
        %parallel_loop3A_729 = arith.constant 20 : i32
        %parallel_loop3A_730 = vector.broadcast %parallel_loop3A_729 : i32 to vector<16xi32>
        %parallel_loop3A_731 = arith.shrui %parallel_loop3A_722, %parallel_loop3A_730 : vector<16xi32>
        %parallel_loop3A_732 = vector.broadcast %or3A : i32 to vector<16xi32>
        %parallel_loop3A_733 = arith.cmpi eq, %parallel_loop3A_731, %parallel_loop3A_732 : vector<16xi32>
        %parallel_loop3A_734 = arith.andi %parallel_loop3A_728, %parallel_loop3A_733 : vector<16xi1>
        %parallel_loop3A_735 = arith.constant 16 : i32
        %parallel_loop3A_736 = vector.broadcast %parallel_loop3A_735 : i32 to vector<16xi32>
        %parallel_loop3A_737 = arith.shrui %parallel_loop3A_722, %parallel_loop3A_736 : vector<16xi32>
        %parallel_loop3A_738 = arith.constant 15 : i32
        %parallel_loop3A_739 = vector.broadcast %parallel_loop3A_738 : i32 to vector<16xi32>
        %parallel_loop3A_740 = arith.andi %parallel_loop3A_737, %parallel_loop3A_739 : vector<16xi32>
        %parallel_loop3A_741, %parallel_loop3A_742 = tpu.scan_count mask(%parallel_loop3A_734 : vector<16xi1>) value(%parallel_loop3A_740 : vector<16xi32>) : vector<16xi1>, vector<16xi32>
        %parallel_loop3A_743 = arith.andi %parallel_loop3A_741, %parallel_loop3A_734 : vector<16xi1>
        tpu.vector_store_idx %arg6[%parallel_loop3A_740], %parallel_loop3A_742 masked %parallel_loop3A_743 {add = true} : memref<256xi32, #tpu.memory_space<vmem>>[vector<16xi32>], vector<16xi32>, vector<16xi1>
      } {sc.loop_unroll_factor = 4 : i64, sc.parallel_access}
      %get3A_215 = arith.constant 0 : index
      %get3A_216 = tpu.vector_load %arg6[%get3A_215] {strides = array<i32>} : memref<256xi32, #tpu.memory_space<vmem>>, vector<16xi32>,
      %rev3A_217 = arith.constant 15 : i32
      %rev3A_218 = vector.broadcast %rev3A_217 : i32 to vector<16xi32>
      %rev3A_219 = tpu.iota {dimensions = array<i32: 0>} : vector<16xi32>
      %rev3A_220 = arith.subi %rev3A_218, %rev3A_219 : vector<16xi32>
      %rev3A_221 = tpu.dynamic_gather %get3A_216[%rev3A_220] in [0] : vector<16xi32>, vector<16xi32> -> vector<16xi32>
      %broadcast_in_dim3A_222 = arith.constant true
      %broadcast_in_dim3A_223 = vector.broadcast %broadcast_in_dim3A_222 : i1 to vector<16xi1>
      %masked_cumsum3A_224 = tpu.scan <sum>, %rev3A_221 masked %broadcast_in_dim3A_223 : vector<16xi32>, vector<16xi1> -> vector<16xi32>
      %ge3A_225 = vector.broadcast %sub3A_181 : i32 to vector<16xi32>
      %ge3A_226 = arith.cmpi sge, %masked_cumsum3A_224, %ge3A_225 : vector<16xi32>
      %all_reduce_ffs3A_227 = tpu.all_reduce %ge3A_226 {dim = 0 : i64, kind = #tpu.reduction_kind<find_first_set>} : vector<16xi1> -> vector<16xi32>
      %reduce_max3A_228 = arith.constant true
      %reduce_max3A_229 = vector.broadcast %reduce_max3A_228 : i1 to vector<16xi1>
      %reduce_max3A_230 = arith.constant -2147483648 : i32
      %reduce_max3A_231 = vector.broadcast %reduce_max3A_230 : i32 to vector<16xi32>
      %reduce_max3A_232 = arith.xori %all_reduce_ffs3A_227, %reduce_max3A_231 : vector<16xi32>
      %reduce_max3A_233 = tpu.scan <max>, %reduce_max3A_232 masked %reduce_max3A_229 : vector<16xi32>, vector<16xi1> -> vector<16xi32>
      %reduce_max3A_234 = arith.xori %reduce_max3A_233, %reduce_max3A_231 : vector<16xi32>
      %reduce_max3A_235 = vector.extract %reduce_max3A_234[15] : i32 from vector<16xi32>
      %eq3A_236 = vector.broadcast %reduce_max3A_235 : i32 to vector<16xi32>
      %eq3A_237 = arith.cmpi eq, %iota3A, %eq3A_236 : vector<16xi32>
      %jit3A_238 = arith.constant 0 : i32
      %broadcast_in_dim3A_239 = vector.broadcast %jit3A_238 : i32 to vector<16xi32>
      %select_n3A_240 = arith.select %eq3A_237, %masked_cumsum3A_224, %broadcast_in_dim3A_239 : vector<16xi1>, vector<16xi32>
      %reduce_max3A_241 = arith.constant true
      %reduce_max3A_242 = vector.broadcast %reduce_max3A_241 : i1 to vector<16xi1>
      %reduce_max3A_243 = arith.constant -2147483648 : i32
      %reduce_max3A_244 = vector.broadcast %reduce_max3A_243 : i32 to vector<16xi32>
      %reduce_max3A_245 = arith.xori %select_n3A_240, %reduce_max3A_244 : vector<16xi32>
      %reduce_max3A_246 = tpu.scan <max>, %reduce_max3A_245 masked %reduce_max3A_242 : vector<16xi32>, vector<16xi1> -> vector<16xi32>
      %reduce_max3A_247 = arith.xori %reduce_max3A_246, %reduce_max3A_244 : vector<16xi32>
      %reduce_max3A_248 = vector.extract %reduce_max3A_247[15] : i32 from vector<16xi32>
      %eq3A_249 = vector.broadcast %reduce_max3A_235 : i32 to vector<16xi32>
      %eq3A_250 = arith.cmpi eq, %iota3A, %eq3A_249 : vector<16xi32>
      %jit3A_251 = arith.constant 0 : i32
      %broadcast_in_dim3A_252 = vector.broadcast %jit3A_251 : i32 to vector<16xi32>
      %select_n3A_253 = arith.select %eq3A_250, %rev3A_221, %broadcast_in_dim3A_252 : vector<16xi1>, vector<16xi32>
      %reduce_max3A_254 = arith.constant true
      %reduce_max3A_255 = vector.broadcast %reduce_max3A_254 : i1 to vector<16xi1>
      %reduce_max3A_256 = arith.constant -2147483648 : i32
      %reduce_max3A_257 = vector.broadcast %reduce_max3A_256 : i32 to vector<16xi32>
      %reduce_max3A_258 = arith.xori %select_n3A_253, %reduce_max3A_257 : vector<16xi32>
      %reduce_max3A_259 = tpu.scan <max>, %reduce_max3A_258 masked %reduce_max3A_255 : vector<16xi32>, vector<16xi1> -> vector<16xi32>
      %reduce_max3A_260 = arith.xori %reduce_max3A_259, %reduce_max3A_257 : vector<16xi32>
      %reduce_max3A_261 = vector.extract %reduce_max3A_260[15] : i32 from vector<16xi32>
      %sub3A_262 = arith.constant 15 : i32
      %sub3A_263 = arith.subi %sub3A_262, %reduce_max3A_235 : i32
      %sub3A_264 = arith.subi %reduce_max3A_248, %reduce_max3A_261 : i32
      %sub3A_265 = arith.subi %sub3A_181, %sub3A_264 : i32
      %shift_left3A_266 = arith.constant 4 : i32
      %shift_left3A_267 = arith.shli %or3A, %shift_left3A_266 : i32
      %or3A_268 = arith.ori %shift_left3A_267, %sub3A_263 : i32
      %swap3A_269 = arith.constant 0 : index
      %swap3A_270 = tpu.vector_load %arg6[%swap3A_269] {strides = array<i32>} : memref<256xi32, #tpu.memory_space<vmem>>, vector<16xi32>,
      tpu.vector_store %arg6[%swap3A_269], %broadcast_in_dim3A_2 {strides = array<i32>} : memref<256xi32, #tpu.memory_space<vmem>>, vector<16xi32>,
      %add3A_271 = arith.constant 16 : i32
      %add3A_272 = arith.addi %scan3A_107, %add3A_271 : i32
      %sub3A_273 = arith.constant 1 : i32
      %sub3A_274 = arith.subi %add3A_272, %sub3A_273 : i32
      %jit3A_275 = arith.constant 16 : i32
      %div3A_276 = arith.divsi %sub3A_274, %jit3A_275 : i32
      %sign3A_277 = arith.constant 0 : i32
      %sign3A_278 = arith.cmpi sgt, %sub3A_274, %sign3A_277 : i32
      %sign3A_279 = arith.extui %sign3A_278 : i1 to i32
      %sign3A_280 = arith.constant 0 : i32
      %sign3A_281 = arith.cmpi slt, %sub3A_274, %sign3A_280 : i32
      %sign3A_282 = arith.extui %sign3A_281 : i1 to i32
      %sign3A_283 = arith.subi %sign3A_279, %sign3A_282 : i32
      %sign3A_284 = arith.constant 0 : i32
      %sign3A_285 = arith.cmpi sgt, %jit3A_275, %sign3A_284 : i32
      %sign3A_286 = arith.extui %sign3A_285 : i1 to i32
      %sign3A_287 = arith.constant 0 : i32
      %sign3A_288 = arith.cmpi slt, %jit3A_275, %sign3A_287 : i32
      %sign3A_289 = arith.extui %sign3A_288 : i1 to i32
      %sign3A_290 = arith.subi %sign3A_286, %sign3A_289 : i32
      %ne3A_291 = arith.cmpi ne, %sign3A_283, %sign3A_290 : i32
      %rem3A_292 = arith.remsi %sub3A_274, %jit3A_275 : i32
      %ne3A_293 = arith.constant 0 : i32
      %ne3A_294 = arith.cmpi ne, %rem3A_292, %ne3A_293 : i32
      %and3A_295 = arith.andi %ne3A_291, %ne3A_294 : i1
      %sub3A_296 = arith.constant 1 : i32
      %sub3A_297 = arith.subi %div3A_276, %sub3A_296 : i32
      %select_n3A_298 = arith.select %and3A_295, %sub3A_297, %div3A_276 : i32
      %parallel_loop3A_299 = arith.constant 0 : i32
      %parallel_loop3A_300 = arith.constant 1 : i32
      scf.for %parallel_loop3A_702 = %parallel_loop3A_299 to %select_n3A_298 step %parallel_loop3A_300  : i32 {
        %parallel_loop3A_703 = arith.constant 16 : i32
        %parallel_loop3A_704 = arith.muli %parallel_loop3A_702, %parallel_loop3A_703 : i32
        %parallel_loop3A_705 = arith.index_cast %parallel_loop3A_704 : i32 to index
        %parallel_loop3A_706 = tpu.vector_load %arg5[%parallel_loop3A_705] {strides = array<i32>} : memref<32784xi32, #tpu.memory_space<vmem>>, vector<16xi32>,
        %parallel_loop3A_707 = arith.constant 32767 : i32
        %parallel_loop3A_708 = vector.broadcast %parallel_loop3A_707 : i32 to vector<16xi32>
        %parallel_loop3A_709 = arith.andi %parallel_loop3A_706, %parallel_loop3A_708 : vector<16xi32>
        %parallel_loop3A_710 = vector.broadcast %mul3A_36 : i32 to vector<16xi32>
        %parallel_loop3A_711 = arith.addi %parallel_loop3A_709, %parallel_loop3A_710 : vector<16xi32>
        %parallel_loop3A_712 = tpu.vector_load_idx %arg4[%parallel_loop3A_711] : memref<65536xf32, #tpu.memory_space<vmem>>[vector<16xi32>], vector<16xf32>,
        %parallel_loop3A_713 = tpu.bitcast %parallel_loop3A_712 : vector<16xf32> -> vector<16xi32>
        %parallel_loop3A_714 = arith.constant -2147483648 : i32
        %parallel_loop3A_715 = vector.broadcast %parallel_loop3A_714 : i32 to vector<16xi32>
        %parallel_loop3A_716 = arith.cmpi uge, %parallel_loop3A_713, %parallel_loop3A_715 : vector<16xi32>
        %parallel_loop3A_717 = arith.constant dense<-1> : vector<16xi32>
        %parallel_loop3A_718 = arith.xori %parallel_loop3A_713, %parallel_loop3A_717 : vector<16xi32>
        %parallel_loop3A_719 = arith.constant -2147483648 : i32
        %parallel_loop3A_720 = vector.broadcast %parallel_loop3A_719 : i32 to vector<16xi32>
        %parallel_loop3A_721 = arith.ori %parallel_loop3A_713, %parallel_loop3A_720 : vector<16xi32>
        %parallel_loop3A_722 = arith.select %parallel_loop3A_716, %parallel_loop3A_718, %parallel_loop3A_721 : vector<16xi1>, vector<16xi32>
        %parallel_loop3A_723 = arith.constant 16 : i32
        %parallel_loop3A_724 = arith.muli %parallel_loop3A_702, %parallel_loop3A_723 : i32
        %parallel_loop3A_725 = vector.broadcast %parallel_loop3A_724 : i32 to vector<16xi32>
        %parallel_loop3A_726 = arith.addi %parallel_loop3A_725, %iota3A : vector<16xi32>
        %parallel_loop3A_727 = vector.broadcast %scan3A_107 : i32 to vector<16xi32>
        %parallel_loop3A_728 = arith.cmpi slt, %parallel_loop3A_726, %parallel_loop3A_727 : vector<16xi32>
        %parallel_loop3A_729 = arith.constant 16 : i32
        %parallel_loop3A_730 = vector.broadcast %parallel_loop3A_729 : i32 to vector<16xi32>
        %parallel_loop3A_731 = arith.shrui %parallel_loop3A_722, %parallel_loop3A_730 : vector<16xi32>
        %parallel_loop3A_732 = vector.broadcast %or3A_268 : i32 to vector<16xi32>
        %parallel_loop3A_733 = arith.cmpi eq, %parallel_loop3A_731, %parallel_loop3A_732 : vector<16xi32>
        %parallel_loop3A_734 = arith.andi %parallel_loop3A_728, %parallel_loop3A_733 : vector<16xi1>
        %parallel_loop3A_735 = arith.constant 12 : i32
        %parallel_loop3A_736 = vector.broadcast %parallel_loop3A_735 : i32 to vector<16xi32>
        %parallel_loop3A_737 = arith.shrui %parallel_loop3A_722, %parallel_loop3A_736 : vector<16xi32>
        %parallel_loop3A_738 = arith.constant 15 : i32
        %parallel_loop3A_739 = vector.broadcast %parallel_loop3A_738 : i32 to vector<16xi32>
        %parallel_loop3A_740 = arith.andi %parallel_loop3A_737, %parallel_loop3A_739 : vector<16xi32>
        %parallel_loop3A_741, %parallel_loop3A_742 = tpu.scan_count mask(%parallel_loop3A_734 : vector<16xi1>) value(%parallel_loop3A_740 : vector<16xi32>) : vector<16xi1>, vector<16xi32>
        %parallel_loop3A_743 = arith.andi %parallel_loop3A_741, %parallel_loop3A_734 : vector<16xi1>
        tpu.vector_store_idx %arg6[%parallel_loop3A_740], %parallel_loop3A_742 masked %parallel_loop3A_743 {add = true} : memref<256xi32, #tpu.memory_space<vmem>>[vector<16xi32>], vector<16xi32>, vector<16xi1>
      } {sc.loop_unroll_factor = 4 : i64, sc.parallel_access}
      %get3A_301 = arith.constant 0 : index
      %get3A_302 = tpu.vector_load %arg6[%get3A_301] {strides = array<i32>} : memref<256xi32, #tpu.memory_space<vmem>>, vector<16xi32>,
      %rev3A_303 = arith.constant 15 : i32
      %rev3A_304 = vector.broadcast %rev3A_303 : i32 to vector<16xi32>
      %rev3A_305 = tpu.iota {dimensions = array<i32: 0>} : vector<16xi32>
      %rev3A_306 = arith.subi %rev3A_304, %rev3A_305 : vector<16xi32>
      %rev3A_307 = tpu.dynamic_gather %get3A_302[%rev3A_306] in [0] : vector<16xi32>, vector<16xi32> -> vector<16xi32>
      %broadcast_in_dim3A_308 = arith.constant true
      %broadcast_in_dim3A_309 = vector.broadcast %broadcast_in_dim3A_308 : i1 to vector<16xi1>
      %masked_cumsum3A_310 = tpu.scan <sum>, %rev3A_307 masked %broadcast_in_dim3A_309 : vector<16xi32>, vector<16xi1> -> vector<16xi32>
      %ge3A_311 = vector.broadcast %sub3A_265 : i32 to vector<16xi32>
      %ge3A_312 = arith.cmpi sge, %masked_cumsum3A_310, %ge3A_311 : vector<16xi32>
      %all_reduce_ffs3A_313 = tpu.all_reduce %ge3A_312 {dim = 0 : i64, kind = #tpu.reduction_kind<find_first_set>} : vector<16xi1> -> vector<16xi32>
      %reduce_max3A_314 = arith.constant true
      %reduce_max3A_315 = vector.broadcast %reduce_max3A_314 : i1 to vector<16xi1>
      %reduce_max3A_316 = arith.constant -2147483648 : i32
      %reduce_max3A_317 = vector.broadcast %reduce_max3A_316 : i32 to vector<16xi32>
      %reduce_max3A_318 = arith.xori %all_reduce_ffs3A_313, %reduce_max3A_317 : vector<16xi32>
      %reduce_max3A_319 = tpu.scan <max>, %reduce_max3A_318 masked %reduce_max3A_315 : vector<16xi32>, vector<16xi1> -> vector<16xi32>
      %reduce_max3A_320 = arith.xori %reduce_max3A_319, %reduce_max3A_317 : vector<16xi32>
      %reduce_max3A_321 = vector.extract %reduce_max3A_320[15] : i32 from vector<16xi32>
      %eq3A_322 = vector.broadcast %reduce_max3A_321 : i32 to vector<16xi32>
      %eq3A_323 = arith.cmpi eq, %iota3A, %eq3A_322 : vector<16xi32>
      %jit3A_324 = arith.constant 0 : i32
      %broadcast_in_dim3A_325 = vector.broadcast %jit3A_324 : i32 to vector<16xi32>
      %select_n3A_326 = arith.select %eq3A_323, %masked_cumsum3A_310, %broadcast_in_dim3A_325 : vector<16xi1>, vector<16xi32>
      %reduce_max3A_327 = arith.constant true
      %reduce_max3A_328 = vector.broadcast %reduce_max3A_327 : i1 to vector<16xi1>
      %reduce_max3A_329 = arith.constant -2147483648 : i32
      %reduce_max3A_330 = vector.broadcast %reduce_max3A_329 : i32 to vector<16xi32>
      %reduce_max3A_331 = arith.xori %select_n3A_326, %reduce_max3A_330 : vector<16xi32>
      %reduce_max3A_332 = tpu.scan <max>, %reduce_max3A_331 masked %reduce_max3A_328 : vector<16xi32>, vector<16xi1> -> vector<16xi32>
      %reduce_max3A_333 = arith.xori %reduce_max3A_332, %reduce_max3A_330 : vector<16xi32>
      %reduce_max3A_334 = vector.extract %reduce_max3A_333[15] : i32 from vector<16xi32>
      %eq3A_335 = vector.broadcast %reduce_max3A_321 : i32 to vector<16xi32>
      %eq3A_336 = arith.cmpi eq, %iota3A, %eq3A_335 : vector<16xi32>
      %jit3A_337 = arith.constant 0 : i32
      %broadcast_in_dim3A_338 = vector.broadcast %jit3A_337 : i32 to vector<16xi32>
      %select_n3A_339 = arith.select %eq3A_336, %rev3A_307, %broadcast_in_dim3A_338 : vector<16xi1>, vector<16xi32>
      %reduce_max3A_340 = arith.constant true
      %reduce_max3A_341 = vector.broadcast %reduce_max3A_340 : i1 to vector<16xi1>
      %reduce_max3A_342 = arith.constant -2147483648 : i32
      %reduce_max3A_343 = vector.broadcast %reduce_max3A_342 : i32 to vector<16xi32>
      %reduce_max3A_344 = arith.xori %select_n3A_339, %reduce_max3A_343 : vector<16xi32>
      %reduce_max3A_345 = tpu.scan <max>, %reduce_max3A_344 masked %reduce_max3A_341 : vector<16xi32>, vector<16xi1> -> vector<16xi32>
      %reduce_max3A_346 = arith.xori %reduce_max3A_345, %reduce_max3A_343 : vector<16xi32>
      %reduce_max3A_347 = vector.extract %reduce_max3A_346[15] : i32 from vector<16xi32>
      %sub3A_348 = arith.constant 15 : i32
      %sub3A_349 = arith.subi %sub3A_348, %reduce_max3A_321 : i32
      %sub3A_350 = arith.subi %reduce_max3A_334, %reduce_max3A_347 : i32
      %sub3A_351 = arith.subi %sub3A_265, %sub3A_350 : i32
      %shift_left3A_352 = arith.constant 4 : i32
      %shift_left3A_353 = arith.shli %or3A_268, %shift_left3A_352 : i32
      %or3A_354 = arith.ori %shift_left3A_353, %sub3A_349 : i32
      %swap3A_355 = arith.constant 0 : index
      %swap3A_356 = tpu.vector_load %arg6[%swap3A_355] {strides = array<i32>} : memref<256xi32, #tpu.memory_space<vmem>>, vector<16xi32>,
      tpu.vector_store %arg6[%swap3A_355], %broadcast_in_dim3A_2 {strides = array<i32>} : memref<256xi32, #tpu.memory_space<vmem>>, vector<16xi32>,
      %add3A_357 = arith.constant 16 : i32
      %add3A_358 = arith.addi %scan3A_107, %add3A_357 : i32
      %sub3A_359 = arith.constant 1 : i32
      %sub3A_360 = arith.subi %add3A_358, %sub3A_359 : i32
      %jit3A_361 = arith.constant 16 : i32
      %div3A_362 = arith.divsi %sub3A_360, %jit3A_361 : i32
      %sign3A_363 = arith.constant 0 : i32
      %sign3A_364 = arith.cmpi sgt, %sub3A_360, %sign3A_363 : i32
      %sign3A_365 = arith.extui %sign3A_364 : i1 to i32
      %sign3A_366 = arith.constant 0 : i32
      %sign3A_367 = arith.cmpi slt, %sub3A_360, %sign3A_366 : i32
      %sign3A_368 = arith.extui %sign3A_367 : i1 to i32
      %sign3A_369 = arith.subi %sign3A_365, %sign3A_368 : i32
      %sign3A_370 = arith.constant 0 : i32
      %sign3A_371 = arith.cmpi sgt, %jit3A_361, %sign3A_370 : i32
      %sign3A_372 = arith.extui %sign3A_371 : i1 to i32
      %sign3A_373 = arith.constant 0 : i32
      %sign3A_374 = arith.cmpi slt, %jit3A_361, %sign3A_373 : i32
      %sign3A_375 = arith.extui %sign3A_374 : i1 to i32
      %sign3A_376 = arith.subi %sign3A_372, %sign3A_375 : i32
      %ne3A_377 = arith.cmpi ne, %sign3A_369, %sign3A_376 : i32
      %rem3A_378 = arith.remsi %sub3A_360, %jit3A_361 : i32
      %ne3A_379 = arith.constant 0 : i32
      %ne3A_380 = arith.cmpi ne, %rem3A_378, %ne3A_379 : i32
      %and3A_381 = arith.andi %ne3A_377, %ne3A_380 : i1
      %sub3A_382 = arith.constant 1 : i32
      %sub3A_383 = arith.subi %div3A_362, %sub3A_382 : i32
      %select_n3A_384 = arith.select %and3A_381, %sub3A_383, %div3A_362 : i32
      %parallel_loop3A_385 = arith.constant 0 : i32
      %parallel_loop3A_386 = arith.constant 1 : i32
      scf.for %parallel_loop3A_702 = %parallel_loop3A_385 to %select_n3A_384 step %parallel_loop3A_386  : i32 {
        %parallel_loop3A_703 = arith.constant 16 : i32
        %parallel_loop3A_704 = arith.muli %parallel_loop3A_702, %parallel_loop3A_703 : i32
        %parallel_loop3A_705 = arith.index_cast %parallel_loop3A_704 : i32 to index
        %parallel_loop3A_706 = tpu.vector_load %arg5[%parallel_loop3A_705] {strides = array<i32>} : memref<32784xi32, #tpu.memory_space<vmem>>, vector<16xi32>,
        %parallel_loop3A_707 = arith.constant 32767 : i32
        %parallel_loop3A_708 = vector.broadcast %parallel_loop3A_707 : i32 to vector<16xi32>
        %parallel_loop3A_709 = arith.andi %parallel_loop3A_706, %parallel_loop3A_708 : vector<16xi32>
        %parallel_loop3A_710 = vector.broadcast %mul3A_36 : i32 to vector<16xi32>
        %parallel_loop3A_711 = arith.addi %parallel_loop3A_709, %parallel_loop3A_710 : vector<16xi32>
        %parallel_loop3A_712 = tpu.vector_load_idx %arg4[%parallel_loop3A_711] : memref<65536xf32, #tpu.memory_space<vmem>>[vector<16xi32>], vector<16xf32>,
        %parallel_loop3A_713 = tpu.bitcast %parallel_loop3A_712 : vector<16xf32> -> vector<16xi32>
        %parallel_loop3A_714 = arith.constant -2147483648 : i32
        %parallel_loop3A_715 = vector.broadcast %parallel_loop3A_714 : i32 to vector<16xi32>
        %parallel_loop3A_716 = arith.cmpi uge, %parallel_loop3A_713, %parallel_loop3A_715 : vector<16xi32>
        %parallel_loop3A_717 = arith.constant dense<-1> : vector<16xi32>
        %parallel_loop3A_718 = arith.xori %parallel_loop3A_713, %parallel_loop3A_717 : vector<16xi32>
        %parallel_loop3A_719 = arith.constant -2147483648 : i32
        %parallel_loop3A_720 = vector.broadcast %parallel_loop3A_719 : i32 to vector<16xi32>
        %parallel_loop3A_721 = arith.ori %parallel_loop3A_713, %parallel_loop3A_720 : vector<16xi32>
        %parallel_loop3A_722 = arith.select %parallel_loop3A_716, %parallel_loop3A_718, %parallel_loop3A_721 : vector<16xi1>, vector<16xi32>
        %parallel_loop3A_723 = arith.constant 16 : i32
        %parallel_loop3A_724 = arith.muli %parallel_loop3A_702, %parallel_loop3A_723 : i32
        %parallel_loop3A_725 = vector.broadcast %parallel_loop3A_724 : i32 to vector<16xi32>
        %parallel_loop3A_726 = arith.addi %parallel_loop3A_725, %iota3A : vector<16xi32>
        %parallel_loop3A_727 = vector.broadcast %scan3A_107 : i32 to vector<16xi32>
        %parallel_loop3A_728 = arith.cmpi slt, %parallel_loop3A_726, %parallel_loop3A_727 : vector<16xi32>
        %parallel_loop3A_729 = arith.constant 12 : i32
        %parallel_loop3A_730 = vector.broadcast %parallel_loop3A_729 : i32 to vector<16xi32>
        %parallel_loop3A_731 = arith.shrui %parallel_loop3A_722, %parallel_loop3A_730 : vector<16xi32>
        %parallel_loop3A_732 = vector.broadcast %or3A_354 : i32 to vector<16xi32>
        %parallel_loop3A_733 = arith.cmpi eq, %parallel_loop3A_731, %parallel_loop3A_732 : vector<16xi32>
        %parallel_loop3A_734 = arith.andi %parallel_loop3A_728, %parallel_loop3A_733 : vector<16xi1>
        %parallel_loop3A_735 = arith.constant 8 : i32
        %parallel_loop3A_736 = vector.broadcast %parallel_loop3A_735 : i32 to vector<16xi32>
        %parallel_loop3A_737 = arith.shrui %parallel_loop3A_722, %parallel_loop3A_736 : vector<16xi32>
        %parallel_loop3A_738 = arith.constant 15 : i32
        %parallel_loop3A_739 = vector.broadcast %parallel_loop3A_738 : i32 to vector<16xi32>
        %parallel_loop3A_740 = arith.andi %parallel_loop3A_737, %parallel_loop3A_739 : vector<16xi32>
        %parallel_loop3A_741, %parallel_loop3A_742 = tpu.scan_count mask(%parallel_loop3A_734 : vector<16xi1>) value(%parallel_loop3A_740 : vector<16xi32>) : vector<16xi1>, vector<16xi32>
        %parallel_loop3A_743 = arith.andi %parallel_loop3A_741, %parallel_loop3A_734 : vector<16xi1>
        tpu.vector_store_idx %arg6[%parallel_loop3A_740], %parallel_loop3A_742 masked %parallel_loop3A_743 {add = true} : memref<256xi32, #tpu.memory_space<vmem>>[vector<16xi32>], vector<16xi32>, vector<16xi1>
      } {sc.loop_unroll_factor = 4 : i64, sc.parallel_access}
      %get3A_387 = arith.constant 0 : index
      %get3A_388 = tpu.vector_load %arg6[%get3A_387] {strides = array<i32>} : memref<256xi32, #tpu.memory_space<vmem>>, vector<16xi32>,
      %rev3A_389 = arith.constant 15 : i32
      %rev3A_390 = vector.broadcast %rev3A_389 : i32 to vector<16xi32>
      %rev3A_391 = tpu.iota {dimensions = array<i32: 0>} : vector<16xi32>
      %rev3A_392 = arith.subi %rev3A_390, %rev3A_391 : vector<16xi32>
      %rev3A_393 = tpu.dynamic_gather %get3A_388[%rev3A_392] in [0] : vector<16xi32>, vector<16xi32> -> vector<16xi32>
      %broadcast_in_dim3A_394 = arith.constant true
      %broadcast_in_dim3A_395 = vector.broadcast %broadcast_in_dim3A_394 : i1 to vector<16xi1>
      %masked_cumsum3A_396 = tpu.scan <sum>, %rev3A_393 masked %broadcast_in_dim3A_395 : vector<16xi32>, vector<16xi1> -> vector<16xi32>
      %ge3A_397 = vector.broadcast %sub3A_351 : i32 to vector<16xi32>
      %ge3A_398 = arith.cmpi sge, %masked_cumsum3A_396, %ge3A_397 : vector<16xi32>
      %all_reduce_ffs3A_399 = tpu.all_reduce %ge3A_398 {dim = 0 : i64, kind = #tpu.reduction_kind<find_first_set>} : vector<16xi1> -> vector<16xi32>
      %reduce_max3A_400 = arith.constant true
      %reduce_max3A_401 = vector.broadcast %reduce_max3A_400 : i1 to vector<16xi1>
      %reduce_max3A_402 = arith.constant -2147483648 : i32
      %reduce_max3A_403 = vector.broadcast %reduce_max3A_402 : i32 to vector<16xi32>
      %reduce_max3A_404 = arith.xori %all_reduce_ffs3A_399, %reduce_max3A_403 : vector<16xi32>
      %reduce_max3A_405 = tpu.scan <max>, %reduce_max3A_404 masked %reduce_max3A_401 : vector<16xi32>, vector<16xi1> -> vector<16xi32>
      %reduce_max3A_406 = arith.xori %reduce_max3A_405, %reduce_max3A_403 : vector<16xi32>
      %reduce_max3A_407 = vector.extract %reduce_max3A_406[15] : i32 from vector<16xi32>
      %eq3A_408 = vector.broadcast %reduce_max3A_407 : i32 to vector<16xi32>
      %eq3A_409 = arith.cmpi eq, %iota3A, %eq3A_408 : vector<16xi32>
      %jit3A_410 = arith.constant 0 : i32
      %broadcast_in_dim3A_411 = vector.broadcast %jit3A_410 : i32 to vector<16xi32>
      %select_n3A_412 = arith.select %eq3A_409, %masked_cumsum3A_396, %broadcast_in_dim3A_411 : vector<16xi1>, vector<16xi32>
      %reduce_max3A_413 = arith.constant true
      %reduce_max3A_414 = vector.broadcast %reduce_max3A_413 : i1 to vector<16xi1>
      %reduce_max3A_415 = arith.constant -2147483648 : i32
      %reduce_max3A_416 = vector.broadcast %reduce_max3A_415 : i32 to vector<16xi32>
      %reduce_max3A_417 = arith.xori %select_n3A_412, %reduce_max3A_416 : vector<16xi32>
      %reduce_max3A_418 = tpu.scan <max>, %reduce_max3A_417 masked %reduce_max3A_414 : vector<16xi32>, vector<16xi1> -> vector<16xi32>
      %reduce_max3A_419 = arith.xori %reduce_max3A_418, %reduce_max3A_416 : vector<16xi32>
      %reduce_max3A_420 = vector.extract %reduce_max3A_419[15] : i32 from vector<16xi32>
      %eq3A_421 = vector.broadcast %reduce_max3A_407 : i32 to vector<16xi32>
      %eq3A_422 = arith.cmpi eq, %iota3A, %eq3A_421 : vector<16xi32>
      %jit3A_423 = arith.constant 0 : i32
      %broadcast_in_dim3A_424 = vector.broadcast %jit3A_423 : i32 to vector<16xi32>
      %select_n3A_425 = arith.select %eq3A_422, %rev3A_393, %broadcast_in_dim3A_424 : vector<16xi1>, vector<16xi32>
      %reduce_max3A_426 = arith.constant true
      %reduce_max3A_427 = vector.broadcast %reduce_max3A_426 : i1 to vector<16xi1>
      %reduce_max3A_428 = arith.constant -2147483648 : i32
      %reduce_max3A_429 = vector.broadcast %reduce_max3A_428 : i32 to vector<16xi32>
      %reduce_max3A_430 = arith.xori %select_n3A_425, %reduce_max3A_429 : vector<16xi32>
      %reduce_max3A_431 = tpu.scan <max>, %reduce_max3A_430 masked %reduce_max3A_427 : vector<16xi32>, vector<16xi1> -> vector<16xi32>
      %reduce_max3A_432 = arith.xori %reduce_max3A_431, %reduce_max3A_429 : vector<16xi32>
      %reduce_max3A_433 = vector.extract %reduce_max3A_432[15] : i32 from vector<16xi32>
      %sub3A_434 = arith.constant 15 : i32
      %sub3A_435 = arith.subi %sub3A_434, %reduce_max3A_407 : i32
      %sub3A_436 = arith.subi %reduce_max3A_420, %reduce_max3A_433 : i32
      %sub3A_437 = arith.subi %sub3A_351, %sub3A_436 : i32
      %shift_left3A_438 = arith.constant 4 : i32
      %shift_left3A_439 = arith.shli %or3A_354, %shift_left3A_438 : i32
      %or3A_440 = arith.ori %shift_left3A_439, %sub3A_435 : i32
      %swap3A_441 = arith.constant 0 : index
      %swap3A_442 = tpu.vector_load %arg6[%swap3A_441] {strides = array<i32>} : memref<256xi32, #tpu.memory_space<vmem>>, vector<16xi32>,
      tpu.vector_store %arg6[%swap3A_441], %broadcast_in_dim3A_2 {strides = array<i32>} : memref<256xi32, #tpu.memory_space<vmem>>, vector<16xi32>,
      %add3A_443 = arith.constant 16 : i32
      %add3A_444 = arith.addi %scan3A_107, %add3A_443 : i32
      %sub3A_445 = arith.constant 1 : i32
      %sub3A_446 = arith.subi %add3A_444, %sub3A_445 : i32
      %jit3A_447 = arith.constant 16 : i32
      %div3A_448 = arith.divsi %sub3A_446, %jit3A_447 : i32
      %sign3A_449 = arith.constant 0 : i32
      %sign3A_450 = arith.cmpi sgt, %sub3A_446, %sign3A_449 : i32
      %sign3A_451 = arith.extui %sign3A_450 : i1 to i32
      %sign3A_452 = arith.constant 0 : i32
      %sign3A_453 = arith.cmpi slt, %sub3A_446, %sign3A_452 : i32
      %sign3A_454 = arith.extui %sign3A_453 : i1 to i32
      %sign3A_455 = arith.subi %sign3A_451, %sign3A_454 : i32
      %sign3A_456 = arith.constant 0 : i32
      %sign3A_457 = arith.cmpi sgt, %jit3A_447, %sign3A_456 : i32
      %sign3A_458 = arith.extui %sign3A_457 : i1 to i32
      %sign3A_459 = arith.constant 0 : i32
      %sign3A_460 = arith.cmpi slt, %jit3A_447, %sign3A_459 : i32
      %sign3A_461 = arith.extui %sign3A_460 : i1 to i32
      %sign3A_462 = arith.subi %sign3A_458, %sign3A_461 : i32
      %ne3A_463 = arith.cmpi ne, %sign3A_455, %sign3A_462 : i32
      %rem3A_464 = arith.remsi %sub3A_446, %jit3A_447 : i32
      %ne3A_465 = arith.constant 0 : i32
      %ne3A_466 = arith.cmpi ne, %rem3A_464, %ne3A_465 : i32
      %and3A_467 = arith.andi %ne3A_463, %ne3A_466 : i1
      %sub3A_468 = arith.constant 1 : i32
      %sub3A_469 = arith.subi %div3A_448, %sub3A_468 : i32
      %select_n3A_470 = arith.select %and3A_467, %sub3A_469, %div3A_448 : i32
      %parallel_loop3A_471 = arith.constant 0 : i32
      %parallel_loop3A_472 = arith.constant 1 : i32
      scf.for %parallel_loop3A_702 = %parallel_loop3A_471 to %select_n3A_470 step %parallel_loop3A_472  : i32 {
        %parallel_loop3A_703 = arith.constant 16 : i32
        %parallel_loop3A_704 = arith.muli %parallel_loop3A_702, %parallel_loop3A_703 : i32
        %parallel_loop3A_705 = arith.index_cast %parallel_loop3A_704 : i32 to index
        %parallel_loop3A_706 = tpu.vector_load %arg5[%parallel_loop3A_705] {strides = array<i32>} : memref<32784xi32, #tpu.memory_space<vmem>>, vector<16xi32>,
        %parallel_loop3A_707 = arith.constant 32767 : i32
        %parallel_loop3A_708 = vector.broadcast %parallel_loop3A_707 : i32 to vector<16xi32>
        %parallel_loop3A_709 = arith.andi %parallel_loop3A_706, %parallel_loop3A_708 : vector<16xi32>
        %parallel_loop3A_710 = vector.broadcast %mul3A_36 : i32 to vector<16xi32>
        %parallel_loop3A_711 = arith.addi %parallel_loop3A_709, %parallel_loop3A_710 : vector<16xi32>
        %parallel_loop3A_712 = tpu.vector_load_idx %arg4[%parallel_loop3A_711] : memref<65536xf32, #tpu.memory_space<vmem>>[vector<16xi32>], vector<16xf32>,
        %parallel_loop3A_713 = tpu.bitcast %parallel_loop3A_712 : vector<16xf32> -> vector<16xi32>
        %parallel_loop3A_714 = arith.constant -2147483648 : i32
        %parallel_loop3A_715 = vector.broadcast %parallel_loop3A_714 : i32 to vector<16xi32>
        %parallel_loop3A_716 = arith.cmpi uge, %parallel_loop3A_713, %parallel_loop3A_715 : vector<16xi32>
        %parallel_loop3A_717 = arith.constant dense<-1> : vector<16xi32>
        %parallel_loop3A_718 = arith.xori %parallel_loop3A_713, %parallel_loop3A_717 : vector<16xi32>
        %parallel_loop3A_719 = arith.constant -2147483648 : i32
        %parallel_loop3A_720 = vector.broadcast %parallel_loop3A_719 : i32 to vector<16xi32>
        %parallel_loop3A_721 = arith.ori %parallel_loop3A_713, %parallel_loop3A_720 : vector<16xi32>
        %parallel_loop3A_722 = arith.select %parallel_loop3A_716, %parallel_loop3A_718, %parallel_loop3A_721 : vector<16xi1>, vector<16xi32>
        %parallel_loop3A_723 = arith.constant 16 : i32
        %parallel_loop3A_724 = arith.muli %parallel_loop3A_702, %parallel_loop3A_723 : i32
        %parallel_loop3A_725 = vector.broadcast %parallel_loop3A_724 : i32 to vector<16xi32>
        %parallel_loop3A_726 = arith.addi %parallel_loop3A_725, %iota3A : vector<16xi32>
        %parallel_loop3A_727 = vector.broadcast %scan3A_107 : i32 to vector<16xi32>
        %parallel_loop3A_728 = arith.cmpi slt, %parallel_loop3A_726, %parallel_loop3A_727 : vector<16xi32>
        %parallel_loop3A_729 = arith.constant 8 : i32
        %parallel_loop3A_730 = vector.broadcast %parallel_loop3A_729 : i32 to vector<16xi32>
        %parallel_loop3A_731 = arith.shrui %parallel_loop3A_722, %parallel_loop3A_730 : vector<16xi32>
        %parallel_loop3A_732 = vector.broadcast %or3A_440 : i32 to vector<16xi32>
        %parallel_loop3A_733 = arith.cmpi eq, %parallel_loop3A_731, %parallel_loop3A_732 : vector<16xi32>
        %parallel_loop3A_734 = arith.andi %parallel_loop3A_728, %parallel_loop3A_733 : vector<16xi1>
        %parallel_loop3A_735 = arith.constant 4 : i32
        %parallel_loop3A_736 = vector.broadcast %parallel_loop3A_735 : i32 to vector<16xi32>
        %parallel_loop3A_737 = arith.shrui %parallel_loop3A_722, %parallel_loop3A_736 : vector<16xi32>
        %parallel_loop3A_738 = arith.constant 15 : i32
        %parallel_loop3A_739 = vector.broadcast %parallel_loop3A_738 : i32 to vector<16xi32>
        %parallel_loop3A_740 = arith.andi %parallel_loop3A_737, %parallel_loop3A_739 : vector<16xi32>
        %parallel_loop3A_741, %parallel_loop3A_742 = tpu.scan_count mask(%parallel_loop3A_734 : vector<16xi1>) value(%parallel_loop3A_740 : vector<16xi32>) : vector<16xi1>, vector<16xi32>
        %parallel_loop3A_743 = arith.andi %parallel_loop3A_741, %parallel_loop3A_734 : vector<16xi1>
        tpu.vector_store_idx %arg6[%parallel_loop3A_740], %parallel_loop3A_742 masked %parallel_loop3A_743 {add = true} : memref<256xi32, #tpu.memory_space<vmem>>[vector<16xi32>], vector<16xi32>, vector<16xi1>
      } {sc.loop_unroll_factor = 4 : i64, sc.parallel_access}
      %get3A_473 = arith.constant 0 : index
      %get3A_474 = tpu.vector_load %arg6[%get3A_473] {strides = array<i32>} : memref<256xi32, #tpu.memory_space<vmem>>, vector<16xi32>,
      %rev3A_475 = arith.constant 15 : i32
      %rev3A_476 = vector.broadcast %rev3A_475 : i32 to vector<16xi32>
      %rev3A_477 = tpu.iota {dimensions = array<i32: 0>} : vector<16xi32>
      %rev3A_478 = arith.subi %rev3A_476, %rev3A_477 : vector<16xi32>
      %rev3A_479 = tpu.dynamic_gather %get3A_474[%rev3A_478] in [0] : vector<16xi32>, vector<16xi32> -> vector<16xi32>
      %broadcast_in_dim3A_480 = arith.constant true
      %broadcast_in_dim3A_481 = vector.broadcast %broadcast_in_dim3A_480 : i1 to vector<16xi1>
      %masked_cumsum3A_482 = tpu.scan <sum>, %rev3A_479 masked %broadcast_in_dim3A_481 : vector<16xi32>, vector<16xi1> -> vector<16xi32>
      %ge3A_483 = vector.broadcast %sub3A_437 : i32 to vector<16xi32>
      %ge3A_484 = arith.cmpi sge, %masked_cumsum3A_482, %ge3A_483 : vector<16xi32>
      %all_reduce_ffs3A_485 = tpu.all_reduce %ge3A_484 {dim = 0 : i64, kind = #tpu.reduction_kind<find_first_set>} : vector<16xi1> -> vector<16xi32>
      %reduce_max3A_486 = arith.constant true
      %reduce_max3A_487 = vector.broadcast %reduce_max3A_486 : i1 to vector<16xi1>
      %reduce_max3A_488 = arith.constant -2147483648 : i32
      %reduce_max3A_489 = vector.broadcast %reduce_max3A_488 : i32 to vector<16xi32>
      %reduce_max3A_490 = arith.xori %all_reduce_ffs3A_485, %reduce_max3A_489 : vector<16xi32>
      %reduce_max3A_491 = tpu.scan <max>, %reduce_max3A_490 masked %reduce_max3A_487 : vector<16xi32>, vector<16xi1> -> vector<16xi32>
      %reduce_max3A_492 = arith.xori %reduce_max3A_491, %reduce_max3A_489 : vector<16xi32>
      %reduce_max3A_493 = vector.extract %reduce_max3A_492[15] : i32 from vector<16xi32>
      %eq3A_494 = vector.broadcast %reduce_max3A_493 : i32 to vector<16xi32>
      %eq3A_495 = arith.cmpi eq, %iota3A, %eq3A_494 : vector<16xi32>
      %jit3A_496 = arith.constant 0 : i32
      %broadcast_in_dim3A_497 = vector.broadcast %jit3A_496 : i32 to vector<16xi32>
      %select_n3A_498 = arith.select %eq3A_495, %masked_cumsum3A_482, %broadcast_in_dim3A_497 : vector<16xi1>, vector<16xi32>
      %reduce_max3A_499 = arith.constant true
      %reduce_max3A_500 = vector.broadcast %reduce_max3A_499 : i1 to vector<16xi1>
      %reduce_max3A_501 = arith.constant -2147483648 : i32
      %reduce_max3A_502 = vector.broadcast %reduce_max3A_501 : i32 to vector<16xi32>
      %reduce_max3A_503 = arith.xori %select_n3A_498, %reduce_max3A_502 : vector<16xi32>
      %reduce_max3A_504 = tpu.scan <max>, %reduce_max3A_503 masked %reduce_max3A_500 : vector<16xi32>, vector<16xi1> -> vector<16xi32>
      %reduce_max3A_505 = arith.xori %reduce_max3A_504, %reduce_max3A_502 : vector<16xi32>
      %reduce_max3A_506 = vector.extract %reduce_max3A_505[15] : i32 from vector<16xi32>
      %eq3A_507 = vector.broadcast %reduce_max3A_493 : i32 to vector<16xi32>
      %eq3A_508 = arith.cmpi eq, %iota3A, %eq3A_507 : vector<16xi32>
      %jit3A_509 = arith.constant 0 : i32
      %broadcast_in_dim3A_510 = vector.broadcast %jit3A_509 : i32 to vector<16xi32>
      %select_n3A_511 = arith.select %eq3A_508, %rev3A_479, %broadcast_in_dim3A_510 : vector<16xi1>, vector<16xi32>
      %reduce_max3A_512 = arith.constant true
      %reduce_max3A_513 = vector.broadcast %reduce_max3A_512 : i1 to vector<16xi1>
      %reduce_max3A_514 = arith.constant -2147483648 : i32
      %reduce_max3A_515 = vector.broadcast %reduce_max3A_514 : i32 to vector<16xi32>
      %reduce_max3A_516 = arith.xori %select_n3A_511, %reduce_max3A_515 : vector<16xi32>
      %reduce_max3A_517 = tpu.scan <max>, %reduce_max3A_516 masked %reduce_max3A_513 : vector<16xi32>, vector<16xi1> -> vector<16xi32>
      %reduce_max3A_518 = arith.xori %reduce_max3A_517, %reduce_max3A_515 : vector<16xi32>
      %reduce_max3A_519 = vector.extract %reduce_max3A_518[15] : i32 from vector<16xi32>
      %sub3A_520 = arith.constant 15 : i32
      %sub3A_521 = arith.subi %sub3A_520, %reduce_max3A_493 : i32
      %sub3A_522 = arith.subi %reduce_max3A_506, %reduce_max3A_519 : i32
      %sub3A_523 = arith.subi %sub3A_437, %sub3A_522 : i32
      %shift_left3A_524 = arith.constant 4 : i32
      %shift_left3A_525 = arith.shli %or3A_440, %shift_left3A_524 : i32
      %or3A_526 = arith.ori %shift_left3A_525, %sub3A_521 : i32
      %swap3A_527 = arith.constant 0 : index
      %swap3A_528 = tpu.vector_load %arg6[%swap3A_527] {strides = array<i32>} : memref<256xi32, #tpu.memory_space<vmem>>, vector<16xi32>,
      tpu.vector_store %arg6[%swap3A_527], %broadcast_in_dim3A_2 {strides = array<i32>} : memref<256xi32, #tpu.memory_space<vmem>>, vector<16xi32>,
      %add3A_529 = arith.constant 16 : i32
      %add3A_530 = arith.addi %scan3A_107, %add3A_529 : i32
      %sub3A_531 = arith.constant 1 : i32
      %sub3A_532 = arith.subi %add3A_530, %sub3A_531 : i32
      %jit3A_533 = arith.constant 16 : i32
      %div3A_534 = arith.divsi %sub3A_532, %jit3A_533 : i32
      %sign3A_535 = arith.constant 0 : i32
      %sign3A_536 = arith.cmpi sgt, %sub3A_532, %sign3A_535 : i32
      %sign3A_537 = arith.extui %sign3A_536 : i1 to i32
      %sign3A_538 = arith.constant 0 : i32
      %sign3A_539 = arith.cmpi slt, %sub3A_532, %sign3A_538 : i32
      %sign3A_540 = arith.extui %sign3A_539 : i1 to i32
      %sign3A_541 = arith.subi %sign3A_537, %sign3A_540 : i32
      %sign3A_542 = arith.constant 0 : i32
      %sign3A_543 = arith.cmpi sgt, %jit3A_533, %sign3A_542 : i32
      %sign3A_544 = arith.extui %sign3A_543 : i1 to i32
      %sign3A_545 = arith.constant 0 : i32
      %sign3A_546 = arith.cmpi slt, %jit3A_533, %sign3A_545 : i32
      %sign3A_547 = arith.extui %sign3A_546 : i1 to i32
      %sign3A_548 = arith.subi %sign3A_544, %sign3A_547 : i32
      %ne3A_549 = arith.cmpi ne, %sign3A_541, %sign3A_548 : i32
      %rem3A_550 = arith.remsi %sub3A_532, %jit3A_533 : i32
      %ne3A_551 = arith.constant 0 : i32
      %ne3A_552 = arith.cmpi ne, %rem3A_550, %ne3A_551 : i32
      %and3A_553 = arith.andi %ne3A_549, %ne3A_552 : i1
      %sub3A_554 = arith.constant 1 : i32
      %sub3A_555 = arith.subi %div3A_534, %sub3A_554 : i32
      %select_n3A_556 = arith.select %and3A_553, %sub3A_555, %div3A_534 : i32
      %parallel_loop3A_557 = arith.constant 0 : i32
      %parallel_loop3A_558 = arith.constant 1 : i32
      scf.for %parallel_loop3A_702 = %parallel_loop3A_557 to %select_n3A_556 step %parallel_loop3A_558  : i32 {
        %parallel_loop3A_703 = arith.constant 16 : i32
        %parallel_loop3A_704 = arith.muli %parallel_loop3A_702, %parallel_loop3A_703 : i32
        %parallel_loop3A_705 = arith.index_cast %parallel_loop3A_704 : i32 to index
        %parallel_loop3A_706 = tpu.vector_load %arg5[%parallel_loop3A_705] {strides = array<i32>} : memref<32784xi32, #tpu.memory_space<vmem>>, vector<16xi32>,
        %parallel_loop3A_707 = arith.constant 32767 : i32
        %parallel_loop3A_708 = vector.broadcast %parallel_loop3A_707 : i32 to vector<16xi32>
        %parallel_loop3A_709 = arith.andi %parallel_loop3A_706, %parallel_loop3A_708 : vector<16xi32>
        %parallel_loop3A_710 = vector.broadcast %mul3A_36 : i32 to vector<16xi32>
        %parallel_loop3A_711 = arith.addi %parallel_loop3A_709, %parallel_loop3A_710 : vector<16xi32>
        %parallel_loop3A_712 = tpu.vector_load_idx %arg4[%parallel_loop3A_711] : memref<65536xf32, #tpu.memory_space<vmem>>[vector<16xi32>], vector<16xf32>,
        %parallel_loop3A_713 = tpu.bitcast %parallel_loop3A_712 : vector<16xf32> -> vector<16xi32>
        %parallel_loop3A_714 = arith.constant -2147483648 : i32
        %parallel_loop3A_715 = vector.broadcast %parallel_loop3A_714 : i32 to vector<16xi32>
        %parallel_loop3A_716 = arith.cmpi uge, %parallel_loop3A_713, %parallel_loop3A_715 : vector<16xi32>
        %parallel_loop3A_717 = arith.constant dense<-1> : vector<16xi32>
        %parallel_loop3A_718 = arith.xori %parallel_loop3A_713, %parallel_loop3A_717 : vector<16xi32>
        %parallel_loop3A_719 = arith.constant -2147483648 : i32
        %parallel_loop3A_720 = vector.broadcast %parallel_loop3A_719 : i32 to vector<16xi32>
        %parallel_loop3A_721 = arith.ori %parallel_loop3A_713, %parallel_loop3A_720 : vector<16xi32>
        %parallel_loop3A_722 = arith.select %parallel_loop3A_716, %parallel_loop3A_718, %parallel_loop3A_721 : vector<16xi1>, vector<16xi32>
        %parallel_loop3A_723 = arith.constant 16 : i32
        %parallel_loop3A_724 = arith.muli %parallel_loop3A_702, %parallel_loop3A_723 : i32
        %parallel_loop3A_725 = vector.broadcast %parallel_loop3A_724 : i32 to vector<16xi32>
        %parallel_loop3A_726 = arith.addi %parallel_loop3A_725, %iota3A : vector<16xi32>
        %parallel_loop3A_727 = vector.broadcast %scan3A_107 : i32 to vector<16xi32>
        %parallel_loop3A_728 = arith.cmpi slt, %parallel_loop3A_726, %parallel_loop3A_727 : vector<16xi32>
        %parallel_loop3A_729 = arith.constant 4 : i32
        %parallel_loop3A_730 = vector.broadcast %parallel_loop3A_729 : i32 to vector<16xi32>
        %parallel_loop3A_731 = arith.shrui %parallel_loop3A_722, %parallel_loop3A_730 : vector<16xi32>
        %parallel_loop3A_732 = vector.broadcast %or3A_526 : i32 to vector<16xi32>
        %parallel_loop3A_733 = arith.cmpi eq, %parallel_loop3A_731, %parallel_loop3A_732 : vector<16xi32>
        %parallel_loop3A_734 = arith.andi %parallel_loop3A_728, %parallel_loop3A_733 : vector<16xi1>
        %parallel_loop3A_735 = arith.constant 0 : i32
        %parallel_loop3A_736 = vector.broadcast %parallel_loop3A_735 : i32 to vector<16xi32>
        %parallel_loop3A_737 = arith.shrui %parallel_loop3A_722, %parallel_loop3A_736 : vector<16xi32>
        %parallel_loop3A_738 = arith.constant 15 : i32
        %parallel_loop3A_739 = vector.broadcast %parallel_loop3A_738 : i32 to vector<16xi32>
        %parallel_loop3A_740 = arith.andi %parallel_loop3A_737, %parallel_loop3A_739 : vector<16xi32>
        %parallel_loop3A_741, %parallel_loop3A_742 = tpu.scan_count mask(%parallel_loop3A_734 : vector<16xi1>) value(%parallel_loop3A_740 : vector<16xi32>) : vector<16xi1>, vector<16xi32>
        %parallel_loop3A_743 = arith.andi %parallel_loop3A_741, %parallel_loop3A_734 : vector<16xi1>
        tpu.vector_store_idx %arg6[%parallel_loop3A_740], %parallel_loop3A_742 masked %parallel_loop3A_743 {add = true} : memref<256xi32, #tpu.memory_space<vmem>>[vector<16xi32>], vector<16xi32>, vector<16xi1>
      } {sc.loop_unroll_factor = 4 : i64, sc.parallel_access}
      %get3A_559 = arith.constant 0 : index
      %get3A_560 = tpu.vector_load %arg6[%get3A_559] {strides = array<i32>} : memref<256xi32, #tpu.memory_space<vmem>>, vector<16xi32>,
      %rev3A_561 = arith.constant 15 : i32
      %rev3A_562 = vector.broadcast %rev3A_561 : i32 to vector<16xi32>
      %rev3A_563 = tpu.iota {dimensions = array<i32: 0>} : vector<16xi32>
      %rev3A_564 = arith.subi %rev3A_562, %rev3A_563 : vector<16xi32>
      %rev3A_565 = tpu.dynamic_gather %get3A_560[%rev3A_564] in [0] : vector<16xi32>, vector<16xi32> -> vector<16xi32>
      %broadcast_in_dim3A_566 = arith.constant true
      %broadcast_in_dim3A_567 = vector.broadcast %broadcast_in_dim3A_566 : i1 to vector<16xi1>
      %masked_cumsum3A_568 = tpu.scan <sum>, %rev3A_565 masked %broadcast_in_dim3A_567 : vector<16xi32>, vector<16xi1> -> vector<16xi32>
      %ge3A_569 = vector.broadcast %sub3A_523 : i32 to vector<16xi32>
      %ge3A_570 = arith.cmpi sge, %masked_cumsum3A_568, %ge3A_569 : vector<16xi32>
      %all_reduce_ffs3A_571 = tpu.all_reduce %ge3A_570 {dim = 0 : i64, kind = #tpu.reduction_kind<find_first_set>} : vector<16xi1> -> vector<16xi32>
      %reduce_max3A_572 = arith.constant true
      %reduce_max3A_573 = vector.broadcast %reduce_max3A_572 : i1 to vector<16xi1>
      %reduce_max3A_574 = arith.constant -2147483648 : i32
      %reduce_max3A_575 = vector.broadcast %reduce_max3A_574 : i32 to vector<16xi32>
      %reduce_max3A_576 = arith.xori %all_reduce_ffs3A_571, %reduce_max3A_575 : vector<16xi32>
      %reduce_max3A_577 = tpu.scan <max>, %reduce_max3A_576 masked %reduce_max3A_573 : vector<16xi32>, vector<16xi1> -> vector<16xi32>
      %reduce_max3A_578 = arith.xori %reduce_max3A_577, %reduce_max3A_575 : vector<16xi32>
      %reduce_max3A_579 = vector.extract %reduce_max3A_578[15] : i32 from vector<16xi32>
      %eq3A_580 = vector.broadcast %reduce_max3A_579 : i32 to vector<16xi32>
      %eq3A_581 = arith.cmpi eq, %iota3A, %eq3A_580 : vector<16xi32>
      %jit3A_582 = arith.constant 0 : i32
      %broadcast_in_dim3A_583 = vector.broadcast %jit3A_582 : i32 to vector<16xi32>
      %select_n3A_584 = arith.select %eq3A_581, %masked_cumsum3A_568, %broadcast_in_dim3A_583 : vector<16xi1>, vector<16xi32>
      %reduce_max3A_585 = arith.constant true
      %reduce_max3A_586 = vector.broadcast %reduce_max3A_585 : i1 to vector<16xi1>
      %reduce_max3A_587 = arith.constant -2147483648 : i32
      %reduce_max3A_588 = vector.broadcast %reduce_max3A_587 : i32 to vector<16xi32>
      %reduce_max3A_589 = arith.xori %select_n3A_584, %reduce_max3A_588 : vector<16xi32>
      %reduce_max3A_590 = tpu.scan <max>, %reduce_max3A_589 masked %reduce_max3A_586 : vector<16xi32>, vector<16xi1> -> vector<16xi32>
      %reduce_max3A_591 = arith.xori %reduce_max3A_590, %reduce_max3A_588 : vector<16xi32>
      %reduce_max3A_592 = vector.extract %reduce_max3A_591[15] : i32 from vector<16xi32>
      %eq3A_593 = vector.broadcast %reduce_max3A_579 : i32 to vector<16xi32>
      %eq3A_594 = arith.cmpi eq, %iota3A, %eq3A_593 : vector<16xi32>
      %jit3A_595 = arith.constant 0 : i32
      %broadcast_in_dim3A_596 = vector.broadcast %jit3A_595 : i32 to vector<16xi32>
      %select_n3A_597 = arith.select %eq3A_594, %rev3A_565, %broadcast_in_dim3A_596 : vector<16xi1>, vector<16xi32>
      %reduce_max3A_598 = arith.constant true
      %reduce_max3A_599 = vector.broadcast %reduce_max3A_598 : i1 to vector<16xi1>
      %reduce_max3A_600 = arith.constant -2147483648 : i32
      %reduce_max3A_601 = vector.broadcast %reduce_max3A_600 : i32 to vector<16xi32>
      %reduce_max3A_602 = arith.xori %select_n3A_597, %reduce_max3A_601 : vector<16xi32>
      %reduce_max3A_603 = tpu.scan <max>, %reduce_max3A_602 masked %reduce_max3A_599 : vector<16xi32>, vector<16xi1> -> vector<16xi32>
      %reduce_max3A_604 = arith.xori %reduce_max3A_603, %reduce_max3A_601 : vector<16xi32>
      %reduce_max3A_605 = vector.extract %reduce_max3A_604[15] : i32 from vector<16xi32>
      %sub3A_606 = arith.constant 15 : i32
      %sub3A_607 = arith.subi %sub3A_606, %reduce_max3A_579 : i32
      %sub3A_608 = arith.subi %reduce_max3A_592, %reduce_max3A_605 : i32
      %sub3A_609 = arith.subi %sub3A_523, %sub3A_608 : i32
      %shift_left3A_610 = arith.constant 4 : i32
      %shift_left3A_611 = arith.shli %or3A_526, %shift_left3A_610 : i32
      %or3A_612 = arith.ori %shift_left3A_611, %sub3A_607 : i32
      %add3A_613 = arith.constant 16 : i32
      %add3A_614 = arith.addi %scan3A_107, %add3A_613 : i32
      %sub3A_615 = arith.constant 1 : i32
      %sub3A_616 = arith.subi %add3A_614, %sub3A_615 : i32
      %jit3A_617 = arith.constant 16 : i32
      %div3A_618 = arith.divsi %sub3A_616, %jit3A_617 : i32
      %sign3A_619 = arith.constant 0 : i32
      %sign3A_620 = arith.cmpi sgt, %sub3A_616, %sign3A_619 : i32
      %sign3A_621 = arith.extui %sign3A_620 : i1 to i32
      %sign3A_622 = arith.constant 0 : i32
      %sign3A_623 = arith.cmpi slt, %sub3A_616, %sign3A_622 : i32
      %sign3A_624 = arith.extui %sign3A_623 : i1 to i32
      %sign3A_625 = arith.subi %sign3A_621, %sign3A_624 : i32
      %sign3A_626 = arith.constant 0 : i32
      %sign3A_627 = arith.cmpi sgt, %jit3A_617, %sign3A_626 : i32
      %sign3A_628 = arith.extui %sign3A_627 : i1 to i32
      %sign3A_629 = arith.constant 0 : i32
      %sign3A_630 = arith.cmpi slt, %jit3A_617, %sign3A_629 : i32
      %sign3A_631 = arith.extui %sign3A_630 : i1 to i32
      %sign3A_632 = arith.subi %sign3A_628, %sign3A_631 : i32
      %ne3A_633 = arith.cmpi ne, %sign3A_625, %sign3A_632 : i32
      %rem3A_634 = arith.remsi %sub3A_616, %jit3A_617 : i32
      %ne3A_635 = arith.constant 0 : i32
      %ne3A_636 = arith.cmpi ne, %rem3A_634, %ne3A_635 : i32
      %and3A_637 = arith.andi %ne3A_633, %ne3A_636 : i1
      %sub3A_638 = arith.constant 1 : i32
      %sub3A_639 = arith.subi %div3A_618, %sub3A_638 : i32
      %select_n3A_640 = arith.select %and3A_637, %sub3A_639, %div3A_618 : i32
      %while3A = arith.constant 0 : i32
      %while3A_641 = arith.constant 0 : i32
      %while3A_642 = arith.constant 0 : i32
      %while3A_643 = arith.subi %select_n3A_640, %while3A : i32
      %while3A_644 = arith.addi %while3A, %while3A_643 : i32
      %while3A_645 = arith.constant 1 : i32
      %while3A_646 = arith.divsi %while3A_643, %while3A_645 : i32
      %while3A_647 = arith.muli %while3A_646, %while3A_645 : i32
      %while3A_648 = arith.addi %while3A, %while3A_647 : i32
      %while3A_649 = arith.constant 1 : i32
      %while3A_650:2 = scf.for %while3A_702 = %while3A to %while3A_648 step %while3A_649 iter_args(%while3A_703 = %while3A_641, %while3A_704 = %while3A_642) -> (i32, i32)  : i32 {
        %mul3A_705 = arith.constant 16 : i32
        %mul3A_706 = arith.muli %while3A_702, %mul3A_705 : i32
        %get3A_707 = arith.index_cast %mul3A_706 : i32 to index
        %get3A_708 = tpu.vector_load %arg5[%get3A_707] {strides = array<i32>} : memref<32784xi32, #tpu.memory_space<vmem>>, vector<16xi32>,
        %and3A_709 = arith.constant 32767 : i32
        %and3A_710 = vector.broadcast %and3A_709 : i32 to vector<16xi32>
        %and3A_711 = arith.andi %get3A_708, %and3A_710 : vector<16xi32>
        %add3A_712 = vector.broadcast %mul3A_36 : i32 to vector<16xi32>
        %add3A_713 = arith.addi %and3A_711, %add3A_712 : vector<16xi32>
        %gather3A = tpu.vector_load_idx %arg4[%add3A_713] : memref<65536xf32, #tpu.memory_space<vmem>>[vector<16xi32>], vector<16xf32>,
        %bitcast_convert_type3A = tpu.bitcast %gather3A : vector<16xf32> -> vector<16xi32>
        %ge3A_714 = arith.constant -2147483648 : i32
        %ge3A_715 = vector.broadcast %ge3A_714 : i32 to vector<16xi32>
        %ge3A_716 = arith.cmpi uge, %bitcast_convert_type3A, %ge3A_715 : vector<16xi32>
        %not3A = arith.constant dense<-1> : vector<16xi32>
        %not3A_717 = arith.xori %bitcast_convert_type3A, %not3A : vector<16xi32>
        %or3A_718 = arith.constant -2147483648 : i32
        %or3A_719 = vector.broadcast %or3A_718 : i32 to vector<16xi32>
        %or3A_720 = arith.ori %bitcast_convert_type3A, %or3A_719 : vector<16xi32>
        %select_n3A_721 = arith.select %ge3A_716, %not3A_717, %or3A_720 : vector<16xi1>, vector<16xi32>
        %mul3A_722 = arith.constant 16 : i32
        %mul3A_723 = arith.muli %while3A_702, %mul3A_722 : i32
        %add3A_724 = vector.broadcast %mul3A_723 : i32 to vector<16xi32>
        %add3A_725 = arith.addi %add3A_724, %iota3A : vector<16xi32>
        %lt3A_726 = vector.broadcast %scan3A_107 : i32 to vector<16xi32>
        %lt3A_727 = arith.cmpi slt, %add3A_725, %lt3A_726 : vector<16xi32>
        %eq3A_728 = vector.broadcast %or3A_612 : i32 to vector<16xi32>
        %eq3A_729 = arith.cmpi eq, %select_n3A_721, %eq3A_728 : vector<16xi32>
        %and3A_730 = arith.andi %lt3A_727, %eq3A_729 : vector<16xi1>
        %convert_element_type3A_731 = arith.extui %and3A_730 : vector<16xi1> to vector<16xi32>
        %broadcast_in_dim3A_732 = arith.constant true
        %broadcast_in_dim3A_733 = vector.broadcast %broadcast_in_dim3A_732 : i1 to vector<16xi1>
        %masked_cumsum3A_734 = tpu.scan <sum>, %convert_element_type3A_731 masked %broadcast_in_dim3A_733 : vector<16xi32>, vector<16xi1> -> vector<16xi32>
        %sub3A_735 = arith.subi %masked_cumsum3A_734, %convert_element_type3A_731 : vector<16xi32>
        %add3A_736 = vector.broadcast %while3A_703 : i32 to vector<16xi32>
        %add3A_737 = arith.addi %sub3A_735, %add3A_736 : vector<16xi32>
        %lt3A_738 = vector.broadcast %sub3A_609 : i32 to vector<16xi32>
        %lt3A_739 = arith.cmpi slt, %add3A_737, %lt3A_738 : vector<16xi32>
        %and3A_740 = arith.andi %and3A_730, %lt3A_739 : vector<16xi1>
        %swap3A_741 = arith.index_cast %while3A_704 : i32 to index
        %swap3A_742 = tpu.vector_load %arg8[%swap3A_741] masked %and3A_740 {strides = array<i32>} : memref<272xi32, #tpu.memory_space<vmem>>, vector<16xi32>, vector<16xi1>
        tpu.vector_store %arg8[%swap3A_741], %get3A_708 masked %and3A_740 {strides = array<i32>} : memref<272xi32, #tpu.memory_space<vmem>>, vector<16xi32>, vector<16xi1>
        %all_reduce_population_count3A = tpu.all_reduce %and3A_730 {dim = 0 : i64, kind = #tpu.reduction_kind<sum>} : vector<16xi1> -> vector<16xi32>
        %reduce_max3A_743 = arith.constant true
        %reduce_max3A_744 = vector.broadcast %reduce_max3A_743 : i1 to vector<16xi1>
        %reduce_max3A_745 = arith.constant -2147483648 : i32
        %reduce_max3A_746 = vector.broadcast %reduce_max3A_745 : i32 to vector<16xi32>
        %reduce_max3A_747 = arith.xori %all_reduce_population_count3A, %reduce_max3A_746 : vector<16xi32>
        %reduce_max3A_748 = tpu.scan <max>, %reduce_max3A_747 masked %reduce_max3A_744 : vector<16xi32>, vector<16xi1> -> vector<16xi32>
        %reduce_max3A_749 = arith.xori %reduce_max3A_748, %reduce_max3A_746 : vector<16xi32>
        %reduce_max3A_750 = vector.extract %reduce_max3A_749[15] : i32 from vector<16xi32>
        %add3A_751 = arith.addi %while3A_703, %reduce_max3A_750 : i32
        %all_reduce_population_count3A_752 = tpu.all_reduce %and3A_740 {dim = 0 : i64, kind = #tpu.reduction_kind<sum>} : vector<16xi1> -> vector<16xi32>
        %reduce_max3A_753 = arith.constant true
        %reduce_max3A_754 = vector.broadcast %reduce_max3A_753 : i1 to vector<16xi1>
        %reduce_max3A_755 = arith.constant -2147483648 : i32
        %reduce_max3A_756 = vector.broadcast %reduce_max3A_755 : i32 to vector<16xi32>
        %reduce_max3A_757 = arith.xori %all_reduce_population_count3A_752, %reduce_max3A_756 : vector<16xi32>
        %reduce_max3A_758 = tpu.scan <max>, %reduce_max3A_757 masked %reduce_max3A_754 : vector<16xi32>, vector<16xi1> -> vector<16xi32>
        %reduce_max3A_759 = arith.xori %reduce_max3A_758, %reduce_max3A_756 : vector<16xi32>
        %reduce_max3A_760 = vector.extract %reduce_max3A_759[15] : i32 from vector<16xi32>
        %add3A_761 = arith.addi %while3A_704, %reduce_max3A_760 : i32
        scf.yield %add3A_751, %add3A_761 : i32, i32
      }
      %while3A_651 = arith.constant 1 : i32
      %while3A_652:2 = scf.for %while3A_702 = %while3A_648 to %while3A_644 step %while3A_651 iter_args(%while3A_703 = %while3A_650#0, %while3A_704 = %while3A_650#1) -> (i32, i32)  : i32 {
        %mul3A_705 = arith.constant 16 : i32
        %mul3A_706 = arith.muli %while3A_702, %mul3A_705 : i32
        %get3A_707 = arith.index_cast %mul3A_706 : i32 to index
        %get3A_708 = tpu.vector_load %arg5[%get3A_707] {strides = array<i32>} : memref<32784xi32, #tpu.memory_space<vmem>>, vector<16xi32>,
        %and3A_709 = arith.constant 32767 : i32
        %and3A_710 = vector.broadcast %and3A_709 : i32 to vector<16xi32>
        %and3A_711 = arith.andi %get3A_708, %and3A_710 : vector<16xi32>
        %add3A_712 = vector.broadcast %mul3A_36 : i32 to vector<16xi32>
        %add3A_713 = arith.addi %and3A_711, %add3A_712 : vector<16xi32>
        %gather3A = tpu.vector_load_idx %arg4[%add3A_713] : memref<65536xf32, #tpu.memory_space<vmem>>[vector<16xi32>], vector<16xf32>,
        %bitcast_convert_type3A = tpu.bitcast %gather3A : vector<16xf32> -> vector<16xi32>
        %ge3A_714 = arith.constant -2147483648 : i32
        %ge3A_715 = vector.broadcast %ge3A_714 : i32 to vector<16xi32>
        %ge3A_716 = arith.cmpi uge, %bitcast_convert_type3A, %ge3A_715 : vector<16xi32>
        %not3A = arith.constant dense<-1> : vector<16xi32>
        %not3A_717 = arith.xori %bitcast_convert_type3A, %not3A : vector<16xi32>
        %or3A_718 = arith.constant -2147483648 : i32
        %or3A_719 = vector.broadcast %or3A_718 : i32 to vector<16xi32>
        %or3A_720 = arith.ori %bitcast_convert_type3A, %or3A_719 : vector<16xi32>
        %select_n3A_721 = arith.select %ge3A_716, %not3A_717, %or3A_720 : vector<16xi1>, vector<16xi32>
        %mul3A_722 = arith.constant 16 : i32
        %mul3A_723 = arith.muli %while3A_702, %mul3A_722 : i32
        %add3A_724 = vector.broadcast %mul3A_723 : i32 to vector<16xi32>
        %add3A_725 = arith.addi %add3A_724, %iota3A : vector<16xi32>
        %lt3A_726 = vector.broadcast %scan3A_107 : i32 to vector<16xi32>
        %lt3A_727 = arith.cmpi slt, %add3A_725, %lt3A_726 : vector<16xi32>
        %eq3A_728 = vector.broadcast %or3A_612 : i32 to vector<16xi32>
        %eq3A_729 = arith.cmpi eq, %select_n3A_721, %eq3A_728 : vector<16xi32>
        %and3A_730 = arith.andi %lt3A_727, %eq3A_729 : vector<16xi1>
        %convert_element_type3A_731 = arith.extui %and3A_730 : vector<16xi1> to vector<16xi32>
        %broadcast_in_dim3A_732 = arith.constant true
        %broadcast_in_dim3A_733 = vector.broadcast %broadcast_in_dim3A_732 : i1 to vector<16xi1>
        %masked_cumsum3A_734 = tpu.scan <sum>, %convert_element_type3A_731 masked %broadcast_in_dim3A_733 : vector<16xi32>, vector<16xi1> -> vector<16xi32>
        %sub3A_735 = arith.subi %masked_cumsum3A_734, %convert_element_type3A_731 : vector<16xi32>
        %add3A_736 = vector.broadcast %while3A_703 : i32 to vector<16xi32>
        %add3A_737 = arith.addi %sub3A_735, %add3A_736 : vector<16xi32>
        %lt3A_738 = vector.broadcast %sub3A_609 : i32 to vector<16xi32>
        %lt3A_739 = arith.cmpi slt, %add3A_737, %lt3A_738 : vector<16xi32>
        %and3A_740 = arith.andi %and3A_730, %lt3A_739 : vector<16xi1>
        %swap3A_741 = arith.index_cast %while3A_704 : i32 to index
        %swap3A_742 = tpu.vector_load %arg8[%swap3A_741] masked %and3A_740 {strides = array<i32>} : memref<272xi32, #tpu.memory_space<vmem>>, vector<16xi32>, vector<16xi1>
        tpu.vector_store %arg8[%swap3A_741], %get3A_708 masked %and3A_740 {strides = array<i32>} : memref<272xi32, #tpu.memory_space<vmem>>, vector<16xi32>, vector<16xi1>
        %all_reduce_population_count3A = tpu.all_reduce %and3A_730 {dim = 0 : i64, kind = #tpu.reduction_kind<sum>} : vector<16xi1> -> vector<16xi32>
        %reduce_max3A_743 = arith.constant true
        %reduce_max3A_744 = vector.broadcast %reduce_max3A_743 : i1 to vector<16xi1>
        %reduce_max3A_745 = arith.constant -2147483648 : i32
        %reduce_max3A_746 = vector.broadcast %reduce_max3A_745 : i32 to vector<16xi32>
        %reduce_max3A_747 = arith.xori %all_reduce_population_count3A, %reduce_max3A_746 : vector<16xi32>
        %reduce_max3A_748 = tpu.scan <max>, %reduce_max3A_747 masked %reduce_max3A_744 : vector<16xi32>, vector<16xi1> -> vector<16xi32>
        %reduce_max3A_749 = arith.xori %reduce_max3A_748, %reduce_max3A_746 : vector<16xi32>
        %reduce_max3A_750 = vector.extract %reduce_max3A_749[15] : i32 from vector<16xi32>
        %add3A_751 = arith.addi %while3A_703, %reduce_max3A_750 : i32
        %all_reduce_population_count3A_752 = tpu.all_reduce %and3A_740 {dim = 0 : i64, kind = #tpu.reduction_kind<sum>} : vector<16xi1> -> vector<16xi32>
        %reduce_max3A_753 = arith.constant true
        %reduce_max3A_754 = vector.broadcast %reduce_max3A_753 : i1 to vector<16xi1>
        %reduce_max3A_755 = arith.constant -2147483648 : i32
        %reduce_max3A_756 = vector.broadcast %reduce_max3A_755 : i32 to vector<16xi32>
        %reduce_max3A_757 = arith.xori %all_reduce_population_count3A_752, %reduce_max3A_756 : vector<16xi32>
        %reduce_max3A_758 = tpu.scan <max>, %reduce_max3A_757 masked %reduce_max3A_754 : vector<16xi32>, vector<16xi1> -> vector<16xi32>
        %reduce_max3A_759 = arith.xori %reduce_max3A_758, %reduce_max3A_756 : vector<16xi32>
        %reduce_max3A_760 = vector.extract %reduce_max3A_759[15] : i32 from vector<16xi32>
        %add3A_761 = arith.addi %while3A_704, %reduce_max3A_760 : i32
        scf.yield %add3A_751, %add3A_761 : i32, i32
      }
      %parallel_loop3A_653 = arith.constant 0 : i32
      %parallel_loop3A_654 = arith.constant 2048 : i32
      %parallel_loop3A_655 = arith.constant 1 : i32
      scf.for %parallel_loop3A_702 = %parallel_loop3A_653 to %parallel_loop3A_654 step %parallel_loop3A_655  : i32 {
        %parallel_loop3A_703 = arith.constant 16 : i32
        %parallel_loop3A_704 = arith.muli %parallel_loop3A_702, %parallel_loop3A_703 : i32
        %parallel_loop3A_705 = arith.addi %mul3A_36, %parallel_loop3A_704 : i32
        %parallel_loop3A_706 = arith.index_cast %parallel_loop3A_705 : i32 to index
        %parallel_loop3A_707 = tpu.vector_load %arg4[%parallel_loop3A_706] {strides = array<i32>} : memref<65536xf32, #tpu.memory_space<vmem>>, vector<16xf32>,
        %parallel_loop3A_708 = tpu.bitcast %parallel_loop3A_707 : vector<16xf32> -> vector<16xi32>
        %parallel_loop3A_709 = arith.constant -2147483648 : i32
        %parallel_loop3A_710 = vector.broadcast %parallel_loop3A_709 : i32 to vector<16xi32>
        %parallel_loop3A_711 = arith.cmpi uge, %parallel_loop3A_708, %parallel_loop3A_710 : vector<16xi32>
        %parallel_loop3A_712 = arith.constant dense<-1> : vector<16xi32>
        %parallel_loop3A_713 = arith.xori %parallel_loop3A_708, %parallel_loop3A_712 : vector<16xi32>
        %parallel_loop3A_714 = arith.constant -2147483648 : i32
        %parallel_loop3A_715 = vector.broadcast %parallel_loop3A_714 : i32 to vector<16xi32>
        %parallel_loop3A_716 = arith.ori %parallel_loop3A_708, %parallel_loop3A_715 : vector<16xi32>
        %parallel_loop3A_717 = arith.select %parallel_loop3A_711, %parallel_loop3A_713, %parallel_loop3A_716 : vector<16xi1>, vector<16xi32>
        %parallel_loop3A_718 = vector.broadcast %or3A_612 : i32 to vector<16xi32>
        %parallel_loop3A_719 = arith.cmpi ugt, %parallel_loop3A_717, %parallel_loop3A_718 : vector<16xi32>
        %parallel_loop3A_720 = arith.constant 0.000000e+00 : f32
        %parallel_loop3A_721 = arith.constant 0x7F800000 : f32
        %parallel_loop3A_722 = vector.broadcast %parallel_loop3A_720 : f32 to vector<16xf32>
        %parallel_loop3A_723 = vector.broadcast %parallel_loop3A_721 : f32 to vector<16xf32>
        %parallel_loop3A_724 = arith.select %parallel_loop3A_719, %parallel_loop3A_722, %parallel_loop3A_723 : vector<16xi1>, vector<16xf32>
        %parallel_loop3A_725 = arith.constant 16 : i32
        %parallel_loop3A_726 = arith.muli %parallel_loop3A_702, %parallel_loop3A_725 : i32
        %parallel_loop3A_727 = arith.addi %mul3A_36, %parallel_loop3A_726 : i32
        %parallel_loop3A_728 = arith.index_cast %parallel_loop3A_727 : i32 to index
        %parallel_loop3A_729 = tpu.vector_load %arg4[%parallel_loop3A_728] {strides = array<i32>} : memref<65536xf32, #tpu.memory_space<vmem>>, vector<16xf32>,
        tpu.vector_store %arg4[%parallel_loop3A_728], %parallel_loop3A_724 {strides = array<i32>} : memref<65536xf32, #tpu.memory_space<vmem>>, vector<16xf32>,
      } {sc.loop_unroll_factor = 8 : i64, sc.parallel_access}
      %add3A_656 = arith.constant 16 : i32
      %add3A_657 = arith.addi %sub3A_609, %add3A_656 : i32
      %sub3A_658 = arith.constant 1 : i32
      %sub3A_659 = arith.subi %add3A_657, %sub3A_658 : i32
      %jit3A_660 = arith.constant 16 : i32
      %div3A_661 = arith.divsi %sub3A_659, %jit3A_660 : i32
      %sign3A_662 = arith.constant 0 : i32
      %sign3A_663 = arith.cmpi sgt, %sub3A_659, %sign3A_662 : i32
      %sign3A_664 = arith.extui %sign3A_663 : i1 to i32
      %sign3A_665 = arith.constant 0 : i32
      %sign3A_666 = arith.cmpi slt, %sub3A_659, %sign3A_665 : i32
      %sign3A_667 = arith.extui %sign3A_666 : i1 to i32
      %sign3A_668 = arith.subi %sign3A_664, %sign3A_667 : i32
      %sign3A_669 = arith.constant 0 : i32
      %sign3A_670 = arith.cmpi sgt, %jit3A_660, %sign3A_669 : i32
      %sign3A_671 = arith.extui %sign3A_670 : i1 to i32
      %sign3A_672 = arith.constant 0 : i32
      %sign3A_673 = arith.cmpi slt, %jit3A_660, %sign3A_672 : i32
      %sign3A_674 = arith.extui %sign3A_673 : i1 to i32
      %sign3A_675 = arith.subi %sign3A_671, %sign3A_674 : i32
      %ne3A_676 = arith.cmpi ne, %sign3A_668, %sign3A_675 : i32
      %rem3A_677 = arith.remsi %sub3A_659, %jit3A_660 : i32
      %ne3A_678 = arith.constant 0 : i32
      %ne3A_679 = arith.cmpi ne, %rem3A_677, %ne3A_678 : i32
      %and3A_680 = arith.andi %ne3A_676, %ne3A_679 : i1
      %sub3A_681 = arith.constant 1 : i32
      %sub3A_682 = arith.subi %div3A_661, %sub3A_681 : i32
      %select_n3A_683 = arith.select %and3A_680, %sub3A_682, %div3A_661 : i32
      %while3A_684 = arith.constant 0 : i32
      %while3A_685 = arith.constant 0 : i32
      %while3A_686 = arith.subi %select_n3A_683, %while3A_685 : i32
      %while3A_687 = arith.addi %while3A_685, %while3A_686 : i32
      %while3A_688 = arith.constant 1 : i32
      %while3A_689 = arith.divsi %while3A_686, %while3A_688 : i32
      %while3A_690 = arith.muli %while3A_689, %while3A_688 : i32
      %while3A_691 = arith.addi %while3A_685, %while3A_690 : i32
      %while3A_692 = arith.constant 1 : i32
      scf.for %while3A_702 = %while3A_685 to %while3A_691 step %while3A_692  : i32 {
        %mul3A_703 = arith.constant 16 : i32
        %mul3A_704 = arith.muli %while3A_702, %mul3A_703 : i32
        %get3A_705 = arith.index_cast %mul3A_704 : i32 to index
        %get3A_706 = tpu.vector_load %arg8[%get3A_705] {strides = array<i32>} : memref<272xi32, #tpu.memory_space<vmem>>, vector<16xi32>,
        %and3A_707 = arith.constant 32767 : i32
        %and3A_708 = vector.broadcast %and3A_707 : i32 to vector<16xi32>
        %and3A_709 = arith.andi %get3A_706, %and3A_708 : vector<16xi32>
        %add3A_710 = vector.broadcast %mul3A_36 : i32 to vector<16xi32>
        %add3A_711 = arith.addi %and3A_709, %add3A_710 : vector<16xi32>
        %mul3A_712 = arith.constant 16 : i32
        %mul3A_713 = arith.muli %while3A_702, %mul3A_712 : i32
        %add3A_714 = vector.broadcast %mul3A_713 : i32 to vector<16xi32>
        %add3A_715 = arith.addi %add3A_714, %iota3A : vector<16xi32>
        %lt3A_716 = vector.broadcast %sub3A_609 : i32 to vector<16xi32>
        %lt3A_717 = arith.cmpi slt, %add3A_715, %lt3A_716 : vector<16xi32>
        tpu.vector_store_idx %arg4[%add3A_711], %broadcast_in_dim3A_4 masked %lt3A_717 : memref<65536xf32, #tpu.memory_space<vmem>>[vector<16xi32>], vector<16xf32>, vector<16xi1>
      }
      %while3A_693 = arith.constant 1 : i32
      scf.for %while3A_702 = %while3A_691 to %while3A_687 step %while3A_693  : i32 {
        %mul3A_703 = arith.constant 16 : i32
        %mul3A_704 = arith.muli %while3A_702, %mul3A_703 : i32
        %get3A_705 = arith.index_cast %mul3A_704 : i32 to index
        %get3A_706 = tpu.vector_load %arg8[%get3A_705] {strides = array<i32>} : memref<272xi32, #tpu.memory_space<vmem>>, vector<16xi32>,
        %and3A_707 = arith.constant 32767 : i32
        %and3A_708 = vector.broadcast %and3A_707 : i32 to vector<16xi32>
        %and3A_709 = arith.andi %get3A_706, %and3A_708 : vector<16xi32>
        %add3A_710 = vector.broadcast %mul3A_36 : i32 to vector<16xi32>
        %add3A_711 = arith.addi %and3A_709, %add3A_710 : vector<16xi32>
        %mul3A_712 = arith.constant 16 : i32
        %mul3A_713 = arith.muli %while3A_702, %mul3A_712 : i32
        %add3A_714 = vector.broadcast %mul3A_713 : i32 to vector<16xi32>
        %add3A_715 = arith.addi %add3A_714, %iota3A : vector<16xi32>
        %lt3A_716 = vector.broadcast %sub3A_609 : i32 to vector<16xi32>
        %lt3A_717 = arith.cmpi slt, %add3A_715, %lt3A_716 : vector<16xi32>
        tpu.vector_store_idx %arg4[%add3A_711], %broadcast_in_dim3A_4 masked %lt3A_717 : memref<65536xf32, #tpu.memory_space<vmem>>[vector<16xi32>], vector<16xf32>, vector<16xi1>
      }
      %dma_start3A_694 = tpu.memref_slice %arg4[%mul3A_36] : memref<65536xf32, #tpu.memory_space<vmem>> -> memref<32768xf32, #tpu.memory_space<vmem>>
      %dma_start3A_695 = arith.constant 0 : i32
      %dma_start3A_696 = tpu.memref_slice %arg3[%add3A_39, %dma_start3A_695] : memref<128x32768xf32, #tpu.memory_space<hbm>> -> memref<1x32768xf32, #tpu.memory_space<hbm>>
      %dma_start3A_697 = tpu.memref_squeeze %dma_start3A_696 : memref<1x32768xf32, #tpu.memory_space<hbm>> -> memref<32768xf32, #tpu.memory_space<hbm>>
      %dma_start3A_698 = arith.constant 0 : i32
      %dma_start3A_699 = tpu.memref_slice %arg3[%add3A_39, %dma_start3A_698] : memref<128x32768xf32, #tpu.memory_space<hbm>> -> memref<1x32768xf32, #tpu.memory_space<hbm>>
      %dma_start3A_700 = tpu.memref_squeeze %dma_start3A_699 : memref<1x32768xf32, #tpu.memory_space<hbm>> -> memref<32768xf32, #tpu.memory_space<hbm>>
      %dma_start3A_701 = tpu.memref_slice %arg4[%mul3A_36] : memref<65536xf32, #tpu.memory_space<vmem>> -> memref<32768xf32, #tpu.memory_space<vmem>>
      tpu.enqueue_dma source(%dma_start3A_701 : memref<32768xf32, #tpu.memory_space<vmem>>) target(%dma_start3A_700 : memref<32768xf32, #tpu.memory_space<hbm>>) target_semaphore(%arg10 : memref<!tpu.dma_semaphore, #tpu.memory_space<semaphore_mem>>)
    }
    %scan3A_21 = arith.constant 4 : i32
    %mul3A_22 = arith.constant 4 : i32
    %mul3A_23 = arith.muli %add3A, %mul3A_22 : i32
    %dma_wait3A = arith.constant 0 : i32
    %dma_wait3A_24 = tpu.memref_slice %arg4[%dma_wait3A] : memref<65536xf32, #tpu.memory_space<vmem>> -> memref<32768xf32, #tpu.memory_space<vmem>>
    %dma_wait3A_25 = arith.constant 0 : i32
    %dma_wait3A_26 = tpu.memref_slice %arg2[%mul3A_23, %dma_wait3A_25] : memref<128x32768xf32, #tpu.memory_space<hbm>> -> memref<1x32768xf32, #tpu.memory_space<hbm>>
    %dma_wait3A_27 = tpu.memref_squeeze %dma_wait3A_26 : memref<1x32768xf32, #tpu.memory_space<hbm>> -> memref<32768xf32, #tpu.memory_space<hbm>>
    %dma_wait3A_28 = arith.constant 0 : i32
    %dma_wait3A_29 = tpu.memref_slice %arg4[%dma_wait3A_28] : memref<65536xf32, #tpu.memory_space<vmem>> -> memref<32768xf32, #tpu.memory_space<vmem>>
    %dma_wait3A_30 = arith.constant 0 : i32
    %dma_wait3A_31 = tpu.memref_slice %arg2[%mul3A_23, %dma_wait3A_30] : memref<128x32768xf32, #tpu.memory_space<hbm>> -> memref<1x32768xf32, #tpu.memory_space<hbm>>
    %dma_wait3A_32 = tpu.memref_squeeze %dma_wait3A_31 : memref<1x32768xf32, #tpu.memory_space<hbm>> -> memref<32768xf32, #tpu.memory_space<hbm>>
    tpu.wait_dma2 semaphore(%arg10 : memref<!tpu.dma_semaphore, #tpu.memory_space<semaphore_mem>>) src(%dma_wait3A_32 : memref<32768xf32, #tpu.memory_space<hbm>>) dst(%dma_wait3A_29 : memref<32768xf32, #tpu.memory_space<vmem>>)
    return
  }
}

</mosaic_0001>

<sc_bundles>
// kernel: kernel.3.cloned.1.call-start
scs
__scs_entry_jumppad:
0x0: {  	(pc) =	sbr.rel $0x88, $3  }
0x1: {  	(tag) =	ssettag $0x0;
	lr =	simm.s32 $0x1  }
0x2: {  	[smem:$0x3FA0] =	sst lr;
	_ =	strace $0xD0000000  }
0x3: {  	_ = 	snop  }
0x4: {  	_ = 	snop  }
0x5: {  	_ = 	snop  }
0x6: {  	_ = 	snop  }
0x7: {  	_ = 	snop  }
__scs_overlays_trampoline_lowered:
0x8: {  	[smem:$0x3FAF] =	sst s0  }
0x9: {  	[smem:$0x3FB0] =	sst s1  }
0xa: {  	[smem:$0x3FB1] =	sst s2  }
0xb: {  	[smem:$0x3FB2] =	sst s3  }
0xc: {  	[smem:$0x3FB3] =	sst s4  }
0xd: {  	[smem:$0x3FB4] =	sst s5  }
0xe: {  	[smem:$0x3FB5] =	sst s6  }
0xf: {  	[smem:$0x3FB6] =	sst s7  }
0x10: {  	[smem:$0x3FB7] =	sst s8  }
0x11: {  	[smem:$0x3FB8] =	sst s9;
	s0 =	simm.s32 @!p0 $0x0  }
0x12: {  	s1 =	sld [smem:$0x3F9E];
	s0 =	simm.s32 @p0 $0x1  }
0x13: {  	[smem:$0x3FB9] =	sst s0;
	s0 =	simm.s32 @!p1 $0x0  }
0x14: {  	s2 =	sld [smem:$0x3F9D];
	s0 =	simm.s32 @p1 $0x1  }
0x15: {  	[smem:$0x3FBA] =	sst s0;
	s0 =	simm.s32 @!p2 $0x0  }
0x16: {  	s3 =	sld [smem:$0x3FDB];
	s0 =	simm.s32 @p2 $0x1  }
0x17: {  	s4 =	simm.s32 $0x1BF5;
	[smem:$0x3FBC] =	sst s0  }
0x18: {  	s0 =	sld [smem:$0x3F9F];
	_ =	swait.ge [sflag:s4], $0x0  }
0x19: {  	s7 =	sld [smem:$0x3FA0]  }
0x1a: {  	s8 =	sadd.s32 $0xFFFFE003, lr  }
0x1b: {  	s9 =	sadd.s32 $0xFFFFFEF7, lr;
	s5 =	simm.s32 $0xFFFFFFFF;
	p2 =	slt.u32 s8, $0xFFFFF086  }
0x1c: {  	p1 =	slt.u32 s9, $0xF7A;
	s5 =	simm.s32 @!p2 $0x0  }
0x1d: {  	s5 =	simm.s32 @p1 $0x1;
	p0 =	seq.s32 s7, s2  }
0x1e: {  	s7 =	smul.u32 @!p0 $0xF7A, s2;
	p2 =	seq.s32 @!p0 s5, $0x0  }
0x1f: {  	s9 =	smul.u32 $0xF7A, s1;
	s8 =	simm.s32 @!p0 $0x1BF5;
	p2 =	por !p2, p0  }
0x20: {  	[sflag:s8] =	ssyncset.s32 @!p0 $0xFFFFF086;
	s6 =	sadd.s32 @!p0 s3, s7;
	s7 =	simm.s32 @!p0 $0x108  }
0x21: {  	s3 =	sadd.s32 s3, s9;
	s6 =	sadd.s32 @!p0 $0x88, s6;
	s7 =	simm.s32 @p2 $0x1082  }
0x22: {  	[simem:s7], [sflag:s8] =	dma.local @!p0 [hbm:s6], $0xF7A  }
0x23: {  	s9 =	sor.u32 $0xD0000000, s2;
	s6 =	simm.s32 $0x108;
	_ =	swait.ge @!p0 [sflag:s8], $0x0  }
0x24: {  	s3 =	sadd.s32 $0x88, s3;
	s6 =	simm.s32 @!p1 $0x1082;
	[sflag:s4] =	ssyncset.s32 $0xFFFFF086  }
0x25: {  	[simem:s6], [sflag:s4] =	dma.local [hbm:s3], $0xF7A  }
0x26: {  	[smem:$0x3FA0] =	sst s1;
	(tag) =	ssettag s2;
	_ =	strace s9  }
0x27: {  	s1 =	sld [smem:$0x3FB0]  }
0x28: {  	s2 =	sld [smem:$0x3FB1]  }
0x29: {  	s4 =	sld [smem:$0x3FB3]  }
0x2a: {  	p0 =	seq.s32 s5, $0x0;
	s5 =	sld [smem:$0x3FB4]  }
0x2b: {  	s6 =	sld [smem:$0x3FB5]  }
0x2c: {  	s7 =	sld [smem:$0x3FB6]  }
0x2d: {  	s3 =	simm.s32 $0x108;
	s8 =	sld [smem:$0x3FB7]  }
0x2e: {  	s3 =	simm.s32 @!p0 $0x1082;
	s9 =	sld [smem:$0x3FB8]  }
0x2f: {  	lr =	sadd.s32 s0, s3;
	s0 =	sld [smem:$0x3FAF]  }
0x30: {  	s3 =	sld [smem:$0x3FB2]  }
0x31: {  	[smem:$0x3FBB] =	sst s10  }
0x32: {  	s10 =	sld [smem:$0x3FB9];
	_ =	sdelay $0x3  }
0x33: {  	p0 =	seq.s32 s10, $0x1;
	s10 =	sld [smem:$0x3FBB];
	_ =	sdelay $0x3  }
0x34: {  	[smem:$0x3FBB] =	sst s10  }
0x35: {  	s10 =	sld [smem:$0x3FBA];
	_ =	sdelay $0x3  }
0x36: {  	p1 =	seq.s32 s10, $0x1;
	s10 =	sld [smem:$0x3FBB];
	_ =	sdelay $0x3  }
0x37: {  	[smem:$0x3FBB] =	sst s10  }
0x38: {  	s10 =	sld [smem:$0x3FBC]  }
0x39: {  	_ = 	snop;
	(pc) =	sbr.ind lr, $3  }
0x3a: {  	_ = 	snop  }
0x3b: {  	_ = 	snop  }
0x3c: {  	p2 =	seq.s32 s10, $0x1;
	s10 =	sld [smem:$0x3FBB]  }
0x3d: {  	_ =	shalt  }
0x3e: {  	_ =	shalt  }
0x3f: {  	_ =	shalt  }
0x40: {  	_ =	shalt  }
0x41: {  	_ =	shalt  }
0x42: {  	_ =	shalt  }
0x43: {  	_ =	shalt  }
0x44: {  	_ =	shalt  }
0x45: {  	_ =	shalt  }
0x46: {  	_ =	shalt  }
0x47: {  	_ =	shalt  }
0x48: {  	_ =	shalt  }
0x49: {  	_ =	shalt  }
0x4a: {  	_ =	shalt  }
0x4b: {  	_ =	shalt  }
0x4c: {  	_ =	shalt  }
0x4d: {  	_ =	shalt  }
0x4e: {  	_ =	shalt  }
0x4f: {  	_ =	shalt  }
0x50: {  	_ =	shalt  }
0x51: {  	_ =	shalt  }
0x52: {  	_ =	shalt  }
0x53: {  	_ =	shalt  }
0x54: {  	_ =	shalt  }
0x55: {  	_ =	shalt  }
0x56: {  	_ =	shalt  }
0x57: {  	_ =	shalt  }
0x58: {  	_ =	shalt  }
0x59: {  	_ =	shalt  }
0x5a: {  	_ =	shalt  }
0x5b: {  	_ =	shalt  }
0x5c: {  	_ =	shalt  }
0x5d: {  	_ =	shalt  }
0x5e: {  	_ =	shalt  }
0x5f: {  	_ =	shalt  }
0x60: {  	_ =	shalt  }
0x61: {  	_ =	shalt  }
0x62: {  	_ =	shalt  }
0x63: {  	_ =	shalt  }
0x64: {  	_ =	shalt  }
0x65: {  	_ =	shalt  }
0x66: {  	_ =	shalt  }
0x67: {  	_ =	shalt  }
0x68: {  	_ =	shalt  }
0x69: {  	_ =	shalt  }
0x6a: {  	_ =	shalt  }
0x6b: {  	_ =	shalt  }
0x6c: {  	_ =	shalt  }
0x6d: {  	_ =	shalt  }
0x6e: {  	_ =	shalt  }
0x6f: {  	_ =	shalt  }
0x70: {  	_ =	shalt  }
0x71: {  	_ =	shalt  }
0x72: {  	_ =	shalt  }
0x73: {  	_ =	shalt  }
0x74: {  	_ =	shalt  }
0x75: {  	_ =	shalt  }
0x76: {  	_ =	shalt  }
0x77: {  	_ =	shalt  }
0x78: {  	_ =	shalt  }
0x79: {  	_ =	shalt  }
0x7a: {  	_ =	shalt  }
0x7b: {  	_ =	shalt  }
0x7c: {  	_ =	shalt  }
0x7d: {  	_ =	shalt  }
0x7e: {  	_ =	shalt  }
0x7f: {  	_ =	shalt  }
0x80: {  	_ =	shalt  }
0x81: {  	_ =	shalt  }
0x82: {  	_ =	shalt  }
0x83: {  	_ =	shalt  }
0x84: {  	_ =	shalt  }
0x85: {  	_ =	shalt  }
0x86: {  	_ =	shalt  }
0x87: {  	_ =	shalt  }
.Lfunc_end0:
.L_simem_size_0:
called_computation_lowered:
.L_overlay_start_0:
0x88: {  	s2 =	sld [smem:$0x3FD9]  }
0x89: {  	s3 =	sld [smem:$0x3FFE];
	_ =	sdelay $0x1  }
0x8a: {  	s1 =	srdreg.scid  }
0x8b: {  	s0 =	sand.u32 $0x1, s1  }
0x8c: {  	s18 =	sshll.u32 s0, $0xA;
	s2 =	sadd.s32 s3, s2  }
0x8d: {  	s2 =	sadd.s32 s2, s18  }
0x8e: {  	[smem:$0x3FC7] =	sst s2  }
0x8f: {  	_ = 	snop  }
0x90: {  	s2 =	sld [smem:$0x3FC9]  }
0x91: {  	s19 =	sld [smem:$0x3FD0];
	(tm) =	ssettm $0x1  }
0x92: {  	s4 =	sld [smem:$0x3FFB];
	_ =	sdelay $0x3  }
0x93: {  	_ =	strace s4  }
0x94: {  	s4 =	sld [smem:$0x3FFC];
	_ =	sdelay $0x3  }
0x95: {  	_ =	strace s4  }
0x96: {  	s4 =	sld [smem:$0x3FFD];
	_ =	sdelay $0x3  }
0x97: {  	_ =	strace s4  }
0x98: {  	_ =	strace $0x8FFFFFFF  }
0x99: {  	s20 =	sld [smem:$0x3FDB];
	_ =	sdelay $0x1  }
0x9a: {  	s5 =	simm.s32 $_scs_section_size  }
0x9b: {  	s6 =	simm.s32 $_size__tile_overlayer_lowered;
	s7 =	simm.s32 $_tile_overlayer_lowered  }
0x9c: {  	s23 =	simm.s32 $0x1BFF;
	s22 =	sshll.u32 s7, $0x1;
	s4 =	sadd.s32 s5, s20  }
0x9d: {  	s8 =	simm.s32 $0x0;
	s21 =	sshll.u32 s6, $0x1;
	s6 =	sadd.s32 s22, s4  }
0x9e: {  	[timem:s8], [sflag:s23] =	dma.local [hbm:s6], s21  }
0x9f: {  	_ =	swait.ge [sflag:s23], s21  }
0xa0: {  	s5 =	ssub.s32 $0x0, s21;
	[sflag:s23] =	ssyncset.done $0x0  }
0xa1: {  	[sflag:s23] =	ssyncadd.s32 s5;
	_ =	sdelay $0x1  }
0xa2: {  	s24 =	simm.s32 $0x1B8B  }
0xa3: {  	_ =	swait.ge [sflag:s24], $0x1  }
0xa4: {  	[sflag:s24] =	ssyncset.done $0x0  }
0xa5: {  	s25 =	simm.s32 $0x1B8E;
	[sflag:s24] =	ssyncadd.s32 $0xFFFFFFFF  }
0xa6: {  	s26 =	simm.s32 $execute0_lowered;
	[smem:$0x3FD2] =	sst s25  }
0xa7: {  	s5 =	sshll.u32 s26, $0x1;
	_ =	strace $0x80000046;
	[dreg:$0x1] =	wrdreg $0xFFFFFFFF  }
0xa8: {  	s28 =	simm.s32 $_size_execute0_lowered;
	s4 =	sadd.s32 s4, s5;
	[dreg:$0x0] =	wrdreg $0x0  }
0xa9: {  	s5 =	sshll.u32 s28, $0x1;
	[dreg:$0x2] =	wrdreg s4  }
0xaa: {  	[dreg:$0x3] =	wrdreg s5  }
0xab: {  	[dreg:$0x4] =	wrdreg $0xC0  }
0xac: {  	_ =	task [dreg:s8], $0x5FFFF  }
0xad: {  	[dreg:$0x1] =	wrdreg $0xFFFFFFFF  }
0xae: {  	[dreg:$0x0] =	wrdreg $0x60  }
0xaf: {  	[dreg:$0x2] =	wrdreg s2  }
0xb0: {  	[dreg:$0x3] =	wrdreg s19  }
0xb1: {  	[dreg:$0x4] =	wrdreg $0x9  }
0xb2: {  	_ =	task.clear_ibuf [dreg:s8], $0x5FFFF;
	_ =	strace $0x90000046  }
0xb3: {  	s29 =	simm.s32 $0x9;
	_ =	strace $0x80000048  }
0xb4: {  	_ =	swait.ge [sflag:s29], $0x1  }
0xb5: {  	[sflag:s29] =	ssyncadd.s32 $0xFFFFFFFF  }
0xb6: {  	_ =	strace $0x90000048  }
0xb7: {  	_ =	sfence  }
0xb8: {  	s30 =	sld [smem:$0x0];
	_ =	sdelay $0x2  }
0xb9: {  	s31 =	sshll.u32 s1, $0xD;
	s1 =	sshrl.u32 s1, $0x2  }
0xba: {  	s3 =	sand.u32 $0x4000, s31;
	s1 =	sadd.s32 s1, s30  }
0xbb: {  	s0 =	sor.u32 s3, s0;
	s1 =	sshll.u32 s1, $0x11  }
0xbc: {  	s0 =	sor.u32 s1, s0  }
0xbd: {  	s0 =	sadd.s32 $0x8F2B, s0  }
0xbe: {  	[sflag:s0] =	ssyncadd.remote.s32 $0x1  }
0xbf: {  	_ =	sfence.sel $0xFFFF  }
0xc0: {  	[dreg:$0x0] =	wrdreg $0xFFFFFFFF;
	(pc) =	sbr.abs _section_cstart, $3  }
0xc1: {  	[dreg:$0x1] =	wrdreg $0xFFFFFFFF  }
0xc2: {  	_ =	task.clear_ibuf [dreg:s8], $0x2FFFF;
	_ =	strace $0x9FFFFFFF  }
0xc3: {  	(tm) =	ssettm $0x7FFFFFFF  }
tec
execute0_lowered:
.L_overlay_start_1:
0x0: {  	(tag) =	ssettag $0x1  }
0x1: {  	s6 =	rddreg [dreg:$0x0];
	s2 =	simm.s32 $0x0;
	vm1 =	vmmov $0x3;
	v5 =	vimm.s32 $0x0  }
0x2: {  	[smem:$0x7FF] =	sst s2;
	v5 =	vsel vm1, $0xFFFFFFFF, v5  }
0x3: {  	s1 =	rddreg [dreg:$0x1];
	vm2 =	vmmov $0x7;
	_ =	strace $0x80000047;
	[tilespmem:$0x1FF20] =	vst v5;
	v5 =	vimm.s32 $0x0  }
0x4: {  	v5 =	vsel vm2, $0xFFFFFFFF, v5  }
0x5: {  	vm3 =	vmmov $0xf;
	[tilespmem:$0x1FF30] =	vst v5;
	v5 =	vimm.s32 $0x0  }
0x6: {  	v5 =	vsel vm3, $0xFFFFFFFF, v5  }
0x7: {  	vm4 =	vmmov $0x1f;
	[tilespmem:$0x1FF40] =	vst v5;
	v5 =	vimm.s32 $0x0  }
0x8: {  	v5 =	vsel vm4, $0xFFFFFFFF, v5  }
0x9: {  	vm5 =	vmmov $0x3f;
	[tilespmem:$0x1FF50] =	vst v5;
	v5 =	vimm.s32 $0x0  }
0xa: {  	v5 =	vsel vm5, $0xFFFFFFFF, v5  }
0xb: {  	vm13 =	vmmov $0x7f;
	[tilespmem:$0x1FF60] =	vst v5;
	v5 =	vimm.s32 $0x0  }
0xc: {  	v5 =	vsel vm13, $0xFFFFFFFF, v5  }
0xd: {  	vm7 =	vmmov $0xff;
	[tilespmem:$0x1FF70] =	vst v5;
	v5 =	vimm.s32 $0x0  }
0xe: {  	v5 =	vsel vm7, $0xFFFFFFFF, v5  }
0xf: {  	vm8 =	vmmov $0x1ff;
	[tilespmem:$0x1FF80] =	vst v5;
	v5 =	vimm.s32 $0x0  }
0x10: {  	v5 =	vsel vm8, $0xFFFFFFFF, v5  }
0x11: {  	vm9 =	vmmov $0x3ff;
	[tilespmem:$0x1FF90] =	vst v5;
	v5 =	vimm.s32 $0x0  }
0x12: {  	v5 =	vsel vm9, $0xFFFFFFFF, v5  }
0x13: {  	vm14 =	vmmov $0x7ff;
	[tilespmem:$0x1FFA0] =	vst v5;
	v5 =	vimm.s32 $0x0  }
0x14: {  	v5 =	vsel vm14, $0xFFFFFFFF, v5  }
0x15: {  	s0 =	srdreg.scid;
	vm11 =	vmmov $0xfff;
	[tilespmem:$0x1FFB0] =	vst v5;
	v5 =	vimm.s32 $0x0  }
0x16: {  	s7 =	stileid.u32;
	s0 =	sand.u32 $0x1, s0;
	v5 =	vsel vm11, $0xFFFFFFFF, v5  }
0x17: {  	vm12 =	vmmov $0x1fff;
	s28 =	sshll.u32 s7, $0x3;
	s29 =	sshll.u32 s7, $0xF;
	s3 =	ssub.s32 $0x2, s0;
	[tilespmem:$0x1FFC0] =	vst v5;
	v5 =	vimm.s32 $0x0  }
0x18: {  	v0 =	vlaneseq.u32;
	s5 =	sshll.u32 s0, $0x2;
	s0 =	sshll.u32 s0, $0x6;
	s30 =	sadd.s32 s1, s29;
	v5 =	vsel vm12, $0xFFFFFFFF, v5  }
.Ltmp0:
0x19: {  	vm0 =	vmmov $0x1;
	vm15 =	vmmov $0x3fff;
	s4 =	sshrl.u32 s3, $0x1;
	s0 =	sadd.s32 s6, s0;
	[tilespmem:$0x1FFD0] =	vst v5;
	v5 =	vimm.s32 $0x0;
	(pc) =	sbr.rel .LBB2_1-.Ltmp0, $4  }
0x1a: {  	v3 =	vimm.s32 $0x0;
	vm6 =	vmmov $0x7fff;
	[dreg:$0x5] =	wrdreg s30;
	s3 =	ssub.s32 s3, s4;
	s4 =	sor.u32 s5, s28;
	v5 =	vsel vm15, $0xFFFFFFFF, v5  }
0x1b: {  	v2 =	vmul.u32 $0xFFFFFFFF, v0;
	v3 =	vsel vm0, $0xFFFFFFFF, v3;
	s0 =	sadd.s32 s29, s0;
	[dreg:$0x3] =	wrdreg s4;
	[tilespmem:$0x1FFE0] =	vst v5;
	v5 =	vimm.s32 $0x0  }
0x1c: {  	v1 =	vimm.s32 $0x0;
	[tilespmem:$0x1FF10] =	vst v3;
	[dreg:$0x4] =	wrdreg s0;
	s31 =	smax.u32 s3, $0x1;
	v5 =	vsel vm6, $0xFFFFFFFF, v5  }
0x1d: {  	s11 =	simm.s32 $0x18080;
	v4 =	vimm.f32 $0.0e+00;
	v3 =	vimm.f32 $+Inf;
	v2 =	vadd.s32 $0xF, v2;
	s3 =	simm.s32 $0x0;
	[dreg:$0x6] =	wrdreg s31;
	[tilespmem:$0x1FFF0] =	vst v5  }
.LBB2_107:
0x1e: {  	s1 =	simm.s32 $0x2  }
0x1f: {  	_ =	swait.ge [sflag:s1], $0x8000  }
0x20: {  	s3 =	rddreg [dreg:$0x7]  }
0x21: {  	s0 =	rddreg [dreg:$0x6];
	s3 =	sadd.s32 $0x1, s3  }
0x22: {  	p0 =	sne.s32 s3, s0  }
.Ltmp1:
0x23: {  	_ = 	snop;
	(pc) =	sbr.rel @!p0 .LBB2_108-.Ltmp1, $3  }
0x24: {  	_ =	sdelay $0x1  }
0x25: {  	[sflag:s1] =	ssyncset.done $0x0  }
0x26: {  	[sflag:s1] =	ssyncadd.s32 $0xFFFF8000  }
.LBB2_1:
.Ltmp2:
0x27: {  	(pc) =	sbr.rel .LBB2_2-.Ltmp2, $4  }
0x28: {  	[dreg:$0x7] =	wrdreg s3  }
0x29: {  	s0 =	rddreg [dreg:$0x4];
	s1 =	simm.s32 $0x80  }
0x2a: {  	s31 =	simm.s32 $0x400;
	p1 =	por $0x0, $0x0;
	s3 =	simm.s32 $0x0  }
0x2b: {  	[tilespmem:s2], [sflag:$0x1] =	stream.strided.gather [hbm4b:s0+s1], $0x8000, s31, s1, $0x38;
	[tilespmem:$0x18B80] =	vst v63  }
.LBB2_101:
0x2c: {  	s1 =	simm.s32 $0x0  }
.LBB2_105:
0x2d: {  	s1 =	sadd.s32 @p0 $0x10, s1  }
0x2e: {  	s0 =	smov.u32 @p0 s1  }
0x2f: {  	v8 =	vor.u32 s0, v0  }
0x30: {  	v6 =	vand.u32 $0x7FFF, v6;
	vm0 =	vlt.s32 v8, v7  }
0x31: {  	v5 =	vor.u32 v5, v6;
	_ =	sdelay $0x4  }
0x32: {  	[tilespmem:v5+s2+$0x0] =	vst.idx.msk vm0, v4  }
.LBB2_106:
0x33: {  	s0 =	rddreg [dreg:$0x5];
	s1 =	simm.s32 $0x80  }
0x34: {  	s3 =	simm.s32 $0x400;
	s30 =	rddreg [dreg:$0x8];
	s0 =	sadd.s32 s10, s0  }
0x35: {  	[hbm4b:s0+s1] =	stream.strided.scatter [tilespmem:s9], [sflag:$0x2], $0x8000, s3, s1, $0x38;
	[tilespmem:$0x18B80] =	vst v63  }
0x36: {  	s3 =	sadd.s32 $0x1, s30  }
0x37: {  	p0 =	sne.s32 s3, $0x4  }
.Ltmp3:
0x38: {  	s31 =	sld [smem:$0x7FD];
	(pc) =	sbr.rel @!p0 .LBB2_107-.Ltmp3, $3  }
0x39: {  	_ =	sdelay $0x1  }
0x3a: {  	p1 =	seq.s32 s31, $0x1  }
0x3b: {  	p1 =	por !p1, !p1  }
.LBB2_2:
0x3c: {  	s0 =	simm.s32 $0x1  }
0x3d: {  	_ =	swait.ge [sflag:s0], $0x8000  }
0x3e: {  	[sflag:s0] =	ssyncset.done $0x0  }
0x3f: {  	[sflag:s0] =	ssyncadd.s32 $0xFFFF8000  }
0x40: {  	[tilespmem:$0x18080] =	vst v1  }
0x41: {  	[tilespmem:$0x18090] =	vst v1  }
0x42: {  	[tilespmem:$0x180A0] =	vst v1  }
0x43: {  	[tilespmem:$0x180B0] =	vst v1  }
0x44: {  	[tilespmem:$0x180C0] =	vst v1  }
0x45: {  	[tilespmem:$0x180D0] =	vst v1  }
0x46: {  	[tilespmem:$0x180E0] =	vst v1  }
0x47: {  	[tilespmem:$0x180F0] =	vst v1  }
0x48: {  	[tilespmem:$0x18100] =	vst v1  }
0x49: {  	[tilespmem:$0x18110] =	vst v1  }
0x4a: {  	[tilespmem:$0x18120] =	vst v1  }
0x4b: {  	[tilespmem:$0x18130] =	vst v1  }
0x4c: {  	s0 =	simm.s32 $0x1;
	[tilespmem:$0x18140] =	vst v1  }
0x4d: {  	s1 =	simm.s32 @!p1 $0x0;
	s0 =	simm.s32 @!p1 $0x0;
	[tilespmem:$0x18150] =	vst v1  }
0x4e: {  	s1 =	simm.s32 @p1 $0x1;
	[tilespmem:$0x18160] =	vst v1;
	s0 =	sshll.u32 s0, $0xF  }
0x4f: {  	[smem:$0x7FD] =	sst s1;
	[tilespmem:$0x18170] =	vst v1;
	s15 =	sor.u32 $0x40, s0  }
0x50: {  	v5 =	vld [tilespmem:s15+$0xFFFFFFD0];
	_ =	sdelay $0x4  }
0x51: {  	v8 =	vshrl.u32 v5, $0x18  }
0x52: {  	v6 =	vld [tilespmem:s15+$0xFFFFFFC0];
	vm0 =	vlt.s32 v5, $0x0;
	v5 =	vxor.u32 $0xFF, v8;
	v8 =	vadd.s32 $0x80, v8  }
0x53: {  	v23 =	vsel vm0, v5, v8  }
0x54: {  	v7 =	vld [tilespmem:s15+$0x10];
	(xrf1) =	vunique.msk.u32 $0xffff, v23;
	_ =	sdelay $0x1  }
0x55: {  	v5 =	vld [tilespmem:s15+$0xFFFFFFE0]  }
0x56: {  	v11 =	vshrl.u32 v6, $0x18  }
0x57: {  	v9 =	vld [tilespmem:s15+$0x20];
	vm0 =	vlt.s32 v6, $0x0;
	v6 =	vxor.u32 $0xFF, v11;
	v11 =	vadd.s32 $0x80, v11  }
0x58: {  	v8 =	vshrl.u32 v7, $0x18;
	v6 =	vsel vm0, v6, v11  }
0x59: {  	v13 =	vld [tilespmem:s15+$0x0];
	v12 =	vxor.u32 $0xFF, v8;
	v8 =	vadd.s32 $0x80, v8;
	(xrf1) =	vunique.msk.u32 $0xffff, v6  }
0x5a: {  	v10 =	vld [tilespmem:s15+$0x30];
	vm0 =	vlt.s32 v7, $0x0;
	vm1 =	vlt.s32 v5, $0x0;
	v5 =	vshrl.u32 v5, $0x18  }
0x5b: {  	v11 =	vld [tilespmem:s15+$0xFFFFFFF0];
	v7 =	vsel vm0, v12, v8;
	v8 =	vxor.u32 $0xFF, v5;
	v5 =	vadd.s32 $0x80, v5  }
0x5c: {  	v12 =	vshrl.u32 v9, $0x18;
	v5 =	vsel vm1, v8, v5  }
0x5d: {  	s18 =	sadd.s32 $0x80, s15;
	(xrf1) =	vunique.msk.u32 $0xffff, v7;
	v8 =	vxor.u32 $0xFF, v12;
	vm1 =	vlt.s32 v9, $0x0;
	v9 =	vadd.s32 $0x80, v12  }
0x5e: {  	v14 =	vld [tilespmem:s18+$0xFFFFFFD0];
	v15 =	vshrl.u32 v13, $0x18;
	vm2 =	vlt.s32 v13, $0x0;
	v9 =	vsel vm1, v8, v9;
	(xrf1) =	vunique.msk.u32 $0xffff, v5  }
0x5f: {  	vm0 =	vlt.s32 v10, $0x0;
	v8 =	vxor.u32 $0xFF, v15;
	v15 =	vadd.s32 $0x80, v15;
	(xrf1) =	vunique.msk.u32 $0xffff, v9  }
0x60: {  	v13 =	vld [tilespmem:s18+$0xFFFFFFC0];
	vm1 =	vlt.s32 v11, $0x0;
	v11 =	vshrl.u32 v11, $0x18;
	v8 =	vsel vm2, v8, v15  }
0x61: {  	v10 =	vshrl.u32 v10, $0x18;
	v12 =	vld [tilespmem:s18+$0x10];
	v16 =	vxor.u32 $0xFF, v11;
	v11 =	vadd.s32 $0x80, v11;
	_, v24, vm2 =	vpop (xrf1);
	(xrf1) =	vunique.msk.u32 $0xffff, v8  }
0x62: {  	v17 =	vxor.u32 $0xFF, v10;
	v15 =	vadd.s32 $0x80, v10;
	v10 =	vsel vm1, v16, v11  }
0x63: {  	v18 =	vshrl.u32 v14, $0x18;
	v11 =	vsel vm0, v17, v15;
	(xrf1) =	vunique.msk.u32 $0xffff, v10  }
0x64: {  	v15 =	vld [tilespmem:s18+$0xFFFFFFE0];
	vm0 =	vlt.s32 v14, $0x0;
	v14 =	vxor.u32 $0xFF, v18;
	v16 =	vadd.s32 $0x80, v18;
	(xrf1) =	vunique.msk.u32 $0xffff, v11  }
0x65: {  	v17 =	vshrl.u32 v13, $0x18;
	v14 =	vsel vm0, v14, v16;
	vm0 =	vlt.s32 v13, $0x0  }
0x66: {  	v21 =	vld [tilespmem:s18+$0x20];
	v18 =	vxor.u32 $0xFF, v17;
	v17 =	vadd.s32 $0x80, v17;
	v16 =	vshrl.u32 v12, $0x18  }
0x67: {  	v22 =	vxor.u32 $0xFF, v16;
	v25 =	vadd.s32 $0x80, v16;
	v16 =	vsel vm0, v18, v17;
	v17 =	vld [tilespmem:s18+$0x30];
	_, v19, vm1 =	vpop (xrf1);
	(xrf1) =	vunique.msk.u32 $0xffff, v14;
	_ =	sdelay $0x1  }
0x68: {  	s31 =	sand.u32 $0x1, s3;
	v20 =	vld [tilespmem:s18+$0x0];
	vm0 =	vlt.s32 v12, $0x0;
	vm3 =	vlt.s32 v15, $0x0;
	v15 =	vshrl.u32 v15, $0x18;
	(xrf1) =	vunique.msk.u32 $0xffff, v16  }
0x69: {  	s6 =	sshll.u32 s31, $0xF;
	v13 =	vld [tilespmem:s18+$0xFFFFFFF0];
	v12 =	vxor.u32 $0xFF, v15;
	v26 =	vadd.s32 $0x80, v15;
	v15 =	vsel vm0, v22, v25  }
0x6a: {  	s19 =	sor.u32 $0x100, s0;
	s0 =	simm.s32 $0x8;
	s1 =	sadd.s32 $0x80, s18;
	v22 =	vshrl.u32 v21, $0x18;
	_, v18, vm0 =	vpop (xrf1);
	v12 =	vsel vm3, v12, v26;
	(xrf1) =	vunique.msk.u32 $0xffff, v15;
	[tilespmem:v23+s11+$0x0] =	vst.idx.add.s32.msk vm2, v24  }
.LBB2_3:
0x6b: {  	v23 =	vld [tilespmem:s1+$0xFFFFFFD0];
	s0 =	sadd.s32 $0x8, s0;
	v24 =	vxor.u32 $0xFF, v22;
	vm5 =	vlt.s32 v17, $0x0;
	_, v25, vm2 =	vpop (xrf1);
	v26 =	vmov v14  }
0x6c: {  	vm3 =	vlt.s32 v21, $0x0;
	v14 =	vadd.s32 $0x80, v22;
	v21 =	vshrl.u32 v17, $0x18;
	p0 =	slt.u32 s0, $0x7F8;
	[tilespmem:v6+s11+$0x0] =	vst.idx.add.s32.msk vm1, v19;
	_, v19, vm1 =	vpop (xrf1)  }
0x6d: {  	v17 =	vshrl.u32 v20, $0x18;
	vm4 =	vlt.s32 v20, $0x0;
	v24 =	vsel vm3, v24, v14;
	v6 =	vmovc v16;
	v22 =	vld [tilespmem:s1+$0x10];
	(xrf1) =	vunique.msk.u32 $0xffff, v12  }
0x6e: {  	vm6 =	vlt.s32 v13, $0x0;
	v14 =	vxor.u32 $0xFF, v17;
	v17 =	vadd.s32 $0x80, v17;
	v16 =	vld [tilespmem:s1+$0xFFFFFFC0];
	(xrf1) =	vunique.msk.u32 $0xffff, v24;
	_, v27, vm3 =	vpop (xrf1)  }
0x6f: {  	v20 =	vshrl.u32 v13, $0x18;
	v28 =	vsel vm4, v14, v17;
	v14 =	vadd.s32 $0x80, v21;
	v13 =	vld [tilespmem:s1+$0xFFFFFFF0]  }
0x70: {  	v29 =	vxor.u32 $0xFF, v20;
	v20 =	vadd.s32 $0x80, v20;
	v21 =	vxor.u32 $0xFF, v21;
	v17 =	vld [tilespmem:s1+$0x30];
	(xrf1) =	vunique.msk.u32 $0xffff, v28;
	_, v30, vm4 =	vpop (xrf1)  }
0x71: {  	v29 =	vsel vm6, v29, v20;
	v32 =	vsel vm5, v21, v14;
	v31 =	vshrl.u32 v23, $0x18;
	[tilespmem:v7+s11+$0x0] =	vst.idx.add.s32.msk vm0, v18;
	_, v33, vm5 =	vpop (xrf1)  }
0x72: {  	vm0 =	vlt.s32 v23, $0x0;
	v14 =	vxor.u32 $0xFF, v31;
	v18 =	vadd.s32 $0x80, v31;
	v7 =	vmovc v15;
	v23 =	vld [tilespmem:s1+$0xFFFFFFE0];
	(xrf1) =	vunique.msk.u32 $0xffff, v29  }
0x73: {  	v14 =	vsel vm0, v14, v18;
	v15 =	vshrl.u32 v22, $0x18;
	v20 =	vld [tilespmem:s1+$0x0];
	(xrf1) =	vunique.msk.u32 $0xffff, v32  }
0x74: {  	v18 =	vshrl.u32 v16, $0x18;
	v31 =	vxor.u32 $0xFF, v15;
	v15 =	vadd.s32 $0x80, v15;
	_, v34, vm6 =	vpop (xrf1);
	[tilespmem:v9+s11+$0x0] =	vst.idx.add.s32.msk vm1, v19  }
0x75: {  	vm0 =	vlt.s32 v16, $0x0;
	v16 =	vxor.u32 $0xFF, v18;
	v35 =	vadd.s32 $0x80, v18;
	v9 =	vmovc v24;
	v21 =	vld [tilespmem:s1+$0x20]  }
.Ltmp4:
0x76: {  	v16 =	vsel vm0, v16, v35;
	(xrf1) =	vunique.msk.u32 $0xffff, v14;
	_, v19, vm1 =	vpop (xrf1);
	[tilespmem:v8+s11+$0x0] =	vst.idx.add.s32.msk vm3, v27;
	v8 =	vmov v28;
	(pc) =	sbr.rel @p0 .LBB2_3-.Ltmp4, $4  }
0x77: {  	vm3 =	vlt.s32 v23, $0x0;
	[tilespmem:v5+s11+$0x0] =	vst.idx.add.s32.msk vm2, v25;
	v5 =	vmov v12  }
0x78: {  	v12 =	vshrl.u32 v23, $0x18;
	vm2 =	vlt.s32 v22, $0x0;
	(xrf1) =	vunique.msk.u32 $0xffff, v16;
	_, v18, vm0 =	vpop (xrf1);
	[tilespmem:v10+s11+$0x0] =	vst.idx.add.s32.msk vm4, v30  }
0x79: {  	v22 =	vxor.u32 $0xFF, v12;
	v12 =	vadd.s32 $0x80, v12;
	v15 =	vsel vm2, v31, v15;
	v10 =	vmovc v29;
	[tilespmem:v11+s11+$0x0] =	vst.idx.add.s32.msk vm5, v33  }
0x7a: {  	s1 =	sadd.s32 $0x80, s1;
	v12 =	vsel vm3, v22, v12;
	v11 =	vmovc v32;
	v22 =	vshrl.u32 v21, $0x18;
	(xrf1) =	vunique.msk.u32 $0xffff, v15;
	[tilespmem:v26+s11+$0x0] =	vst.idx.add.s32.msk vm6, v34  }
0x7b: {  	v23 =	vxor.u32 $0xFF, v22;
	vm2 =	vlt.s32 v17, $0x0;
	vm3 =	vlt.s32 v21, $0x0  }
0x7c: {  	v52 =	vadd.s32 $0x80, v22;
	v53 =	vshrl.u32 v20, $0x18;
	vm4 =	vlt.s32 v20, $0x0  }
0x7d: {  	v56 =	vshrl.u32 v17, $0x18;
	v57 =	vshrl.u32 v13, $0x18;
	v54 =	vsel vm3, v23, v52  }
0x7e: {  	(xrf1) =	vunique.msk.u32 $0xffff, v12;
	v55 =	vxor.u32 $0xFF, v53;
	v22 =	vadd.s32 $0x80, v53;
	vm3 =	vlt.s32 v13, $0x0  }
0x7f: {  	v58 =	vxor.u32 $0xFF, v57;
	v59 =	vadd.s32 $0x80, v57;
	(xrf1) =	vunique.msk.u32 $0xffff, v54;
	v21 =	vsel vm4, v55, v22  }
0x80: {  	v60 =	vadd.s32 $0x80, v56;
	v17 =	vxor.u32 $0xFF, v56;
	v13 =	vsel vm3, v58, v59;
	(xrf1) =	vunique.msk.u32 $0xffff, v21  }
0x81: {  	v17 =	vsel vm2, v17, v60;
	(xrf1) =	vunique.msk.u32 $0xffff, v13  }
0x82: {  	(xrf1) =	vunique.msk.u32 $0xffff, v17;
	_ =	sdelay $0x1  }
0x83: {  	_, v61, vm2 =	vpop (xrf1)  }
0x84: {  	_, v62, vm3 =	vpop (xrf1)  }
0x85: {  	_, v24, vm4 =	vpop (xrf1)  }
0x86: {  	_, v25, vm5 =	vpop (xrf1)  }
0x87: {  	[tilespmem:v6+s11+$0x0] =	vst.idx.add.s32.msk vm1, v19;
	_, v26, vm6 =	vpop (xrf1)  }
0x88: {  	[tilespmem:v7+s11+$0x0] =	vst.idx.add.s32.msk vm0, v18;
	_, v6, vm1 =	vpop (xrf1)  }
0x89: {  	[tilespmem:v5+s11+$0x0] =	vst.idx.add.s32.msk vm2, v61;
	_, v7, vm0 =	vpop (xrf1)  }
0x8a: {  	[tilespmem:v9+s11+$0x0] =	vst.idx.add.s32.msk vm3, v62;
	_, v9, vm3 =	vpop (xrf1)  }
0x8b: {  	[tilespmem:v8+s11+$0x0] =	vst.idx.add.s32.msk vm4, v24;
	_, v8, vm4 =	vpop (xrf1)  }
0x8c: {  	[tilespmem:v10+s11+$0x0] =	vst.idx.add.s32.msk vm5, v25;
	_, v5, vm2 =	vpop (xrf1)  }
0x8d: {  	[tilespmem:v11+s11+$0x0] =	vst.idx.add.s32.msk vm6, v26;
	_, v10, vm5 =	vpop (xrf1)  }
0x8e: {  	[tilespmem:v14+s11+$0x0] =	vst.idx.add.s32.msk vm1, v6;
	_, v6, vm1 =	vpop (xrf1)  }
0x8f: {  	[tilespmem:v16+s11+$0x0] =	vst.idx.add.s32.msk vm0, v7;
	_, v7, vm0 =	vpop (xrf1)  }
0x90: {  	[tilespmem:v15+s11+$0x0] =	vst.idx.add.s32.msk vm3, v9  }
0x91: {  	[tilespmem:v12+s11+$0x0] =	vst.idx.add.s32.msk vm4, v8  }
0x92: {  	[tilespmem:v54+s11+$0x0] =	vst.idx.add.s32.msk vm2, v5  }
0x93: {  	[tilespmem:v21+s11+$0x0] =	vst.idx.add.s32.msk vm5, v10  }
0x94: {  	p0 =	seq.s32 s3, $0x0;
	[tilespmem:v13+s11+$0x0] =	vst.idx.add.s32.msk vm1, v6  }
0x95: {  	s1 =	simm.s32 @!p0 $0x2;
	[tilespmem:v17+s11+$0x0] =	vst.idx.add.s32.msk vm0, v7  }
0x96: {  	_ =	swait.ge @!p0 [sflag:s1], $0x8000  }
0x97: {  	p1 =	seq.s32 @!p0 s3, $0x3;
	s0 =	rddreg [dreg:$0x3]  }
0x98: {  	p1 =	por p0, !p1;
	[sflag:s1] =	ssyncset.done @!p0 $0x0;
	s0 =	sadd.s32 s0, s3  }
0x99: {  	[sflag:s1] =	ssyncadd.s32 @!p0 $0xFFFF8000;
	s1 =	sadd.s32 @p1 $0x1, s0  }
0x9a: {  	s17 =	simm.s32 $0x18170;
	[dreg:$0x8] =	wrdreg s3;
	s3 =	sshll.u32 @p1 s1, $0x4  }
0x9b: {  	s4 =	rddreg @p1 [dreg:$0x0];
	s1 =	sshll.u32 @p1 s1, $0xC;
	s3 =	sand.u32 @p1 $0x70, s3  }
0x9c: {  	s5 =	simm.s32 @p1 $0x400;
	s1 =	sand.u32 @p1 $0xFFF8000, s1;
	s3 =	sadd.s32 @p1 s4, s3  }
0x9d: {  	s4 =	sxor.u32 @p1 $0x8000, s6;
	s1 =	sadd.s32 @p1 s1, s3;
	s3 =	simm.s32 @p1 $0x80  }
0x9e: {  	[tilespmem:s4], [sflag:$0x1] =	stream.strided.gather @p1 [hbm4b:s1+s3], $0x8000, s5, s3, $0x38;
	[tilespmem:$0x18B80] =	vst v63  }
0x9f: {  	v5 =	vld [tilespmem:s17+$0x0];
	_ =	sdelay $0x4  }
0xa0: {  	v5 =	vperm.xlane v5, v2;
	_ =	sdelay $0x1  }
0xa1: {  	(xrf0) =	vadd.scan.msk.s32 $0xffff, v5;
	_ =	sdelay $0x5  }
0xa2: {  	s22 =	simm.s32 $0x0;
	v6, _, _ =	vpop (xrf0)  }
0xa3: {  	v6 =	vadd.s32 s22, v6  }
0xa4: {  	(v2sf) =	vpush v6, $0xF  }
0xa5: {  	s20 =	simm.s32 $0x18160  }
0xa6: {  	v7 =	vld [tilespmem:s20+$0x0];
	_ =	sdelay $0x1  }
0xa7: {  	vm0 =	vgt.s32 v6, $0xFF  }
0xa8: {  	v8 =	vsel vm0, $0x1, v1;
	v9 =	vmctz.xlane vm0  }
0xa9: {  	v8 =	vor.u32 $0x80000000, v8  }
0xaa: {  	v7 =	vperm.xlane v7, v2;
	v9 =	vxor.u32 $0x80000000, v9;
	(xrf0) =	vmax.scan.msk.u32 $0xffff, v8  }
0xab: {  	(xrf0) =	vmax.scan.msk.u32 $0xffff, v9  }
0xac: {  	(xrf0) =	vadd.scan.msk.s32 $0xffff, v7;
	_ =	sdelay $0x3  }
0xad: {  	v8, _, _ =	vpop (xrf0)  }
0xae: {  	v9, _, _ =	vpop (xrf0)  }
0xaf: {  	v10, _, _ =	vpop (xrf0);
	s21 =	spop (v2sf)  }
0xb0: {  	v10 =	vadd.s32 s21, v10  }
0xb1: {  	(v2sf) =	vpush v8, $0xF;
	vm0 =	vgt.s32 v10, $0xFF  }
0xb2: {  	(v2sf) =	vpush v9, $0xF;
	v8 =	vsel vm0, $0x1, v1;
	v9 =	vmctz.xlane vm0  }
0xb3: {  	v8 =	vor.u32 $0x80000000, v8  }
0xb4: {  	v9 =	vxor.u32 $0x80000000, v9;
	(xrf0) =	vmax.scan.msk.u32 $0xffff, v8  }
0xb5: {  	(v2sf) =	vpush v10, $0xF;
	(xrf0) =	vmax.scan.msk.u32 $0xffff, v9  }
0xb6: {  	s23 =	simm.s32 $0x18150  }
0xb7: {  	v8 =	vld [tilespmem:s23+$0x0];
	_ =	sdelay $0x2  }
0xb8: {  	v9, _, _ =	vpop (xrf0)  }
0xb9: {  	(v2sf) =	vpush v9, $0xF;
	v9, _, _ =	vpop (xrf0)  }
0xba: {  	v8 =	vperm.xlane v8, v2;
	(v2sf) =	vpush v9, $0xF;
	_ =	sdelay $0x1  }
0xbb: {  	(xrf0) =	vadd.scan.msk.s32 $0xffff, v8;
	_ =	sdelay $0x2  }
0xbc: {  	s24 =	spop (v2sf)  }
0xbd: {  	s25 =	spop (v2sf)  }
0xbe: {  	s26 =	sxor.u32 $0x80000000, s25  }
0xbf: {  	s28 =	spop (v2sf);
	v9 =	vmov s26;
	v11, _, _ =	vpop (xrf0)  }
0xc0: {  	s0 =	sshll.u32 s0, $0x4;
	v6 =	vxor.u32 $0x80000000, v6;
	vm0 =	veq.s32 v9, v0;
	v9 =	vadd.s32 s28, v11  }
0xc1: {  	s0 =	sand.u32 $0x70, s0;
	v5 =	vxor.u32 $0x80000000, v5;
	v6 =	vnsel vm0, $0x80000000, v6;
	vm1 =	vgt.s32 v9, $0xFF  }
0xc2: {  	[dreg:$0xa] =	wrdreg s0;
	s0 =	simm.s32 $0x18140;
	v5 =	vnsel vm0, $0x80000000, v5;
	(xrf0) =	vmax.scan.msk.u32 $0xffff, v6;
	v6 =	vsel vm1, $0x1, v1  }
0xc3: {  	(xrf0) =	vmax.scan.msk.u32 $0xffff, v5;
	v5 =	vor.u32 $0x80000000, v6;
	v6 =	vld [tilespmem:s0+$0x0];
	_ =	sdelay $0x1  }
0xc4: {  	v11 =	vmctz.xlane vm1;
	s29 =	spop (v2sf)  }
0xc5: {  	s30 =	spop (v2sf)  }
0xc6: {  	v11 =	vxor.u32 $0x80000000, v11;
	(xrf0) =	vmax.scan.msk.u32 $0xffff, v5;
	s31 =	sxor.u32 $0x80000000, s30  }
0xc7: {  	(xrf0) =	vmax.scan.msk.u32 $0xffff, v11;
	v11 =	vxor.u32 $0x80000000, v7;
	v63 =	vperm.xlane v6, v2;
	v7 =	vmov s31  }
0xc8: {  	v10 =	vxor.u32 $0x80000000, v10;
	vm0 =	veq.s32 v7, v0  }
0xc9: {  	v5, _, _ =	vpop (xrf0);
	(v2sf) =	vpush v9, $0xF;
	(xrf0) =	vadd.scan.msk.s32 $0xffff, v63;
	v7 =	vxor.u32 $0x80000000, v9;
	v9 =	vnsel vm0, $0x80000000, v10  }
0xca: {  	(v2sf) =	vpush v5, $0xF;
	v5, _, _ =	vpop (xrf0);
	(xrf0) =	vmax.scan.msk.u32 $0xffff, v9;
	v9 =	vld [tilespmem:$0x1FF30];
	_ =	sdelay $0x4  }
0xcb: {  	vm2 =	vnez.u8 v9;
	v9 =	vld [tilespmem:$0x1FF40];
	_ =	sdelay $0x4  }
0xcc: {  	vm3 =	vnez.u8 v9;
	v9 =	vld [tilespmem:$0x1FF50];
	_ =	sdelay $0x4  }
0xcd: {  	vm4 =	vnez.u8 v9;
	v9 =	vld [tilespmem:$0x1FF60]  }
0xce: {  	(v2sf) =	vpush v5, $0xF  }
0xcf: {  	s13 =	simm.s32 $0x800000DF;
	s12 =	simm.s32 $0x800000CF  }
0xd0: {  	p5 =	por $0x1, $0x1;
	s8 =	simm.s32 $0x800000BF;
	s7 =	simm.s32 $0x800000AF  }
0xd1: {  	s9 =	simm.s32 $0x8000008F;
	[dreg:$0x9] =	wrdreg s6;
	p1 =	seq.s32 s24, $0x80000001  }
0xd2: {  	s4 =	simm.s32 $0x0;
	s23 =	simm.s32 $0x0;
	p0 =	por !p5, !p1;
	v5, _, _ =	vpop (xrf0);
	vm5 =	vnez.u8 v9;
	v9 =	vld [tilespmem:$0x1FFF0]  }
0xd3: {  	s1 =	ssub.s32 $0x800000FF, s25;
	s4 =	simm.s32 @p1 $0x1;
	p0 =	por !p0, !p0;
	v6 =	vxor.u32 $0x80000000, v8;
	(v2sf) =	vpush v5, $0xF;
	v8, _, _ =	vpop (xrf0)  }
0xd4: {  	p2 =	seq.s32 s4, $0x0;
	s23 =	smov.u32 @p0 s1;
	p3 =	seq.s32 s29, $0x80000001;
	(v2sf) =	vpush v8, $0xF  }
0xd5: {  	s1 =	simm.s32 $0x8000009F;
	p1 =	por p0, p0;
	p6 =	por !p2, !p3  }
0xd6: {  	s4 =	simm.s32 @p3 $0x1;
	s3 =	ssub.s32 $0x800000EF, s30;
	p2 =	por !p6, !p6  }
0xd7: {  	v5 =	vxor.u32 $0x80000000, v63;
	p0 =	seq.s32 s4, $0x0;
	s23 =	smov.u32 @p2 s3;
	s3 =	simm.s32 $0x8000007F;
	v8 =	vnsel vm0, $0x80000000, v11;
	vm6 =	vnez.u8 v9  }
.LBB2_5:
0xd8: {  	p3 =	sne.s32 s3, $0x8000000F;
	v9, _, _ =	vpop (xrf0);
	s5 =	spop (v2sf);
	(xrf0) =	vmax.scan.msk.u32 $0xffff, v8  }
0xd9: {  	v8 =	vadd.s32 s5, v9  }
0xda: {  	vm0 =	vgt.s32 v8, $0xFF;
	v9 =	vxor.u32 $0x80000000, v8;
	(v2sf) =	vpush v8, $0xF  }
0xdb: {  	s0 =	sadd.s32 $0xFFFFFFF0, s0;
	v13 =	vsel vm0, $0x1, v1;
	v10 =	vmctz.xlane vm0  }
0xdc: {  	v11 =	vld [tilespmem:s0+$0x0];
	v12 =	vor.u32 $0x80000000, v13;
	s5 =	spop (v2sf)  }
0xdd: {  	v10 =	vxor.u32 $0x80000000, v10;
	(xrf0) =	vmax.scan.msk.u32 $0xffff, v12;
	v8, _, _ =	vpop (xrf0);
	s5 =	sxor.u32 $0x80000000, s5;
	s6 =	spop (v2sf)  }
0xde: {  	(xrf0) =	vmax.scan.msk.u32 $0xffff, v10;
	(v2sf) =	vpush v8, $0xF;
	v8, _, _ =	vpop (xrf0);
	s6 =	sxor.u32 $0x80000000, s6  }
0xdf: {  	(v2sf) =	vpush v8, $0xF;
	s5 =	ssub.s32 s5, s6  }
0xe0: {  	s22 =	smov.u32 @p1 s5;
	p1 =	por p2, p2  }
0xe1: {  	v11 =	vperm.xlane v11, v2  }
0xe2: {  	s5 =	spop (v2sf)  }
0xe3: {  	p2 =	seq.s32 s5, $0x80000001;
	s5 =	spop (v2sf)  }
0xe4: {  	v10 =	vxor.u32 $0x80000000, v11;
	(xrf0) =	vadd.scan.msk.s32 $0xffff, v11;
	v8, _, _ =	vpop (xrf0);
	s6 =	sxor.u32 $0x80000000, s5  }
.Ltmp5:
0xe5: {  	(v2sf) =	vpush v8, $0xF;
	v8, _, _ =	vpop (xrf0);
	p4 =	por !p0, !p2;
	s4 =	simm.s32 @p2 $0x1;
	(pc) =	sbr.rel @p3 .LBB2_5-.Ltmp5, $4  }
0xe6: {  	s5 =	ssub.s32 s13, s5;
	p0 =	seq.s32 s4, $0x0;
	(v2sf) =	vpush v8, $0xF;
	v8 =	vmov s6;
	p2 =	por !p4, !p4  }
0xe7: {  	s13 =	smov.u32 s12;
	s12 =	smov.u32 s8;
	vm0 =	veq.s32 v8, v0;
	s23 =	smov.u32 @p2 s5  }
0xe8: {  	s8 =	smov.u32 s7;
	s7 =	smov.u32 s1;
	s1 =	smov.u32 s9;
	v11 =	vnsel vm0, $0x80000000, v7;
	v8 =	vnsel vm0, $0x80000000, v6;
	v7 =	vmovc v9;
	v6 =	vmovc v5;
	v5 =	vmov v10  }
0xe9: {  	s9 =	smov.u32 s3;
	s3 =	sadd.s32 $0xFFFFFFF0, s3;
	(xrf0) =	vmax.scan.msk.u32 $0xffff, v11  }
0xea: {  	v9, _, _ =	vpop (xrf0);
	s3 =	spop (v2sf)  }
0xeb: {  	v9 =	vadd.s32 s3, v9  }
0xec: {  	(v2sf) =	vpush v9, $0xF  }
0xed: {  	s26 =	sadd.s32 $0xFFFFFFF0, s0  }
0xee: {  	v10 =	vld [tilespmem:s26+$0x0];
	_ =	sdelay $0x1  }
0xef: {  	vm0 =	vgt.s32 v9, $0xFF  }
0xf0: {  	v11 =	vsel vm0, $0x1, v1;
	v12 =	vmctz.xlane vm0  }
0xf1: {  	(xrf0) =	vmax.scan.msk.u32 $0xffff, v8;
	v8 =	vor.u32 $0x80000000, v11  }
0xf2: {  	v11 =	vxor.u32 $0x80000000, v12;
	(xrf0) =	vmax.scan.msk.u32 $0xffff, v8;
	v8 =	vperm.xlane v10, v2  }
0xf3: {  	(xrf0) =	vmax.scan.msk.u32 $0xffff, v11  }
0xf4: {  	(xrf0) =	vadd.scan.msk.s32 $0xffff, v8;
	_ =	sdelay $0x1  }
0xf5: {  	s28 =	spop (v2sf);
	v10, _, _ =	vpop (xrf0)  }
0xf6: {  	s21 =	spop (v2sf);
	v11, _, _ =	vpop (xrf0)  }
0xf7: {  	(v2sf) =	vpush v10, $0xF;
	s0 =	spop (v2sf);
	v10, _, _ =	vpop (xrf0)  }
0xf8: {  	(v2sf) =	vpush v11, $0xF;
	s6 =	spop (v2sf);
	v11, _, _ =	vpop (xrf0)  }
0xf9: {  	(v2sf) =	vpush v10, $0xF;
	v10, _, _ =	vpop (xrf0);
	s5 =	spop (v2sf)  }
0xfa: {  	(v2sf) =	vpush v11, $0xF;
	v10 =	vadd.s32 s5, v10  }
0xfb: {  	(v2sf) =	vpush v10, $0xF  }
0xfc: {  	s16 =	sadd.s32 $0xFFFFFFF0, s26;
	s29 =	sxor.u32 $0x80000000, s6  }
0xfd: {  	v12 =	vld [tilespmem:s16+$0x0];
	v11 =	vmov s29  }
0xfe: {  	vm0 =	veq.s32 v11, v0  }
0xff: {  	v7 =	vnsel vm0, $0x80000000, v7;
	vm1 =	vgt.s32 v10, $0xFF  }
0x100: {  	v6 =	vnsel vm0, $0x80000000, v6;
	(xrf0) =	vmax.scan.msk.u32 $0xffff, v7;
	v7 =	vsel vm1, $0x1, v1;
	v11 =	vmctz.xlane vm1  }
0x101: {  	(xrf0) =	vmax.scan.msk.u32 $0xffff, v6;
	v6 =	vor.u32 $0x80000000, v7  }
0x102: {  	v7 =	vxor.u32 $0x80000000, v11;
	(xrf0) =	vmax.scan.msk.u32 $0xffff, v6;
	v6 =	vperm.xlane v12, v2  }
0x103: {  	(xrf0) =	vmax.scan.msk.u32 $0xffff, v7  }
0x104: {  	(xrf0) =	vadd.scan.msk.s32 $0xffff, v6;
	_ =	sdelay $0x1  }
0x105: {  	s24 =	spop (v2sf);
	v7, _, _ =	vpop (xrf0)  }
0x106: {  	s25 =	spop (v2sf);
	v11, _, _ =	vpop (xrf0)  }
0x107: {  	(v2sf) =	vpush v7, $0xF;
	s3 =	spop (v2sf);
	v7, _, _ =	vpop (xrf0)  }
0x108: {  	(v2sf) =	vpush v11, $0xF;
	s10 =	spop (v2sf);
	v11, _, _ =	vpop (xrf0)  }
0x109: {  	(v2sf) =	vpush v7, $0xF;
	v7, _, _ =	vpop (xrf0);
	s30 =	spop (v2sf)  }
0x10a: {  	(v2sf) =	vpush v11, $0xF;
	v7 =	vadd.s32 s30, v7  }
0x10b: {  	(v2sf) =	vpush v7, $0xF  }
0x10c: {  	s16 =	sadd.s32 $0xFFFFFFF0, s16;
	s31 =	sxor.u32 $0x80000000, s10  }
0x10d: {  	v12 =	vld [tilespmem:s16+$0x0];
	v11 =	vmov s31  }
0x10e: {  	v9 =	vxor.u32 $0x80000000, v9;
	vm0 =	veq.s32 v11, v0  }
0x10f: {  	v9 =	vnsel vm0, $0x80000000, v9;
	vm1 =	vgt.s32 v7, $0xFF  }
0x110: {  	v5 =	vnsel vm0, $0x80000000, v5;
	(xrf0) =	vmax.scan.msk.u32 $0xffff, v9;
	v9 =	vsel vm1, $0x1, v1;
	v11 =	vmctz.xlane vm1  }
0x111: {  	(xrf0) =	vmax.scan.msk.u32 $0xffff, v5;
	v5 =	vor.u32 $0x80000000, v9  }
0x112: {  	v9 =	vxor.u32 $0x80000000, v11;
	(xrf0) =	vmax.scan.msk.u32 $0xffff, v5;
	v5 =	vperm.xlane v12, v2  }
0x113: {  	(xrf0) =	vmax.scan.msk.u32 $0xffff, v9  }
0x114: {  	(xrf0) =	vadd.scan.msk.s32 $0xffff, v5;
	_ =	sdelay $0x1  }
0x115: {  	s26 =	spop (v2sf);
	v9, _, _ =	vpop (xrf0)  }
0x116: {  	[dreg:$0xb] =	wrdreg s28;
	s28 =	spop (v2sf);
	(v2sf) =	vpush v9, $0xF;
	v9, _, _ =	vpop (xrf0)  }
0x117: {  	(v2sf) =	vpush v9, $0xF;
	s5 =	spop (v2sf);
	v9, _, _ =	vpop (xrf0)  }
0x118: {  	s17 =	spop (v2sf);
	(v2sf) =	vpush v9, $0xF;
	v9, _, _ =	vpop (xrf0)  }
0x119: {  	(v2sf) =	vpush v9, $0xF;
	v9, _, _ =	vpop (xrf0);
	s29 =	spop (v2sf)  }
0x11a: {  	v9 =	vadd.s32 s29, v9  }
0x11b: {  	(v2sf) =	vpush v9, $0xF  }
0x11c: {  	s16 =	sadd.s32 $0xFFFFFFF0, s16;
	s14 =	sxor.u32 $0x80000000, s17  }
0x11d: {  	v12 =	vld [tilespmem:s16+$0x0];
	v11 =	vmov s14  }
0x11e: {  	v10 =	vxor.u32 $0x80000000, v10;
	vm0 =	veq.s32 v11, v0  }
0x11f: {  	v8 =	vxor.u32 $0x80000000, v8;
	v10 =	vnsel vm0, $0x80000000, v10;
	vm1 =	vgt.s32 v9, $0xFF  }
0x120: {  	v8 =	vnsel vm0, $0x80000000, v8;
	(xrf0) =	vmax.scan.msk.u32 $0xffff, v10;
	v10 =	vsel vm1, $0x1, v1;
	v11 =	vmctz.xlane vm1  }
0x121: {  	(xrf0) =	vmax.scan.msk.u32 $0xffff, v8;
	v8 =	vor.u32 $0x80000000, v10  }
0x122: {  	v10 =	vxor.u32 $0x80000000, v11;
	(xrf0) =	vmax.scan.msk.u32 $0xffff, v8;
	v8 =	vperm.xlane v12, v2  }
0x123: {  	(xrf0) =	vmax.scan.msk.u32 $0xffff, v10  }
0x124: {  	(xrf0) =	vadd.scan.msk.s32 $0xffff, v8  }
0x125: {  	s29 =	spop (v2sf)  }
0x126: {  	v10, _, _ =	vpop (xrf0);
	s30 =	spop (v2sf)  }
0x127: {  	v11, _, _ =	vpop (xrf0);
	s14 =	spop (v2sf)  }
0x128: {  	v12, _, _ =	vpop (xrf0);
	s16 =	spop (v2sf)  }
0x129: {  	v13, _, _ =	vpop (xrf0);
	s31 =	sxor.u32 $0x80000000, s16  }
0x12a: {  	v14 =	vmov s31;
	v15, _, _ =	vpop (xrf0);
	s20 =	spop (v2sf)  }
0x12b: {  	v7 =	vxor.u32 $0x80000000, v7;
	vm0 =	veq.s32 v14, v0;
	v14 =	vadd.s32 s20, v15  }
0x12c: {  	v6 =	vxor.u32 $0x80000000, v6;
	v7 =	vnsel vm0, $0x80000000, v7;
	vm1 =	vgt.s32 v14, $0xFF  }
0x12d: {  	v6 =	vnsel vm0, $0x80000000, v6;
	(xrf0) =	vmax.scan.msk.u32 $0xffff, v7;
	v7 =	vsel vm1, $0x1, v1  }
0x12e: {  	(xrf0) =	vmax.scan.msk.u32 $0xffff, v6;
	v6 =	vor.u32 $0x80000000, v7  }
0x12f: {  	(v2sf) =	vpush v10, $0xF;
	(xrf0) =	vmax.scan.msk.u32 $0xffff, v6;
	v6 =	vmctz.xlane vm1  }
0x130: {  	(v2sf) =	vpush v11, $0xF  }
0x131: {  	(v2sf) =	vpush v12, $0xF;
	v6 =	vxor.u32 $0x80000000, v6  }
0x132: {  	(v2sf) =	vpush v13, $0xF  }
0x133: {  	(v2sf) =	vpush v14, $0xF;
	v7, _, _ =	vpop (xrf0)  }
0x134: {  	(v2sf) =	vpush v7, $0xF;
	(xrf0) =	vmax.scan.msk.u32 $0xffff, v6;
	v6, _, _ =	vpop (xrf0)  }
0x135: {  	(v2sf) =	vpush v6, $0xF;
	v6, _, _ =	vpop (xrf0)  }
0x136: {  	(v2sf) =	vpush v6, $0xF;
	_ =	sdelay $0x3  }
0x137: {  	p3 =	seq.s32 s0, $0x80000001  }
0x138: {  	p0 =	por !p0, !p3  }
0x139: {  	s4 =	simm.s32 @p3 $0x1;
	p6 =	seq.s32 s3, $0x80000001;
	s3 =	simm.s32 @!p0 $0x0  }
0x13a: {  	p4 =	seq.s32 s4, $0x0;
	s4 =	simm.s32 @p6 $0x1;
	s3 =	simm.s32 @p0 $0x1  }
0x13b: {  	p0 =	por !p4, !p6;
	[smem:$0x7F8] =	sst s3;
	s31 =	spop (v2sf)  }
0x13c: {  	p3 =	seq.s32 s5, $0x80000001;
	s5 =	simm.s32 @!p0 $0x0;
	s20 =	spop (v2sf)  }
0x13d: {  	p5 =	seq.s32 s4, $0x0;
	s5 =	simm.s32 @p0 $0x1;
	s0 =	spop (v2sf)  }
0x13e: {  	s4 =	simm.s32 @p3 $0x1;
	p3 =	por !p5, !p3;
	s3 =	spop (v2sf)  }
0x13f: {  	[smem:$0x7F9] =	sst s5;
	p4 =	seq.s32 s14, $0x80000001;
	s5 =	spop (v2sf)  }
0x140: {  	p6 =	seq.s32 s4, $0x0;
	s4 =	simm.s32 @p4 $0x1;
	s14 =	spop (v2sf)  }
0x141: {  	p4 =	por !p6, !p4;
	p0 =	seq.s32 s0, $0x80000001;
	s5 =	spop (v2sf)  }
0x142: {  	p5 =	seq.s32 s4, $0x0;
	s4 =	simm.s32 @p0 $0x1;
	s0 =	spop (v2sf)  }
0x143: {  	p0 =	por !p5, !p0;
	p5 =	seq.s32 s4, $0x0;
	p6 =	seq.s32 s0, $0x80000001  }
0x144: {  	p5 =	por !p5, !p6  }
0x145: {  	v6, _, _ =	vpop (xrf0);
	s0 =	simm.s32 @!p5 $0x0  }
0x146: {  	(v2sf) =	vpush v6, $0xF;
	s0 =	simm.s32 @p5 $0x1  }
0x147: {  	[smem:$0x7FA] =	sst s0  }
0x148: {  	s0 =	ssub.s32 s13, s6;
	s13 =	sld [smem:$0x7F8]  }
0x149: {  	s6 =	sld [smem:$0x7F9];
	_ =	sdelay $0x1  }
0x14a: {  	p6 =	seq.s32 s13, $0x1  }
0x14b: {  	p3 =	por !p3, !p3;
	p5 =	por !p6, !p6;
	p6 =	seq.s32 s6, $0x1  }
0x14c: {  	s23 =	smov.u32 @p5 s0;
	p6 =	por !p6, !p6;
	s0 =	ssub.s32 s12, s10  }
0x14d: {  	s4 =	ssub.s32 s8, s17;
	s23 =	smov.u32 @p6 s0;
	s0 =	simm.s32 @!p3 $0x0  }
0x14e: {  	s0 =	simm.s32 @p3 $0x1;
	s23 =	smov.u32 @p3 s4;
	p3 =	por !p4, !p4  }
0x14f: {  	s6 =	simm.s32 @!p3 $0x0  }
0x150: {  	[smem:$0x7FB] =	sst s0;
	s6 =	simm.s32 @p3 $0x1  }
0x151: {  	v6 =	vld [tilespmem:s19+$0xE0];
	[smem:$0x7FC] =	sst s6  }
0x152: {  	v15 =	vld [tilespmem:s19+$0xF0]  }
0x153: {  	s12 =	sxor.u32 $0x80000000, s3;
	v16 =	vld [tilespmem:s19+$0xB0]  }
0x154: {  	s17 =	sld [smem:$0x7FA];
	s10 =	spop (v2sf);
	v7 =	vmov s12;
	v50 =	vld [tilespmem:s19+$0x10]  }
0x155: {  	v9 =	vxor.u32 $0x80000000, v9;
	s13 =	sxor.u32 $0x80000000, s10;
	vm0 =	veq.s32 v7, v0;
	v53 =	vld [tilespmem:s19+$0x40]  }
0x156: {  	s1 =	ssub.s32 s1, s3;
	s4 =	ssub.s32 s7, s16;
	v10 =	vmov s13;
	v11 =	vnsel vm0, $0x80000000, v9;
	v62 =	vld [tilespmem:s19+$0xFFFFFF10]  }
0x157: {  	v5 =	vxor.u32 $0x80000000, v5;
	p4 =	por !p0, !p0;
	v7 =	vxor.u32 $0x80000000, v14;
	s23 =	smov.u32 @p3 s4;
	vm1 =	veq.s32 v10, v0;
	p3 =	seq.s32 s17, $0x1;
	(xrf0) =	vmax.scan.msk.u32 $0xffff, v11;
	v63 =	vld [tilespmem:s19+$0xFFFFFF20]  }
0x158: {  	v8 =	vxor.u32 $0x80000000, v8;
	s0 =	ssub.s32 s9, s10;
	v12 =	vnsel vm0, $0x80000000, v5;
	s23 =	smov.u32 @p4 s1;
	v13 =	vnsel vm1, $0x80000000, v7;
	p3 =	por !p3, !p3;
	v38 =	vld [tilespmem:s19+$0xFFFFFF40]  }
0x159: {  	v5 =	vnsel vm1, $0x80000000, v8;
	s23 =	smov.u32 @p3 s0;
	v40 =	vld [tilespmem:s19+$0xFFFFFF50];
	vm0 =	vlt.s32 v6, $0x0;
	v6 =	vshrl.u32 v6, $0x18  }
0x15a: {  	v42 =	vld [tilespmem:s19+$0xFFFFFF60];
	v7 =	vmov s23;
	v14 =	vxor.u32 $0xFF, v6;
	v6 =	vadd.s32 $0x80, v6  }
0x15b: {  	(xrf0) =	vmax.scan.msk.u32 $0xffff, v12;
	v10 =	vshrl.u32 v15, $0x18;
	vm1 =	vlt.s32 v15, $0x0;
	v6 =	vsel vm0, v14, v6  }
0x15c: {  	vm0 =	vlt.s32 v16, $0x0;
	v14 =	vshrl.u32 v16, $0x18;
	v27 =	vshrl.u32 v50, $0x18  }
0x15d: {  	v46, _, _ =	vpop (xrf0);
	v58 =	vshrl.u32 v53, $0x18;
	v32 =	vshrl.u32 v62, $0x18;
	v37 =	vshrl.u32 v63, $0x18  }
0x15e: {  	v8 =	vld [tilespmem:s19+$0xC0];
	(xrf0) =	vmax.scan.msk.u32 $0xffff, v13;
	v43 =	vshrl.u32 v38, $0x18;
	v44 =	vshrl.u32 v40, $0x18;
	(v2sf) =	vpush v46, $0xF  }
0x15f: {  	(xrf0) =	vmax.scan.msk.u32 $0xffff, v5;
	v5 =	vshrl.u32 v42, $0x18;
	v15 =	vxor.u32 $0xFF, v10;
	v10 =	vadd.s32 $0x80, v10  }
0x160: {  	v9 =	vld [tilespmem:s19+$0xD0];
	v16 =	vxor.u32 $0xFF, v14;
	v14 =	vadd.s32 $0x80, v14;
	v54 =	vxor.u32 $0xFF, v27  }
0x161: {  	v17 =	vld [tilespmem:s19+$0x80];
	v47, _, _ =	vpop (xrf0);
	v55 =	vadd.s32 $0x80, v27;
	v60 =	vxor.u32 $0xFF, v58;
	v33 =	vxor.u32 $0xFF, v32  }
0x162: {  	v48 =	vld [tilespmem:s19+$0x70];
	v39 =	vxor.u32 $0xFF, v37;
	v13 =	vxor.u32 $0xFF, v43;
	(v2sf) =	vpush v47, $0xF  }
0x163: {  	v15 =	vsel vm1, v15, v10;
	v10 =	vld [tilespmem:s19+$0x90];
	vm1 =	vlt.s32 v8, $0x0;
	v8 =	vshrl.u32 v8, $0x18  }
0x164: {  	v14 =	vsel vm0, v16, v14;
	v16 =	vld [tilespmem:s19+$0xA0];
	v18 =	vxor.u32 $0xFF, v8;
	v8 =	vadd.s32 $0x80, v8  }
0x165: {  	vm0 =	vlt.s32 v9, $0x0;
	v9 =	vshrl.u32 v9, $0x18;
	v8 =	vsel vm1, v18, v8  }
0x166: {  	vm1 =	vlt.s32 v17, $0x0;
	v17 =	vshrl.u32 v17, $0x18;
	v18 =	vxor.u32 $0xFF, v9  }
0x167: {  	v19 =	vld [tilespmem:s19+$0x50];
	v9 =	vadd.s32 $0x80, v9;
	v20 =	vxor.u32 $0xFF, v17;
	v17 =	vadd.s32 $0x80, v17  }
0x168: {  	v9 =	vsel vm0, v18, v9;
	v17 =	vsel vm1, v20, v17;
	v20 =	vshrl.u32 v48, $0x18  }
0x169: {  	vm0 =	vlt.s32 v10, $0x0;
	v10 =	vshrl.u32 v10, $0x18;
	vm1 =	vlt.s32 v16, $0x0  }
0x16a: {  	v18 =	vld [tilespmem:s19+$0x60];
	v16 =	vshrl.u32 v16, $0x18;
	v52 =	vxor.u32 $0xFF, v20;
	v20 =	vadd.s32 $0x80, v20  }
0x16b: {  	v21 =	vxor.u32 $0xFF, v10;
	v10 =	vadd.s32 $0x80, v10;
	v49 =	vxor.u32 $0xFF, v16  }
0x16c: {  	v22 =	vld [tilespmem:s19+$0x0];
	v16 =	vadd.s32 $0x80, v16;
	v10 =	vsel vm0, v21, v10;
	vm0 =	vlt.s32 v19, $0x0  }
0x16d: {  	v23 =	vld [tilespmem:s19+$0x30];
	v19 =	vshrl.u32 v19, $0x18;
	v16 =	vsel vm1, v49, v16;
	v49 =	vxor.u32 $0xFF, v5  }
0x16e: {  	v45 =	vld [tilespmem:s19+$0xFFFFFF70];
	v5 =	vadd.s32 $0x80, v5;
	v24 =	vxor.u32 $0xFF, v19;
	v19 =	vadd.s32 $0x80, v19  }
0x16f: {  	vm1 =	vlt.s32 v18, $0x0;
	v18 =	vshrl.u32 v18, $0x18;
	v19 =	vsel vm0, v24, v19  }
0x170: {  	vm0 =	vlt.s32 v48, $0x0;
	v51 =	vxor.u32 $0xFF, v18;
	v18 =	vadd.s32 $0x80, v18  }
0x171: {  	v25 =	vld [tilespmem:s19+$0x20];
	v18 =	vsel vm1, v51, v18;
	vm1 =	vlt.s32 v22, $0x0;
	v22 =	vshrl.u32 v22, $0x18  }
0x172: {  	v20 =	vsel vm0, v52, v20;
	vm0 =	vlt.s32 v23, $0x0;
	v23 =	vshrl.u32 v23, $0x18  }
0x173: {  	v48 =	vld [tilespmem:s19+$0xFFFFFF80];
	v51 =	vshrl.u32 v45, $0x18;
	v26 =	vxor.u32 $0xFF, v22;
	v22 =	vadd.s32 $0x80, v22  }
0x174: {  	v56 =	vxor.u32 $0xFF, v23;
	v23 =	vadd.s32 $0x80, v23;
	v22 =	vsel vm1, v26, v22  }
0x175: {  	v52 =	vld [tilespmem:s19+$0xFFFFFF90];
	vm1 =	vlt.s32 v50, $0x0;
	v23 =	vsel vm0, v56, v23;
	vm0 =	vlt.s32 v53, $0x0  }
0x176: {  	v50, _, _ =	vpop (xrf0);
	v53 =	vxor.u32 $0xFF, v51;
	v21 =	vsel vm1, v54, v55;
	vm1 =	vlt.s32 v25, $0x0  }
0x177: {  	v34 =	vld [tilespmem:s19+$0xFFFFFFA0];
	v25 =	vshrl.u32 v25, $0x18;
	(v2sf) =	vpush v50, $0xF;
	v54 =	vadd.s32 $0x80, v51  }
0x178: {  	v35, _, _ =	vpop (xrf0);
	v57 =	vxor.u32 $0xFF, v25;
	v25 =	vadd.s32 $0x80, v25;
	v55 =	vshrl.u32 v48, $0x18  }
0x179: {  	(v2sf) =	vpush v35, $0xF;
	v25 =	vsel vm1, v57, v25;
	vm1 =	veq.s32 v22, v7  }
0x17a: {  	v22 =	vadd.s32 $0x80, v58;
	v58 =	vshrl.u32 v52, $0x18;
	v59 =	vmpcnt.ones.xlane vm1  }
0x17b: {  	vm1 =	veq.s32 v21, v7;
	v21 =	vsel vm0, v60, v22;
	vm0 =	veq.s32 v23, v7  }
0x17c: {  	v57 =	vld [tilespmem:$0x1FF10];
	v60 =	vshrl.u32 v34, $0x18;
	v61 =	vmpcnt.ones.xlane vm1;
	vm1 =	veq.s32 v25, v7  }
0x17d: {  	v29 =	vmpcnt.ones.xlane vm0;
	vm0 =	veq.s32 v21, v7;
	v25 =	vmpcnt.ones.xlane vm1  }
0x17e: {  	v27 =	vmpcnt.ones.xlane vm0;
	vm0 =	veq.s32 v19, v7;
	vm1 =	veq.s32 v18, v7  }
0x17f: {  	v28 =	vmpcnt.ones.xlane vm0;
	v22 =	vmpcnt.ones.xlane vm1;
	vm0 =	veq.s32 v20, v7  }
0x180: {  	v18 =	vld [tilespmem:s19+$0xFFFFFF00];
	vm1 =	veq.s32 v10, v7;
	v20 =	vmpcnt.ones.xlane vm0;
	vm0 =	veq.s32 v17, v7  }
0x181: {  	v17 =	vmpcnt.ones.xlane vm1;
	vm1 =	veq.s32 v8, v7;
	vm10 =	vnez.u8 v57  }
0x182: {  	v19 =	vmpcnt.ones.xlane vm0;
	vm0 =	veq.s32 v16, v7;
	v10 =	vmpcnt.ones.xlane vm1  }
0x183: {  	vm1 =	veq.s32 v15, v7;
	v16 =	vmpcnt.ones.xlane vm0;
	vm0 =	veq.s32 v14, v7  }
0x184: {  	v26 =	vsel vm10, v59, v61;
	v14 =	vmpcnt.ones.xlane vm0;
	vm0 =	veq.s32 v9, v7  }
0x185: {  	v15 =	vld [tilespmem:s19+$0xFFFFFF30];
	v59 =	vxor.u32 $0xFF, v58;
	v30 =	vshrl.u32 v18, $0x18;
	v9 =	vmpcnt.ones.xlane vm0  }
0x186: {  	v56 =	vld [tilespmem:s19+$0xFFFFFFB0];
	vm0 =	veq.s32 v6, v7;
	v6 =	vmpcnt.ones.xlane vm1;
	v31 =	vxor.u32 $0xFF, v30  }
0x187: {  	v30 =	vadd.s32 $0x80, v30;
	vm1 =	vlt.s32 v62, $0x0;
	v62 =	vxor.u32 $0xFF, v60  }
0x188: {  	v8 =	vmpcnt.ones.xlane vm0;
	vm0 =	vlt.s32 v18, $0x0;
	v18 =	vadd.s32 $0x80, v32  }
0x189: {  	v32 =	vadd.s32 $0x80, v55;
	v36 =	vsel vm0, v31, v30;
	v18 =	vsel vm1, v33, v18  }
0x18a: {  	vm0 =	vlt.s32 v63, $0x0;
	v30 =	vadd.s32 $0x80, v37;
	v41 =	vshrl.u32 v15, $0x18  }
0x18b: {  	v61 =	vld [tilespmem:$0x1FF20];
	v63 =	vshrl.u32 v56, $0x18;
	vm1 =	veq.s32 v36, v7;
	v23 =	vsel vm0, v39, v30  }
0x18c: {  	vm0 =	veq.s32 v18, v7;
	v18 =	vxor.u32 $0xFF, v41;
	v12 =	vadd.s32 $0x80, v41  }
0x18d: {  	v30 =	vadd.s32 $0x80, v44;
	v11 =	vmpcnt.ones.xlane vm1;
	vm1 =	vlt.s32 v15, $0x0  }
0x18e: {  	v36 =	vld [tilespmem:s19+$0xFFFFFFD0];
	v15 =	vmpcnt.ones.xlane vm0;
	vm0 =	veq.s32 v23, v7;
	v23 =	vadd.s32 $0x80, v43  }
0x18f: {  	v41 =	vld [tilespmem:s19+$0xFFFFFFF0];
	v18 =	vsel vm1, v18, v12;
	v12 =	vmpcnt.ones.xlane vm0;
	vm0 =	vlt.s32 v38, $0x0  }
0x190: {  	v37 =	vxor.u32 $0xFF, v63;
	vm1 =	vnez.u8 v61;
	v23 =	vsel vm0, v13, v23  }
0x191: {  	vm0 =	veq.s32 v18, v7;
	v18 =	vxor.u32 $0xFF, v44;
	v11 =	vsel vm10, v11, v15  }
0x192: {  	v38 =	vld [tilespmem:s19+$0xFFFFFFE0];
	v13 =	vmpcnt.ones.xlane vm0;
	vm0 =	vlt.s32 v40, $0x0;
	v11 =	vsel vm1, v11, v12  }
0x193: {  	v30 =	vsel vm0, v18, v30;
	vm0 =	veq.s32 v23, v7;
	v40 =	vshrl.u32 v36, $0x18  }
0x194: {  	v46 =	vshrl.u32 v41, $0x18;
	v18 =	vmpcnt.ones.xlane vm0;
	vm0 =	vlt.s32 v42, $0x0  }
0x195: {  	v43 =	vxor.u32 $0xFF, v40;
	v5 =	vsel vm0, v49, v5;
	vm0 =	veq.s32 v30, v7  }
0x196: {  	v11 =	vsel vm2, v11, v13;
	v21 =	vmpcnt.ones.xlane vm0;
	vm0 =	vlt.s32 v45, $0x0  }
0x197: {  	v44 =	vshrl.u32 v38, $0x18;
	v31 =	vsel vm0, v53, v54;
	vm0 =	veq.s32 v5, v7  }
0x198: {  	v11 =	vsel vm3, v11, v18;
	v5 =	vxor.u32 $0xFF, v55;
	v23 =	vmpcnt.ones.xlane vm0  }
0x199: {  	vm0 =	vlt.s32 v48, $0x0;
	v48 =	vxor.u32 $0xFF, v46;
	v11 =	vsel vm4, v11, v21  }
0x19a: {  	v5 =	vsel vm0, v5, v32;
	vm0 =	veq.s32 v31, v7;
	v31 =	vadd.s32 $0x80, v58  }
0x19b: {  	v32 =	vadd.s32 $0x80, v60;
	v24 =	vmpcnt.ones.xlane vm0;
	vm0 =	vlt.s32 v52, $0x0  }
0x19c: {  	v11 =	vsel vm5, v11, v23;
	v30 =	vsel vm0, v59, v31;
	vm0 =	veq.s32 v5, v7  }
0x19d: {  	v31 =	vsel vm1, v26, v25;
	v25 =	vmpcnt.ones.xlane vm0;
	vm0 =	vlt.s32 v34, $0x0  }
0x19e: {  	v5 =	vld [tilespmem:s19+$0xFFFFFFC0];
	v34 =	vadd.s32 $0x80, v63;
	v29 =	vsel vm2, v31, v29;
	v11 =	vsel vm13, v11, v24  }
0x19f: {  	s19 =	sadd.s32 $0x200, s19;
	v32 =	vsel vm0, v62, v32;
	vm0 =	veq.s32 v30, v7;
	v29 =	vsel vm3, v29, v27  }
0x1a0: {  	v45 =	vld [tilespmem:s19+$0xE0];
	v26 =	vmpcnt.ones.xlane vm0;
	vm0 =	vlt.s32 v56, $0x0;
	v42 =	vsel vm4, v29, v28  }
0x1a1: {  	v47 =	vld [tilespmem:s19+$0xF0];
	v11 =	vsel vm7, v11, v25;
	v30 =	vsel vm0, v37, v34;
	vm0 =	veq.s32 v32, v7  }
0x1a2: {  	v32 =	vadd.s32 $0x80, v40;
	v34 =	vadd.s32 $0x80, v44;
	v22 =	vsel vm5, v42, v22  }
0x1a3: {  	v39 =	vshrl.u32 v5, $0x18;
	v27 =	vmpcnt.ones.xlane vm0;
	vm0 =	vlt.s32 v5, $0x0  }
0x1a4: {  	v20 =	vsel vm13, v22, v20;
	v22 =	vadd.s32 $0x80, v46;
	v5 =	vxor.u32 $0xFF, v39  }
0x1a5: {  	v31 =	vadd.s32 $0x80, v39;
	v19 =	vsel vm7, v20, v19;
	v50 =	vshrl.u32 v45, $0x18  }
0x1a6: {  	v53 =	vshrl.u32 v47, $0x18;
	v5 =	vsel vm0, v5, v31;
	vm0 =	veq.s32 v30, v7  }
0x1a7: {  	v52 =	vxor.u32 $0xFF, v50;
	v28 =	vmpcnt.ones.xlane vm0;
	vm0 =	vlt.s32 v36, $0x0  }
0x1a8: {  	v20 =	vadd.s32 $0x80, v50;
	v32 =	vsel vm0, v43, v32;
	vm0 =	veq.s32 v5, v7  }
0x1a9: {  	v5 =	vxor.u32 $0xFF, v44;
	v29 =	vmpcnt.ones.xlane vm0;
	vm0 =	vlt.s32 v38, $0x0  }
0x1aa: {  	v55 =	vxor.u32 $0xFF, v53;
	v5 =	vsel vm0, v5, v34;
	vm0 =	veq.s32 v32, v7  }
0x1ab: {  	v51 =	vld [tilespmem:s19+$0xC0];
	v31 =	vadd.s32 $0x80, v53;
	v32 =	vmpcnt.ones.xlane vm0;
	vm0 =	vlt.s32 v41, $0x0  }
0x1ac: {  	v49 =	vsel vm0, v48, v22;
	vm0 =	veq.s32 v5, v7;
	v5 =	vsel vm8, v19, v17;
	v17 =	vld [tilespmem:s19+$0xB0]  }
0x1ad: {  	v19 =	vmpcnt.ones.xlane vm0;
	vm0 =	veq.s32 v49, v7;
	v16 =	vsel vm9, v5, v16  }
0x1ae: {  	v54 =	vld [tilespmem:s19+$0xD0];
	v5 =	vmpcnt.ones.xlane vm0;
	vm0 =	vlt.s32 v45, $0x0;
	v16 =	vsel vm14, v16, v14  }
0x1af: {  	v14 =	vsel vm0, v52, v20;
	vm0 =	vlt.s32 v47, $0x0;
	v16 =	vsel vm11, v16, v10  }
0x1b0: {  	v57 =	vld [tilespmem:s19+$0x80];
	v11 =	vsel vm8, v11, v26;
	v10 =	vsel vm0, v55, v31;
	v9 =	vsel vm12, v16, v9  }
0x1b1: {  	v16 =	vshrl.u32 v51, $0x18;
	v56 =	vshrl.u32 v17, $0x18;
	vm0 =	vlt.s32 v17, $0x0  }
0x1b2: {  	v59 =	vld [tilespmem:s19+$0x90];
	v60 =	vxor.u32 $0xFF, v16;
	v16 =	vadd.s32 $0x80, v16;
	v8 =	vsel vm15, v9, v8  }
0x1b3: {  	v61 =	vld [tilespmem:s19+$0xA0];
	v9 =	vshrl.u32 v54, $0x18;
	v17 =	vxor.u32 $0xFF, v56;
	v58 =	vadd.s32 $0x80, v56  }
0x1b4: {  	v35 =	vld [tilespmem:s19+$0x50];
	v62 =	vxor.u32 $0xFF, v9;
	v63 =	vadd.s32 $0x80, v9;
	v9 =	vsel vm6, v8, v6  }
0x1b5: {  	v6 =	vshrl.u32 v57, $0x18;
	v17 =	vsel vm0, v17, v58;
	vm0 =	vlt.s32 v51, $0x0  }
0x1b6: {  	v36 =	vxor.u32 $0xFF, v6;
	v16 =	vsel vm0, v60, v16;
	vm0 =	vlt.s32 v54, $0x0  }
0x1b7: {  	v42 =	vld [tilespmem:s19+$0x10];
	v6 =	vadd.s32 $0x80, v6;
	v8 =	vsel vm0, v62, v63;
	vm0 =	vlt.s32 v57, $0x0  }
0x1b8: {  	v15 =	vshrl.u32 v59, $0x18;
	v12 =	vshrl.u32 v61, $0x18;
	v30 =	vsel vm0, v36, v6;
	v6 =	vld [tilespmem:s19+$0x60]  }
0x1b9: {  	v13 =	vshrl.u32 v35, $0x18;
	v37 =	vxor.u32 $0xFF, v15;
	v15 =	vadd.s32 $0x80, v15  }
0x1ba: {  	v39 =	vxor.u32 $0xFF, v12;
	v12 =	vadd.s32 $0x80, v12;
	v38 =	vld [tilespmem:s19+$0x70];
	vm0 =	vlt.s32 v59, $0x0  }
0x1bb: {  	v40 =	vld [tilespmem:s19+$0x0];
	v41 =	vxor.u32 $0xFF, v13;
	v15 =	vsel vm0, v37, v15;
	vm0 =	vlt.s32 v61, $0x0  }
0x1bc: {  	v13 =	vadd.s32 $0x80, v13;
	v12 =	vsel vm0, v39, v12;
	vm0 =	vlt.s32 v35, $0x0  }
0x1bd: {  	v48 =	vshrl.u32 v42, $0x18;
	v13 =	vsel vm0, v41, v13;
	v18 =	vshrl.u32 v6, $0x18  }
0x1be: {  	v46 =	vld [tilespmem:s19+$0x20];
	vm0 =	vlt.s32 v6, $0x0;
	v6 =	vxor.u32 $0xFF, v18;
	v18 =	vadd.s32 $0x80, v18  }
0x1bf: {  	v49 =	vxor.u32 $0xFF, v48;
	v43 =	vshrl.u32 v38, $0x18;
	v18 =	vsel vm0, v6, v18;
	v6 =	vld [tilespmem:s19+$0x30]  }
0x1c0: {  	v50 =	vadd.s32 $0x80, v48;
	v45 =	vshrl.u32 v40, $0x18;
	v44 =	vxor.u32 $0xFF, v43  }
0x1c1: {  	v21 =	vadd.s32 $0x80, v43;
	v47 =	vxor.u32 $0xFF, v45;
	vm0 =	vlt.s32 v38, $0x0  }
0x1c2: {  	v23 =	vadd.s32 $0x80, v45;
	v21 =	vsel vm0, v44, v21;
	vm0 =	vlt.s32 v40, $0x0  }
0x1c3: {  	v54 =	vshrl.u32 v46, $0x18;
	v22 =	vsel vm0, v47, v23;
	vm0 =	vlt.s32 v42, $0x0  }
0x1c4: {  	v25 =	vadd.s32 $0x80, v54;
	v20 =	vsel vm0, v49, v50;
	v51 =	vshrl.u32 v6, $0x18  }
0x1c5: {  	v53 =	vld [tilespmem:s19+$0x40];
	vm0 =	vlt.s32 v6, $0x0;
	v6 =	vxor.u32 $0xFF, v51;
	v52 =	vadd.s32 $0x80, v51  }
0x1c6: {  	v23 =	vsel vm0, v6, v52;
	vm0 =	vlt.s32 v46, $0x0;
	v6 =	vxor.u32 $0xFF, v54  }
0x1c7: {  	v11 =	vsel vm9, v11, v27;
	v6 =	vsel vm0, v6, v25;
	vm0 =	veq.s32 v22, v7  }
0x1c8: {  	v11 =	vsel vm14, v11, v28;
	v22 =	vmpcnt.ones.xlane vm0;
	vm0 =	veq.s32 v20, v7  }
0x1c9: {  	v11 =	vsel vm11, v11, v29;
	v20 =	vmpcnt.ones.xlane vm0;
	vm0 =	veq.s32 v6, v7  }
0x1ca: {  	v6 =	vsel vm12, v11, v32;
	v11 =	vshrl.u32 v53, $0x18;
	v55 =	vmpcnt.ones.xlane vm0  }
0x1cb: {  	vm0 =	vlt.s32 v53, $0x0;
	v56 =	vxor.u32 $0xFF, v11;
	v11 =	vadd.s32 $0x80, v11  }
0x1cc: {  	v6 =	vsel vm15, v6, v19;
	v11 =	vsel vm0, v56, v11;
	vm0 =	veq.s32 v23, v7  }
0x1cd: {  	v19 =	vsel vm10, v22, v20;
	v57 =	vmpcnt.ones.xlane vm0;
	vm0 =	veq.s32 v11, v7  }
0x1ce: {  	v11 =	vsel vm1, v19, v55;
	v19 =	vmpcnt.ones.xlane vm0;
	vm0 =	veq.s32 v13, v7  }
0x1cf: {  	v11 =	vsel vm2, v11, v57;
	v13 =	vmpcnt.ones.xlane vm0;
	vm0 =	veq.s32 v18, v7  }
0x1d0: {  	v11 =	vsel vm3, v11, v19;
	v18 =	vmpcnt.ones.xlane vm0;
	vm0 =	veq.s32 v21, v7  }
0x1d1: {  	v11 =	vsel vm4, v11, v13;
	v13 =	vmpcnt.ones.xlane vm0;
	vm0 =	veq.s32 v30, v7  }
0x1d2: {  	v11 =	vsel vm5, v11, v18;
	v18 =	vmpcnt.ones.xlane vm0;
	vm0 =	veq.s32 v15, v7  }
0x1d3: {  	v15 =	vld [tilespmem:s19+$0xFFFFFF00];
	v11 =	vsel vm13, v11, v13;
	v13 =	vmpcnt.ones.xlane vm0;
	vm0 =	veq.s32 v12, v7  }
0x1d4: {  	v12 =	vld [tilespmem:s19+$0xFFFFFF10];
	v11 =	vsel vm7, v11, v18;
	v18 =	vmpcnt.ones.xlane vm0;
	vm0 =	veq.s32 v17, v7  }
0x1d5: {  	v11 =	vsel vm8, v11, v13;
	v13 =	vmpcnt.ones.xlane vm0;
	vm0 =	veq.s32 v16, v7  }
0x1d6: {  	v11 =	vsel vm9, v11, v18;
	v16 =	vmpcnt.ones.xlane vm0;
	vm0 =	veq.s32 v8, v7  }
0x1d7: {  	v8 =	vld [tilespmem:s19+$0xFFFFFF20];
	v11 =	vsel vm14, v11, v13;
	v13 =	vmpcnt.ones.xlane vm0;
	vm0 =	veq.s32 v14, v7  }
0x1d8: {  	v14 =	vmpcnt.ones.xlane vm0;
	vm0 =	veq.s32 v10, v7;
	v10 =	vshrl.u32 v15, $0x18  }
0x1d9: {  	v17 =	vld [tilespmem:s19+$0xFFFFFF30];
	v58 =	vshrl.u32 v12, $0x18;
	v18 =	vmpcnt.ones.xlane vm0;
	v19 =	vxor.u32 $0xFF, v10  }
0x1da: {  	v10 =	vadd.s32 $0x80, v10;
	v59 =	vxor.u32 $0xFF, v58;
	vm0 =	vlt.s32 v15, $0x0  }
0x1db: {  	v10 =	vsel vm0, v19, v10;
	vm0 =	vlt.s32 v12, $0x0;
	v12 =	vadd.s32 $0x80, v58  }
0x1dc: {  	v11 =	vsel vm11, v11, v16;
	v12 =	vsel vm0, v59, v12;
	v15 =	vshrl.u32 v8, $0x18  }
0x1dd: {  	v16 =	vld [tilespmem:s19+$0xFFFFFF40];
	vm0 =	vlt.s32 v8, $0x0;
	v8 =	vxor.u32 $0xFF, v15;
	v15 =	vadd.s32 $0x80, v15  }
0x1de: {  	v8 =	vsel vm0, v8, v15;
	vm0 =	veq.s32 v10, v7;
	v10 =	vshrl.u32 v17, $0x18  }
0x1df: {  	v15 =	vld [tilespmem:s19+$0xFFFFFF50];
	v19 =	vmpcnt.ones.xlane vm0;
	vm0 =	veq.s32 v12, v7;
	v12 =	vxor.u32 $0xFF, v10  }
0x1e0: {  	v10 =	vadd.s32 $0x80, v10;
	v60 =	vmpcnt.ones.xlane vm0;
	vm0 =	vlt.s32 v17, $0x0  }
0x1e1: {  	v11 =	vsel vm12, v11, v13;
	v10 =	vsel vm0, v12, v10;
	vm0 =	veq.s32 v8, v7  }
0x1e2: {  	v11 =	vsel vm15, v11, v14;
	v12 =	vshrl.u32 v16, $0x18;
	v13 =	vmpcnt.ones.xlane vm0  }
0x1e3: {  	v8 =	vld [tilespmem:s19+$0xFFFFFF60];
	vm0 =	vlt.s32 v16, $0x0;
	v14 =	vxor.u32 $0xFF, v12;
	v12 =	vadd.s32 $0x80, v12  }
0x1e4: {  	v17 =	vsel vm6, v11, v18;
	v11 =	vshrl.u32 v15, $0x18;
	v12 =	vsel vm0, v14, v12  }
0x1e5: {  	v16 =	vld [tilespmem:s19+$0xFFFFFF70];
	vm0 =	veq.s32 v10, v7;
	v14 =	vsel vm10, v19, v60;
	v10 =	vxor.u32 $0xFF, v11  }
0x1e6: {  	v11 =	vadd.s32 $0x80, v11;
	v18 =	vmpcnt.ones.xlane vm0;
	vm0 =	vlt.s32 v15, $0x0  }
0x1e7: {  	v15 =	vld [tilespmem:s19+$0xFFFFFF80];
	v13 =	vsel vm1, v14, v13;
	v10 =	vsel vm0, v10, v11;
	vm0 =	veq.s32 v12, v7  }
0x1e8: {  	s8 =	sxor.u32 $0x80000000, s26;
	s3 =	rddreg [dreg:$0xb];
	v19 =	vshrl.u32 v8, $0x18;
	v11 =	vmpcnt.ones.xlane vm0;
	vm0 =	vlt.s32 v8, $0x0  }
0x1e9: {  	s12 =	sxor.u32 $0x80000000, s30;
	p0 =	por p2, p2;
	s7 =	sxor.u32 $0x80000000, s25;
	v13 =	vsel vm2, v13, v18;
	v8 =	vxor.u32 $0xFF, v19;
	v12 =	vadd.s32 $0x80, v19  }
0x1ea: {  	s13 =	sxor.u32 $0x80000000, s31;
	s16 =	sxor.u32 $0x80000000, s20;
	s20 =	sxor.u32 $0x80000000, s14;
	v14 =	vshrl.u32 v16, $0x18;
	v8 =	vsel vm0, v8, v12;
	vm0 =	veq.s32 v10, v7  }
0x1eb: {  	s4 =	sxor.u32 $0x80000000, s21;
	s9 =	sxor.u32 $0x80000000, s28;
	s0 =	sxor.u32 $0x80000000, s3;
	v19 =	vld [tilespmem:s19+$0xFFFFFF90];
	v10 =	vxor.u32 $0xFF, v14;
	v14 =	vadd.s32 $0x80, v14;
	v11 =	vsel vm3, v13, v11  }
0x1ec: {  	s17 =	sld [smem:$0x7FB];
	s6 =	sxor.u32 $0x80000000, s24;
	s0 =	ssub.s32 s0, s4;
	v12 =	vmpcnt.ones.xlane vm0;
	vm0 =	vlt.s32 v16, $0x0;
	v16 =	vld [tilespmem:s19+$0xFFFFFFA0];
	v61 =	vshrl.u32 v15, $0x18  }
0x1ed: {  	s10 =	sxor.u32 $0x80000000, s29;
	s22 =	smov.u32 @p1 s0;
	s0 =	ssub.s32 s6, s7;
	v10 =	vsel vm0, v10, v14;
	vm0 =	veq.s32 v8, v7;
	v8 =	vxor.u32 $0xFF, v61  }
0x1ee: {  	s21 =	sxor.u32 $0x80000000, s5;
	s25 =	sld [smem:$0x7FC];
	s22 =	smov.u32 @p0 s0;
	v14 =	vadd.s32 $0x80, v61;
	v13 =	vmpcnt.ones.xlane vm0;
	vm0 =	vlt.s32 v15, $0x0  }
0x1ef: {  	p0 =	por p5, p5;
	s0 =	ssub.s32 s8, s9;
	p5 =	seq.s32 s17, $0x1;
	v15 =	vld [tilespmem:s19+$0xFFFFFFB0];
	v11 =	vsel vm4, v11, v12;
	v8 =	vsel vm0, v8, v14;
	vm0 =	veq.s32 v10, v7  }
0x1f0: {  	s22 =	smov.u32 @p0 s0;
	p0 =	por p6, p6;
	s0 =	ssub.s32 s10, s12;
	v18 =	vshrl.u32 v19, $0x18;
	v10 =	vmpcnt.ones.xlane vm0;
	vm0 =	vlt.s32 v19, $0x0  }
0x1f1: {  	s22 =	smov.u32 @p0 s0;
	p0 =	por p5, p5;
	s0 =	ssub.s32 s13, s16;
	v14 =	vxor.u32 $0xFF, v18;
	v18 =	vadd.s32 $0x80, v18;
	v12 =	vshrl.u32 v16, $0x18  }
0x1f2: {  	p6 =	seq.s32 s25, $0x1;
	s22 =	smov.u32 @p0 s0;
	s24 =	spop (v2sf);
	v19 =	vld [tilespmem:s19+$0xFFFFFFC0];
	v14 =	vsel vm0, v14, v18;
	vm0 =	veq.s32 v8, v7;
	v18 =	vxor.u32 $0xFF, v12  }
0x1f3: {  	p0 =	por p6, p6;
	s0 =	ssub.s32 s20, s21;
	s26 =	spop (v2sf);
	v62 =	vmpcnt.ones.xlane vm0;
	vm0 =	vlt.s32 v16, $0x0;
	v12 =	vadd.s32 $0x80, v12  }
0x1f4: {  	s22 =	smov.u32 @p0 s0;
	s28 =	sxor.u32 $0x80000000, s24;
	s1 =	sxor.u32 $0x80000000, s26;
	v11 =	vsel vm5, v11, v13;
	v8 =	vld [tilespmem:s19+$0xFFFFFFD0];
	v16 =	vshrl.u32 v15, $0x18;
	v18 =	vsel vm0, v18, v12  }
0x1f5: {  	p0 =	por p4, p4;
	s0 =	ssub.s32 s28, s1;
	s29 =	spop (v2sf);
	vm0 =	veq.s32 v14, v7;
	v13 =	vxor.u32 $0xFF, v16;
	v14 =	vadd.s32 $0x80, v16  }
0x1f6: {  	s22 =	smov.u32 @p0 s0;
	s30 =	spop (v2sf);
	v16 =	vsel vm13, v11, v10;
	v12 =	vmpcnt.ones.xlane vm0;
	vm0 =	vlt.s32 v15, $0x0  }
0x1f7: {  	s0 =	simm.s32 $0x18190;
	s1 =	sxor.u32 $0x80000000, s29;
	s31 =	sxor.u32 $0x80000000, s30;
	v63 =	vshrl.u32 v19, $0x18;
	v13 =	vsel vm0, v13, v14;
	vm0 =	veq.s32 v18, v7  }
0x1f8: {  	s3 =	simm.s32 $0x181B0;
	p0 =	por p3, p3;
	s1 =	ssub.s32 s1, s31;
	[tilespmem:s0+$0x0] =	vst v9;
	v9 =	vld [tilespmem:s19+$0xFFFFFFF0];
	v14 =	vsel vm7, v16, v62;
	v11 =	vmpcnt.ones.xlane vm0;
	vm0 =	vlt.s32 v19, $0x0  }
0x1f9: {  	s5 =	simm.s32 $0x2;
	s22 =	smov.u32 @p0 s1;
	[tilespmem:s3+$0x0] =	vst v17;
	v10 =	vld [tilespmem:s19+$0xFFFFFFE0];
	s19 =	sadd.s32 $0x200, s19;
	v15 =	vxor.u32 $0xFF, v63;
	v17 =	vadd.s32 $0x80, v63;
	v16 =	vshrl.u32 v8, $0x18  }
.LBB2_7:
0x1fa: {  	v18 =	vld [tilespmem:s19+$0xF0];
	vm1 =	veq.s32 v13, v7;
	v13 =	vsel vm0, v15, v17;
	v15 =	vxor.u32 $0xFF, v16  }
0x1fb: {  	v17 =	vld [tilespmem:s19+$0xE0];
	vm0 =	vlt.s32 v8, $0x0;
	v8 =	vadd.s32 $0x80, v16;
	v12 =	vsel vm8, v14, v12  }
0x1fc: {  	v19 =	vld [tilespmem:s19+$0xD0];
	v14 =	vmpcnt.ones.xlane vm1;
	vm1 =	veq.s32 v13, v7;
	v8 =	vsel vm0, v15, v8  }
0x1fd: {  	v20 =	vld [tilespmem:s19+$0xB0];
	v11 =	vsel vm9, v12, v11;
	v21 =	vmpcnt.ones.xlane vm1;
	vm1 =	veq.s32 v8, v7  }
0x1fe: {  	v26 =	vld [tilespmem:s19+$0x0];
	v11 =	vsel vm14, v11, v14;
	v14 =	vmpcnt.ones.xlane vm1;
	v16 =	vshrl.u32 v10, $0x18  }
0x1ff: {  	v13 =	vld [tilespmem:s19+$0xC0];
	vm0 =	vlt.s32 v10, $0x0;
	v10 =	vshrl.u32 v9, $0x18;
	v11 =	vsel vm11, v11, v21  }
0x200: {  	v12 =	vld [tilespmem:s19+$0xA0];
	v15 =	vxor.u32 $0xFF, v16;
	v16 =	vadd.s32 $0x80, v16;
	v11 =	vsel vm12, v11, v14  }
0x201: {  	vm5 =	vlt.s32 v17, $0x0;
	vm3 =	vlt.s32 v18, $0x0;
	vm2 =	vlt.s32 v19, $0x0  }
0x202: {  	v24 =	vshrl.u32 v17, $0x18;
	v25 =	vshrl.u32 v19, $0x18;
	v27 =	vshrl.u32 v20, $0x18  }
0x203: {  	vm13 =	vlt.s32 v26, $0x0;
	v26 =	vshrl.u32 v26, $0x18;
	v8 =	vsel vm0, v15, v16  }
0x204: {  	vm0 =	vlt.s32 v9, $0x0;
	v9 =	vxor.u32 $0xFF, v10;
	v10 =	vadd.s32 $0x80, v10  }
0x205: {  	vm11 =	vlt.s32 v13, $0x0;
	v13 =	vshrl.u32 v13, $0x18;
	vm14 =	vlt.s32 v12, $0x0  }
0x206: {  	v60 =	vld [tilespmem:$0x1FF20];
	v12 =	vshrl.u32 v12, $0x18;
	v38 =	vxor.u32 $0xFF, v25;
	v25 =	vadd.s32 $0x80, v25  }
0x207: {  	v39 =	vxor.u32 $0xFF, v27;
	v27 =	vadd.s32 $0x80, v27;
	v54 =	vxor.u32 $0xFF, v26  }
0x208: {  	v14 =	vld [tilespmem:s19+$0x50];
	v26 =	vadd.s32 $0x80, v26;
	vm1 =	veq.s32 v8, v7;
	v9 =	vsel vm0, v9, v10  }
0x209: {  	v17 =	vld [tilespmem:s19+$0x20];
	v37 =	vxor.u32 $0xFF, v13;
	v40 =	vadd.s32 $0x80, v13;
	v42 =	vxor.u32 $0xFF, v12  }
0x20a: {  	v15 =	vld [tilespmem:s19+$0x90];
	v43 =	vadd.s32 $0x80, v12;
	v25 =	vsel vm2, v38, v25;
	v35 =	vmpcnt.ones.xlane vm1  }
0x20b: {  	v16 =	vld [tilespmem:s19+$0x80];
	v26 =	vsel vm13, v54, v26;
	vm13 =	vnez.u8 v60;
	vm0 =	veq.s32 v9, v7  }
0x20c: {  	v9 =	vsel vm6, v6, v5;
	v5 =	vmpcnt.ones.xlane vm0;
	v6 =	vsel vm15, v11, v35  }
0x20d: {  	v28 =	vld [tilespmem:s19+$0x10];
	v11 =	vshrl.u32 v18, $0x18;
	vm15 =	vlt.s32 v20, $0x0;
	vm12 =	vlt.s32 v14, $0x0  }
0x20e: {  	v8 =	vld [tilespmem:s19+$0x70];
	v31 =	vshrl.u32 v14, $0x18;
	vm4 =	vlt.s32 v17, $0x0;
	v33 =	vshrl.u32 v17, $0x18  }
0x20f: {  	v10 =	vld [tilespmem:s19+$0x60];
	v35 =	vxor.u32 $0xFF, v24;
	v24 =	vadd.s32 $0x80, v24;
	vm1 =	vlt.s32 v15, $0x0  }
0x210: {  	v58 =	vld [tilespmem:$0x1FF40];
	vm9 =	vlt.s32 v16, $0x0;
	v29 =	vshrl.u32 v15, $0x18;
	v30 =	vshrl.u32 v16, $0x18  }
0x211: {  	v54 =	vld [tilespmem:$0x1FFC0];
	v15 =	vimm.s32 $0x0;
	v34 =	vxor.u32 $0xFF, v11;
	v36 =	vadd.s32 $0x80, v11  }
0x212: {  	[tilespmem:s0+$0xFFFFFFF0] =	vst v9;
	v9 =	vld [tilespmem:s19+$0x40];
	v48 =	vxor.u32 $0xFF, v31;
	v31 =	vadd.s32 $0x80, v31;
	v53 =	vxor.u32 $0xFF, v33  }
0x213: {  	v18 =	vld [tilespmem:s19+$0x30];
	v33 =	vadd.s32 $0x80, v33;
	v24 =	vsel vm5, v35, v24;
	v27 =	vsel vm15, v39, v27  }
0x214: {  	v21 =	vld [tilespmem:s19+$0xFFFFFF10];
	v35 =	vsel vm11, v37, v40;
	vm7 =	vlt.s32 v10, $0x0;
	vm8 =	vlt.s32 v8, $0x0  }
0x215: {  	v23 =	vld [tilespmem:s19+$0xFFFFFF00];
	v10 =	vshrl.u32 v10, $0x18;
	v8 =	vshrl.u32 v8, $0x18;
	v41 =	vxor.u32 $0xFF, v29  }
0x216: {  	v22 =	vld [tilespmem:s19+$0xFFFFFF20];
	v44 =	vxor.u32 $0xFF, v30;
	v30 =	vadd.s32 $0x80, v30;
	v29 =	vadd.s32 $0x80, v29  }
0x217: {  	v19 =	vld [tilespmem:s19+$0xFFFFFF40];
	v34 =	vsel vm3, v34, v36;
	v31 =	vsel vm12, v48, v31;
	v53 =	vsel vm4, v53, v33  }
0x218: {  	v39 =	vld [tilespmem:$0x1FFE0];
	vm4 =	vnez.u8 v58;
	v45 =	vxor.u32 $0xFF, v10;
	v46 =	vxor.u32 $0xFF, v8  }
0x219: {  	v40 =	vld [tilespmem:$0x1FFA0];
	v47 =	vadd.s32 $0x80, v8;
	v49 =	vadd.s32 $0x80, v10;
	v30 =	vsel vm9, v44, v30  }
0x21a: {  	v36 =	vld [tilespmem:$0x1FF30];
	v29 =	vsel vm1, v41, v29;
	vm0 =	vlt.s32 v9, $0x0;
	v9 =	vshrl.u32 v9, $0x18  }
0x21b: {  	v48 =	vld [tilespmem:$0x1FF70];
	v44 =	vsel vm7, v45, v49;
	v45 =	vsel vm8, v46, v47;
	vm10 =	vlt.s32 v18, $0x0  }
0x21c: {  	v41 =	vld [tilespmem:$0x1FF50];
	v15 =	vsel vm0, $0xFFFFFFFF, v15;
	v32 =	vshrl.u32 v18, $0x18;
	vm0 =	vlt.s32 v28, $0x0  }
0x21d: {  	v46 =	vld [tilespmem:$0x1FF90];
	v28 =	vshrl.u32 v28, $0x18;
	v51 =	vxor.u32 $0xFF, v9;
	v52 =	vadd.s32 $0x80, v9  }
0x21e: {  	v47 =	vld [tilespmem:$0x1FF80];
	v50 =	vxor.u32 $0xFF, v32;
	v32 =	vadd.s32 $0x80, v32;
	v55 =	vxor.u32 $0xFF, v28  }
0x21f: {  	v49 =	vld [tilespmem:$0x1FF10];
	v28 =	vadd.s32 $0x80, v28;
	vm5 =	vnez.u8 v39;
	vm15 =	vnez.u8 v40  }
0x220: {  	v18 =	vld [tilespmem:s19+$0xFFFFFF50];
	v40 =	vshrl.u32 v23, $0x18;
	vm6 =	vnez.u8 v36;
	v36 =	vsel vm14, v42, v43  }
0x221: {  	v42 =	vld [tilespmem:$0x1FF60];
	vm7 =	vnez.u8 v48;
	v28 =	vsel vm0, v55, v28;
	v32 =	vsel vm10, v50, v32  }
0x222: {  	v43 =	vld [tilespmem:$0x1FFD0];
	vm0 =	veq.s32 v26, v7;
	vm10 =	vnez.u8 v54;
	v48 =	vshrl.u32 v22, $0x18  }
0x223: {  	[tilespmem:$0x1FF00] =	vst v15;
	v50 =	vld [tilespmem:$0x1FFB0];
	vm2 =	vnez.u8 v41;
	vm1 =	veq.s32 v28, v7;
	v55 =	vmpcnt.ones.xlane vm0  }
0x224: {  	v57 =	vld [tilespmem:$0x1FF00];
	vm0 =	veq.s32 v53, v7;
	v53 =	vshrl.u32 v19, $0x18;
	vm9 =	vnez.u8 v46  }
0x225: {  	v20 =	vld [tilespmem:s19+$0xFFFFFF30];
	vm8 =	vnez.u8 v47;
	vm14 =	vnez.u8 v49;
	v56 =	vmpcnt.ones.xlane vm1  }
0x226: {  	v26 =	vmpcnt.ones.xlane vm0;
	vm0 =	veq.s32 v32, v7;
	v49 =	vxor.u32 $0xFF, v48  }
0x227: {  	v59 =	vmpcnt.ones.xlane vm0;
	v28 =	vsel vm14, v55, v56;
	v55 =	vshrl.u32 v18, $0x18  }
0x228: {  	vm11 =	vnez.u8 v42;
	vm3 =	vnez.u8 v43;
	vm12 =	vnez.u8 v50  }
0x229: {  	vm1 =	vnez.u8 v57;
	v26 =	vsel vm13, v28, v26;
	v42 =	vxor.u32 $0xFF, v40  }
0x22a: {  	v43 =	vshrl.u32 v21, $0x18;
	v50 =	vshrl.u32 v20, $0x18;
	v32 =	vsel vm1, v51, v52  }
0x22b: {  	v56 =	vxor.u32 $0xFF, v55;
	v26 =	vsel vm6, v26, v59;
	vm0 =	veq.s32 v32, v7  }
0x22c: {  	vm1 =	vlt.s32 v21, $0x0;
	v61 =	vmpcnt.ones.xlane vm0;
	vm0 =	veq.s32 v31, v7  }
0x22d: {  	v47 =	vadd.s32 $0x80, v43;
	v51 =	vxor.u32 $0xFF, v50;
	v31 =	vmpcnt.ones.xlane vm0  }
0x22e: {  	vm0 =	veq.s32 v44, v7;
	v44 =	vadd.s32 $0x80, v40;
	v26 =	vsel vm4, v26, v61  }
0x22f: {  	v62 =	vmpcnt.ones.xlane vm0;
	vm0 =	veq.s32 v45, v7;
	v45 =	vxor.u32 $0xFF, v43  }
0x230: {  	v26 =	vsel vm2, v26, v31;
	v63 =	vmpcnt.ones.xlane vm0;
	vm0 =	veq.s32 v30, v7  }
0x231: {  	v26 =	vsel vm11, v26, v62;
	v32 =	vmpcnt.ones.xlane vm0;
	vm0 =	veq.s32 v29, v7  }
0x232: {  	v26 =	vsel vm7, v26, v63;
	v29 =	vmpcnt.ones.xlane vm0;
	vm0 =	veq.s32 v36, v7  }
0x233: {  	v16 =	vld [tilespmem:s19+$0xFFFFFF70];
	v26 =	vsel vm8, v26, v32;
	v33 =	vmpcnt.ones.xlane vm0;
	vm0 =	veq.s32 v27, v7  }
0x234: {  	v46 =	vld [tilespmem:$0x1FFF0];
	v26 =	vsel vm9, v26, v29;
	v27 =	vmpcnt.ones.xlane vm0;
	vm0 =	veq.s32 v35, v7  }
0x235: {  	v26 =	vsel vm15, v26, v33;
	v35 =	vmpcnt.ones.xlane vm0;
	vm0 =	veq.s32 v25, v7  }
0x236: {  	v36 =	vsel vm12, v26, v27;
	v37 =	vmpcnt.ones.xlane vm0;
	vm0 =	veq.s32 v24, v7  }
0x237: {  	v38 =	vsel vm10, v36, v35;
	v39 =	vmpcnt.ones.xlane vm0;
	vm0 =	veq.s32 v34, v7  }
0x238: {  	v61 =	vshrl.u32 v16, $0x18;
	v24 =	vsel vm3, v38, v37;
	v41 =	vmpcnt.ones.xlane vm0  }
0x239: {  	v21 =	vsel vm1, v45, v47;
	vm0 =	vnez.u8 v46;
	v24 =	vsel vm5, v24, v39  }
0x23a: {  	vm2 =	veq.s32 v21, v7;
	v24 =	vsel vm0, v24, v41;
	vm0 =	vlt.s32 v23, $0x0  }
0x23b: {  	s0 =	smov.u32 s3;
	s3 =	sadd.s32 $0x20, s3;
	v21 =	vadd.s32 $0x80, v50;
	v54 =	vmpcnt.ones.xlane vm2;
	v23 =	vsel vm0, v42, v44  }
0x23c: {  	v17 =	vld [tilespmem:s19+$0xFFFFFF60];
	[tilespmem:s3+$0x0] =	vst v24;
	vm0 =	vlt.s32 v22, $0x0;
	v24 =	vadd.s32 $0x80, v48;
	vm1 =	veq.s32 v23, v7  }
0x23d: {  	v22 =	vsel vm0, v49, v24;
	vm0 =	vlt.s32 v20, $0x0;
	v20 =	vadd.s32 $0x80, v53  }
0x23e: {  	v52 =	vmpcnt.ones.xlane vm1;
	vm1 =	veq.s32 v22, v7;
	v21 =	vsel vm0, v51, v21  }
0x23f: {  	vm0 =	vlt.s32 v19, $0x0;
	v19 =	vxor.u32 $0xFF, v53;
	v22 =	vmpcnt.ones.xlane vm1  }
0x240: {  	v15 =	vld [tilespmem:s19+$0xFFFFFF80];
	vm1 =	veq.s32 v21, v7;
	v19 =	vsel vm0, v19, v20;
	v21 =	vadd.s32 $0x80, v55  }
0x241: {  	vm0 =	vlt.s32 v18, $0x0;
	v18 =	vshrl.u32 v17, $0x18;
	v58 =	vmpcnt.ones.xlane vm1  }
0x242: {  	vm1 =	veq.s32 v19, v7;
	v19 =	vsel vm0, v56, v21;
	vm0 =	vlt.s32 v17, $0x0  }
0x243: {  	v17 =	vxor.u32 $0xFF, v18;
	v18 =	vadd.s32 $0x80, v18;
	v60 =	vmpcnt.ones.xlane vm1  }
0x244: {  	vm1 =	veq.s32 v19, v7;
	v17 =	vsel vm0, v17, v18;
	v18 =	vxor.u32 $0xFF, v61  }
0x245: {  	vm0 =	vlt.s32 v16, $0x0;
	v16 =	vadd.s32 $0x80, v61;
	v19 =	vshrl.u32 v15, $0x18  }
0x246: {  	v62 =	vmpcnt.ones.xlane vm1;
	vm1 =	veq.s32 v17, v7;
	v16 =	vsel vm0, v18, v16  }
0x247: {  	v14 =	vld [tilespmem:s19+$0xFFFFFF90];
	v17 =	vxor.u32 $0xFF, v19;
	v18 =	vadd.s32 $0x80, v19;
	vm0 =	vlt.s32 v15, $0x0  }
0x248: {  	v63 =	vmpcnt.ones.xlane vm1;
	vm1 =	veq.s32 v16, v7;
	v16 =	vsel vm0, v17, v18;
	v17 =	vld [tilespmem:$0x1FF50]  }
0x249: {  	v13 =	vld [tilespmem:s19+$0xFFFFFFA0];
	v57 =	vsel vm14, v52, v54  }
0x24a: {  	vm14 =	vmmov vm12;
	v59 =	vsel vm13, v57, v22  }
0x24b: {  	vm12 =	vmmov vm3;
	vm13 =	vmmov vm7;
	v20 =	vsel vm6, v59, v58  }
0x24c: {  	v15 =	vshrl.u32 v14, $0x18;
	v19 =	vsel vm4, v20, v60;
	vm0 =	vlt.s32 v14, $0x0  }
0x24d: {  	v12 =	vld [tilespmem:s19+$0xFFFFFFB0];
	v14 =	vxor.u32 $0xFF, v15;
	v15 =	vadd.s32 $0x80, v15;
	vm2 =	vnez.u8 v17  }
0x24e: {  	v14 =	vsel vm0, v14, v15;
	v17 =	vsel vm2, v19, v62;
	v19 =	vshrl.u32 v13, $0x18  }
0x24f: {  	vm0 =	vlt.s32 v13, $0x0;
	v15 =	vxor.u32 $0xFF, v19;
	v13 =	vadd.s32 $0x80, v19;
	v19 =	vld [tilespmem:$0x1FFF0]  }
0x250: {  	v11 =	vld [tilespmem:s19+$0xFFFFFFC0];
	vm7 =	vmmov vm8;
	vm8 =	vmmov vm9;
	vm9 =	vmmov vm15  }
0x251: {  	vm15 =	vmmov vm5;
	v18 =	vmpcnt.ones.xlane vm1;
	vm1 =	veq.s32 v16, v7  }
0x252: {  	s5 =	sadd.s32 $0x2, s5;
	v16 =	vshrl.u32 v12, $0x18;
	v17 =	vsel vm11, v17, v63;
	vm11 =	vmmov vm10  }
0x253: {  	p0 =	slt.u32 s5, $0x7E;
	v8 =	vld [tilespmem:s19+$0xFFFFFFD0];
	v13 =	vsel vm0, v15, v13;
	v15 =	vadd.s32 $0x80, v16;
	vm0 =	vlt.s32 v12, $0x0  }
.Ltmp6:
0x254: {  	vm6 =	vnez.u8 v19;
	v19 =	vmpcnt.ones.xlane vm1;
	vm1 =	veq.s32 v14, v7;
	(pc) =	sbr.rel @p0 .LBB2_7-.Ltmp6, $4  }
0x255: {  	v14 =	vxor.u32 $0xFF, v16;
	v16 =	vsel vm13, v17, v18;
	v17 =	vshrl.u32 v11, $0x18  }
0x256: {  	v12 =	vmpcnt.ones.xlane vm1;
	vm1 =	veq.s32 v13, v7;
	v13 =	vsel vm0, v14, v15  }
0x257: {  	v10 =	vld [tilespmem:s19+$0xFFFFFFE0];
	vm0 =	vlt.s32 v11, $0x0;
	v15 =	vxor.u32 $0xFF, v17;
	v17 =	vadd.s32 $0x80, v17  }
0x258: {  	s7 =	simm.s32 $0x0;
	v9 =	vld [tilespmem:s19+$0xFFFFFFF0];
	s19 =	sadd.s32 $0x200, s19;
	v14 =	vsel vm7, v16, v19;
	v11 =	vmpcnt.ones.xlane vm1;
	v16 =	vshrl.u32 v8, $0x18  }
0x259: {  	vm1 =	veq.s32 v13, v7  }
0x25a: {  	v51 =	vsel vm0, v15, v17;
	v52 =	vxor.u32 $0xFF, v16;
	vm0 =	vlt.s32 v8, $0x0  }
0x25b: {  	v8 =	vadd.s32 $0x80, v16;
	v12 =	vsel vm8, v14, v12;
	v54 =	vmpcnt.ones.xlane vm1  }
0x25c: {  	vm1 =	veq.s32 v51, v7;
	v8 =	vsel vm0, v52, v8;
	v11 =	vsel vm9, v12, v11  }
0x25d: {  	v58 =	vmpcnt.ones.xlane vm1;
	vm1 =	veq.s32 v8, v7;
	v53 =	vshrl.u32 v10, $0x18  }
0x25e: {  	vm0 =	vlt.s32 v10, $0x0;
	v55 =	vxor.u32 $0xFF, v53;
	v56 =	vadd.s32 $0x80, v53  }
0x25f: {  	v11 =	vsel vm14, v11, v54;
	v57 =	vshrl.u32 v9, $0x18;
	v8 =	vsel vm0, v55, v56  }
0x260: {  	vm0 =	vlt.s32 v9, $0x0;
	v59 =	vxor.u32 $0xFF, v57;
	v10 =	vadd.s32 $0x80, v57  }
0x261: {  	v60 =	vmpcnt.ones.xlane vm1;
	vm1 =	veq.s32 v8, v7;
	v8 =	vsel vm0, v59, v10  }
0x262: {  	v61 =	vsel vm11, v11, v58;
	v62 =	vmpcnt.ones.xlane vm1;
	vm0 =	veq.s32 v8, v7  }
0x263: {  	v8 =	vsel vm12, v61, v60;
	v63 =	vmpcnt.ones.xlane vm0  }
0x264: {  	v5 =	vsel vm6, v6, v5;
	v6 =	vsel vm15, v8, v62  }
0x265: {  	[tilespmem:s0+$0xFFFFFFF0] =	vst v5;
	v5 =	vsel vm6, v6, v63  }
0x266: {  	s1 =	simm.s32 $0x0;
	[tilespmem:s3+$0xFFFFFFF0] =	vst v5  }
0x267: {  	v5 =	vld [tilespmem:s1+$0x18180];
	_ =	sdelay $0x4  }
0x268: {  	(xrf0) =	vadd.scan.msk.s32 $0xffff, v5;
	_ =	sdelay $0x5  }
0x269: {  	v6, _, _ =	vpop (xrf0)  }
0x26a: {  	(v2sf) =	vpush v6, $0xF  }
0x26b: {  	v5 =	vsub.s32 s7, v5  }
0x26c: {  	s4 =	simm.s32 $0x80;
	v5 =	vadd.s32 v6, v5  }
0x26d: {  	s0 =	simm.s32 $0x40;
	s3 =	simm.s32 $0x10;
	[tilespmem:s1+$0x18180] =	vst v5;
	s1 =	simm.s32 $0x0  }
.LBB2_9:
0x26e: {  	p0 =	sne.s32 s4, $0x1FC0;
	v5 =	vld [tilespmem:s3+$0x18180];
	_ =	sdelay $0x4  }
0x26f: {  	(xrf0) =	vadd.scan.msk.s32 $0xffff, v5;
	_ =	sdelay $0x5  }
.Ltmp7:
0x270: {  	v6, _, _ =	vpop (xrf0);
	s5 =	spop (v2sf);
	(pc) =	sbr.rel @p0 .LBB2_9-.Ltmp7, $4  }
0x271: {  	(v2sf) =	vpush v6, $0xF;
	s1 =	sadd.s32 s1, s5  }
0x272: {  	v5 =	vsub.s32 s1, v5  }
0x273: {  	v5 =	vadd.s32 v6, v5  }
0x274: {  	[tilespmem:s3+$0x18180] =	vst v5;
	s3 =	sshra.s32 s4, $0x2;
	s4 =	sadd.s32 $0x40, s4  }
0x275: {  	_ =	sdelay $0x1  }
0x276: {  	v5 =	vld [tilespmem:s3+$0x18180];
	_ =	sdelay $0x4  }
0x277: {  	(xrf0) =	vadd.scan.msk.s32 $0xffff, v5;
	_ =	sdelay $0x3  }
0x278: {  	s4 =	spop (v2sf)  }
0x279: {  	s1 =	sadd.s32 s1, s4  }
0x27a: {  	v6, _, _ =	vpop (xrf0);
	v5 =	vsub.s32 s1, v5  }
0x27b: {  	v5 =	vadd.s32 v6, v5  }
0x27c: {  	s24 =	simm.s32 $0x18184;
	[tilespmem:s3+$0x18180] =	vst v5  }
0x27d: {  	v5 =	vld [tilespmem:s24+$0x3]  }
0x27e: {  	v8 =	vld [tilespmem:s24+$0xFFFFFFFC]  }
0x27f: {  	v9 =	vld [tilespmem:s24+$0xFFFFFFFD]  }
0x280: {  	v10 =	vld [tilespmem:s24+$0xFFFFFFFE]  }
0x281: {  	v11 =	vld [tilespmem:s24+$0xFFFFFFFF]  }
0x282: {  	v12 =	vld [tilespmem:s24+$0x0]  }
0x283: {  	(v2sf) =	vpush v6, $0xF;
	v6 =	vld [tilespmem:s24+$0x1]  }
0x284: {  	v13 =	vld [tilespmem:s15+$0x20]  }
0x285: {  	s26 =	simm.s32 $0x1818C;
	v14 =	vld [tilespmem:s15+$0xFFFFFFC0]  }
0x286: {  	v18 =	vld [tilespmem:s26+$0x3];
	(v2sf) =	vpush v5, $0x0  }
0x287: {  	v5 =	vld [tilespmem:s24+$0x2];
	(v2sf) =	vpush v8, $0x0  }
0x288: {  	v8 =	vld [tilespmem:s15+$0x30];
	(v2sf) =	vpush v9, $0x0  }
0x289: {  	s25 =	simm.s32 $0x70;
	v9 =	vld [tilespmem:s15+$0xFFFFFFD0];
	(v2sf) =	vpush v10, $0x0  }
0x28a: {  	v17 =	vor.u32 s25, v0;
	v25 =	vshrl.u32 v13, $0x18;
	v10 =	vld [tilespmem:s15+$0xFFFFFFE0];
	(v2sf) =	vpush v11, $0x0  }
0x28b: {  	v26 =	vshrl.u32 v14, $0x18;
	vm1 =	vlt.s32 v14, $0x0;
	v11 =	vld [tilespmem:s15+$0xFFFFFFF0];
	(v2sf) =	vpush v12, $0x0  }
0x28c: {  	v21 =	vld [tilespmem:s26+$0xFFFFFFFC];
	v29 =	vxor.u32 $0xFF, v26;
	v26 =	vadd.s32 $0x80, v26;
	(v2sf) =	vpush v6, $0x0  }
0x28d: {  	vm0 =	vlt.s32 v8, $0x0;
	(v2sf) =	vpush v5, $0x0;
	v5 =	vshrl.u32 v8, $0x18  }
0x28e: {  	v12 =	vld [tilespmem:s15+$0x0];
	v15 =	vshrl.u32 v9, $0x18;
	vm2 =	vlt.s32 v9, $0x0;
	v8 =	vxor.u32 $0xFF, v5  }
0x28f: {  	v24 =	vld [tilespmem:s26+$0xFFFFFFFD];
	v5 =	vadd.s32 $0x80, v5;
	v16 =	vshrl.u32 v10, $0x18;
	(v2sf) =	vpush v18, $0x0  }
0x290: {  	vm3 =	vlt.s32 v10, $0x0;
	v5 =	vsel vm0, v8, v5;
	v8 =	vshrl.u32 v11, $0x18  }
0x291: {  	v6 =	vld [tilespmem:s15+$0x10];
	v20 =	vxor.u32 $0xFF, v16;
	v16 =	vadd.s32 $0x80, v16;
	(v2sf) =	vpush v21, $0x0  }
0x292: {  	v27 =	vld [tilespmem:s26+$0xFFFFFFFE];
	vm4 =	vlt.s32 v11, $0x0;
	vm0 =	veq.s32 v5, v7;
	v5 =	vxor.u32 $0xFF, v15  }
0x293: {  	v31 =	vld [tilespmem:s26+$0xFFFFFFFF];
	v15 =	vadd.s32 $0x80, v15;
	v19 =	vshrl.u32 v12, $0x18;
	v23 =	vxor.u32 $0xFF, v8  }
0x294: {  	s5 =	simm.s32 $0x20;
	s13 =	simm.s32 $0x30;
	v21 =	vld [tilespmem:s26+$0x0];
	v8 =	vadd.s32 $0x80, v8;
	(v2sf) =	vpush v24, $0x0;
	vm5 =	vlt.s32 v12, $0x0  }
0x295: {  	v14 =	vld [tilespmem:s26+$0x1];
	v10 =	vsel vm3, v20, v16;
	v16 =	vor.u32 s5, v0;
	v20 =	vor.u32 s13, v0  }
0x296: {  	v9 =	vld [tilespmem:s26+$0x2];
	v22 =	vshrl.u32 v6, $0x18;
	v28 =	vxor.u32 $0xFF, v19;
	v19 =	vadd.s32 $0x80, v19  }
0x297: {  	(v2sf) =	vpush v27, $0x0;
	vm6 =	vlt.s32 v6, $0x0;
	v6 =	vsel vm1, v29, v26  }
0x298: {  	s6 =	spop (v2sf);
	vm1 =	vlt.s32 v13, $0x0;
	v5 =	vsel vm2, v5, v15;
	(v2sf) =	vpush v31, $0x0  }
0x299: {  	v8 =	vsel vm4, v23, v8;
	vm4 =	veq.s32 v10, v7;
	(v2sf) =	vpush v21, $0x0  }
0x29a: {  	v10 =	vor.u32 s7, v0;
	v30 =	vxor.u32 $0xFF, v22;
	s28 =	spop (v2sf);
	(v2sf) =	vpush v14, $0x0  }
0x29b: {  	v15 =	vld [tilespmem:s18+$0x30];
	v18 =	vadd.s32 $0x80, v22;
	v22 =	vxor.u32 $0xFF, v25;
	(v2sf) =	vpush v9, $0x0  }
0x29c: {  	v25 =	vadd.s32 $0x80, v25;
	v11 =	vsel vm5, v28, v19;
	vm5 =	veq.s32 v5, v7;
	v5 =	vld [tilespmem:s18+$0xFFFFFFD0];
	s8 =	spop (v2sf)  }
0x29d: {  	s29 =	simm.s32 $0x10;
	vm3 =	veq.s32 v8, v7;
	v8 =	vld [tilespmem:s18+$0xFFFFFFF0];
	v12 =	vsel vm6, v30, v18;
	v13 =	vsel vm1, v22, v25;
	s9 =	spop (v2sf)  }
0x29e: {  	s16 =	simm.s32 $0x60;
	s30 =	simm.s32 $0xF0;
	vm6 =	veq.s32 v6, v7;
	vm2 =	veq.s32 v11, v7;
	v6 =	vld [tilespmem:s18+$0xFFFFFFE0];
	v11 =	vor.u32 s29, v0;
	s10 =	spop (v2sf)  }
0x29f: {  	v22 =	vor.u32 s30, v0;
	vm1 =	veq.s32 v12, v7;
	v12 =	vor.u32 s16, v0;
	[tilespmem:s28+$0x10000] =	vst.msk vm0, v17;
	v9 =	vld [tilespmem:s18+$0x0];
	s12 =	spop (v2sf)  }
0x2a0: {  	s14 =	simm.s32 $0x50;
	s13 =	simm.s32 $0x90;
	v14 =	vor.u32 s0, v0;
	vm0 =	veq.s32 v13, v7;
	v17 =	vshrl.u32 v15, $0x18;
	[tilespmem:s8+$0x10000] =	vst.msk vm6, v10;
	v10 =	vld [tilespmem:s18+$0x10];
	s4 =	spop (v2sf)  }
0x2a1: {  	s7 =	simm.s32 $0xA0;
	s0 =	sadd.s32 s1, s6;
	vm6 =	vlt.s32 v15, $0x0;
	v15 =	vxor.u32 $0xFF, v17;
	v17 =	vadd.s32 $0x80, v17;
	[tilespmem:s9+$0x10000] =	vst.msk vm5, v11;
	v11 =	vld [tilespmem:s18+$0x20];
	s5 =	spop (v2sf)  }
0x2a2: {  	s6 =	simm.s32 $0x8;
	s1 =	simm.s32 $0x80;
	v13 =	vor.u32 s14, v0;
	v21 =	vshrl.u32 v5, $0x18;
	v15 =	vsel vm6, v15, v17;
	v17 =	vld [tilespmem:s18+$0xFFFFFFC0];
	[tilespmem:s10+$0x10000] =	vst.msk vm4, v16;
	s3 =	spop (v2sf)  }
0x2a3: {  	v19 =	vshrl.u32 v8, $0x18;
	s8 =	simm.s32 $0xC0;
	v18 =	vshrl.u32 v6, $0x18;
	s9 =	simm.s32 $0xB0;
	vm4 =	veq.s32 v15, v7;
	[tilespmem:s12+$0x10000] =	vst.msk vm3, v20;
	s31 =	spop (v2sf)  }
0x2a4: {  	v15 =	vxor.u32 $0xFF, v21;
	v16 =	vadd.s32 $0x80, v21;
	s10 =	simm.s32 $0x18194;
	s12 =	simm.s32 $0xD0;
	v20 =	vshrl.u32 v9, $0x18;
	[tilespmem:s31+$0x10000] =	vst.msk vm4, v22;
	s19 =	spop (v2sf)  }
.LBB2_11:
0x2a5: {  	v21 =	vld [tilespmem:s10+$0x3];
	s6 =	sadd.s32 $0x8, s6;
	v22 =	vxor.u32 $0xFF, v18;
	v18 =	vadd.s32 $0x80, v18;
	v23 =	vshrl.u32 v10, $0x18;
	s24 =	sadd.s32 $0x60, s1;
	s21 =	spop (v2sf);
	[tilespmem:s4+$0x10000] =	vst.msk vm2, v14  }
0x2a6: {  	v24 =	vxor.u32 $0xFF, v19;
	v19 =	vadd.s32 $0x80, v19;
	v14 =	vld [tilespmem:s10+$0xFFFFFFFC];
	p0 =	slt.u32 s6, $0x7F8;
	v25 =	vshrl.u32 v11, $0x18;
	s20 =	spop (v2sf);
	[tilespmem:s5+$0x10000] =	vst.msk vm1, v13  }
0x2a7: {  	v27 =	vxor.u32 $0xFF, v20;
	v20 =	vadd.s32 $0x80, v20;
	v13 =	vld [tilespmem:s10+$0xFFFFFFFD];
	v26 =	vshrl.u32 v17, $0x18;
	s17 =	spop (v2sf);
	[tilespmem:s3+$0x10000] =	vst.msk vm0, v12  }
0x2a8: {  	v29 =	vxor.u32 $0xFF, v23;
	v12 =	vld [tilespmem:s10+$0xFFFFFFFE];
	v28 =	vxor.u32 $0xFF, v26;
	v26 =	vadd.s32 $0x80, v26;
	s4 =	spop (v2sf)  }
0x2a9: {  	v23 =	vadd.s32 $0x80, v23;
	v31 =	vxor.u32 $0xFF, v25;
	v25 =	vadd.s32 $0x80, v25;
	v30 =	vld [tilespmem:s10+$0xFFFFFFFF];
	s5 =	spop (v2sf)  }
0x2aa: {  	vm1 =	vlt.s32 v5, $0x0;
	vm0 =	vlt.s32 v17, $0x0;
	v32 =	vld [tilespmem:s10+$0x0];
	(v2sf) =	vpush v21, $0x0;
	s3 =	spop (v2sf)  }
0x2ab: {  	vm2 =	vlt.s32 v6, $0x0;
	vm3 =	vlt.s32 v8, $0x0;
	v5 =	vld [tilespmem:s10+$0x1];
	(v2sf) =	vpush v14, $0x0  }
0x2ac: {  	vm4 =	vlt.s32 v9, $0x0;
	vm5 =	vlt.s32 v10, $0x0;
	v6 =	vld [tilespmem:s10+$0x2];
	(v2sf) =	vpush v13, $0x0  }
0x2ad: {  	v8 =	vsel vm0, v28, v26;
	vm0 =	vlt.s32 v11, $0x0;
	(v2sf) =	vpush v12, $0x0  }
0x2ae: {  	v10 =	vsel vm2, v22, v18;
	v9 =	vsel vm1, v15, v16;
	(v2sf) =	vpush v30, $0x0  }
0x2af: {  	v11 =	vsel vm3, v24, v19;
	v12 =	vsel vm4, v27, v20;
	(v2sf) =	vpush v32, $0x0  }
0x2b0: {  	s18 =	sadd.s32 $0x80, s18;
	v14 =	vsel vm0, v31, v25;
	v13 =	vsel vm5, v29, v23;
	(v2sf) =	vpush v5, $0x0  }
0x2b1: {  	vm6 =	veq.s32 v9, v7;
	vm5 =	veq.s32 v8, v7;
	v15 =	vld [tilespmem:s18+$0x30];
	(v2sf) =	vpush v6, $0x0  }
0x2b2: {  	vm3 =	veq.s32 v11, v7;
	vm4 =	veq.s32 v10, v7;
	vm2 =	veq.s32 v12, v7;
	v5 =	vld [tilespmem:s18+$0xFFFFFFD0]  }
0x2b3: {  	v16 =	vor.u32 s13, v0;
	vm0 =	veq.s32 v14, v7;
	vm1 =	veq.s32 v13, v7;
	v6 =	vld [tilespmem:s18+$0xFFFFFFE0]  }
0x2b4: {  	v19 =	vor.u32 s7, v0;
	v14 =	vor.u32 s8, v0;
	v20 =	vor.u32 s9, v0;
	v8 =	vld [tilespmem:s18+$0xFFFFFFF0]  }
0x2b5: {  	v11 =	vor.u32 s1, v0;
	v13 =	vor.u32 s12, v0;
	v12 =	vor.u32 s24, v0;
	v9 =	vld [tilespmem:s18+$0x0]  }
.Ltmp8:
0x2b6: {  	v10 =	vld [tilespmem:s18+$0x10];
	v17 =	vshrl.u32 v15, $0x18;
	[tilespmem:s19+$0x10000] =	vst.msk vm5, v11;
	(pc) =	sbr.rel @p0 .LBB2_11-.Ltmp8, $4  }
0x2b7: {  	s1 =	sadd.s32 $0x80, s1;
	vm5 =	vlt.s32 v15, $0x0;
	v11 =	vld [tilespmem:s18+$0x20];
	v15 =	vxor.u32 $0xFF, v17;
	v21 =	vadd.s32 $0x80, v17;
	[tilespmem:s21+$0x10000] =	vst.msk vm6, v16  }
0x2b8: {  	s13 =	sadd.s32 $0x10, s1;
	s7 =	sadd.s32 $0x20, s1;
	s12 =	sadd.s32 $0x70, s1;
	v16 =	vshrl.u32 v5, $0x18;
	v17 =	vld [tilespmem:s18+$0xFFFFFFC0];
	v18 =	vshrl.u32 v6, $0x18;
	v15 =	vsel vm5, v15, v21;
	[tilespmem:s20+$0x10000] =	vst.msk vm4, v19  }
0x2b9: {  	s8 =	sadd.s32 $0x40, s1;
	s9 =	sadd.s32 $0x30, s1;
	v21 =	vor.u32 s12, v0;
	v19 =	vshrl.u32 v8, $0x18;
	vm4 =	veq.s32 v15, v7;
	s14 =	spop (v2sf);
	[tilespmem:s17+$0x10000] =	vst.msk vm3, v20  }
0x2ba: {  	s10 =	sadd.s32 $0x8, s10;
	s12 =	sadd.s32 $0x50, s1;
	v15 =	vxor.u32 $0xFF, v16;
	v16 =	vadd.s32 $0x80, v16;
	v20 =	vshrl.u32 v9, $0x18;
	[tilespmem:s14+$0x10000] =	vst.msk vm4, v21;
	s19 =	spop (v2sf)  }
0x2bb: {  	v21 =	vxor.u32 $0xFF, v18;
	v58 =	vadd.s32 $0x80, v18  }
0x2bc: {  	v22 =	vshrl.u32 v10, $0x18;
	v23 =	vxor.u32 $0xFF, v19;
	v59 =	vadd.s32 $0x80, v19  }
0x2bd: {  	v26 =	vxor.u32 $0xFF, v20;
	v60 =	vadd.s32 $0x80, v20;
	s6 =	sadd.s32 $0xF, s0;
	vm4 =	vlt.s32 v6, $0x0  }
0x2be: {  	vm5 =	vlt.s32 v8, $0x0;
	vm6 =	vlt.s32 v9, $0x0;
	s16 =	sand.u32 $0xF, s6;
	v25 =	vshrl.u32 v17, $0x18  }
0x2bf: {  	[tilespmem:s4+$0x10000] =	vst.msk vm2, v14;
	s17 =	sshra.s32 s6, $0x1F;
	p0 =	slt.s32 s6, $0x1;
	vm3 =	vlt.s32 v17, $0x0;
	p1 =	sne.s32 s16, $0x0;
	v27 =	vxor.u32 $0xFF, v25;
	v25 =	vadd.s32 $0x80, v25  }
0x2c0: {  	[tilespmem:s5+$0x10000] =	vst.msk vm1, v13;
	vm2 =	vlt.s32 v10, $0x0;
	s20 =	sshrl.u32 s17, $0x1C;
	p0 =	por !p0, !p1;
	v61 =	vsel vm3, v27, v25;
	vm3 =	vlt.s32 v5, $0x0  }
0x2c1: {  	[tilespmem:s3+$0x10000] =	vst.msk vm0, v12;
	v6 =	vor.u32 s1, v0;
	s5 =	simm.s32 $0x1;
	v24 =	vshrl.u32 v11, $0x18;
	s3 =	sadd.s32 s20, s6;
	p0 =	por !p0, !p0;
	v5 =	vsel vm3, v15, v16  }
0x2c2: {  	s18 =	spop (v2sf);
	v62 =	vxor.u32 $0xFF, v22;
	s3 =	sshra.s32 s3, $0x4;
	s5 =	simm.s32 @!p0 $0x0;
	vm3 =	veq.s32 v5, v7;
	v5 =	vor.u32 s13, v0  }
0x2c3: {  	v22 =	vadd.s32 $0x80, v22;
	vm1 =	vlt.s32 v11, $0x0;
	v8 =	vsel vm4, v21, v58;
	[tilespmem:s18+$0x10000] =	vst.msk vm3, v5;
	s18 =	ssub.s32 s3, s5  }
0x2c4: {  	v63 =	vxor.u32 $0xFF, v24;
	v24 =	vadd.s32 $0x80, v24;
	vm0 =	veq.s32 v61, v7;
	s26 =	sshrl.u32 s18, $0x1E  }
0x2c5: {  	s21 =	spop (v2sf);
	[tilespmem:s19+$0x10000] =	vst.msk vm0, v6;
	v6 =	vsel vm5, v23, v59;
	vm0 =	veq.s32 v8, v7;
	v8 =	vor.u32 s7, v0;
	s30 =	sadd.s32 s26, s18  }
0x2c6: {  	s24 =	spop (v2sf);
	v5 =	vsel vm6, v26, v60;
	vm3 =	veq.s32 v6, v7;
	v6 =	vor.u32 s9, v0;
	[tilespmem:s21+$0x10000] =	vst.msk vm0, v8;
	s19 =	sand.u32 $0xFFFFFFFC, s30  }
0x2c7: {  	s25 =	spop (v2sf);
	v8 =	vsel vm2, v62, v22;
	vm0 =	veq.s32 v5, v7;
	v5 =	vor.u32 s8, v0;
	[tilespmem:s24+$0x10000] =	vst.msk vm3, v6;
	p1 =	slt.s32 s19, $0x1  }
.Ltmp9:
0x2c8: {  	s28 =	sadd.s32 $0x60, s1;
	s29 =	spop (v2sf);
	v6 =	vsel vm1, v63, v24;
	vm1 =	veq.s32 v8, v7;
	v8 =	vor.u32 s12, v0;
	[tilespmem:s25+$0x10000] =	vst.msk vm0, v5;
	(pc) =	sbr.rel @p1 .LBB2_15-.Ltmp9, $4  }
0x2c9: {  	s31 =	spop (v2sf);
	vm0 =	veq.s32 v6, v7;
	v5 =	vor.u32 s28, v0;
	[tilespmem:s29+$0x10000] =	vst.msk vm1, v8  }
0x2ca: {  	[tilespmem:s31+$0x10000] =	vst.msk vm0, v5  }
0x2cb: {  	s9 =	rddreg [dreg:$0x9]  }
0x2cc: {  	v6 =	vmov s0;
	[tilespmem:$0x18080] =	vst v1;
	v5 =	vmov s9  }
0x2cd: {  	s1 =	simm.s32 $0x10020  }
0x2ce: {  	v8 =	vld [tilespmem:s1+$0x10]  }
0x2cf: {  	v9 =	vld [tilespmem:s1+$0xFFFFFFF0]  }
0x2d0: {  	v10 =	vld [tilespmem:s1+$0x0];
	_ =	sdelay $0x2  }
0x2d1: {  	v8 =	vand.u32 $0x7FFF, v8  }
0x2d2: {  	v9 =	vand.u32 $0x7FFF, v9;
	v8 =	vor.u32 v5, v8  }
0x2d3: {  	v11 =	vld [tilespmem:s1+$0xFFFFFFE0];
	v10 =	vand.u32 $0x7FFF, v10;
	v9 =	vor.u32 v5, v9  }
0x2d4: {  	v10 =	vor.u32 v5, v10;
	_ =	sdelay $0x2  }
0x2d5: {  	v8 =	vld.idx.msk [tilespmem:v8+s2+$0x0], $0xffff  }
0x2d6: {  	v12 =	vand.u32 $0x7FFF, v11;
	v11 =	vld.idx.msk [tilespmem:v9+s2+$0x0], $0xffff  }
0x2d7: {  	p3 =	sgt.s32 s19, $0x4;
	v9 =	vor.u32 v5, v12;
	v12 =	vld.idx.msk [tilespmem:v10+s2+$0x0], $0xffff  }
.Ltmp10:
0x2d8: {  	_ = 	snop;
	(pc) =	sbr.rel @!p3 .LBB2_14-.Ltmp10, $4  }
0x2d9: {  	_ = 	snop  }
0x2da: {  	v10 =	vand.u32 $0x7FFFFFFF, v8  }
0x2db: {  	s0 =	simm.s32 $0x0;
	s5 =	simm.s32 $0x30;
	s3 =	simm.s32 $0x10060;
	vm0 =	vlt.s32 v8, $0x0;
	v8 =	vxor.u32 $0xFFFFFFFF, v8;
	v10 =	vxor.u32 $0x80000000, v10  }
0x2dc: {  	p0 =	por $0x0, $0x0;
	p2 =	por $0x0, $0x0;
	s1 =	simm.s32 $0x10;
	v19 =	vld.idx.msk [tilespmem:v9+s2+$0x0], $0xffff;
	v20 =	vand.u32 $0x7FFFFFFF, v11;
	v21 =	vand.u32 $0x7FFFFFFF, v12;
	v24 =	vsel vm0, v8, v10  }
0x2dd: {  	v8 =	vor.u32 s5, v0;
	v9 =	vshrl.u32 v24, $0x18;
	v10 =	vld [tilespmem:s3+$0x10];
	v16 =	vxor.u32 $0x80000000, v20  }
0x2de: {  	v13 =	vld [tilespmem:s3+$0xFFFFFFF0];
	vm0 =	vlt.s32 v8, v6;
	vm1 =	veq.s32 v9, v7;
	v8 =	vshrl.u32 v24, $0x14  }
0x2df: {  	v17 =	vxor.u32 $0x80000000, v21;
	vm0 =	vmand vm0, vm1;
	v15 =	vand.u32 $0xF, v8;
	v8 =	vld [tilespmem:s3+$0x0]  }
0x2e0: {  	v14 =	vld [tilespmem:s3+$0xFFFFFFE0];
	vm2 =	vlt.s32 v11, $0x0;
	v11 =	vxor.u32 $0xFFFFFFFF, v11;
	vm3 =	vlt.s32 v12, $0x0;
	(xrf1) =	vunique.msk.u32 vm0, v15  }
0x2e1: {  	v12 =	vxor.u32 $0xFFFFFFFF, v12;
	v16 =	vsel vm2, v11, v16;
	v9 =	vand.u32 $0x7FFFFFFF, v19  }
0x2e2: {  	s31 =	simm.s32 $0x20;
	vm1 =	vlt.s32 v19, $0x0;
	v18 =	vxor.u32 $0xFFFFFFFF, v19;
	v10 =	vand.u32 $0x7FFF, v10  }
0x2e3: {  	v19 =	vor.u32 s31, v0;
	v13 =	vand.u32 $0x7FFF, v13;
	v10 =	vor.u32 v5, v10  }
0x2e4: {  	v9 =	vxor.u32 $0x80000000, v9;
	v13 =	vor.u32 v5, v13;
	v8 =	vand.u32 $0x7FFF, v8  }
0x2e5: {  	v11 =	vand.u32 $0x7FFF, v14;
	v14 =	vsel vm3, v12, v17;
	v8 =	vor.u32 v5, v8  }
0x2e6: {  	v12 =	vshrl.u32 v16, $0x18;
	vm5 =	vlt.s32 v19, v6;
	v9 =	vsel vm1, v18, v9  }
0x2e7: {  	v17 =	vor.u32 v5, v11;
	v18 =	vor.u32 s1, v0;
	v20 =	vshrl.u32 v14, $0x18  }
0x2e8: {  	vm1 =	veq.s32 v12, v7;
	v14 =	vshrl.u32 v14, $0x14;
	v11 =	vshrl.u32 v9, $0x18;
	v21 =	vld.idx.msk [tilespmem:v10+s2+$0x0], $0xffff  }
0x2e9: {  	v9 =	vshrl.u32 v9, $0x14;
	vm3 =	veq.s32 v20, v7;
	vm2 =	veq.s32 v11, v7;
	v11 =	vld.idx.msk [tilespmem:v13+s2+$0x0], $0xffff  }
0x2ea: {  	p3 =	sgt.s32 s19, $0x8;
	vm4 =	vlt.s32 v18, v6;
	v10 =	vor.u32 s0, v0;
	v13 =	vshrl.u32 v16, $0x14;
	v12 =	vld.idx.msk [tilespmem:v8+s2+$0x0], $0xffff  }
.Ltmp11:
0x2eb: {  	vm15 =	vmand vm4, vm1;
	vm1 =	vmand vm5, vm3;
	vm6 =	vlt.s32 v10, v6;
	(pc) =	sbr.rel @!p3 .LBB2_22-.Ltmp11, $4  }
0x2ec: {  	v10 =	vand.u32 $0xF, v13;
	vm2 =	vmand vm6, vm2;
	v8 =	vand.u32 $0xF, v9  }
0x2ed: {  	v9 =	vand.u32 $0xF, v14;
	(xrf1) =	vunique.msk.u32 vm2, v8;
	vm3 =	vlt.s32 v21, $0x0;
	v14 =	vand.u32 $0x7FFFFFFF, v21  }
0x2ee: {  	s5 =	simm.s32 $0x70;
	p0 =	por $0x1, $0x1;
	v16 =	vxor.u32 $0xFFFFFFFF, v21;
	v20 =	vand.u32 $0x7FFFFFFF, v11;
	_, v13, vm11 =	vpop (xrf1);
	(xrf1) =	vunique.msk.u32 vm15, v10;
	v14 =	vxor.u32 $0x80000000, v14  }
0x2ef: {  	s3 =	simm.s32 $0x100A0;
	s1 =	simm.s32 $0x50;
	s0 =	simm.s32 $0x40;
	v19 =	vld.idx.msk [tilespmem:v17+s2+$0x0], $0xffff;
	vm0 =	vmand vm0, vm11;
	(xrf1) =	vunique.msk.u32 vm1, v9;
	v21 =	vand.u32 $0x7FFFFFFF, v12;
	v24 =	vsel vm3, v16, v14  }
0x2f0: {  	v16 =	vor.u32 s5, v0;
	v17 =	vshrl.u32 v24, $0x18;
	vm3 =	vmmov vm15  }
0x2f1: {  	vm5 =	vmmov vm1;
	vm4 =	vmmov vm2;
	v20 =	vxor.u32 $0x80000000, v20  }
0x2f2: {  	v22 =	vld [tilespmem:s3+$0x10];
	v21 =	vxor.u32 $0x80000000, v21;
	vm7 =	vlt.s32 v12, $0x0;
	v12 =	vxor.u32 $0xFFFFFFFF, v12  }
0x2f3: {  	v23 =	vld [tilespmem:s3+$0xFFFFFFF0];
	vm1 =	vlt.s32 v16, v6;
	vm2 =	veq.s32 v17, v7;
	v16 =	vshrl.u32 v24, $0x14  }
0x2f4: {  	s31 =	simm.s32 $0x60;
	v17 =	vld [tilespmem:s3+$0x0];
	v12 =	vsel vm7, v12, v21;
	vm6 =	vmand vm1, vm2;
	v18 =	vand.u32 $0xF, v16  }
0x2f5: {  	v24 =	vor.u32 s31, v0;
	v16 =	vld [tilespmem:s3+$0xFFFFFFE0];
	vm2 =	vlt.s32 v11, $0x0;
	v11 =	vxor.u32 $0xFFFFFFFF, v11;
	(xrf1) =	vunique.msk.u32 vm6, v18  }
0x2f6: {  	v25 =	vshrl.u32 v12, $0x18;
	vm9 =	vlt.s32 v24, v6;
	v14 =	vand.u32 $0x7FFFFFFF, v19  }
0x2f7: {  	vm1 =	vlt.s32 v19, $0x0;
	v19 =	vxor.u32 $0xFFFFFFFF, v19;
	v22 =	vand.u32 $0x7FFF, v22  }
0x2f8: {  	v14 =	vxor.u32 $0x80000000, v14;
	v23 =	vand.u32 $0x7FFF, v23;
	v22 =	vor.u32 v5, v22  }
0x2f9: {  	v14 =	vsel vm1, v19, v14;
	v19 =	vor.u32 v5, v23;
	v17 =	vand.u32 $0x7FFF, v17  }
0x2fa: {  	v11 =	vsel vm2, v11, v20;
	v16 =	vand.u32 $0x7FFF, v16;
	v17 =	vor.u32 v5, v17  }
0x2fb: {  	v21 =	vshrl.u32 v11, $0x18;
	v20 =	vor.u32 v5, v16;
	v16 =	vshrl.u32 v14, $0x18  }
0x2fc: {  	v23 =	vor.u32 s1, v0;
	vm2 =	veq.s32 v16, v7;
	v16 =	vor.u32 s0, v0  }
0x2fd: {  	vm7 =	veq.s32 v25, v7;
	vm1 =	veq.s32 v21, v7;
	vm8 =	vlt.s32 v23, v6;
	v21 =	vld.idx.msk [tilespmem:v22+s2+$0x0], $0xffff  }
0x2fe: {  	v26 =	vshrl.u32 v11, $0x14;
	vm15 =	vmand vm8, vm1;
	vm1 =	vmand vm9, vm7;
	v11 =	vld.idx.msk [tilespmem:v19+s2+$0x0], $0xffff  }
0x2ff: {  	p3 =	sgt.s32 s19, $0xC;
	vm11 =	vlt.s32 v16, v6;
	v22 =	vshrl.u32 v14, $0x14;
	v19 =	vshrl.u32 v12, $0x14;
	_, v14, vm10 =	vpop (xrf1);
	v12 =	vld.idx.msk [tilespmem:v17+s2+$0x0], $0xffff  }
.Ltmp12:
0x300: {  	vm2 =	vmand vm11, vm2;
	v25 =	vand.u32 $0xF, v22;
	v23 =	vand.u32 $0xF, v19;
	_, v16, vm7 =	vpop (xrf1);
	v19 =	vld.idx.msk [tilespmem:v20+s2+$0x0], $0xffff;
	(pc) =	sbr.rel @!p3 .LBB2_24-.Ltmp12, $4  }
0x301: {  	[tilespmem:v15+s11+$0x0] =	vst.idx.add.s32.msk vm0, v13;
	v22 =	vand.u32 $0xF, v26;
	vm4 =	vmand vm4, vm10;
	_, v17, vm0 =	vpop (xrf1);
	vm3 =	vmand vm3, vm7  }
0x302: {  	(xrf1) =	vunique.msk.u32 vm2, v25;
	vm5 =	vmand vm5, vm0;
	vm7 =	vlt.s32 v21, $0x0;
	v15 =	vand.u32 $0x7FFFFFFF, v21  }
0x303: {  	s5 =	simm.s32 $0xB0;
	s4 =	simm.s32 $0x100E0;
	p2 =	por $0x1, $0x1;
	(xrf1) =	vunique.msk.u32 vm15, v22;
	v24 =	vxor.u32 $0xFFFFFFFF, v21;
	v20 =	vand.u32 $0x7FFFFFFF, v11;
	_, v13, vm8 =	vpop (xrf1);
	v15 =	vxor.u32 $0x80000000, v15  }
0x304: {  	s3 =	simm.s32 $0xC;
	s1 =	simm.s32 $0x90;
	s0 =	simm.s32 $0x80;
	(xrf1) =	vunique.msk.u32 vm1, v23;
	v21 =	vand.u32 $0x7FFFFFFF, v12;
	vm0 =	vmand vm6, vm8;
	v24 =	vsel vm7, v24, v15  }
.LBB2_25:
0x305: {  	v26 =	vand.u32 $0x7FFFFFFF, v19;
	v27 =	vor.u32 s5, v0;
	v28 =	vshrl.u32 v24, $0x18  }
0x306: {  	v15 =	vld [tilespmem:s4+$0x10];
	s3 =	sadd.s32 $0x4, s3;
	s6 =	sadd.s32 $0x20, s0;
	vm7 =	vmmov vm15;
	vm6 =	vmmov vm1;
	vm9 =	vmmov vm2  }
0x307: {  	v24 =	vshrl.u32 v24, $0x14;
	v29 =	vld [tilespmem:s4+$0xFFFFFFF0];
	p3 =	slt.s32 s3, s19;
	vm1 =	vlt.s32 v27, v6;
	vm2 =	veq.s32 v28, v7  }
0x308: {  	v26 =	vxor.u32 $0x80000000, v26;
	v24 =	vand.u32 $0xF, v24;
	v27 =	vld [tilespmem:s4+$0x0];
	vm8 =	vmand vm1, vm2  }
0x309: {  	v20 =	vxor.u32 $0x80000000, v20;
	v21 =	vxor.u32 $0x80000000, v21;
	vm1 =	vlt.s32 v19, $0x0;
	v28 =	vld [tilespmem:s4+$0xFFFFFFE0];
	(xrf1) =	vunique.msk.u32 vm8, v24  }
0x30a: {  	v19 =	vxor.u32 $0xFFFFFFFF, v19;
	vm2 =	vlt.s32 v11, $0x0;
	v11 =	vxor.u32 $0xFFFFFFFF, v11;
	[tilespmem:v18+s11+$0x0] =	vst.idx.add.s32.msk vm0, v13;
	v18 =	vmovc v24  }
0x30b: {  	vm0 =	vlt.s32 v12, $0x0;
	v12 =	vxor.u32 $0xFFFFFFFF, v12;
	v13 =	vand.u32 $0x7FFF, v15;
	[tilespmem:v8+s11+$0x0] =	vst.idx.add.s32.msk vm4, v14;
	v8 =	vmovc v25  }
0x30c: {  	v15 =	vsel vm1, v19, v26;
	v14 =	vand.u32 $0x7FFF, v29;
	v13 =	vor.u32 v5, v13;
	[tilespmem:v10+s11+$0x0] =	vst.idx.add.s32.msk vm3, v16  }
0x30d: {  	v20 =	vsel vm2, v11, v20;
	v19 =	vor.u32 v5, v14;
	v16 =	vand.u32 $0x7FFF, v27;
	[tilespmem:v9+s11+$0x0] =	vst.idx.add.s32.msk vm5, v17  }
0x30e: {  	v21 =	vsel vm0, v12, v21;
	v10 =	vmovc v22;
	v9 =	vmovc v23;
	v11 =	vand.u32 $0x7FFF, v28;
	v24 =	vor.u32 v5, v16  }
0x30f: {  	v12 =	vshrl.u32 v20, $0x18;
	v22 =	vor.u32 v5, v11;
	v11 =	vshrl.u32 v15, $0x18  }
0x310: {  	v25 =	vor.u32 s6, v0;
	v23 =	vor.u32 s1, v0;
	v27 =	vshrl.u32 v21, $0x18;
	_, v14, vm0 =	vpop (xrf1)  }
0x311: {  	vm1 =	veq.s32 v12, v7;
	vm2 =	veq.s32 v11, v7;
	v26 =	vld.idx.msk [tilespmem:v13+s2+$0x0], $0xffff;
	v13 =	vor.u32 s0, v0;
	_, v16, vm3 =	vpop (xrf1)  }
0x312: {  	v20 =	vshrl.u32 v20, $0x14;
	vm4 =	veq.s32 v27, v7;
	v15 =	vshrl.u32 v15, $0x14;
	v11 =	vld.idx.msk [tilespmem:v19+s2+$0x0], $0xffff;
	_, v17, vm5 =	vpop (xrf1)  }
0x313: {  	vm11 =	vlt.s32 v25, v6;
	v21 =	vshrl.u32 v21, $0x14;
	vm10 =	vlt.s32 v23, v6;
	v12 =	vld.idx.msk [tilespmem:v24+s2+$0x0], $0xffff  }
0x314: {  	vm15 =	vmand vm10, vm1;
	vm1 =	vmand vm11, vm4;
	vm12 =	vlt.s32 v13, v6;
	v19 =	vld.idx.msk [tilespmem:v22+s2+$0x0], $0xffff  }
.Ltmp13:
0x315: {  	v25 =	vand.u32 $0xF, v15;
	vm2 =	vmand vm12, vm2;
	v22 =	vand.u32 $0xF, v20;
	(pc) =	sbr.rel @p3 .LBB2_25-.Ltmp13, $4  }
0x316: {  	v23 =	vand.u32 $0xF, v21;
	vm4 =	vmand vm9, vm0;
	vm3 =	vmand vm7, vm3;
	(xrf1) =	vunique.msk.u32 vm2, v25  }
0x317: {  	vm5 =	vmand vm6, vm5;
	vm7 =	vlt.s32 v26, $0x0;
	v15 =	vand.u32 $0x7FFFFFFF, v26;
	(xrf1) =	vunique.msk.u32 vm15, v22;
	_, v13, vm0 =	vpop (xrf1)  }
0x318: {  	s0 =	sadd.s32 $0x40, s0;
	v24 =	vxor.u32 $0xFFFFFFFF, v26;
	v15 =	vxor.u32 $0x80000000, v15;
	vm0 =	vmand vm8, vm0;
	(xrf1) =	vunique.msk.u32 vm1, v23  }
0x319: {  	s4 =	sadd.s32 $0x40, s4;
	s1 =	sadd.s32 $0x10, s0;
	s5 =	sadd.s32 $0x30, s0;
	v20 =	vand.u32 $0x7FFFFFFF, v11;
	v21 =	vand.u32 $0x7FFFFFFF, v12;
	v24 =	vsel vm7, v24, v15  }
0x31a: {  	v26 =	vmov v8;
	v27 =	vmov v10  }
0x31b: {  	v28 =	vmovc v9;
	v15 =	vmovc v18;
	v8 =	vmov v25;
	v10 =	vmov v22;
	v9 =	vmov v23  }
.LBB2_27:
0x31c: {  	v18 =	vand.u32 $0x7FFFFFFF, v19;
	v22 =	vor.u32 s5, v0;
	v23 =	vshrl.u32 v24, $0x18  }
0x31d: {  	v52 =	vshrl.u32 v24, $0x14;
	v20 =	vxor.u32 $0x80000000, v20;
	v21 =	vxor.u32 $0x80000000, v21  }
0x31e: {  	v53 =	vxor.u32 $0xFFFFFFFF, v19;
	vm8 =	vlt.s32 v11, $0x0;
	v54 =	vxor.u32 $0xFFFFFFFF, v11  }
0x31f: {  	vm9 =	vlt.s32 v12, $0x0;
	v55 =	vxor.u32 $0xFFFFFFFF, v12;
	v56 =	vor.u32 s1, v0  }
0x320: {  	v59 =	vor.u32 s0, v0;
	vm6 =	vlt.s32 v22, v6;
	vm7 =	veq.s32 v23, v7  }
0x321: {  	s3 =	sadd.s32 $0x20, s0;
	v18 =	vxor.u32 $0x80000000, v18;
	v22 =	vand.u32 $0xF, v52;
	v11 =	vsel vm8, v54, v20  }
0x322: {  	v12 =	vsel vm9, v55, v21;
	v57 =	vor.u32 s3, v0;
	vm10 =	vlt.s32 v56, v6  }
0x323: {  	vm11 =	vlt.s32 v59, v6;
	vm6 =	vmand vm6, vm7;
	vm7 =	vlt.s32 v19, $0x0  }
0x324: {  	v20 =	vshrl.u32 v11, $0x18;
	v58 =	vshrl.u32 v12, $0x18;
	v18 =	vsel vm7, v53, v18  }
0x325: {  	v11 =	vshrl.u32 v11, $0x14;
	vm12 =	vlt.s32 v57, v6;
	v19 =	vshrl.u32 v18, $0x18  }
0x326: {  	v12 =	vshrl.u32 v12, $0x14;
	v18 =	vshrl.u32 v18, $0x14;
	vm7 =	veq.s32 v19, v7  }
0x327: {  	(xrf1) =	vunique.msk.u32 vm6, v22;
	vm8 =	veq.s32 v20, v7;
	v18 =	vand.u32 $0xF, v18;
	vm11 =	vmand vm11, vm7  }
0x328: {  	vm9 =	veq.s32 v58, v7;
	v11 =	vand.u32 $0xF, v11;
	vm8 =	vmand vm10, vm8;
	(xrf1) =	vunique.msk.u32 vm11, v18  }
0x329: {  	v12 =	vand.u32 $0xF, v12;
	vm7 =	vmand vm12, vm9;
	(xrf1) =	vunique.msk.u32 vm8, v11  }
0x32a: {  	(xrf1) =	vunique.msk.u32 vm7, v12;
	_ =	sdelay $0x6  }
0x32b: {  	vm2 =	vmmov @p0 vm2;
	_, v19, vm9 =	vpop @p0 (xrf1)  }
0x32c: {  	_, v20, vm10 =	vpop @p0 (xrf1);
	vm2 =	vmand @p0 vm2, vm9;
	vm9 =	vmmov @p0 vm15  }
0x32d: {  	vm1 =	vmmov @p0 vm1;
	_, v21, vm12 =	vpop @p0 (xrf1);
	vm9 =	vmand @p0 vm9, vm10;
	vm2 =	vmmov @p0 vm2  }
0x32e: {  	[tilespmem:v15+s11+$0x0] =	vst.idx.add.s32.msk @p0 vm0, v13;
	v8 =	vpsel p0, v8, v0;
	vm0 =	vmand @p0 vm1, vm12;
	vm1 =	vmmov @p0 vm9  }
0x32f: {  	v10 =	vpsel p0, v10, v0;
	vm0 =	vmmov @p0 vm0;
	_, v60, vm13 =	vpop (xrf1)  }
0x330: {  	[tilespmem:v26+s11+$0x0] =	vst.idx.add.s32.msk @p2 vm4, v14;
	v9 =	vpsel p0, v9, v0;
	vm4 =	vmmov vm11;
	vm6 =	vmand vm6, vm13;
	_, v61, vm9 =	vpop (xrf1)  }
0x331: {  	[tilespmem:v27+s11+$0x0] =	vst.idx.add.s32.msk @p2 vm3, v16;
	vm3 =	vmmov vm8;
	_, v62, vm8 =	vpop (xrf1);
	vm4 =	vmand vm4, vm9  }
0x332: {  	[tilespmem:v28+s11+$0x0] =	vst.idx.add.s32.msk @p2 vm5, v17;
	vm5 =	vmmov vm7;
	v16 =	vpsel p0, v19, v0;
	_, v63, vm7 =	vpop (xrf1);
	vm3 =	vmand vm3, vm8  }
0x333: {  	v17 =	vpsel p0, v20, v0;
	[tilespmem:v8+s11+$0x0] =	vst.idx.add.s32.msk @p0 vm2, v16;
	vm5 =	vmand vm5, vm7  }
0x334: {  	v8 =	vpsel p0, v21, v0;
	[tilespmem:v10+s11+$0x0] =	vst.idx.add.s32.msk @p0 vm1, v17  }
0x335: {  	[tilespmem:v9+s11+$0x0] =	vst.idx.add.s32.msk @p0 vm0, v8  }
0x336: {  	[tilespmem:v22+s11+$0x0] =	vst.idx.add.s32.msk vm6, v60  }
0x337: {  	[tilespmem:v18+s11+$0x0] =	vst.idx.add.s32.msk vm4, v61  }
0x338: {  	[tilespmem:v11+s11+$0x0] =	vst.idx.add.s32.msk vm3, v62  }
0x339: {  	[tilespmem:v12+s11+$0x0] =	vst.idx.add.s32.msk vm5, v63  }
0x33a: {  	v8 =	vld [tilespmem:$0x1FF70];
	_ =	sdelay $0x4  }
0x33b: {  	vm13 =	vnez.u8 v8;
	v8 =	vld [tilespmem:$0x1FF80];
	_ =	sdelay $0x4  }
0x33c: {  	vm7 =	vnez.u8 v8;
	v8 =	vld [tilespmem:$0x1FF90];
	_ =	sdelay $0x4  }
0x33d: {  	vm8 =	vnez.u8 v8;
	v8 =	vld [tilespmem:$0x1FFA0];
	_ =	sdelay $0x4  }
0x33e: {  	vm9 =	vnez.u8 v8;
	v8 =	vld [tilespmem:$0x1FFB0];
	_ =	sdelay $0x4  }
0x33f: {  	vm14 =	vnez.u8 v8;
	v8 =	vld [tilespmem:$0x1FFC0];
	_ =	sdelay $0x4  }
0x340: {  	vm11 =	vnez.u8 v8;
	v8 =	vld [tilespmem:$0x1FFD0];
	_ =	sdelay $0x4  }
0x341: {  	vm12 =	vnez.u8 v8;
	v8 =	vld [tilespmem:$0x1FFE0];
	_ =	sdelay $0x4  }
0x342: {  	vm15 =	vnez.u8 v8  }
.LBB2_15:
0x343: {  	s0 =	ssub.s32 s18, s19  }
0x344: {  	p2 =	slt.s32 s0, $0x1  }
.Ltmp14:
0x345: {  	_ = 	snop;
	(pc) =	sbr.rel @p2 .LBB2_18-.Ltmp14, $3  }
0x346: {  	_ =	sdelay $0x1  }
0x347: {  	s31 =	sshll.u32 s19, $0x6  }
0x348: {  	s20 =	sshll.u32 s19, $0x4;
	s21 =	sshra.s32 s31, $0x2  }
0x349: {  	s0 =	sadd.s32 $0x10000, s21;
	s1 =	sshll.u32 s19, $0x4;
	s3 =	smov.u32 s19  }
.LBB2_17:
0x34a: {  	v8 =	vld [tilespmem:s0+$0x0];
	_ =	sdelay $0x4  }
0x34b: {  	v8 =	vand.u32 $0x7FFF, v8  }
0x34c: {  	v8 =	vor.u32 v5, v8;
	_ =	sdelay $0x4  }
0x34d: {  	v8 =	vld.idx.msk [tilespmem:v8+s2+$0x0], $0xffff;
	_ =	sdelay $0x4  }
0x34e: {  	v9 =	vand.u32 $0x7FFFFFFF, v8  }
0x34f: {  	vm0 =	vlt.s32 v8, $0x0;
	v8 =	vxor.u32 $0xFFFFFFFF, v8;
	v9 =	vxor.u32 $0x80000000, v9  }
0x350: {  	v8 =	vsel vm0, v8, v9  }
0x351: {  	v62 =	vor.u32 s1, v0;
	v10 =	vshrl.u32 v8, $0x18  }
0x352: {  	vm0 =	vlt.s32 v62, v6;
	v8 =	vshrl.u32 v8, $0x14;
	vm1 =	veq.s32 v10, v7  }
0x353: {  	v8 =	vand.u32 $0xF, v8;
	vm0 =	vmand vm0, vm1  }
0x354: {  	(xrf1) =	vunique.msk.u32 vm0, v8;
	_ =	sdelay $0xd  }
0x355: {  	_, v63, vm1 =	vpop (xrf1)  }
0x356: {  	s3 =	sadd.s32 $0x1, s3;
	vm0 =	vmand vm0, vm1  }
0x357: {  	p0 =	slt.s32 s3, s18  }
.Ltmp15:
0x358: {  	_ = 	snop;
	(pc) =	sbr.rel @p0 .LBB2_17-.Ltmp15, $2  }
0x359: {  	_ =	sdelay $0x2  }
0x35a: {  	s0 =	sadd.s32 $0x10, s0;
	s1 =	sadd.s32 $0x10, s1;
	[tilespmem:v8+s11+$0x0] =	vst.idx.add.s32.msk vm0, v63  }
.LBB2_18:
0x35b: {  	v7 =	vld [tilespmem:$0x18080];
	_ =	sdelay $0x4  }
0x35c: {  	v7 =	vperm.xlane v7, v2;
	_ =	sdelay $0x1  }
0x35d: {  	(xrf0) =	vadd.scan.msk.s32 $0xffff, v7;
	_ =	sdelay $0x5  }
0x35e: {  	s0 =	ssub.s32 $0x100, s22;
	v8, _, _ =	vpop (xrf0)  }
0x35f: {  	vm0 =	vge.s32 v8, s0  }
0x360: {  	v9 =	vmctz.xlane vm0;
	_ =	sdelay $0x1  }
0x361: {  	v9 =	vxor.u32 $0x80000000, v9  }
0x362: {  	(xrf0) =	vmax.scan.msk.u32 $0xffff, v9;
	_ =	sdelay $0x5  }
0x363: {  	v9, _, _ =	vpop (xrf0)  }
0x364: {  	(v2sf) =	vpush v9, $0xF;
	_ =	sdelay $0xe  }
0x365: {  	s1 =	spop (v2sf)  }
0x366: {  	s1 =	sxor.u32 $0x80000000, s1  }
0x367: {  	v63 =	vmov s1  }
0x368: {  	v8 =	vxor.u32 $0x80000000, v8;
	vm0 =	veq.s32 v63, v0  }
0x369: {  	v7 =	vxor.u32 $0x80000000, v7;
	v8 =	vnsel vm0, $0x80000000, v8  }
0x36a: {  	v7 =	vnsel vm0, $0x80000000, v7;
	(xrf0) =	vmax.scan.msk.u32 $0xffff, v8  }
0x36b: {  	(xrf0) =	vmax.scan.msk.u32 $0xffff, v7;
	_ =	sdelay $0x4  }
0x36c: {  	v7, _, _ =	vpop (xrf0)  }
0x36d: {  	(v2sf) =	vpush v7, $0xF;
	v7, _, _ =	vpop (xrf0)  }
0x36e: {  	(v2sf) =	vpush v7, $0xF;
	_ =	sdelay $0xa  }
.Ltmp16:
0x36f: {  	_ = 	snop;
	(pc) =	sbr.rel @p1 .LBB2_28-.Ltmp16, $4  }
0x370: {  	_ = 	snop  }
0x371: {  	s3 =	sshll.u32 s23, $0x4;
	s1 =	ssub.s32 $0xF, s1  }
0x372: {  	s3 =	sor.u32 s3, s1;
	s5 =	spop (v2sf)  }
0x373: {  	[tilespmem:$0x18080] =	vst v1;
	v7 =	vmov s3;
	s22 =	spop (v2sf)  }
0x374: {  	s1 =	simm.s32 $0x10020  }
0x375: {  	v8 =	vld [tilespmem:s1+$0x10]  }
0x376: {  	v9 =	vld [tilespmem:s1+$0xFFFFFFF0]  }
0x377: {  	v10 =	vld [tilespmem:s1+$0x0];
	_ =	sdelay $0x2  }
0x378: {  	v8 =	vand.u32 $0x7FFF, v8  }
0x379: {  	v9 =	vand.u32 $0x7FFF, v9;
	v8 =	vor.u32 v5, v8  }
0x37a: {  	v11 =	vld [tilespmem:s1+$0xFFFFFFE0];
	v10 =	vand.u32 $0x7FFF, v10;
	v9 =	vor.u32 v5, v9  }
0x37b: {  	v10 =	vor.u32 v5, v10;
	_ =	sdelay $0x2  }
0x37c: {  	v8 =	vld.idx.msk [tilespmem:v8+s2+$0x0], $0xffff  }
0x37d: {  	v12 =	vand.u32 $0x7FFF, v11;
	v11 =	vld.idx.msk [tilespmem:v9+s2+$0x0], $0xffff  }
0x37e: {  	p4 =	sgt.s32 s19, $0x4;
	v9 =	vor.u32 v5, v12;
	v12 =	vld.idx.msk [tilespmem:v10+s2+$0x0], $0xffff  }
.Ltmp17:
0x37f: {  	_ = 	snop;
	(pc) =	sbr.rel @!p4 .LBB2_20-.Ltmp17, $4  }
0x380: {  	_ = 	snop  }
0x381: {  	v10 =	vand.u32 $0x7FFFFFFF, v8  }
0x382: {  	s23 =	simm.s32 $0x0;
	s7 =	simm.s32 $0x30;
	s4 =	simm.s32 $0x10060;
	vm0 =	vlt.s32 v8, $0x0;
	v8 =	vxor.u32 $0xFFFFFFFF, v8;
	v10 =	vxor.u32 $0x80000000, v10  }
0x383: {  	p0 =	por $0x0, $0x0;
	p3 =	por $0x0, $0x0;
	s1 =	simm.s32 $0x10;
	v19 =	vld.idx.msk [tilespmem:v9+s2+$0x0], $0xffff;
	v20 =	vand.u32 $0x7FFFFFFF, v11;
	v21 =	vand.u32 $0x7FFFFFFF, v12;
	v24 =	vsel vm0, v8, v10  }
0x384: {  	v8 =	vor.u32 s7, v0;
	v9 =	vshrl.u32 v24, $0x14;
	v10 =	vld [tilespmem:s4+$0x10];
	v16 =	vxor.u32 $0x80000000, v20  }
0x385: {  	v13 =	vld [tilespmem:s4+$0xFFFFFFF0];
	vm0 =	vlt.s32 v8, v6;
	vm1 =	veq.s32 v9, v7;
	v8 =	vshrl.u32 v24, $0x10  }
0x386: {  	v17 =	vxor.u32 $0x80000000, v21;
	vm0 =	vmand vm0, vm1;
	v15 =	vand.u32 $0xF, v8;
	v8 =	vld [tilespmem:s4+$0x0]  }
0x387: {  	v14 =	vld [tilespmem:s4+$0xFFFFFFE0];
	vm2 =	vlt.s32 v11, $0x0;
	v11 =	vxor.u32 $0xFFFFFFFF, v11;
	vm3 =	vlt.s32 v12, $0x0;
	(xrf1) =	vunique.msk.u32 vm0, v15  }
0x388: {  	v12 =	vxor.u32 $0xFFFFFFFF, v12;
	v16 =	vsel vm2, v11, v16;
	v9 =	vand.u32 $0x7FFFFFFF, v19  }
0x389: {  	s31 =	simm.s32 $0x20;
	vm1 =	vlt.s32 v19, $0x0;
	v18 =	vxor.u32 $0xFFFFFFFF, v19;
	v10 =	vand.u32 $0x7FFF, v10  }
0x38a: {  	v19 =	vor.u32 s31, v0;
	v13 =	vand.u32 $0x7FFF, v13;
	v10 =	vor.u32 v5, v10  }
0x38b: {  	v9 =	vxor.u32 $0x80000000, v9;
	v13 =	vor.u32 v5, v13;
	v8 =	vand.u32 $0x7FFF, v8  }
0x38c: {  	v11 =	vand.u32 $0x7FFF, v14;
	v14 =	vsel vm3, v12, v17;
	v8 =	vor.u32 v5, v8  }
0x38d: {  	v12 =	vshrl.u32 v16, $0x14;
	vm5 =	vlt.s32 v19, v6;
	v9 =	vsel vm1, v18, v9  }
0x38e: {  	v17 =	vor.u32 v5, v11;
	v18 =	vor.u32 s1, v0;
	v20 =	vshrl.u32 v14, $0x14  }
0x38f: {  	vm1 =	veq.s32 v12, v7;
	v14 =	vshrl.u32 v14, $0x10;
	v11 =	vshrl.u32 v9, $0x14;
	v21 =	vld.idx.msk [tilespmem:v10+s2+$0x0], $0xffff  }
0x390: {  	v9 =	vshrl.u32 v9, $0x10;
	vm3 =	veq.s32 v20, v7;
	vm2 =	veq.s32 v11, v7;
	v11 =	vld.idx.msk [tilespmem:v13+s2+$0x0], $0xffff  }
0x391: {  	p4 =	sgt.s32 s19, $0x8;
	vm4 =	vlt.s32 v18, v6;
	v10 =	vor.u32 s23, v0;
	v13 =	vshrl.u32 v16, $0x10;
	v12 =	vld.idx.msk [tilespmem:v8+s2+$0x0], $0xffff  }
.Ltmp18:
0x392: {  	vm1 =	vmand vm4, vm1;
	vm15 =	vmand vm5, vm3;
	vm6 =	vlt.s32 v10, v6;
	(pc) =	sbr.rel @!p4 .LBB2_35-.Ltmp18, $4  }
0x393: {  	v10 =	vand.u32 $0xF, v13;
	vm2 =	vmand vm6, vm2;
	v8 =	vand.u32 $0xF, v9  }
0x394: {  	v9 =	vand.u32 $0xF, v14;
	(xrf1) =	vunique.msk.u32 vm2, v8;
	vm3 =	vlt.s32 v21, $0x0;
	v14 =	vand.u32 $0x7FFFFFFF, v21  }
0x395: {  	s7 =	simm.s32 $0x70;
	p0 =	por $0x1, $0x1;
	v16 =	vxor.u32 $0xFFFFFFFF, v21;
	v20 =	vand.u32 $0x7FFFFFFF, v11;
	_, v13, vm11 =	vpop (xrf1);
	(xrf1) =	vunique.msk.u32 vm1, v10;
	v14 =	vxor.u32 $0x80000000, v14  }
0x396: {  	s4 =	simm.s32 $0x100A0;
	s1 =	simm.s32 $0x50;
	s23 =	simm.s32 $0x40;
	v19 =	vld.idx.msk [tilespmem:v17+s2+$0x0], $0xffff;
	vm0 =	vmand vm0, vm11;
	(xrf1) =	vunique.msk.u32 vm15, v9;
	v21 =	vand.u32 $0x7FFFFFFF, v12;
	v24 =	vsel vm3, v16, v14  }
0x397: {  	v16 =	vor.u32 s7, v0;
	v17 =	vshrl.u32 v24, $0x14;
	vm3 =	vmmov vm1  }
0x398: {  	vm5 =	vmmov vm15;
	vm4 =	vmmov vm2;
	v20 =	vxor.u32 $0x80000000, v20  }
0x399: {  	v22 =	vld [tilespmem:s4+$0x10];
	v21 =	vxor.u32 $0x80000000, v21;
	vm7 =	vlt.s32 v12, $0x0;
	v12 =	vxor.u32 $0xFFFFFFFF, v12  }
0x39a: {  	v23 =	vld [tilespmem:s4+$0xFFFFFFF0];
	vm1 =	vlt.s32 v16, v6;
	vm2 =	veq.s32 v17, v7;
	v16 =	vshrl.u32 v24, $0x10  }
0x39b: {  	s31 =	simm.s32 $0x60;
	v17 =	vld [tilespmem:s4+$0x0];
	v12 =	vsel vm7, v12, v21;
	vm6 =	vmand vm1, vm2;
	v18 =	vand.u32 $0xF, v16  }
0x39c: {  	v24 =	vor.u32 s31, v0;
	v16 =	vld [tilespmem:s4+$0xFFFFFFE0];
	vm2 =	vlt.s32 v11, $0x0;
	v11 =	vxor.u32 $0xFFFFFFFF, v11;
	(xrf1) =	vunique.msk.u32 vm6, v18  }
0x39d: {  	v25 =	vshrl.u32 v12, $0x14;
	vm9 =	vlt.s32 v24, v6;
	v14 =	vand.u32 $0x7FFFFFFF, v19  }
0x39e: {  	vm1 =	vlt.s32 v19, $0x0;
	v19 =	vxor.u32 $0xFFFFFFFF, v19;
	v22 =	vand.u32 $0x7FFF, v22  }
0x39f: {  	v14 =	vxor.u32 $0x80000000, v14;
	v23 =	vand.u32 $0x7FFF, v23;
	v22 =	vor.u32 v5, v22  }
0x3a0: {  	v14 =	vsel vm1, v19, v14;
	v19 =	vor.u32 v5, v23;
	v17 =	vand.u32 $0x7FFF, v17  }
0x3a1: {  	v11 =	vsel vm2, v11, v20;
	v16 =	vand.u32 $0x7FFF, v16;
	v17 =	vor.u32 v5, v17  }
0x3a2: {  	v21 =	vshrl.u32 v11, $0x14;
	v20 =	vor.u32 v5, v16;
	v16 =	vshrl.u32 v14, $0x14  }
0x3a3: {  	v23 =	vor.u32 s1, v0;
	vm2 =	veq.s32 v16, v7;
	v16 =	vor.u32 s23, v0  }
0x3a4: {  	vm7 =	veq.s32 v25, v7;
	vm1 =	veq.s32 v21, v7;
	vm8 =	vlt.s32 v23, v6;
	v21 =	vld.idx.msk [tilespmem:v22+s2+$0x0], $0xffff  }
0x3a5: {  	v26 =	vshrl.u32 v11, $0x10;
	vm15 =	vmand vm9, vm7;
	vm1 =	vmand vm8, vm1;
	v11 =	vld.idx.msk [tilespmem:v19+s2+$0x0], $0xffff  }
0x3a6: {  	p4 =	sgt.s32 s19, $0xC;
	vm11 =	vlt.s32 v16, v6;
	v22 =	vshrl.u32 v14, $0x10;
	v19 =	vshrl.u32 v12, $0x10;
	_, v14, vm10 =	vpop (xrf1);
	v12 =	vld.idx.msk [tilespmem:v17+s2+$0x0], $0xffff  }
.Ltmp19:
0x3a7: {  	vm2 =	vmand vm11, vm2;
	v25 =	vand.u32 $0xF, v22;
	v23 =	vand.u32 $0xF, v19;
	_, v16, vm7 =	vpop (xrf1);
	v19 =	vld.idx.msk [tilespmem:v20+s2+$0x0], $0xffff;
	(pc) =	sbr.rel @!p4 .LBB2_37-.Ltmp19, $4  }
0x3a8: {  	[tilespmem:v15+s11+$0x0] =	vst.idx.add.s32.msk vm0, v13;
	v22 =	vand.u32 $0xF, v26;
	vm4 =	vmand vm4, vm10;
	_, v17, vm0 =	vpop (xrf1);
	vm3 =	vmand vm3, vm7  }
0x3a9: {  	(xrf1) =	vunique.msk.u32 vm2, v25;
	vm5 =	vmand vm5, vm0;
	vm7 =	vlt.s32 v21, $0x0;
	v15 =	vand.u32 $0x7FFFFFFF, v21  }
0x3aa: {  	s7 =	simm.s32 $0xB0;
	s6 =	simm.s32 $0x100E0;
	p3 =	por $0x1, $0x1;
	(xrf1) =	vunique.msk.u32 vm1, v22;
	v24 =	vxor.u32 $0xFFFFFFFF, v21;
	v20 =	vand.u32 $0x7FFFFFFF, v11;
	_, v13, vm8 =	vpop (xrf1);
	v15 =	vxor.u32 $0x80000000, v15  }
0x3ab: {  	s4 =	simm.s32 $0xC;
	s1 =	simm.s32 $0x90;
	s23 =	simm.s32 $0x80;
	(xrf1) =	vunique.msk.u32 vm15, v23;
	v21 =	vand.u32 $0x7FFFFFFF, v12;
	vm0 =	vmand vm6, vm8;
	v24 =	vsel vm7, v24, v15  }
.LBB2_38:
0x3ac: {  	v26 =	vand.u32 $0x7FFFFFFF, v19;
	v27 =	vor.u32 s7, v0;
	v28 =	vshrl.u32 v24, $0x14  }
0x3ad: {  	v15 =	vld [tilespmem:s6+$0x10];
	s4 =	sadd.s32 $0x4, s4;
	s8 =	sadd.s32 $0x20, s23;
	vm7 =	vmmov vm1;
	vm6 =	vmmov vm15;
	vm9 =	vmmov vm2  }
0x3ae: {  	v24 =	vshrl.u32 v24, $0x10;
	v29 =	vld [tilespmem:s6+$0xFFFFFFF0];
	p4 =	slt.s32 s4, s19;
	vm1 =	vlt.s32 v27, v6;
	vm2 =	veq.s32 v28, v7  }
0x3af: {  	v26 =	vxor.u32 $0x80000000, v26;
	v24 =	vand.u32 $0xF, v24;
	v27 =	vld [tilespmem:s6+$0x0];
	vm8 =	vmand vm1, vm2  }
0x3b0: {  	v20 =	vxor.u32 $0x80000000, v20;
	v21 =	vxor.u32 $0x80000000, v21;
	vm1 =	vlt.s32 v19, $0x0;
	v28 =	vld [tilespmem:s6+$0xFFFFFFE0];
	(xrf1) =	vunique.msk.u32 vm8, v24  }
0x3b1: {  	v19 =	vxor.u32 $0xFFFFFFFF, v19;
	vm2 =	vlt.s32 v11, $0x0;
	v11 =	vxor.u32 $0xFFFFFFFF, v11;
	[tilespmem:v18+s11+$0x0] =	vst.idx.add.s32.msk vm0, v13;
	v18 =	vmovc v24  }
0x3b2: {  	vm0 =	vlt.s32 v12, $0x0;
	v12 =	vxor.u32 $0xFFFFFFFF, v12;
	v13 =	vand.u32 $0x7FFF, v15;
	[tilespmem:v8+s11+$0x0] =	vst.idx.add.s32.msk vm4, v14;
	v8 =	vmovc v25  }
0x3b3: {  	v15 =	vsel vm1, v19, v26;
	v14 =	vand.u32 $0x7FFF, v29;
	v13 =	vor.u32 v5, v13;
	[tilespmem:v10+s11+$0x0] =	vst.idx.add.s32.msk vm3, v16  }
0x3b4: {  	v20 =	vsel vm2, v11, v20;
	v19 =	vor.u32 v5, v14;
	v16 =	vand.u32 $0x7FFF, v27;
	[tilespmem:v9+s11+$0x0] =	vst.idx.add.s32.msk vm5, v17  }
0x3b5: {  	v21 =	vsel vm0, v12, v21;
	v10 =	vmovc v22;
	v9 =	vmovc v23;
	v11 =	vand.u32 $0x7FFF, v28;
	v24 =	vor.u32 v5, v16  }
0x3b6: {  	v12 =	vshrl.u32 v20, $0x14;
	v22 =	vor.u32 v5, v11;
	v11 =	vshrl.u32 v15, $0x14  }
0x3b7: {  	v25 =	vor.u32 s8, v0;
	v23 =	vor.u32 s1, v0;
	v27 =	vshrl.u32 v21, $0x14;
	_, v14, vm0 =	vpop (xrf1)  }
0x3b8: {  	vm1 =	veq.s32 v12, v7;
	vm2 =	veq.s32 v11, v7;
	v26 =	vld.idx.msk [tilespmem:v13+s2+$0x0], $0xffff;
	v13 =	vor.u32 s23, v0;
	_, v16, vm3 =	vpop (xrf1)  }
0x3b9: {  	v20 =	vshrl.u32 v20, $0x10;
	vm4 =	veq.s32 v27, v7;
	v15 =	vshrl.u32 v15, $0x10;
	v11 =	vld.idx.msk [tilespmem:v19+s2+$0x0], $0xffff;
	_, v17, vm5 =	vpop (xrf1)  }
0x3ba: {  	vm11 =	vlt.s32 v25, v6;
	v21 =	vshrl.u32 v21, $0x10;
	vm10 =	vlt.s32 v23, v6;
	v12 =	vld.idx.msk [tilespmem:v24+s2+$0x0], $0xffff  }
0x3bb: {  	vm1 =	vmand vm10, vm1;
	vm15 =	vmand vm11, vm4;
	vm12 =	vlt.s32 v13, v6;
	v19 =	vld.idx.msk [tilespmem:v22+s2+$0x0], $0xffff  }
.Ltmp20:
0x3bc: {  	v25 =	vand.u32 $0xF, v15;
	vm2 =	vmand vm12, vm2;
	v22 =	vand.u32 $0xF, v20;
	(pc) =	sbr.rel @p4 .LBB2_38-.Ltmp20, $4  }
0x3bd: {  	v23 =	vand.u32 $0xF, v21;
	vm4 =	vmand vm9, vm0;
	vm3 =	vmand vm7, vm3;
	(xrf1) =	vunique.msk.u32 vm2, v25  }
0x3be: {  	vm5 =	vmand vm6, vm5;
	vm7 =	vlt.s32 v26, $0x0;
	v15 =	vand.u32 $0x7FFFFFFF, v26;
	(xrf1) =	vunique.msk.u32 vm1, v22;
	_, v13, vm0 =	vpop (xrf1)  }
0x3bf: {  	s23 =	sadd.s32 $0x40, s23;
	v24 =	vxor.u32 $0xFFFFFFFF, v26;
	v15 =	vxor.u32 $0x80000000, v15;
	vm0 =	vmand vm8, vm0;
	(xrf1) =	vunique.msk.u32 vm15, v23  }
0x3c0: {  	s6 =	sadd.s32 $0x40, s6;
	s1 =	sadd.s32 $0x10, s23;
	s7 =	sadd.s32 $0x30, s23;
	v20 =	vand.u32 $0x7FFFFFFF, v11;
	v21 =	vand.u32 $0x7FFFFFFF, v12;
	v24 =	vsel vm7, v24, v15  }
0x3c1: {  	v26 =	vmov v8;
	v27 =	vmov v10  }
0x3c2: {  	v28 =	vmovc v9;
	v15 =	vmovc v18;
	v8 =	vmov v25;
	v10 =	vmov v22;
	v9 =	vmov v23  }
.LBB2_40:
0x3c3: {  	v18 =	vand.u32 $0x7FFFFFFF, v19;
	v22 =	vor.u32 s7, v0;
	v23 =	vshrl.u32 v24, $0x14  }
0x3c4: {  	v52 =	vshrl.u32 v24, $0x10;
	v20 =	vxor.u32 $0x80000000, v20;
	v21 =	vxor.u32 $0x80000000, v21  }
0x3c5: {  	v53 =	vxor.u32 $0xFFFFFFFF, v19;
	vm8 =	vlt.s32 v11, $0x0;
	v54 =	vxor.u32 $0xFFFFFFFF, v11  }
0x3c6: {  	vm9 =	vlt.s32 v12, $0x0;
	v55 =	vxor.u32 $0xFFFFFFFF, v12;
	v56 =	vor.u32 s1, v0  }
0x3c7: {  	v59 =	vor.u32 s23, v0;
	vm6 =	vlt.s32 v22, v6;
	vm7 =	veq.s32 v23, v7  }
0x3c8: {  	s4 =	sadd.s32 $0x20, s23;
	v18 =	vxor.u32 $0x80000000, v18;
	v22 =	vand.u32 $0xF, v52;
	v11 =	vsel vm8, v54, v20  }
0x3c9: {  	v12 =	vsel vm9, v55, v21;
	v57 =	vor.u32 s4, v0;
	vm10 =	vlt.s32 v56, v6  }
0x3ca: {  	vm11 =	vlt.s32 v59, v6;
	vm6 =	vmand vm6, vm7;
	vm7 =	vlt.s32 v19, $0x0  }
0x3cb: {  	v20 =	vshrl.u32 v11, $0x14;
	v58 =	vshrl.u32 v12, $0x14;
	v18 =	vsel vm7, v53, v18  }
0x3cc: {  	v11 =	vshrl.u32 v11, $0x10;
	vm12 =	vlt.s32 v57, v6;
	v19 =	vshrl.u32 v18, $0x14  }
0x3cd: {  	v12 =	vshrl.u32 v12, $0x10;
	v18 =	vshrl.u32 v18, $0x10;
	vm7 =	veq.s32 v19, v7  }
0x3ce: {  	(xrf1) =	vunique.msk.u32 vm6, v22;
	vm8 =	veq.s32 v20, v7;
	v18 =	vand.u32 $0xF, v18;
	vm11 =	vmand vm11, vm7  }
0x3cf: {  	vm9 =	veq.s32 v58, v7;
	v11 =	vand.u32 $0xF, v11;
	vm8 =	vmand vm10, vm8;
	(xrf1) =	vunique.msk.u32 vm11, v18  }
0x3d0: {  	v12 =	vand.u32 $0xF, v12;
	vm7 =	vmand vm12, vm9;
	(xrf1) =	vunique.msk.u32 vm8, v11  }
0x3d1: {  	(xrf1) =	vunique.msk.u32 vm7, v12;
	_ =	sdelay $0x6  }
0x3d2: {  	vm2 =	vmmov @p0 vm2;
	_, v19, vm9 =	vpop @p0 (xrf1)  }
0x3d3: {  	vm1 =	vmmov @p0 vm1;
	_, v20, vm10 =	vpop @p0 (xrf1);
	vm2 =	vmand @p0 vm2, vm9  }
0x3d4: {  	vm9 =	vmmov @p0 vm15;
	_, v21, vm12 =	vpop @p0 (xrf1);
	vm1 =	vmand @p0 vm1, vm10;
	vm2 =	vmmov @p0 vm2  }
0x3d5: {  	[tilespmem:v15+s11+$0x0] =	vst.idx.add.s32.msk @p0 vm0, v13;
	v8 =	vpsel p0, v8, v0;
	vm0 =	vmand @p0 vm9, vm12;
	vm1 =	vmmov @p0 vm1  }
0x3d6: {  	v10 =	vpsel p0, v10, v0;
	vm0 =	vmmov @p0 vm0;
	_, v60, vm13 =	vpop (xrf1)  }
0x3d7: {  	[tilespmem:v26+s11+$0x0] =	vst.idx.add.s32.msk @p3 vm4, v14;
	v9 =	vpsel p0, v9, v0;
	vm4 =	vmmov vm11;
	vm6 =	vmand vm6, vm13;
	_, v61, vm9 =	vpop (xrf1)  }
0x3d8: {  	[tilespmem:v27+s11+$0x0] =	vst.idx.add.s32.msk @p3 vm3, v16;
	vm3 =	vmmov vm8;
	_, v62, vm8 =	vpop (xrf1);
	vm4 =	vmand vm4, vm9  }
0x3d9: {  	[tilespmem:v28+s11+$0x0] =	vst.idx.add.s32.msk @p3 vm5, v17;
	vm5 =	vmmov vm7;
	v16 =	vpsel p0, v19, v0;
	_, v63, vm7 =	vpop (xrf1);
	vm3 =	vmand vm3, vm8  }
0x3da: {  	v17 =	vpsel p0, v20, v0;
	[tilespmem:v8+s11+$0x0] =	vst.idx.add.s32.msk @p0 vm2, v16;
	vm5 =	vmand vm5, vm7  }
0x3db: {  	v8 =	vpsel p0, v21, v0;
	[tilespmem:v10+s11+$0x0] =	vst.idx.add.s32.msk @p0 vm1, v17  }
0x3dc: {  	[tilespmem:v9+s11+$0x0] =	vst.idx.add.s32.msk @p0 vm0, v8  }
0x3dd: {  	[tilespmem:v22+s11+$0x0] =	vst.idx.add.s32.msk vm6, v60  }
0x3de: {  	[tilespmem:v18+s11+$0x0] =	vst.idx.add.s32.msk vm4, v61  }
0x3df: {  	[tilespmem:v11+s11+$0x0] =	vst.idx.add.s32.msk vm3, v62  }
0x3e0: {  	[tilespmem:v12+s11+$0x0] =	vst.idx.add.s32.msk vm5, v63  }
0x3e1: {  	v8 =	vld [tilespmem:$0x1FF70];
	_ =	sdelay $0x4  }
0x3e2: {  	vm13 =	vnez.u8 v8;
	v8 =	vld [tilespmem:$0x1FF80];
	_ =	sdelay $0x4  }
0x3e3: {  	vm7 =	vnez.u8 v8;
	v8 =	vld [tilespmem:$0x1FF90];
	_ =	sdelay $0x4  }
0x3e4: {  	vm8 =	vnez.u8 v8;
	v8 =	vld [tilespmem:$0x1FFA0];
	_ =	sdelay $0x4  }
0x3e5: {  	vm9 =	vnez.u8 v8;
	v8 =	vld [tilespmem:$0x1FFB0];
	_ =	sdelay $0x4  }
0x3e6: {  	vm14 =	vnez.u8 v8;
	v8 =	vld [tilespmem:$0x1FFC0];
	_ =	sdelay $0x4  }
0x3e7: {  	vm11 =	vnez.u8 v8;
	v8 =	vld [tilespmem:$0x1FFD0];
	_ =	sdelay $0x4  }
0x3e8: {  	vm12 =	vnez.u8 v8;
	v8 =	vld [tilespmem:$0x1FFE0];
	_ =	sdelay $0x4  }
0x3e9: {  	vm15 =	vnez.u8 v8  }
.LBB2_28:
.Ltmp21:
0x3ea: {  	(pc) =	sbr.rel @p2 .LBB2_31-.Ltmp21, $1  }
0x3eb: {  	_ =	sdelay $0x3  }
0x3ec: {  	s1 =	sadd.s32 $0x10000, s21;
	s4 =	sshll.u32 s19, $0x4;
	s6 =	smov.u32 s19  }
.LBB2_30:
0x3ed: {  	v8 =	vld [tilespmem:s1+$0x0];
	_ =	sdelay $0x4  }
0x3ee: {  	v8 =	vand.u32 $0x7FFF, v8  }
0x3ef: {  	v8 =	vor.u32 v5, v8;
	_ =	sdelay $0x4  }
0x3f0: {  	v8 =	vld.idx.msk [tilespmem:v8+s2+$0x0], $0xffff;
	_ =	sdelay $0x4  }
0x3f1: {  	v9 =	vand.u32 $0x7FFFFFFF, v8  }
0x3f2: {  	vm0 =	vlt.s32 v8, $0x0;
	v8 =	vxor.u32 $0xFFFFFFFF, v8;
	v9 =	vxor.u32 $0x80000000, v9  }
0x3f3: {  	v8 =	vsel vm0, v8, v9  }
0x3f4: {  	v62 =	vor.u32 s4, v0;
	v10 =	vshrl.u32 v8, $0x14  }
0x3f5: {  	vm0 =	vlt.s32 v62, v6;
	v8 =	vshrl.u32 v8, $0x10;
	vm1 =	veq.s32 v10, v7  }
0x3f6: {  	v8 =	vand.u32 $0xF, v8;
	vm0 =	vmand vm0, vm1  }
0x3f7: {  	(xrf1) =	vunique.msk.u32 vm0, v8;
	_ =	sdelay $0xd  }
0x3f8: {  	_, v63, vm1 =	vpop (xrf1)  }
0x3f9: {  	s6 =	sadd.s32 $0x1, s6;
	vm0 =	vmand vm0, vm1  }
0x3fa: {  	p0 =	slt.s32 s6, s18  }
.Ltmp22:
0x3fb: {  	_ = 	snop;
	(pc) =	sbr.rel @p0 .LBB2_30-.Ltmp22, $2  }
0x3fc: {  	_ =	sdelay $0x2  }
0x3fd: {  	s1 =	sadd.s32 $0x10, s1;
	s4 =	sadd.s32 $0x10, s4;
	[tilespmem:v8+s11+$0x0] =	vst.idx.add.s32.msk vm0, v63  }
.LBB2_31:
0x3fe: {  	v7 =	vld [tilespmem:$0x18080];
	_ =	sdelay $0x4  }
0x3ff: {  	v7 =	vperm.xlane v7, v2;
	_ =	sdelay $0x1  }
0x400: {  	(xrf0) =	vadd.scan.msk.s32 $0xffff, v7;
	_ =	sdelay $0x3  }
0x401: {  	s1 =	sxor.u32 $0x80000000, s5;
	s4 =	sxor.u32 $0x80000000, s22  }
0x402: {  	s1 =	ssub.s32 s4, s1  }
0x403: {  	s0 =	sadd.s32 s0, s1;
	v8, _, _ =	vpop (xrf0)  }
0x404: {  	vm0 =	vge.s32 v8, s0  }
0x405: {  	v9 =	vmctz.xlane vm0;
	_ =	sdelay $0x1  }
0x406: {  	v9 =	vxor.u32 $0x80000000, v9  }
0x407: {  	(xrf0) =	vmax.scan.msk.u32 $0xffff, v9;
	_ =	sdelay $0x5  }
0x408: {  	v9, _, _ =	vpop (xrf0)  }
0x409: {  	(v2sf) =	vpush v9, $0xF;
	_ =	sdelay $0xe  }
0x40a: {  	s31 =	spop (v2sf)  }
0x40b: {  	s1 =	sxor.u32 $0x80000000, s31  }
0x40c: {  	v63 =	vmov s1  }
0x40d: {  	v8 =	vxor.u32 $0x80000000, v8;
	vm0 =	veq.s32 v63, v0  }
0x40e: {  	v7 =	vxor.u32 $0x80000000, v7;
	v8 =	vnsel vm0, $0x80000000, v8  }
0x40f: {  	v7 =	vnsel vm0, $0x80000000, v7;
	(xrf0) =	vmax.scan.msk.u32 $0xffff, v8  }
0x410: {  	(xrf0) =	vmax.scan.msk.u32 $0xffff, v7;
	_ =	sdelay $0x4  }
0x411: {  	v7, _, _ =	vpop (xrf0)  }
0x412: {  	(v2sf) =	vpush v7, $0xF;
	v7, _, _ =	vpop (xrf0)  }
0x413: {  	(v2sf) =	vpush v7, $0xF;
	_ =	sdelay $0xa  }
.Ltmp23:
0x414: {  	_ = 	snop;
	(pc) =	sbr.rel @p1 .LBB2_41-.Ltmp23, $4  }
0x415: {  	_ = 	snop  }
0x416: {  	s3 =	sshll.u32 s3, $0x4;
	s1 =	ssub.s32 $0xF, s1  }
0x417: {  	s3 =	sor.u32 s3, s1;
	s5 =	spop (v2sf)  }
0x418: {  	[tilespmem:$0x18080] =	vst v1;
	v7 =	vmov s3;
	s22 =	spop (v2sf)  }
0x419: {  	s1 =	simm.s32 $0x10020  }
0x41a: {  	v8 =	vld [tilespmem:s1+$0x10]  }
0x41b: {  	v9 =	vld [tilespmem:s1+$0xFFFFFFF0]  }
0x41c: {  	v10 =	vld [tilespmem:s1+$0x0];
	_ =	sdelay $0x2  }
0x41d: {  	v8 =	vand.u32 $0x7FFF, v8  }
0x41e: {  	v9 =	vand.u32 $0x7FFF, v9;
	v8 =	vor.u32 v5, v8  }
0x41f: {  	v11 =	vld [tilespmem:s1+$0xFFFFFFE0];
	v10 =	vand.u32 $0x7FFF, v10;
	v9 =	vor.u32 v5, v9  }
0x420: {  	v10 =	vor.u32 v5, v10;
	_ =	sdelay $0x2  }
0x421: {  	v8 =	vld.idx.msk [tilespmem:v8+s2+$0x0], $0xffff  }
0x422: {  	v12 =	vand.u32 $0x7FFF, v11;
	v11 =	vld.idx.msk [tilespmem:v9+s2+$0x0], $0xffff  }
0x423: {  	p4 =	sgt.s32 s19, $0x4;
	v9 =	vor.u32 v5, v12;
	v12 =	vld.idx.msk [tilespmem:v10+s2+$0x0], $0xffff  }
.Ltmp24:
0x424: {  	_ = 	snop;
	(pc) =	sbr.rel @!p4 .LBB2_33-.Ltmp24, $4  }
0x425: {  	_ = 	snop  }
0x426: {  	v10 =	vand.u32 $0x7FFFFFFF, v8  }
0x427: {  	s23 =	simm.s32 $0x0;
	s7 =	simm.s32 $0x30;
	s4 =	simm.s32 $0x10060;
	vm0 =	vlt.s32 v8, $0x0;
	v8 =	vxor.u32 $0xFFFFFFFF, v8;
	v10 =	vxor.u32 $0x80000000, v10  }
0x428: {  	p0 =	por $0x0, $0x0;
	p3 =	por $0x0, $0x0;
	s1 =	simm.s32 $0x10;
	v19 =	vld.idx.msk [tilespmem:v9+s2+$0x0], $0xffff;
	v20 =	vand.u32 $0x7FFFFFFF, v11;
	v21 =	vand.u32 $0x7FFFFFFF, v12;
	v24 =	vsel vm0, v8, v10  }
0x429: {  	v8 =	vor.u32 s7, v0;
	v9 =	vshrl.u32 v24, $0x10;
	v10 =	vld [tilespmem:s4+$0x10];
	v16 =	vxor.u32 $0x80000000, v20  }
0x42a: {  	v13 =	vld [tilespmem:s4+$0xFFFFFFF0];
	vm0 =	vlt.s32 v8, v6;
	vm1 =	veq.s32 v9, v7;
	v8 =	vshrl.u32 v24, $0xC  }
0x42b: {  	v17 =	vxor.u32 $0x80000000, v21;
	vm0 =	vmand vm0, vm1;
	v15 =	vand.u32 $0xF, v8;
	v8 =	vld [tilespmem:s4+$0x0]  }
0x42c: {  	v14 =	vld [tilespmem:s4+$0xFFFFFFE0];
	vm2 =	vlt.s32 v11, $0x0;
	v11 =	vxor.u32 $0xFFFFFFFF, v11;
	vm3 =	vlt.s32 v12, $0x0;
	(xrf1) =	vunique.msk.u32 vm0, v15  }
0x42d: {  	v12 =	vxor.u32 $0xFFFFFFFF, v12;
	v16 =	vsel vm2, v11, v16;
	v9 =	vand.u32 $0x7FFFFFFF, v19  }
0x42e: {  	s31 =	simm.s32 $0x20;
	vm1 =	vlt.s32 v19, $0x0;
	v18 =	vxor.u32 $0xFFFFFFFF, v19;
	v10 =	vand.u32 $0x7FFF, v10  }
0x42f: {  	v19 =	vor.u32 s31, v0;
	v13 =	vand.u32 $0x7FFF, v13;
	v10 =	vor.u32 v5, v10  }
0x430: {  	v9 =	vxor.u32 $0x80000000, v9;
	v13 =	vor.u32 v5, v13;
	v8 =	vand.u32 $0x7FFF, v8  }
0x431: {  	v11 =	vand.u32 $0x7FFF, v14;
	v14 =	vsel vm3, v12, v17;
	v8 =	vor.u32 v5, v8  }
0x432: {  	v12 =	vshrl.u32 v16, $0x10;
	vm5 =	vlt.s32 v19, v6;
	v9 =	vsel vm1, v18, v9  }
0x433: {  	v17 =	vor.u32 v5, v11;
	v18 =	vor.u32 s1, v0;
	v20 =	vshrl.u32 v14, $0x10  }
0x434: {  	vm1 =	veq.s32 v12, v7;
	v14 =	vshrl.u32 v14, $0xC;
	v11 =	vshrl.u32 v9, $0x10;
	v21 =	vld.idx.msk [tilespmem:v10+s2+$0x0], $0xffff  }
0x435: {  	v9 =	vshrl.u32 v9, $0xC;
	vm3 =	veq.s32 v20, v7;
	vm2 =	veq.s32 v11, v7;
	v11 =	vld.idx.msk [tilespmem:v13+s2+$0x0], $0xffff  }
0x436: {  	p4 =	sgt.s32 s19, $0x8;
	vm4 =	vlt.s32 v18, v6;
	v10 =	vor.u32 s23, v0;
	v13 =	vshrl.u32 v16, $0xC;
	v12 =	vld.idx.msk [tilespmem:v8+s2+$0x0], $0xffff  }
.Ltmp25:
0x437: {  	vm1 =	vmand vm4, vm1;
	vm15 =	vmand vm5, vm3;
	vm6 =	vlt.s32 v10, v6;
	(pc) =	sbr.rel @!p4 .LBB2_48-.Ltmp25, $4  }
0x438: {  	v10 =	vand.u32 $0xF, v13;
	vm2 =	vmand vm6, vm2;
	v8 =	vand.u32 $0xF, v9  }
0x439: {  	v9 =	vand.u32 $0xF, v14;
	(xrf1) =	vunique.msk.u32 vm2, v8;
	vm3 =	vlt.s32 v21, $0x0;
	v14 =	vand.u32 $0x7FFFFFFF, v21  }
0x43a: {  	s7 =	simm.s32 $0x70;
	p0 =	por $0x1, $0x1;
	v16 =	vxor.u32 $0xFFFFFFFF, v21;
	v20 =	vand.u32 $0x7FFFFFFF, v11;
	_, v13, vm11 =	vpop (xrf1);
	(xrf1) =	vunique.msk.u32 vm1, v10;
	v14 =	vxor.u32 $0x80000000, v14  }
0x43b: {  	s4 =	simm.s32 $0x100A0;
	s1 =	simm.s32 $0x50;
	s23 =	simm.s32 $0x40;
	v19 =	vld.idx.msk [tilespmem:v17+s2+$0x0], $0xffff;
	vm0 =	vmand vm0, vm11;
	(xrf1) =	vunique.msk.u32 vm15, v9;
	v21 =	vand.u32 $0x7FFFFFFF, v12;
	v24 =	vsel vm3, v16, v14  }
0x43c: {  	v16 =	vor.u32 s7, v0;
	v17 =	vshrl.u32 v24, $0x10;
	vm3 =	vmmov vm1  }
0x43d: {  	vm5 =	vmmov vm15;
	vm4 =	vmmov vm2;
	v20 =	vxor.u32 $0x80000000, v20  }
0x43e: {  	v22 =	vld [tilespmem:s4+$0x10];
	v21 =	vxor.u32 $0x80000000, v21;
	vm7 =	vlt.s32 v12, $0x0;
	v12 =	vxor.u32 $0xFFFFFFFF, v12  }
0x43f: {  	v23 =	vld [tilespmem:s4+$0xFFFFFFF0];
	vm1 =	vlt.s32 v16, v6;
	vm2 =	veq.s32 v17, v7;
	v16 =	vshrl.u32 v24, $0xC  }
0x440: {  	s31 =	simm.s32 $0x60;
	v17 =	vld [tilespmem:s4+$0x0];
	v12 =	vsel vm7, v12, v21;
	vm6 =	vmand vm1, vm2;
	v18 =	vand.u32 $0xF, v16  }
0x441: {  	v24 =	vor.u32 s31, v0;
	v16 =	vld [tilespmem:s4+$0xFFFFFFE0];
	vm2 =	vlt.s32 v11, $0x0;
	v11 =	vxor.u32 $0xFFFFFFFF, v11;
	(xrf1) =	vunique.msk.u32 vm6, v18  }
0x442: {  	v25 =	vshrl.u32 v12, $0x10;
	vm9 =	vlt.s32 v24, v6;
	v14 =	vand.u32 $0x7FFFFFFF, v19  }
0x443: {  	vm1 =	vlt.s32 v19, $0x0;
	v19 =	vxor.u32 $0xFFFFFFFF, v19;
	v22 =	vand.u32 $0x7FFF, v22  }
0x444: {  	v14 =	vxor.u32 $0x80000000, v14;
	v23 =	vand.u32 $0x7FFF, v23;
	v22 =	vor.u32 v5, v22  }
0x445: {  	v14 =	vsel vm1, v19, v14;
	v19 =	vor.u32 v5, v23;
	v17 =	vand.u32 $0x7FFF, v17  }
0x446: {  	v11 =	vsel vm2, v11, v20;
	v16 =	vand.u32 $0x7FFF, v16;
	v17 =	vor.u32 v5, v17  }
0x447: {  	v21 =	vshrl.u32 v11, $0x10;
	v20 =	vor.u32 v5, v16;
	v16 =	vshrl.u32 v14, $0x10  }
0x448: {  	v23 =	vor.u32 s1, v0;
	vm2 =	veq.s32 v16, v7;
	v16 =	vor.u32 s23, v0  }
0x449: {  	vm7 =	veq.s32 v25, v7;
	vm1 =	veq.s32 v21, v7;
	vm8 =	vlt.s32 v23, v6;
	v21 =	vld.idx.msk [tilespmem:v22+s2+$0x0], $0xffff  }
0x44a: {  	v26 =	vshrl.u32 v11, $0xC;
	vm15 =	vmand vm9, vm7;
	vm1 =	vmand vm8, vm1;
	v11 =	vld.idx.msk [tilespmem:v19+s2+$0x0], $0xffff  }
0x44b: {  	p4 =	sgt.s32 s19, $0xC;
	vm11 =	vlt.s32 v16, v6;
	v22 =	vshrl.u32 v14, $0xC;
	v19 =	vshrl.u32 v12, $0xC;
	_, v14, vm10 =	vpop (xrf1);
	v12 =	vld.idx.msk [tilespmem:v17+s2+$0x0], $0xffff  }
.Ltmp26:
0x44c: {  	vm2 =	vmand vm11, vm2;
	v25 =	vand.u32 $0xF, v22;
	v23 =	vand.u32 $0xF, v19;
	_, v16, vm7 =	vpop (xrf1);
	v19 =	vld.idx.msk [tilespmem:v20+s2+$0x0], $0xffff;
	(pc) =	sbr.rel @!p4 .LBB2_50-.Ltmp26, $4  }
0x44d: {  	[tilespmem:v15+s11+$0x0] =	vst.idx.add.s32.msk vm0, v13;
	v22 =	vand.u32 $0xF, v26;
	vm4 =	vmand vm4, vm10;
	_, v17, vm0 =	vpop (xrf1);
	vm3 =	vmand vm3, vm7  }
0x44e: {  	(xrf1) =	vunique.msk.u32 vm2, v25;
	vm5 =	vmand vm5, vm0;
	vm7 =	vlt.s32 v21, $0x0;
	v15 =	vand.u32 $0x7FFFFFFF, v21  }
0x44f: {  	s7 =	simm.s32 $0xB0;
	s6 =	simm.s32 $0x100E0;
	p3 =	por $0x1, $0x1;
	(xrf1) =	vunique.msk.u32 vm1, v22;
	v24 =	vxor.u32 $0xFFFFFFFF, v21;
	v20 =	vand.u32 $0x7FFFFFFF, v11;
	_, v13, vm8 =	vpop (xrf1);
	v15 =	vxor.u32 $0x80000000, v15  }
0x450: {  	s4 =	simm.s32 $0xC;
	s1 =	simm.s32 $0x90;
	s23 =	simm.s32 $0x80;
	(xrf1) =	vunique.msk.u32 vm15, v23;
	v21 =	vand.u32 $0x7FFFFFFF, v12;
	vm0 =	vmand vm6, vm8;
	v24 =	vsel vm7, v24, v15  }
.LBB2_51:
0x451: {  	v26 =	vand.u32 $0x7FFFFFFF, v19;
	v27 =	vor.u32 s7, v0;
	v28 =	vshrl.u32 v24, $0x10  }
0x452: {  	v15 =	vld [tilespmem:s6+$0x10];
	s4 =	sadd.s32 $0x4, s4;
	s8 =	sadd.s32 $0x20, s23;
	vm7 =	vmmov vm1;
	vm6 =	vmmov vm15;
	vm9 =	vmmov vm2  }
0x453: {  	v24 =	vshrl.u32 v24, $0xC;
	v29 =	vld [tilespmem:s6+$0xFFFFFFF0];
	p4 =	slt.s32 s4, s19;
	vm1 =	vlt.s32 v27, v6;
	vm2 =	veq.s32 v28, v7  }
0x454: {  	v26 =	vxor.u32 $0x80000000, v26;
	v24 =	vand.u32 $0xF, v24;
	v27 =	vld [tilespmem:s6+$0x0];
	vm8 =	vmand vm1, vm2  }
0x455: {  	v20 =	vxor.u32 $0x80000000, v20;
	v21 =	vxor.u32 $0x80000000, v21;
	vm1 =	vlt.s32 v19, $0x0;
	v28 =	vld [tilespmem:s6+$0xFFFFFFE0];
	(xrf1) =	vunique.msk.u32 vm8, v24  }
0x456: {  	v19 =	vxor.u32 $0xFFFFFFFF, v19;
	vm2 =	vlt.s32 v11, $0x0;
	v11 =	vxor.u32 $0xFFFFFFFF, v11;
	[tilespmem:v18+s11+$0x0] =	vst.idx.add.s32.msk vm0, v13;
	v18 =	vmovc v24  }
0x457: {  	vm0 =	vlt.s32 v12, $0x0;
	v12 =	vxor.u32 $0xFFFFFFFF, v12;
	v13 =	vand.u32 $0x7FFF, v15;
	[tilespmem:v8+s11+$0x0] =	vst.idx.add.s32.msk vm4, v14;
	v8 =	vmovc v25  }
0x458: {  	v15 =	vsel vm1, v19, v26;
	v14 =	vand.u32 $0x7FFF, v29;
	v13 =	vor.u32 v5, v13;
	[tilespmem:v10+s11+$0x0] =	vst.idx.add.s32.msk vm3, v16  }
0x459: {  	v20 =	vsel vm2, v11, v20;
	v19 =	vor.u32 v5, v14;
	v16 =	vand.u32 $0x7FFF, v27;
	[tilespmem:v9+s11+$0x0] =	vst.idx.add.s32.msk vm5, v17  }
0x45a: {  	v21 =	vsel vm0, v12, v21;
	v10 =	vmovc v22;
	v9 =	vmovc v23;
	v11 =	vand.u32 $0x7FFF, v28;
	v24 =	vor.u32 v5, v16  }
0x45b: {  	v12 =	vshrl.u32 v20, $0x10;
	v22 =	vor.u32 v5, v11;
	v11 =	vshrl.u32 v15, $0x10  }
0x45c: {  	v25 =	vor.u32 s8, v0;
	v23 =	vor.u32 s1, v0;
	v27 =	vshrl.u32 v21, $0x10;
	_, v14, vm0 =	vpop (xrf1)  }
0x45d: {  	vm1 =	veq.s32 v12, v7;
	vm2 =	veq.s32 v11, v7;
	v26 =	vld.idx.msk [tilespmem:v13+s2+$0x0], $0xffff;
	v13 =	vor.u32 s23, v0;
	_, v16, vm3 =	vpop (xrf1)  }
0x45e: {  	v20 =	vshrl.u32 v20, $0xC;
	vm4 =	veq.s32 v27, v7;
	v15 =	vshrl.u32 v15, $0xC;
	v11 =	vld.idx.msk [tilespmem:v19+s2+$0x0], $0xffff;
	_, v17, vm5 =	vpop (xrf1)  }
0x45f: {  	vm11 =	vlt.s32 v25, v6;
	v21 =	vshrl.u32 v21, $0xC;
	vm10 =	vlt.s32 v23, v6;
	v12 =	vld.idx.msk [tilespmem:v24+s2+$0x0], $0xffff  }
0x460: {  	vm1 =	vmand vm10, vm1;
	vm15 =	vmand vm11, vm4;
	vm12 =	vlt.s32 v13, v6;
	v19 =	vld.idx.msk [tilespmem:v22+s2+$0x0], $0xffff  }
.Ltmp27:
0x461: {  	v25 =	vand.u32 $0xF, v15;
	vm2 =	vmand vm12, vm2;
	v22 =	vand.u32 $0xF, v20;
	(pc) =	sbr.rel @p4 .LBB2_51-.Ltmp27, $4  }
0x462: {  	v23 =	vand.u32 $0xF, v21;
	vm4 =	vmand vm9, vm0;
	vm3 =	vmand vm7, vm3;
	(xrf1) =	vunique.msk.u32 vm2, v25  }
0x463: {  	vm5 =	vmand vm6, vm5;
	vm7 =	vlt.s32 v26, $0x0;
	v15 =	vand.u32 $0x7FFFFFFF, v26;
	(xrf1) =	vunique.msk.u32 vm1, v22;
	_, v13, vm0 =	vpop (xrf1)  }
0x464: {  	s23 =	sadd.s32 $0x40, s23;
	v24 =	vxor.u32 $0xFFFFFFFF, v26;
	v15 =	vxor.u32 $0x80000000, v15;
	vm0 =	vmand vm8, vm0;
	(xrf1) =	vunique.msk.u32 vm15, v23  }
0x465: {  	s6 =	sadd.s32 $0x40, s6;
	s1 =	sadd.s32 $0x10, s23;
	s7 =	sadd.s32 $0x30, s23;
	v20 =	vand.u32 $0x7FFFFFFF, v11;
	v21 =	vand.u32 $0x7FFFFFFF, v12;
	v24 =	vsel vm7, v24, v15  }
0x466: {  	v26 =	vmov v8;
	v27 =	vmov v10  }
0x467: {  	v28 =	vmovc v9;
	v15 =	vmovc v18;
	v8 =	vmov v25;
	v10 =	vmov v22;
	v9 =	vmov v23  }
.LBB2_53:
0x468: {  	v18 =	vand.u32 $0x7FFFFFFF, v19;
	v22 =	vor.u32 s7, v0;
	v23 =	vshrl.u32 v24, $0x10  }
0x469: {  	v52 =	vshrl.u32 v24, $0xC;
	v20 =	vxor.u32 $0x80000000, v20;
	v21 =	vxor.u32 $0x80000000, v21  }
0x46a: {  	v53 =	vxor.u32 $0xFFFFFFFF, v19;
	vm8 =	vlt.s32 v11, $0x0;
	v54 =	vxor.u32 $0xFFFFFFFF, v11  }
0x46b: {  	vm9 =	vlt.s32 v12, $0x0;
	v55 =	vxor.u32 $0xFFFFFFFF, v12;
	v56 =	vor.u32 s1, v0  }
0x46c: {  	v59 =	vor.u32 s23, v0;
	vm6 =	vlt.s32 v22, v6;
	vm7 =	veq.s32 v23, v7  }
0x46d: {  	s4 =	sadd.s32 $0x20, s23;
	v18 =	vxor.u32 $0x80000000, v18;
	v22 =	vand.u32 $0xF, v52;
	v11 =	vsel vm8, v54, v20  }
0x46e: {  	v12 =	vsel vm9, v55, v21;
	v57 =	vor.u32 s4, v0;
	vm10 =	vlt.s32 v56, v6  }
0x46f: {  	vm11 =	vlt.s32 v59, v6;
	vm6 =	vmand vm6, vm7;
	vm7 =	vlt.s32 v19, $0x0  }
0x470: {  	v20 =	vshrl.u32 v11, $0x10;
	v58 =	vshrl.u32 v12, $0x10;
	v18 =	vsel vm7, v53, v18  }
0x471: {  	v11 =	vshrl.u32 v11, $0xC;
	vm12 =	vlt.s32 v57, v6;
	v19 =	vshrl.u32 v18, $0x10  }
0x472: {  	v12 =	vshrl.u32 v12, $0xC;
	v18 =	vshrl.u32 v18, $0xC;
	vm7 =	veq.s32 v19, v7  }
0x473: {  	(xrf1) =	vunique.msk.u32 vm6, v22;
	vm8 =	veq.s32 v20, v7;
	v18 =	vand.u32 $0xF, v18;
	vm11 =	vmand vm11, vm7  }
0x474: {  	vm9 =	veq.s32 v58, v7;
	v11 =	vand.u32 $0xF, v11;
	vm8 =	vmand vm10, vm8;
	(xrf1) =	vunique.msk.u32 vm11, v18  }
0x475: {  	v12 =	vand.u32 $0xF, v12;
	vm7 =	vmand vm12, vm9;
	(xrf1) =	vunique.msk.u32 vm8, v11  }
0x476: {  	(xrf1) =	vunique.msk.u32 vm7, v12;
	_ =	sdelay $0x6  }
0x477: {  	vm2 =	vmmov @p0 vm2;
	_, v19, vm9 =	vpop @p0 (xrf1)  }
0x478: {  	vm1 =	vmmov @p0 vm1;
	_, v20, vm10 =	vpop @p0 (xrf1);
	vm2 =	vmand @p0 vm2, vm9  }
0x479: {  	vm9 =	vmmov @p0 vm15;
	_, v21, vm12 =	vpop @p0 (xrf1);
	vm1 =	vmand @p0 vm1, vm10;
	vm2 =	vmmov @p0 vm2  }
0x47a: {  	[tilespmem:v15+s11+$0x0] =	vst.idx.add.s32.msk @p0 vm0, v13;
	v8 =	vpsel p0, v8, v0;
	vm0 =	vmand @p0 vm9, vm12;
	vm1 =	vmmov @p0 vm1  }
0x47b: {  	v10 =	vpsel p0, v10, v0;
	vm0 =	vmmov @p0 vm0;
	_, v60, vm13 =	vpop (xrf1)  }
0x47c: {  	[tilespmem:v26+s11+$0x0] =	vst.idx.add.s32.msk @p3 vm4, v14;
	v9 =	vpsel p0, v9, v0;
	vm4 =	vmmov vm11;
	vm6 =	vmand vm6, vm13;
	_, v61, vm9 =	vpop (xrf1)  }
0x47d: {  	[tilespmem:v27+s11+$0x0] =	vst.idx.add.s32.msk @p3 vm3, v16;
	vm3 =	vmmov vm8;
	_, v62, vm8 =	vpop (xrf1);
	vm4 =	vmand vm4, vm9  }
0x47e: {  	[tilespmem:v28+s11+$0x0] =	vst.idx.add.s32.msk @p3 vm5, v17;
	vm5 =	vmmov vm7;
	v16 =	vpsel p0, v19, v0;
	_, v63, vm7 =	vpop (xrf1);
	vm3 =	vmand vm3, vm8  }
0x47f: {  	v17 =	vpsel p0, v20, v0;
	[tilespmem:v8+s11+$0x0] =	vst.idx.add.s32.msk @p0 vm2, v16;
	vm5 =	vmand vm5, vm7  }
0x480: {  	v8 =	vpsel p0, v21, v0;
	[tilespmem:v10+s11+$0x0] =	vst.idx.add.s32.msk @p0 vm1, v17  }
0x481: {  	[tilespmem:v9+s11+$0x0] =	vst.idx.add.s32.msk @p0 vm0, v8  }
0x482: {  	[tilespmem:v22+s11+$0x0] =	vst.idx.add.s32.msk vm6, v60  }
0x483: {  	[tilespmem:v18+s11+$0x0] =	vst.idx.add.s32.msk vm4, v61  }
0x484: {  	[tilespmem:v11+s11+$0x0] =	vst.idx.add.s32.msk vm3, v62  }
0x485: {  	[tilespmem:v12+s11+$0x0] =	vst.idx.add.s32.msk vm5, v63  }
0x486: {  	v8 =	vld [tilespmem:$0x1FF70];
	_ =	sdelay $0x4  }
0x487: {  	vm13 =	vnez.u8 v8;
	v8 =	vld [tilespmem:$0x1FF80];
	_ =	sdelay $0x4  }
0x488: {  	vm7 =	vnez.u8 v8;
	v8 =	vld [tilespmem:$0x1FF90];
	_ =	sdelay $0x4  }
0x489: {  	vm8 =	vnez.u8 v8;
	v8 =	vld [tilespmem:$0x1FFA0];
	_ =	sdelay $0x4  }
0x48a: {  	vm9 =	vnez.u8 v8;
	v8 =	vld [tilespmem:$0x1FFB0];
	_ =	sdelay $0x4  }
0x48b: {  	vm14 =	vnez.u8 v8;
	v8 =	vld [tilespmem:$0x1FFC0];
	_ =	sdelay $0x4  }
0x48c: {  	vm11 =	vnez.u8 v8;
	v8 =	vld [tilespmem:$0x1FFD0];
	_ =	sdelay $0x4  }
0x48d: {  	vm12 =	vnez.u8 v8;
	v8 =	vld [tilespmem:$0x1FFE0];
	_ =	sdelay $0x4  }
0x48e: {  	vm15 =	vnez.u8 v8  }
.LBB2_41:
.Ltmp28:
0x48f: {  	(pc) =	sbr.rel @p2 .LBB2_44-.Ltmp28, $1  }
0x490: {  	_ =	sdelay $0x3  }
0x491: {  	s1 =	sadd.s32 $0x10000, s21;
	s4 =	sshll.u32 s19, $0x4;
	s6 =	smov.u32 s19  }
.LBB2_43:
0x492: {  	v8 =	vld [tilespmem:s1+$0x0];
	_ =	sdelay $0x4  }
0x493: {  	v8 =	vand.u32 $0x7FFF, v8  }
0x494: {  	v8 =	vor.u32 v5, v8;
	_ =	sdelay $0x4  }
0x495: {  	v8 =	vld.idx.msk [tilespmem:v8+s2+$0x0], $0xffff;
	_ =	sdelay $0x4  }
0x496: {  	v9 =	vand.u32 $0x7FFFFFFF, v8  }
0x497: {  	vm0 =	vlt.s32 v8, $0x0;
	v8 =	vxor.u32 $0xFFFFFFFF, v8;
	v9 =	vxor.u32 $0x80000000, v9  }
0x498: {  	v8 =	vsel vm0, v8, v9  }
0x499: {  	v62 =	vor.u32 s4, v0;
	v10 =	vshrl.u32 v8, $0x10  }
0x49a: {  	vm0 =	vlt.s32 v62, v6;
	v8 =	vshrl.u32 v8, $0xC;
	vm1 =	veq.s32 v10, v7  }
0x49b: {  	v8 =	vand.u32 $0xF, v8;
	vm0 =	vmand vm0, vm1  }
0x49c: {  	(xrf1) =	vunique.msk.u32 vm0, v8;
	_ =	sdelay $0xd  }
0x49d: {  	_, v63, vm1 =	vpop (xrf1)  }
0x49e: {  	s6 =	sadd.s32 $0x1, s6;
	vm0 =	vmand vm0, vm1  }
0x49f: {  	p0 =	slt.s32 s6, s18  }
.Ltmp29:
0x4a0: {  	_ = 	snop;
	(pc) =	sbr.rel @p0 .LBB2_43-.Ltmp29, $2  }
0x4a1: {  	_ =	sdelay $0x2  }
0x4a2: {  	s1 =	sadd.s32 $0x10, s1;
	s4 =	sadd.s32 $0x10, s4;
	[tilespmem:v8+s11+$0x0] =	vst.idx.add.s32.msk vm0, v63  }
.LBB2_44:
0x4a3: {  	v7 =	vld [tilespmem:$0x18080];
	_ =	sdelay $0x4  }
0x4a4: {  	v7 =	vperm.xlane v7, v2;
	_ =	sdelay $0x1  }
0x4a5: {  	(xrf0) =	vadd.scan.msk.s32 $0xffff, v7;
	_ =	sdelay $0x3  }
0x4a6: {  	s1 =	sxor.u32 $0x80000000, s5;
	s4 =	sxor.u32 $0x80000000, s22  }
0x4a7: {  	s1 =	ssub.s32 s4, s1  }
0x4a8: {  	s0 =	sadd.s32 s0, s1;
	v8, _, _ =	vpop (xrf0)  }
0x4a9: {  	vm0 =	vge.s32 v8, s0  }
0x4aa: {  	v9 =	vmctz.xlane vm0;
	_ =	sdelay $0x1  }
0x4ab: {  	v9 =	vxor.u32 $0x80000000, v9  }
0x4ac: {  	(xrf0) =	vmax.scan.msk.u32 $0xffff, v9;
	_ =	sdelay $0x5  }
0x4ad: {  	v9, _, _ =	vpop (xrf0)  }
0x4ae: {  	(v2sf) =	vpush v9, $0xF;
	_ =	sdelay $0xe  }
0x4af: {  	s31 =	spop (v2sf)  }
0x4b0: {  	s1 =	sxor.u32 $0x80000000, s31  }
0x4b1: {  	v63 =	vmov s1  }
0x4b2: {  	v8 =	vxor.u32 $0x80000000, v8;
	vm0 =	veq.s32 v63, v0  }
0x4b3: {  	v7 =	vxor.u32 $0x80000000, v7;
	v8 =	vnsel vm0, $0x80000000, v8  }
0x4b4: {  	v7 =	vnsel vm0, $0x80000000, v7;
	(xrf0) =	vmax.scan.msk.u32 $0xffff, v8  }
0x4b5: {  	(xrf0) =	vmax.scan.msk.u32 $0xffff, v7;
	_ =	sdelay $0x4  }
0x4b6: {  	v7, _, _ =	vpop (xrf0)  }
0x4b7: {  	(v2sf) =	vpush v7, $0xF;
	v7, _, _ =	vpop (xrf0)  }
0x4b8: {  	(v2sf) =	vpush v7, $0xF;
	_ =	sdelay $0xa  }
.Ltmp30:
0x4b9: {  	_ = 	snop;
	(pc) =	sbr.rel @p1 .LBB2_54-.Ltmp30, $4  }
0x4ba: {  	_ = 	snop  }
0x4bb: {  	s3 =	sshll.u32 s3, $0x4;
	s1 =	ssub.s32 $0xF, s1  }
0x4bc: {  	s3 =	sor.u32 s3, s1;
	s5 =	spop (v2sf)  }
0x4bd: {  	[tilespmem:$0x18080] =	vst v1;
	v7 =	vmov s3;
	s22 =	spop (v2sf)  }
0x4be: {  	s1 =	simm.s32 $0x10020  }
0x4bf: {  	v8 =	vld [tilespmem:s1+$0x10]  }
0x4c0: {  	v9 =	vld [tilespmem:s1+$0xFFFFFFF0]  }
0x4c1: {  	v10 =	vld [tilespmem:s1+$0x0];
	_ =	sdelay $0x2  }
0x4c2: {  	v8 =	vand.u32 $0x7FFF, v8  }
0x4c3: {  	v9 =	vand.u32 $0x7FFF, v9;
	v8 =	vor.u32 v5, v8  }
0x4c4: {  	v11 =	vld [tilespmem:s1+$0xFFFFFFE0];
	v10 =	vand.u32 $0x7FFF, v10;
	v9 =	vor.u32 v5, v9  }
0x4c5: {  	v10 =	vor.u32 v5, v10;
	_ =	sdelay $0x2  }
0x4c6: {  	v8 =	vld.idx.msk [tilespmem:v8+s2+$0x0], $0xffff  }
0x4c7: {  	v12 =	vand.u32 $0x7FFF, v11;
	v11 =	vld.idx.msk [tilespmem:v9+s2+$0x0], $0xffff  }
0x4c8: {  	p4 =	sgt.s32 s19, $0x4;
	v9 =	vor.u32 v5, v12;
	v12 =	vld.idx.msk [tilespmem:v10+s2+$0x0], $0xffff  }
.Ltmp31:
0x4c9: {  	_ = 	snop;
	(pc) =	sbr.rel @!p4 .LBB2_46-.Ltmp31, $4  }
0x4ca: {  	_ = 	snop  }
0x4cb: {  	v10 =	vand.u32 $0x7FFFFFFF, v8  }
0x4cc: {  	s23 =	simm.s32 $0x0;
	s7 =	simm.s32 $0x30;
	s4 =	simm.s32 $0x10060;
	vm0 =	vlt.s32 v8, $0x0;
	v8 =	vxor.u32 $0xFFFFFFFF, v8;
	v10 =	vxor.u32 $0x80000000, v10  }
0x4cd: {  	p0 =	por $0x0, $0x0;
	p3 =	por $0x0, $0x0;
	s1 =	simm.s32 $0x10;
	v19 =	vld.idx.msk [tilespmem:v9+s2+$0x0], $0xffff;
	v20 =	vand.u32 $0x7FFFFFFF, v11;
	v21 =	vand.u32 $0x7FFFFFFF, v12;
	v24 =	vsel vm0, v8, v10  }
0x4ce: {  	v8 =	vor.u32 s7, v0;
	v9 =	vshrl.u32 v24, $0xC;
	v10 =	vld [tilespmem:s4+$0x10];
	v16 =	vxor.u32 $0x80000000, v20  }
0x4cf: {  	v13 =	vld [tilespmem:s4+$0xFFFFFFF0];
	vm0 =	vlt.s32 v8, v6;
	vm1 =	veq.s32 v9, v7;
	v8 =	vshrl.u32 v24, $0x8  }
0x4d0: {  	v17 =	vxor.u32 $0x80000000, v21;
	vm0 =	vmand vm0, vm1;
	v15 =	vand.u32 $0xF, v8;
	v8 =	vld [tilespmem:s4+$0x0]  }
0x4d1: {  	v14 =	vld [tilespmem:s4+$0xFFFFFFE0];
	vm2 =	vlt.s32 v11, $0x0;
	v11 =	vxor.u32 $0xFFFFFFFF, v11;
	vm3 =	vlt.s32 v12, $0x0;
	(xrf1) =	vunique.msk.u32 vm0, v15  }
0x4d2: {  	v12 =	vxor.u32 $0xFFFFFFFF, v12;
	v16 =	vsel vm2, v11, v16;
	v9 =	vand.u32 $0x7FFFFFFF, v19  }
0x4d3: {  	s31 =	simm.s32 $0x20;
	vm1 =	vlt.s32 v19, $0x0;
	v18 =	vxor.u32 $0xFFFFFFFF, v19;
	v10 =	vand.u32 $0x7FFF, v10  }
0x4d4: {  	v19 =	vor.u32 s31, v0;
	v13 =	vand.u32 $0x7FFF, v13;
	v10 =	vor.u32 v5, v10  }
0x4d5: {  	v9 =	vxor.u32 $0x80000000, v9;
	v13 =	vor.u32 v5, v13;
	v8 =	vand.u32 $0x7FFF, v8  }
0x4d6: {  	v11 =	vand.u32 $0x7FFF, v14;
	v14 =	vsel vm3, v12, v17;
	v8 =	vor.u32 v5, v8  }
0x4d7: {  	v12 =	vshrl.u32 v16, $0xC;
	vm5 =	vlt.s32 v19, v6;
	v9 =	vsel vm1, v18, v9  }
0x4d8: {  	v17 =	vor.u32 v5, v11;
	v18 =	vor.u32 s1, v0;
	v20 =	vshrl.u32 v14, $0xC  }
0x4d9: {  	vm1 =	veq.s32 v12, v7;
	v14 =	vshrl.u32 v14, $0x8;
	v11 =	vshrl.u32 v9, $0xC;
	v21 =	vld.idx.msk [tilespmem:v10+s2+$0x0], $0xffff  }
0x4da: {  	v9 =	vshrl.u32 v9, $0x8;
	vm3 =	veq.s32 v20, v7;
	vm2 =	veq.s32 v11, v7;
	v11 =	vld.idx.msk [tilespmem:v13+s2+$0x0], $0xffff  }
0x4db: {  	p4 =	sgt.s32 s19, $0x8;
	vm4 =	vlt.s32 v18, v6;
	v10 =	vor.u32 s23, v0;
	v13 =	vshrl.u32 v16, $0x8;
	v12 =	vld.idx.msk [tilespmem:v8+s2+$0x0], $0xffff  }
.Ltmp32:
0x4dc: {  	vm1 =	vmand vm4, vm1;
	vm15 =	vmand vm5, vm3;
	vm6 =	vlt.s32 v10, v6;
	(pc) =	sbr.rel @!p4 .LBB2_61-.Ltmp32, $4  }
0x4dd: {  	v10 =	vand.u32 $0xF, v13;
	vm2 =	vmand vm6, vm2;
	v8 =	vand.u32 $0xF, v9  }
0x4de: {  	v9 =	vand.u32 $0xF, v14;
	(xrf1) =	vunique.msk.u32 vm2, v8;
	vm3 =	vlt.s32 v21, $0x0;
	v14 =	vand.u32 $0x7FFFFFFF, v21  }
0x4df: {  	s7 =	simm.s32 $0x70;
	p0 =	por $0x1, $0x1;
	v16 =	vxor.u32 $0xFFFFFFFF, v21;
	v20 =	vand.u32 $0x7FFFFFFF, v11;
	_, v13, vm11 =	vpop (xrf1);
	(xrf1) =	vunique.msk.u32 vm1, v10;
	v14 =	vxor.u32 $0x80000000, v14  }
0x4e0: {  	s4 =	simm.s32 $0x100A0;
	s1 =	simm.s32 $0x50;
	s23 =	simm.s32 $0x40;
	v19 =	vld.idx.msk [tilespmem:v17+s2+$0x0], $0xffff;
	vm0 =	vmand vm0, vm11;
	(xrf1) =	vunique.msk.u32 vm15, v9;
	v21 =	vand.u32 $0x7FFFFFFF, v12;
	v24 =	vsel vm3, v16, v14  }
0x4e1: {  	v16 =	vor.u32 s7, v0;
	v17 =	vshrl.u32 v24, $0xC;
	vm3 =	vmmov vm1  }
0x4e2: {  	vm5 =	vmmov vm15;
	vm4 =	vmmov vm2;
	v20 =	vxor.u32 $0x80000000, v20  }
0x4e3: {  	v22 =	vld [tilespmem:s4+$0x10];
	v21 =	vxor.u32 $0x80000000, v21;
	vm7 =	vlt.s32 v12, $0x0;
	v12 =	vxor.u32 $0xFFFFFFFF, v12  }
0x4e4: {  	v23 =	vld [tilespmem:s4+$0xFFFFFFF0];
	vm1 =	vlt.s32 v16, v6;
	vm2 =	veq.s32 v17, v7;
	v16 =	vshrl.u32 v24, $0x8  }
0x4e5: {  	s31 =	simm.s32 $0x60;
	v17 =	vld [tilespmem:s4+$0x0];
	v12 =	vsel vm7, v12, v21;
	vm6 =	vmand vm1, vm2;
	v18 =	vand.u32 $0xF, v16  }
0x4e6: {  	v24 =	vor.u32 s31, v0;
	v16 =	vld [tilespmem:s4+$0xFFFFFFE0];
	vm2 =	vlt.s32 v11, $0x0;
	v11 =	vxor.u32 $0xFFFFFFFF, v11;
	(xrf1) =	vunique.msk.u32 vm6, v18  }
0x4e7: {  	v25 =	vshrl.u32 v12, $0xC;
	vm9 =	vlt.s32 v24, v6;
	v14 =	vand.u32 $0x7FFFFFFF, v19  }
0x4e8: {  	vm1 =	vlt.s32 v19, $0x0;
	v19 =	vxor.u32 $0xFFFFFFFF, v19;
	v22 =	vand.u32 $0x7FFF, v22  }
0x4e9: {  	v14 =	vxor.u32 $0x80000000, v14;
	v23 =	vand.u32 $0x7FFF, v23;
	v22 =	vor.u32 v5, v22  }
0x4ea: {  	v14 =	vsel vm1, v19, v14;
	v19 =	vor.u32 v5, v23;
	v17 =	vand.u32 $0x7FFF, v17  }
0x4eb: {  	v11 =	vsel vm2, v11, v20;
	v16 =	vand.u32 $0x7FFF, v16;
	v17 =	vor.u32 v5, v17  }
0x4ec: {  	v21 =	vshrl.u32 v11, $0xC;
	v20 =	vor.u32 v5, v16;
	v16 =	vshrl.u32 v14, $0xC  }
0x4ed: {  	v23 =	vor.u32 s1, v0;
	vm2 =	veq.s32 v16, v7;
	v16 =	vor.u32 s23, v0  }
0x4ee: {  	vm7 =	veq.s32 v25, v7;
	vm1 =	veq.s32 v21, v7;
	vm8 =	vlt.s32 v23, v6;
	v21 =	vld.idx.msk [tilespmem:v22+s2+$0x0], $0xffff  }
0x4ef: {  	v26 =	vshrl.u32 v11, $0x8;
	vm15 =	vmand vm9, vm7;
	vm1 =	vmand vm8, vm1;
	v11 =	vld.idx.msk [tilespmem:v19+s2+$0x0], $0xffff  }
0x4f0: {  	p4 =	sgt.s32 s19, $0xC;
	vm11 =	vlt.s32 v16, v6;
	v22 =	vshrl.u32 v14, $0x8;
	v19 =	vshrl.u32 v12, $0x8;
	_, v14, vm10 =	vpop (xrf1);
	v12 =	vld.idx.msk [tilespmem:v17+s2+$0x0], $0xffff  }
.Ltmp33:
0x4f1: {  	vm2 =	vmand vm11, vm2;
	v25 =	vand.u32 $0xF, v22;
	v23 =	vand.u32 $0xF, v19;
	_, v16, vm7 =	vpop (xrf1);
	v19 =	vld.idx.msk [tilespmem:v20+s2+$0x0], $0xffff;
	(pc) =	sbr.rel @!p4 .LBB2_63-.Ltmp33, $4  }
0x4f2: {  	[tilespmem:v15+s11+$0x0] =	vst.idx.add.s32.msk vm0, v13;
	v22 =	vand.u32 $0xF, v26;
	vm4 =	vmand vm4, vm10;
	_, v17, vm0 =	vpop (xrf1);
	vm3 =	vmand vm3, vm7  }
0x4f3: {  	(xrf1) =	vunique.msk.u32 vm2, v25;
	vm5 =	vmand vm5, vm0;
	vm7 =	vlt.s32 v21, $0x0;
	v15 =	vand.u32 $0x7FFFFFFF, v21  }
0x4f4: {  	s7 =	simm.s32 $0xB0;
	s6 =	simm.s32 $0x100E0;
	p3 =	por $0x1, $0x1;
	(xrf1) =	vunique.msk.u32 vm1, v22;
	v24 =	vxor.u32 $0xFFFFFFFF, v21;
	v20 =	vand.u32 $0x7FFFFFFF, v11;
	_, v13, vm8 =	vpop (xrf1);
	v15 =	vxor.u32 $0x80000000, v15  }
0x4f5: {  	s4 =	simm.s32 $0xC;
	s1 =	simm.s32 $0x90;
	s23 =	simm.s32 $0x80;
	(xrf1) =	vunique.msk.u32 vm15, v23;
	v21 =	vand.u32 $0x7FFFFFFF, v12;
	vm0 =	vmand vm6, vm8;
	v24 =	vsel vm7, v24, v15  }
.LBB2_64:
0x4f6: {  	v26 =	vand.u32 $0x7FFFFFFF, v19;
	v27 =	vor.u32 s7, v0;
	v28 =	vshrl.u32 v24, $0xC  }
0x4f7: {  	v15 =	vld [tilespmem:s6+$0x10];
	s4 =	sadd.s32 $0x4, s4;
	s8 =	sadd.s32 $0x20, s23;
	vm7 =	vmmov vm1;
	vm6 =	vmmov vm15;
	vm9 =	vmmov vm2  }
0x4f8: {  	v24 =	vshrl.u32 v24, $0x8;
	v29 =	vld [tilespmem:s6+$0xFFFFFFF0];
	p4 =	slt.s32 s4, s19;
	vm1 =	vlt.s32 v27, v6;
	vm2 =	veq.s32 v28, v7  }
0x4f9: {  	v26 =	vxor.u32 $0x80000000, v26;
	v24 =	vand.u32 $0xF, v24;
	v27 =	vld [tilespmem:s6+$0x0];
	vm8 =	vmand vm1, vm2  }
0x4fa: {  	v20 =	vxor.u32 $0x80000000, v20;
	v21 =	vxor.u32 $0x80000000, v21;
	vm1 =	vlt.s32 v19, $0x0;
	v28 =	vld [tilespmem:s6+$0xFFFFFFE0];
	(xrf1) =	vunique.msk.u32 vm8, v24  }
0x4fb: {  	v19 =	vxor.u32 $0xFFFFFFFF, v19;
	vm2 =	vlt.s32 v11, $0x0;
	v11 =	vxor.u32 $0xFFFFFFFF, v11;
	[tilespmem:v18+s11+$0x0] =	vst.idx.add.s32.msk vm0, v13;
	v18 =	vmovc v24  }
0x4fc: {  	vm0 =	vlt.s32 v12, $0x0;
	v12 =	vxor.u32 $0xFFFFFFFF, v12;
	v13 =	vand.u32 $0x7FFF, v15;
	[tilespmem:v8+s11+$0x0] =	vst.idx.add.s32.msk vm4, v14;
	v8 =	vmovc v25  }
0x4fd: {  	v15 =	vsel vm1, v19, v26;
	v14 =	vand.u32 $0x7FFF, v29;
	v13 =	vor.u32 v5, v13;
	[tilespmem:v10+s11+$0x0] =	vst.idx.add.s32.msk vm3, v16  }
0x4fe: {  	v20 =	vsel vm2, v11, v20;
	v19 =	vor.u32 v5, v14;
	v16 =	vand.u32 $0x7FFF, v27;
	[tilespmem:v9+s11+$0x0] =	vst.idx.add.s32.msk vm5, v17  }
0x4ff: {  	v21 =	vsel vm0, v12, v21;
	v10 =	vmovc v22;
	v9 =	vmovc v23;
	v11 =	vand.u32 $0x7FFF, v28;
	v24 =	vor.u32 v5, v16  }
0x500: {  	v12 =	vshrl.u32 v20, $0xC;
	v22 =	vor.u32 v5, v11;
	v11 =	vshrl.u32 v15, $0xC  }
0x501: {  	v25 =	vor.u32 s8, v0;
	v23 =	vor.u32 s1, v0;
	v27 =	vshrl.u32 v21, $0xC;
	_, v14, vm0 =	vpop (xrf1)  }
0x502: {  	vm1 =	veq.s32 v12, v7;
	vm2 =	veq.s32 v11, v7;
	v26 =	vld.idx.msk [tilespmem:v13+s2+$0x0], $0xffff;
	v13 =	vor.u32 s23, v0;
	_, v16, vm3 =	vpop (xrf1)  }
0x503: {  	v20 =	vshrl.u32 v20, $0x8;
	vm4 =	veq.s32 v27, v7;
	v15 =	vshrl.u32 v15, $0x8;
	v11 =	vld.idx.msk [tilespmem:v19+s2+$0x0], $0xffff;
	_, v17, vm5 =	vpop (xrf1)  }
0x504: {  	vm11 =	vlt.s32 v25, v6;
	v21 =	vshrl.u32 v21, $0x8;
	vm10 =	vlt.s32 v23, v6;
	v12 =	vld.idx.msk [tilespmem:v24+s2+$0x0], $0xffff  }
0x505: {  	vm1 =	vmand vm10, vm1;
	vm15 =	vmand vm11, vm4;
	vm12 =	vlt.s32 v13, v6;
	v19 =	vld.idx.msk [tilespmem:v22+s2+$0x0], $0xffff  }
.Ltmp34:
0x506: {  	v25 =	vand.u32 $0xF, v15;
	vm2 =	vmand vm12, vm2;
	v22 =	vand.u32 $0xF, v20;
	(pc) =	sbr.rel @p4 .LBB2_64-.Ltmp34, $4  }
0x507: {  	v23 =	vand.u32 $0xF, v21;
	vm4 =	vmand vm9, vm0;
	vm3 =	vmand vm7, vm3;
	(xrf1) =	vunique.msk.u32 vm2, v25  }
0x508: {  	vm5 =	vmand vm6, vm5;
	vm7 =	vlt.s32 v26, $0x0;
	v15 =	vand.u32 $0x7FFFFFFF, v26;
	(xrf1) =	vunique.msk.u32 vm1, v22;
	_, v13, vm0 =	vpop (xrf1)  }
0x509: {  	s23 =	sadd.s32 $0x40, s23;
	v24 =	vxor.u32 $0xFFFFFFFF, v26;
	v15 =	vxor.u32 $0x80000000, v15;
	vm0 =	vmand vm8, vm0;
	(xrf1) =	vunique.msk.u32 vm15, v23  }
0x50a: {  	s6 =	sadd.s32 $0x40, s6;
	s1 =	sadd.s32 $0x10, s23;
	s7 =	sadd.s32 $0x30, s23;
	v20 =	vand.u32 $0x7FFFFFFF, v11;
	v21 =	vand.u32 $0x7FFFFFFF, v12;
	v24 =	vsel vm7, v24, v15  }
0x50b: {  	v26 =	vmov v8;
	v27 =	vmov v10  }
0x50c: {  	v28 =	vmovc v9;
	v15 =	vmovc v18;
	v8 =	vmov v25;
	v10 =	vmov v22;
	v9 =	vmov v23  }
.LBB2_66:
0x50d: {  	v18 =	vand.u32 $0x7FFFFFFF, v19;
	v22 =	vor.u32 s7, v0;
	v23 =	vshrl.u32 v24, $0xC  }
0x50e: {  	v52 =	vshrl.u32 v24, $0x8;
	v20 =	vxor.u32 $0x80000000, v20;
	v21 =	vxor.u32 $0x80000000, v21  }
0x50f: {  	v53 =	vxor.u32 $0xFFFFFFFF, v19;
	vm8 =	vlt.s32 v11, $0x0;
	v54 =	vxor.u32 $0xFFFFFFFF, v11  }
0x510: {  	vm9 =	vlt.s32 v12, $0x0;
	v55 =	vxor.u32 $0xFFFFFFFF, v12;
	v56 =	vor.u32 s1, v0  }
0x511: {  	v59 =	vor.u32 s23, v0;
	vm6 =	vlt.s32 v22, v6;
	vm7 =	veq.s32 v23, v7  }
0x512: {  	s4 =	sadd.s32 $0x20, s23;
	v18 =	vxor.u32 $0x80000000, v18;
	v22 =	vand.u32 $0xF, v52;
	v11 =	vsel vm8, v54, v20  }
0x513: {  	v12 =	vsel vm9, v55, v21;
	v57 =	vor.u32 s4, v0;
	vm10 =	vlt.s32 v56, v6  }
0x514: {  	vm11 =	vlt.s32 v59, v6;
	vm6 =	vmand vm6, vm7;
	vm7 =	vlt.s32 v19, $0x0  }
0x515: {  	v20 =	vshrl.u32 v11, $0xC;
	v58 =	vshrl.u32 v12, $0xC;
	v18 =	vsel vm7, v53, v18  }
0x516: {  	v11 =	vshrl.u32 v11, $0x8;
	vm12 =	vlt.s32 v57, v6;
	v19 =	vshrl.u32 v18, $0xC  }
0x517: {  	v12 =	vshrl.u32 v12, $0x8;
	v18 =	vshrl.u32 v18, $0x8;
	vm7 =	veq.s32 v19, v7  }
0x518: {  	(xrf1) =	vunique.msk.u32 vm6, v22;
	vm8 =	veq.s32 v20, v7;
	v18 =	vand.u32 $0xF, v18;
	vm11 =	vmand vm11, vm7  }
0x519: {  	vm9 =	veq.s32 v58, v7;
	v11 =	vand.u32 $0xF, v11;
	vm8 =	vmand vm10, vm8;
	(xrf1) =	vunique.msk.u32 vm11, v18  }
0x51a: {  	v12 =	vand.u32 $0xF, v12;
	vm7 =	vmand vm12, vm9;
	(xrf1) =	vunique.msk.u32 vm8, v11  }
0x51b: {  	(xrf1) =	vunique.msk.u32 vm7, v12;
	_ =	sdelay $0x6  }
0x51c: {  	vm2 =	vmmov @p0 vm2;
	_, v19, vm9 =	vpop @p0 (xrf1)  }
0x51d: {  	vm1 =	vmmov @p0 vm1;
	_, v20, vm10 =	vpop @p0 (xrf1);
	vm2 =	vmand @p0 vm2, vm9  }
0x51e: {  	vm9 =	vmmov @p0 vm15;
	_, v21, vm12 =	vpop @p0 (xrf1);
	vm1 =	vmand @p0 vm1, vm10;
	vm2 =	vmmov @p0 vm2  }
0x51f: {  	[tilespmem:v15+s11+$0x0] =	vst.idx.add.s32.msk @p0 vm0, v13;
	v8 =	vpsel p0, v8, v0;
	vm0 =	vmand @p0 vm9, vm12;
	vm1 =	vmmov @p0 vm1  }
0x520: {  	v10 =	vpsel p0, v10, v0;
	vm0 =	vmmov @p0 vm0;
	_, v60, vm13 =	vpop (xrf1)  }
0x521: {  	[tilespmem:v26+s11+$0x0] =	vst.idx.add.s32.msk @p3 vm4, v14;
	v9 =	vpsel p0, v9, v0;
	vm4 =	vmmov vm11;
	vm6 =	vmand vm6, vm13;
	_, v61, vm9 =	vpop (xrf1)  }
0x522: {  	[tilespmem:v27+s11+$0x0] =	vst.idx.add.s32.msk @p3 vm3, v16;
	vm3 =	vmmov vm8;
	_, v62, vm8 =	vpop (xrf1);
	vm4 =	vmand vm4, vm9  }
0x523: {  	[tilespmem:v28+s11+$0x0] =	vst.idx.add.s32.msk @p3 vm5, v17;
	vm5 =	vmmov vm7;
	v16 =	vpsel p0, v19, v0;
	_, v63, vm7 =	vpop (xrf1);
	vm3 =	vmand vm3, vm8  }
0x524: {  	v17 =	vpsel p0, v20, v0;
	[tilespmem:v8+s11+$0x0] =	vst.idx.add.s32.msk @p0 vm2, v16;
	vm5 =	vmand vm5, vm7  }
0x525: {  	v8 =	vpsel p0, v21, v0;
	[tilespmem:v10+s11+$0x0] =	vst.idx.add.s32.msk @p0 vm1, v17  }
0x526: {  	[tilespmem:v9+s11+$0x0] =	vst.idx.add.s32.msk @p0 vm0, v8  }
0x527: {  	[tilespmem:v22+s11+$0x0] =	vst.idx.add.s32.msk vm6, v60  }
0x528: {  	[tilespmem:v18+s11+$0x0] =	vst.idx.add.s32.msk vm4, v61  }
0x529: {  	[tilespmem:v11+s11+$0x0] =	vst.idx.add.s32.msk vm3, v62  }
0x52a: {  	[tilespmem:v12+s11+$0x0] =	vst.idx.add.s32.msk vm5, v63  }
0x52b: {  	v8 =	vld [tilespmem:$0x1FF70];
	_ =	sdelay $0x4  }
0x52c: {  	vm13 =	vnez.u8 v8;
	v8 =	vld [tilespmem:$0x1FF80];
	_ =	sdelay $0x4  }
0x52d: {  	vm7 =	vnez.u8 v8;
	v8 =	vld [tilespmem:$0x1FF90];
	_ =	sdelay $0x4  }
0x52e: {  	vm8 =	vnez.u8 v8;
	v8 =	vld [tilespmem:$0x1FFA0];
	_ =	sdelay $0x4  }
0x52f: {  	vm9 =	vnez.u8 v8;
	v8 =	vld [tilespmem:$0x1FFB0];
	_ =	sdelay $0x4  }
0x530: {  	vm14 =	vnez.u8 v8;
	v8 =	vld [tilespmem:$0x1FFC0];
	_ =	sdelay $0x4  }
0x531: {  	vm11 =	vnez.u8 v8;
	v8 =	vld [tilespmem:$0x1FFD0];
	_ =	sdelay $0x4  }
0x532: {  	vm12 =	vnez.u8 v8;
	v8 =	vld [tilespmem:$0x1FFE0];
	_ =	sdelay $0x4  }
0x533: {  	vm15 =	vnez.u8 v8  }
.LBB2_54:
.Ltmp35:
0x534: {  	(pc) =	sbr.rel @p2 .LBB2_57-.Ltmp35, $1  }
0x535: {  	_ =	sdelay $0x3  }
0x536: {  	s1 =	sadd.s32 $0x10000, s21;
	s4 =	sshll.u32 s19, $0x4;
	s6 =	smov.u32 s19  }
.LBB2_56:
0x537: {  	v8 =	vld [tilespmem:s1+$0x0];
	_ =	sdelay $0x4  }
0x538: {  	v8 =	vand.u32 $0x7FFF, v8  }
0x539: {  	v8 =	vor.u32 v5, v8;
	_ =	sdelay $0x4  }
0x53a: {  	v8 =	vld.idx.msk [tilespmem:v8+s2+$0x0], $0xffff;
	_ =	sdelay $0x4  }
0x53b: {  	v9 =	vand.u32 $0x7FFFFFFF, v8  }
0x53c: {  	vm0 =	vlt.s32 v8, $0x0;
	v8 =	vxor.u32 $0xFFFFFFFF, v8;
	v9 =	vxor.u32 $0x80000000, v9  }
0x53d: {  	v8 =	vsel vm0, v8, v9  }
0x53e: {  	v62 =	vor.u32 s4, v0;
	v10 =	vshrl.u32 v8, $0xC  }
0x53f: {  	vm0 =	vlt.s32 v62, v6;
	v8 =	vshrl.u32 v8, $0x8;
	vm1 =	veq.s32 v10, v7  }
0x540: {  	v8 =	vand.u32 $0xF, v8;
	vm0 =	vmand vm0, vm1  }
0x541: {  	(xrf1) =	vunique.msk.u32 vm0, v8;
	_ =	sdelay $0xd  }
0x542: {  	_, v63, vm1 =	vpop (xrf1)  }
0x543: {  	s6 =	sadd.s32 $0x1, s6;
	vm0 =	vmand vm0, vm1  }
0x544: {  	p0 =	slt.s32 s6, s18  }
.Ltmp36:
0x545: {  	_ = 	snop;
	(pc) =	sbr.rel @p0 .LBB2_56-.Ltmp36, $2  }
0x546: {  	_ =	sdelay $0x2  }
0x547: {  	s1 =	sadd.s32 $0x10, s1;
	s4 =	sadd.s32 $0x10, s4;
	[tilespmem:v8+s11+$0x0] =	vst.idx.add.s32.msk vm0, v63  }
.LBB2_57:
0x548: {  	v7 =	vld [tilespmem:$0x18080];
	_ =	sdelay $0x4  }
0x549: {  	v7 =	vperm.xlane v7, v2;
	_ =	sdelay $0x1  }
0x54a: {  	(xrf0) =	vadd.scan.msk.s32 $0xffff, v7;
	_ =	sdelay $0x3  }
0x54b: {  	s1 =	sxor.u32 $0x80000000, s5;
	s4 =	sxor.u32 $0x80000000, s22  }
0x54c: {  	s1 =	ssub.s32 s4, s1  }
0x54d: {  	s0 =	sadd.s32 s0, s1;
	v8, _, _ =	vpop (xrf0)  }
0x54e: {  	vm0 =	vge.s32 v8, s0  }
0x54f: {  	v9 =	vmctz.xlane vm0;
	_ =	sdelay $0x1  }
0x550: {  	v9 =	vxor.u32 $0x80000000, v9  }
0x551: {  	(xrf0) =	vmax.scan.msk.u32 $0xffff, v9;
	_ =	sdelay $0x5  }
0x552: {  	v9, _, _ =	vpop (xrf0)  }
0x553: {  	(v2sf) =	vpush v9, $0xF;
	_ =	sdelay $0xe  }
0x554: {  	s31 =	spop (v2sf)  }
0x555: {  	s1 =	sxor.u32 $0x80000000, s31  }
0x556: {  	v63 =	vmov s1  }
0x557: {  	v8 =	vxor.u32 $0x80000000, v8;
	vm0 =	veq.s32 v63, v0  }
0x558: {  	v7 =	vxor.u32 $0x80000000, v7;
	v8 =	vnsel vm0, $0x80000000, v8  }
0x559: {  	v7 =	vnsel vm0, $0x80000000, v7;
	(xrf0) =	vmax.scan.msk.u32 $0xffff, v8  }
0x55a: {  	(xrf0) =	vmax.scan.msk.u32 $0xffff, v7;
	_ =	sdelay $0x4  }
0x55b: {  	v7, _, _ =	vpop (xrf0)  }
0x55c: {  	(v2sf) =	vpush v7, $0xF;
	v7, _, _ =	vpop (xrf0)  }
0x55d: {  	(v2sf) =	vpush v7, $0xF;
	_ =	sdelay $0xa  }
.Ltmp37:
0x55e: {  	_ = 	snop;
	(pc) =	sbr.rel @p1 .LBB2_67-.Ltmp37, $4  }
0x55f: {  	_ = 	snop  }
0x560: {  	s3 =	sshll.u32 s3, $0x4;
	s1 =	ssub.s32 $0xF, s1  }
0x561: {  	s3 =	sor.u32 s3, s1;
	s5 =	spop (v2sf)  }
0x562: {  	[tilespmem:$0x18080] =	vst v1;
	v7 =	vmov s3;
	s22 =	spop (v2sf)  }
0x563: {  	s1 =	simm.s32 $0x10020  }
0x564: {  	v8 =	vld [tilespmem:s1+$0x10]  }
0x565: {  	v9 =	vld [tilespmem:s1+$0xFFFFFFF0]  }
0x566: {  	v10 =	vld [tilespmem:s1+$0x0];
	_ =	sdelay $0x2  }
0x567: {  	v8 =	vand.u32 $0x7FFF, v8  }
0x568: {  	v9 =	vand.u32 $0x7FFF, v9;
	v8 =	vor.u32 v5, v8  }
0x569: {  	v11 =	vld [tilespmem:s1+$0xFFFFFFE0];
	v10 =	vand.u32 $0x7FFF, v10;
	v9 =	vor.u32 v5, v9  }
0x56a: {  	v10 =	vor.u32 v5, v10;
	_ =	sdelay $0x2  }
0x56b: {  	v8 =	vld.idx.msk [tilespmem:v8+s2+$0x0], $0xffff  }
0x56c: {  	v12 =	vand.u32 $0x7FFF, v11;
	v11 =	vld.idx.msk [tilespmem:v9+s2+$0x0], $0xffff  }
0x56d: {  	p4 =	sgt.s32 s19, $0x4;
	v9 =	vor.u32 v5, v12;
	v12 =	vld.idx.msk [tilespmem:v10+s2+$0x0], $0xffff  }
.Ltmp38:
0x56e: {  	_ = 	snop;
	(pc) =	sbr.rel @!p4 .LBB2_59-.Ltmp38, $4  }
0x56f: {  	_ = 	snop  }
0x570: {  	v10 =	vand.u32 $0x7FFFFFFF, v8  }
0x571: {  	s23 =	simm.s32 $0x0;
	s7 =	simm.s32 $0x30;
	s4 =	simm.s32 $0x10060;
	vm0 =	vlt.s32 v8, $0x0;
	v8 =	vxor.u32 $0xFFFFFFFF, v8;
	v10 =	vxor.u32 $0x80000000, v10  }
0x572: {  	p0 =	por $0x0, $0x0;
	p3 =	por $0x0, $0x0;
	s1 =	simm.s32 $0x10;
	v19 =	vld.idx.msk [tilespmem:v9+s2+$0x0], $0xffff;
	v20 =	vand.u32 $0x7FFFFFFF, v11;
	v21 =	vand.u32 $0x7FFFFFFF, v12;
	v24 =	vsel vm0, v8, v10  }
0x573: {  	v8 =	vor.u32 s7, v0;
	v9 =	vshrl.u32 v24, $0x8;
	v10 =	vld [tilespmem:s4+$0x10];
	v16 =	vxor.u32 $0x80000000, v20  }
0x574: {  	v13 =	vld [tilespmem:s4+$0xFFFFFFF0];
	vm0 =	vlt.s32 v8, v6;
	vm1 =	veq.s32 v9, v7;
	v8 =	vshrl.u32 v24, $0x4  }
0x575: {  	v17 =	vxor.u32 $0x80000000, v21;
	vm0 =	vmand vm0, vm1;
	v15 =	vand.u32 $0xF, v8;
	v8 =	vld [tilespmem:s4+$0x0]  }
0x576: {  	v14 =	vld [tilespmem:s4+$0xFFFFFFE0];
	vm2 =	vlt.s32 v11, $0x0;
	v11 =	vxor.u32 $0xFFFFFFFF, v11;
	vm3 =	vlt.s32 v12, $0x0;
	(xrf1) =	vunique.msk.u32 vm0, v15  }
0x577: {  	v12 =	vxor.u32 $0xFFFFFFFF, v12;
	v16 =	vsel vm2, v11, v16;
	v9 =	vand.u32 $0x7FFFFFFF, v19  }
0x578: {  	s31 =	simm.s32 $0x20;
	vm1 =	vlt.s32 v19, $0x0;
	v18 =	vxor.u32 $0xFFFFFFFF, v19;
	v10 =	vand.u32 $0x7FFF, v10  }
0x579: {  	v19 =	vor.u32 s31, v0;
	v13 =	vand.u32 $0x7FFF, v13;
	v10 =	vor.u32 v5, v10  }
0x57a: {  	v9 =	vxor.u32 $0x80000000, v9;
	v13 =	vor.u32 v5, v13;
	v8 =	vand.u32 $0x7FFF, v8  }
0x57b: {  	v11 =	vand.u32 $0x7FFF, v14;
	v14 =	vsel vm3, v12, v17;
	v8 =	vor.u32 v5, v8  }
0x57c: {  	v12 =	vshrl.u32 v16, $0x8;
	vm5 =	vlt.s32 v19, v6;
	v9 =	vsel vm1, v18, v9  }
0x57d: {  	v17 =	vor.u32 v5, v11;
	v18 =	vor.u32 s1, v0;
	v20 =	vshrl.u32 v14, $0x8  }
0x57e: {  	vm1 =	veq.s32 v12, v7;
	v14 =	vshrl.u32 v14, $0x4;
	v11 =	vshrl.u32 v9, $0x8;
	v21 =	vld.idx.msk [tilespmem:v10+s2+$0x0], $0xffff  }
0x57f: {  	v9 =	vshrl.u32 v9, $0x4;
	vm3 =	veq.s32 v20, v7;
	vm2 =	veq.s32 v11, v7;
	v11 =	vld.idx.msk [tilespmem:v13+s2+$0x0], $0xffff  }
0x580: {  	p4 =	sgt.s32 s19, $0x8;
	vm4 =	vlt.s32 v18, v6;
	v10 =	vor.u32 s23, v0;
	v13 =	vshrl.u32 v16, $0x4;
	v12 =	vld.idx.msk [tilespmem:v8+s2+$0x0], $0xffff  }
.Ltmp39:
0x581: {  	vm1 =	vmand vm4, vm1;
	vm15 =	vmand vm5, vm3;
	vm6 =	vlt.s32 v10, v6;
	(pc) =	sbr.rel @!p4 .LBB2_74-.Ltmp39, $4  }
0x582: {  	v10 =	vand.u32 $0xF, v13;
	vm2 =	vmand vm6, vm2;
	v8 =	vand.u32 $0xF, v9  }
0x583: {  	v9 =	vand.u32 $0xF, v14;
	(xrf1) =	vunique.msk.u32 vm2, v8;
	vm3 =	vlt.s32 v21, $0x0;
	v14 =	vand.u32 $0x7FFFFFFF, v21  }
0x584: {  	s7 =	simm.s32 $0x70;
	p0 =	por $0x1, $0x1;
	v16 =	vxor.u32 $0xFFFFFFFF, v21;
	v20 =	vand.u32 $0x7FFFFFFF, v11;
	_, v13, vm11 =	vpop (xrf1);
	(xrf1) =	vunique.msk.u32 vm1, v10;
	v14 =	vxor.u32 $0x80000000, v14  }
0x585: {  	s4 =	simm.s32 $0x100A0;
	s1 =	simm.s32 $0x50;
	s23 =	simm.s32 $0x40;
	v19 =	vld.idx.msk [tilespmem:v17+s2+$0x0], $0xffff;
	vm0 =	vmand vm0, vm11;
	(xrf1) =	vunique.msk.u32 vm15, v9;
	v21 =	vand.u32 $0x7FFFFFFF, v12;
	v24 =	vsel vm3, v16, v14  }
0x586: {  	v16 =	vor.u32 s7, v0;
	v17 =	vshrl.u32 v24, $0x8;
	vm3 =	vmmov vm1  }
0x587: {  	vm5 =	vmmov vm15;
	vm4 =	vmmov vm2;
	v20 =	vxor.u32 $0x80000000, v20  }
0x588: {  	v22 =	vld [tilespmem:s4+$0x10];
	v21 =	vxor.u32 $0x80000000, v21;
	vm7 =	vlt.s32 v12, $0x0;
	v12 =	vxor.u32 $0xFFFFFFFF, v12  }
0x589: {  	v23 =	vld [tilespmem:s4+$0xFFFFFFF0];
	vm1 =	vlt.s32 v16, v6;
	vm2 =	veq.s32 v17, v7;
	v16 =	vshrl.u32 v24, $0x4  }
0x58a: {  	s31 =	simm.s32 $0x60;
	v17 =	vld [tilespmem:s4+$0x0];
	v12 =	vsel vm7, v12, v21;
	vm6 =	vmand vm1, vm2;
	v18 =	vand.u32 $0xF, v16  }
0x58b: {  	v24 =	vor.u32 s31, v0;
	v16 =	vld [tilespmem:s4+$0xFFFFFFE0];
	vm2 =	vlt.s32 v11, $0x0;
	v11 =	vxor.u32 $0xFFFFFFFF, v11;
	(xrf1) =	vunique.msk.u32 vm6, v18  }
0x58c: {  	v25 =	vshrl.u32 v12, $0x8;
	vm9 =	vlt.s32 v24, v6;
	v14 =	vand.u32 $0x7FFFFFFF, v19  }
0x58d: {  	vm1 =	vlt.s32 v19, $0x0;
	v19 =	vxor.u32 $0xFFFFFFFF, v19;
	v22 =	vand.u32 $0x7FFF, v22  }
0x58e: {  	v14 =	vxor.u32 $0x80000000, v14;
	v23 =	vand.u32 $0x7FFF, v23;
	v22 =	vor.u32 v5, v22  }
0x58f: {  	v14 =	vsel vm1, v19, v14;
	v19 =	vor.u32 v5, v23;
	v17 =	vand.u32 $0x7FFF, v17  }
0x590: {  	v11 =	vsel vm2, v11, v20;
	v16 =	vand.u32 $0x7FFF, v16;
	v17 =	vor.u32 v5, v17  }
0x591: {  	v21 =	vshrl.u32 v11, $0x8;
	v20 =	vor.u32 v5, v16;
	v16 =	vshrl.u32 v14, $0x8  }
0x592: {  	v23 =	vor.u32 s1, v0;
	vm2 =	veq.s32 v16, v7;
	v16 =	vor.u32 s23, v0  }
0x593: {  	vm7 =	veq.s32 v25, v7;
	vm1 =	veq.s32 v21, v7;
	vm8 =	vlt.s32 v23, v6;
	v21 =	vld.idx.msk [tilespmem:v22+s2+$0x0], $0xffff  }
0x594: {  	v26 =	vshrl.u32 v11, $0x4;
	vm15 =	vmand vm9, vm7;
	vm1 =	vmand vm8, vm1;
	v11 =	vld.idx.msk [tilespmem:v19+s2+$0x0], $0xffff  }
0x595: {  	p4 =	sgt.s32 s19, $0xC;
	vm11 =	vlt.s32 v16, v6;
	v22 =	vshrl.u32 v14, $0x4;
	v19 =	vshrl.u32 v12, $0x4;
	_, v14, vm10 =	vpop (xrf1);
	v12 =	vld.idx.msk [tilespmem:v17+s2+$0x0], $0xffff  }
.Ltmp40:
0x596: {  	vm2 =	vmand vm11, vm2;
	v25 =	vand.u32 $0xF, v22;
	v23 =	vand.u32 $0xF, v19;
	_, v16, vm7 =	vpop (xrf1);
	v19 =	vld.idx.msk [tilespmem:v20+s2+$0x0], $0xffff;
	(pc) =	sbr.rel @!p4 .LBB2_76-.Ltmp40, $4  }
0x597: {  	[tilespmem:v15+s11+$0x0] =	vst.idx.add.s32.msk vm0, v13;
	v22 =	vand.u32 $0xF, v26;
	vm4 =	vmand vm4, vm10;
	_, v17, vm0 =	vpop (xrf1);
	vm3 =	vmand vm3, vm7  }
0x598: {  	(xrf1) =	vunique.msk.u32 vm2, v25;
	vm5 =	vmand vm5, vm0;
	vm7 =	vlt.s32 v21, $0x0;
	v15 =	vand.u32 $0x7FFFFFFF, v21  }
0x599: {  	s7 =	simm.s32 $0xB0;
	s6 =	simm.s32 $0x100E0;
	p3 =	por $0x1, $0x1;
	(xrf1) =	vunique.msk.u32 vm1, v22;
	v24 =	vxor.u32 $0xFFFFFFFF, v21;
	v20 =	vand.u32 $0x7FFFFFFF, v11;
	_, v13, vm8 =	vpop (xrf1);
	v15 =	vxor.u32 $0x80000000, v15  }
0x59a: {  	s4 =	simm.s32 $0xC;
	s1 =	simm.s32 $0x90;
	s23 =	simm.s32 $0x80;
	(xrf1) =	vunique.msk.u32 vm15, v23;
	v21 =	vand.u32 $0x7FFFFFFF, v12;
	vm0 =	vmand vm6, vm8;
	v24 =	vsel vm7, v24, v15  }
.LBB2_77:
0x59b: {  	v26 =	vand.u32 $0x7FFFFFFF, v19;
	v27 =	vor.u32 s7, v0;
	v28 =	vshrl.u32 v24, $0x8  }
0x59c: {  	v15 =	vld [tilespmem:s6+$0x10];
	s4 =	sadd.s32 $0x4, s4;
	s8 =	sadd.s32 $0x20, s23;
	vm7 =	vmmov vm1;
	vm6 =	vmmov vm15;
	vm9 =	vmmov vm2  }
0x59d: {  	v24 =	vshrl.u32 v24, $0x4;
	v29 =	vld [tilespmem:s6+$0xFFFFFFF0];
	p4 =	slt.s32 s4, s19;
	vm1 =	vlt.s32 v27, v6;
	vm2 =	veq.s32 v28, v7  }
0x59e: {  	v26 =	vxor.u32 $0x80000000, v26;
	v24 =	vand.u32 $0xF, v24;
	v27 =	vld [tilespmem:s6+$0x0];
	vm8 =	vmand vm1, vm2  }
0x59f: {  	v20 =	vxor.u32 $0x80000000, v20;
	v21 =	vxor.u32 $0x80000000, v21;
	vm1 =	vlt.s32 v19, $0x0;
	v28 =	vld [tilespmem:s6+$0xFFFFFFE0];
	(xrf1) =	vunique.msk.u32 vm8, v24  }
0x5a0: {  	v19 =	vxor.u32 $0xFFFFFFFF, v19;
	vm2 =	vlt.s32 v11, $0x0;
	v11 =	vxor.u32 $0xFFFFFFFF, v11;
	[tilespmem:v18+s11+$0x0] =	vst.idx.add.s32.msk vm0, v13;
	v18 =	vmovc v24  }
0x5a1: {  	vm0 =	vlt.s32 v12, $0x0;
	v12 =	vxor.u32 $0xFFFFFFFF, v12;
	v13 =	vand.u32 $0x7FFF, v15;
	[tilespmem:v8+s11+$0x0] =	vst.idx.add.s32.msk vm4, v14;
	v8 =	vmovc v25  }
0x5a2: {  	v15 =	vsel vm1, v19, v26;
	v14 =	vand.u32 $0x7FFF, v29;
	v13 =	vor.u32 v5, v13;
	[tilespmem:v10+s11+$0x0] =	vst.idx.add.s32.msk vm3, v16  }
0x5a3: {  	v20 =	vsel vm2, v11, v20;
	v19 =	vor.u32 v5, v14;
	v16 =	vand.u32 $0x7FFF, v27;
	[tilespmem:v9+s11+$0x0] =	vst.idx.add.s32.msk vm5, v17  }
0x5a4: {  	v21 =	vsel vm0, v12, v21;
	v10 =	vmovc v22;
	v9 =	vmovc v23;
	v11 =	vand.u32 $0x7FFF, v28;
	v24 =	vor.u32 v5, v16  }
0x5a5: {  	v12 =	vshrl.u32 v20, $0x8;
	v22 =	vor.u32 v5, v11;
	v11 =	vshrl.u32 v15, $0x8  }
0x5a6: {  	v25 =	vor.u32 s8, v0;
	v23 =	vor.u32 s1, v0;
	v27 =	vshrl.u32 v21, $0x8;
	_, v14, vm0 =	vpop (xrf1)  }
0x5a7: {  	vm1 =	veq.s32 v12, v7;
	vm2 =	veq.s32 v11, v7;
	v26 =	vld.idx.msk [tilespmem:v13+s2+$0x0], $0xffff;
	v13 =	vor.u32 s23, v0;
	_, v16, vm3 =	vpop (xrf1)  }
0x5a8: {  	v20 =	vshrl.u32 v20, $0x4;
	vm4 =	veq.s32 v27, v7;
	v15 =	vshrl.u32 v15, $0x4;
	v11 =	vld.idx.msk [tilespmem:v19+s2+$0x0], $0xffff;
	_, v17, vm5 =	vpop (xrf1)  }
0x5a9: {  	vm11 =	vlt.s32 v25, v6;
	v21 =	vshrl.u32 v21, $0x4;
	vm10 =	vlt.s32 v23, v6;
	v12 =	vld.idx.msk [tilespmem:v24+s2+$0x0], $0xffff  }
0x5aa: {  	vm1 =	vmand vm10, vm1;
	vm15 =	vmand vm11, vm4;
	vm12 =	vlt.s32 v13, v6;
	v19 =	vld.idx.msk [tilespmem:v22+s2+$0x0], $0xffff  }
.Ltmp41:
0x5ab: {  	v25 =	vand.u32 $0xF, v15;
	vm2 =	vmand vm12, vm2;
	v22 =	vand.u32 $0xF, v20;
	(pc) =	sbr.rel @p4 .LBB2_77-.Ltmp41, $4  }
0x5ac: {  	v23 =	vand.u32 $0xF, v21;
	vm4 =	vmand vm9, vm0;
	vm3 =	vmand vm7, vm3;
	(xrf1) =	vunique.msk.u32 vm2, v25  }
0x5ad: {  	vm5 =	vmand vm6, vm5;
	vm7 =	vlt.s32 v26, $0x0;
	v15 =	vand.u32 $0x7FFFFFFF, v26;
	(xrf1) =	vunique.msk.u32 vm1, v22;
	_, v13, vm0 =	vpop (xrf1)  }
0x5ae: {  	s23 =	sadd.s32 $0x40, s23;
	v24 =	vxor.u32 $0xFFFFFFFF, v26;
	v15 =	vxor.u32 $0x80000000, v15;
	vm0 =	vmand vm8, vm0;
	(xrf1) =	vunique.msk.u32 vm15, v23  }
0x5af: {  	s6 =	sadd.s32 $0x40, s6;
	s1 =	sadd.s32 $0x10, s23;
	s7 =	sadd.s32 $0x30, s23;
	v20 =	vand.u32 $0x7FFFFFFF, v11;
	v21 =	vand.u32 $0x7FFFFFFF, v12;
	v24 =	vsel vm7, v24, v15  }
0x5b0: {  	v26 =	vmov v8;
	v27 =	vmov v10  }
0x5b1: {  	v28 =	vmovc v9;
	v15 =	vmovc v18;
	v8 =	vmov v25;
	v10 =	vmov v22;
	v9 =	vmov v23  }
.LBB2_79:
0x5b2: {  	v18 =	vand.u32 $0x7FFFFFFF, v19;
	v22 =	vor.u32 s7, v0;
	v23 =	vshrl.u32 v24, $0x8  }
0x5b3: {  	v52 =	vshrl.u32 v24, $0x4;
	v20 =	vxor.u32 $0x80000000, v20;
	v21 =	vxor.u32 $0x80000000, v21  }
0x5b4: {  	v53 =	vxor.u32 $0xFFFFFFFF, v19;
	vm8 =	vlt.s32 v11, $0x0;
	v54 =	vxor.u32 $0xFFFFFFFF, v11  }
0x5b5: {  	vm9 =	vlt.s32 v12, $0x0;
	v55 =	vxor.u32 $0xFFFFFFFF, v12;
	v56 =	vor.u32 s1, v0  }
0x5b6: {  	v59 =	vor.u32 s23, v0;
	vm6 =	vlt.s32 v22, v6;
	vm7 =	veq.s32 v23, v7  }
0x5b7: {  	s4 =	sadd.s32 $0x20, s23;
	v18 =	vxor.u32 $0x80000000, v18;
	v22 =	vand.u32 $0xF, v52;
	v11 =	vsel vm8, v54, v20  }
0x5b8: {  	v12 =	vsel vm9, v55, v21;
	v57 =	vor.u32 s4, v0;
	vm10 =	vlt.s32 v56, v6  }
0x5b9: {  	vm11 =	vlt.s32 v59, v6;
	vm6 =	vmand vm6, vm7;
	vm7 =	vlt.s32 v19, $0x0  }
0x5ba: {  	v20 =	vshrl.u32 v11, $0x8;
	v58 =	vshrl.u32 v12, $0x8;
	v18 =	vsel vm7, v53, v18  }
0x5bb: {  	v11 =	vshrl.u32 v11, $0x4;
	vm12 =	vlt.s32 v57, v6;
	v19 =	vshrl.u32 v18, $0x8  }
0x5bc: {  	v12 =	vshrl.u32 v12, $0x4;
	v18 =	vshrl.u32 v18, $0x4;
	vm7 =	veq.s32 v19, v7  }
0x5bd: {  	(xrf1) =	vunique.msk.u32 vm6, v22;
	vm8 =	veq.s32 v20, v7;
	v18 =	vand.u32 $0xF, v18;
	vm11 =	vmand vm11, vm7  }
0x5be: {  	vm9 =	veq.s32 v58, v7;
	v11 =	vand.u32 $0xF, v11;
	vm8 =	vmand vm10, vm8;
	(xrf1) =	vunique.msk.u32 vm11, v18  }
0x5bf: {  	v12 =	vand.u32 $0xF, v12;
	vm7 =	vmand vm12, vm9;
	(xrf1) =	vunique.msk.u32 vm8, v11  }
0x5c0: {  	(xrf1) =	vunique.msk.u32 vm7, v12;
	_ =	sdelay $0x6  }
0x5c1: {  	vm2 =	vmmov @p0 vm2;
	_, v19, vm9 =	vpop @p0 (xrf1)  }
0x5c2: {  	vm1 =	vmmov @p0 vm1;
	_, v20, vm10 =	vpop @p0 (xrf1);
	vm2 =	vmand @p0 vm2, vm9  }
0x5c3: {  	vm9 =	vmmov @p0 vm15;
	_, v21, vm12 =	vpop @p0 (xrf1);
	vm1 =	vmand @p0 vm1, vm10;
	vm2 =	vmmov @p0 vm2  }
0x5c4: {  	[tilespmem:v15+s11+$0x0] =	vst.idx.add.s32.msk @p0 vm0, v13;
	v8 =	vpsel p0, v8, v0;
	vm0 =	vmand @p0 vm9, vm12;
	vm1 =	vmmov @p0 vm1  }
0x5c5: {  	v10 =	vpsel p0, v10, v0;
	vm0 =	vmmov @p0 vm0;
	_, v60, vm13 =	vpop (xrf1)  }
0x5c6: {  	[tilespmem:v26+s11+$0x0] =	vst.idx.add.s32.msk @p3 vm4, v14;
	v9 =	vpsel p0, v9, v0;
	vm4 =	vmmov vm11;
	vm6 =	vmand vm6, vm13;
	_, v61, vm9 =	vpop (xrf1)  }
0x5c7: {  	[tilespmem:v27+s11+$0x0] =	vst.idx.add.s32.msk @p3 vm3, v16;
	vm3 =	vmmov vm8;
	_, v62, vm8 =	vpop (xrf1);
	vm4 =	vmand vm4, vm9  }
0x5c8: {  	[tilespmem:v28+s11+$0x0] =	vst.idx.add.s32.msk @p3 vm5, v17;
	vm5 =	vmmov vm7;
	v16 =	vpsel p0, v19, v0;
	_, v63, vm7 =	vpop (xrf1);
	vm3 =	vmand vm3, vm8  }
0x5c9: {  	v17 =	vpsel p0, v20, v0;
	[tilespmem:v8+s11+$0x0] =	vst.idx.add.s32.msk @p0 vm2, v16;
	vm5 =	vmand vm5, vm7  }
0x5ca: {  	v8 =	vpsel p0, v21, v0;
	[tilespmem:v10+s11+$0x0] =	vst.idx.add.s32.msk @p0 vm1, v17  }
0x5cb: {  	[tilespmem:v9+s11+$0x0] =	vst.idx.add.s32.msk @p0 vm0, v8  }
0x5cc: {  	[tilespmem:v22+s11+$0x0] =	vst.idx.add.s32.msk vm6, v60  }
0x5cd: {  	[tilespmem:v18+s11+$0x0] =	vst.idx.add.s32.msk vm4, v61  }
0x5ce: {  	[tilespmem:v11+s11+$0x0] =	vst.idx.add.s32.msk vm3, v62  }
0x5cf: {  	[tilespmem:v12+s11+$0x0] =	vst.idx.add.s32.msk vm5, v63  }
0x5d0: {  	v8 =	vld [tilespmem:$0x1FF70];
	_ =	sdelay $0x4  }
0x5d1: {  	vm13 =	vnez.u8 v8;
	v8 =	vld [tilespmem:$0x1FF80];
	_ =	sdelay $0x4  }
0x5d2: {  	vm7 =	vnez.u8 v8;
	v8 =	vld [tilespmem:$0x1FF90];
	_ =	sdelay $0x4  }
0x5d3: {  	vm8 =	vnez.u8 v8;
	v8 =	vld [tilespmem:$0x1FFA0];
	_ =	sdelay $0x4  }
0x5d4: {  	vm9 =	vnez.u8 v8;
	v8 =	vld [tilespmem:$0x1FFB0];
	_ =	sdelay $0x4  }
0x5d5: {  	vm14 =	vnez.u8 v8;
	v8 =	vld [tilespmem:$0x1FFC0];
	_ =	sdelay $0x4  }
0x5d6: {  	vm11 =	vnez.u8 v8;
	v8 =	vld [tilespmem:$0x1FFD0];
	_ =	sdelay $0x4  }
0x5d7: {  	vm12 =	vnez.u8 v8;
	v8 =	vld [tilespmem:$0x1FFE0];
	_ =	sdelay $0x4  }
0x5d8: {  	vm15 =	vnez.u8 v8  }
.LBB2_67:
.Ltmp42:
0x5d9: {  	(pc) =	sbr.rel @p2 .LBB2_70-.Ltmp42, $1  }
0x5da: {  	_ =	sdelay $0x3  }
0x5db: {  	s1 =	sadd.s32 $0x10000, s21;
	s4 =	sshll.u32 s19, $0x4;
	s6 =	smov.u32 s19  }
.LBB2_69:
0x5dc: {  	v8 =	vld [tilespmem:s1+$0x0];
	_ =	sdelay $0x4  }
0x5dd: {  	v8 =	vand.u32 $0x7FFF, v8  }
0x5de: {  	v8 =	vor.u32 v5, v8;
	_ =	sdelay $0x4  }
0x5df: {  	v8 =	vld.idx.msk [tilespmem:v8+s2+$0x0], $0xffff;
	_ =	sdelay $0x4  }
0x5e0: {  	v9 =	vand.u32 $0x7FFFFFFF, v8  }
0x5e1: {  	vm0 =	vlt.s32 v8, $0x0;
	v8 =	vxor.u32 $0xFFFFFFFF, v8;
	v9 =	vxor.u32 $0x80000000, v9  }
0x5e2: {  	v8 =	vsel vm0, v8, v9  }
0x5e3: {  	v62 =	vor.u32 s4, v0;
	v10 =	vshrl.u32 v8, $0x8  }
0x5e4: {  	vm0 =	vlt.s32 v62, v6;
	v8 =	vshrl.u32 v8, $0x4;
	vm1 =	veq.s32 v10, v7  }
0x5e5: {  	v8 =	vand.u32 $0xF, v8;
	vm0 =	vmand vm0, vm1  }
0x5e6: {  	(xrf1) =	vunique.msk.u32 vm0, v8;
	_ =	sdelay $0xd  }
0x5e7: {  	_, v63, vm1 =	vpop (xrf1)  }
0x5e8: {  	s6 =	sadd.s32 $0x1, s6;
	vm0 =	vmand vm0, vm1  }
0x5e9: {  	p0 =	slt.s32 s6, s18  }
.Ltmp43:
0x5ea: {  	_ = 	snop;
	(pc) =	sbr.rel @p0 .LBB2_69-.Ltmp43, $2  }
0x5eb: {  	_ =	sdelay $0x2  }
0x5ec: {  	s1 =	sadd.s32 $0x10, s1;
	s4 =	sadd.s32 $0x10, s4;
	[tilespmem:v8+s11+$0x0] =	vst.idx.add.s32.msk vm0, v63  }
.LBB2_70:
0x5ed: {  	v7 =	vld [tilespmem:$0x18080];
	_ =	sdelay $0x4  }
0x5ee: {  	v7 =	vperm.xlane v7, v2;
	_ =	sdelay $0x1  }
0x5ef: {  	(xrf0) =	vadd.scan.msk.s32 $0xffff, v7;
	_ =	sdelay $0x3  }
0x5f0: {  	s1 =	sxor.u32 $0x80000000, s5;
	s4 =	sxor.u32 $0x80000000, s22  }
0x5f1: {  	s1 =	ssub.s32 s4, s1  }
0x5f2: {  	s5 =	sadd.s32 s0, s1;
	v8, _, _ =	vpop (xrf0)  }
0x5f3: {  	vm0 =	vge.s32 v8, s5  }
0x5f4: {  	v9 =	vmctz.xlane vm0;
	_ =	sdelay $0x1  }
0x5f5: {  	v9 =	vxor.u32 $0x80000000, v9  }
0x5f6: {  	(xrf0) =	vmax.scan.msk.u32 $0xffff, v9;
	_ =	sdelay $0x5  }
0x5f7: {  	v9, _, _ =	vpop (xrf0)  }
0x5f8: {  	(v2sf) =	vpush v9, $0xF;
	_ =	sdelay $0xe  }
0x5f9: {  	s30 =	spop (v2sf)  }
0x5fa: {  	s0 =	sxor.u32 $0x80000000, s30  }
0x5fb: {  	v63 =	vmov s0  }
0x5fc: {  	v8 =	vxor.u32 $0x80000000, v8;
	vm0 =	veq.s32 v63, v0  }
0x5fd: {  	v7 =	vxor.u32 $0x80000000, v7;
	v8 =	vnsel vm0, $0x80000000, v8  }
0x5fe: {  	v7 =	vnsel vm0, $0x80000000, v7;
	(xrf0) =	vmax.scan.msk.u32 $0xffff, v8  }
0x5ff: {  	(xrf0) =	vmax.scan.msk.u32 $0xffff, v7;
	_ =	sdelay $0x4  }
0x600: {  	v7, _, _ =	vpop (xrf0)  }
0x601: {  	(v2sf) =	vpush v7, $0xF;
	v7, _, _ =	vpop (xrf0)  }
0x602: {  	(v2sf) =	vpush v7, $0xF;
	_ =	sdelay $0xa  }
.Ltmp44:
0x603: {  	_ = 	snop;
	(pc) =	sbr.rel @p1 .LBB2_80-.Ltmp44, $4  }
0x604: {  	_ = 	snop  }
0x605: {  	s31 =	sshll.u32 s3, $0x4;
	s0 =	ssub.s32 $0xF, s0  }
0x606: {  	s0 =	sor.u32 s31, s0;
	s3 =	spop (v2sf)  }
0x607: {  	[tilespmem:$0x18080] =	vst v1;
	v7 =	vmov s0;
	s22 =	spop (v2sf)  }
0x608: {  	s1 =	simm.s32 $0x10020  }
0x609: {  	v8 =	vld [tilespmem:s1+$0x10];
	_ =	sdelay $0x3  }
0x60a: {  	v9 =	vld [tilespmem:s1+$0xFFFFFFF0]  }
0x60b: {  	v10 =	vld [tilespmem:s1+$0x0];
	v8 =	vand.u32 $0x7FFF, v8  }
0x60c: {  	v11 =	vld [tilespmem:s1+$0xFFFFFFE0];
	v8 =	vor.u32 v5, v8;
	_ =	sdelay $0x2  }
0x60d: {  	v9 =	vand.u32 $0x7FFF, v9  }
0x60e: {  	v10 =	vand.u32 $0x7FFF, v10;
	v9 =	vor.u32 v5, v9  }
0x60f: {  	v11 =	vand.u32 $0x7FFF, v11;
	v10 =	vor.u32 v5, v10;
	v8 =	vld.idx.msk [tilespmem:v8+s2+$0x0], $0xffff  }
0x610: {  	p3 =	sgt.s32 s19, $0x4;
	v13 =	vor.u32 v5, v11  }
.Ltmp45:
0x611: {  	_ = 	snop;
	(pc) =	sbr.rel @!p3 .LBB2_72-.Ltmp45, $4  }
0x612: {  	_ = 	snop  }
0x613: {  	v12 =	vld.idx.msk [tilespmem:v9+s2+$0x0], $0xffff  }
0x614: {  	s23 =	simm.s32 $0x0;
	v11 =	vld.idx.msk [tilespmem:v10+s2+$0x0], $0xffff;
	v9 =	vand.u32 $0x7FFFFFFF, v8  }
0x615: {  	p0 =	por $0x0, $0x0;
	p1 =	por $0x0, $0x0;
	s1 =	simm.s32 $0x10060;
	v18 =	vld.idx.msk [tilespmem:v13+s2+$0x0], $0xffff;
	vm7 =	vlt.s32 v8, $0x0;
	v25 =	vxor.u32 $0xFFFFFFFF, v8;
	v26 =	vxor.u32 $0x80000000, v9  }
0x616: {  	s4 =	simm.s32 $0x30;
	v8 =	vsel vm7, v25, v26  }
0x617: {  	v9 =	vld [tilespmem:s1+$0x10];
	v10 =	vor.u32 s4, v0;
	v13 =	vshrl.u32 v8, $0x4  }
0x618: {  	v14 =	vld [tilespmem:s1+$0xFFFFFFF0];
	vm0 =	vlt.s32 v10, v6;
	vm1 =	veq.s32 v13, v7  }
0x619: {  	v15 =	vld [tilespmem:s1+$0x0];
	v21 =	vor.u32 s23, v0;
	v13 =	vand.u32 $0xF, v8;
	vm15 =	vmand vm0, vm1  }
0x61a: {  	v17 =	vld [tilespmem:s1+$0xFFFFFFE0];
	vm3 =	vlt.s32 v21, v6;
	v8 =	vand.u32 $0x7FFFFFFF, v12;
	v16 =	vand.u32 $0x7FFFFFFF, v11;
	(xrf1) =	vunique.msk.u32 vm15, v13  }
0x61b: {  	v8 =	vxor.u32 $0x80000000, v8;
	vm1 =	vlt.s32 v12, $0x0;
	v12 =	vxor.u32 $0xFFFFFFFF, v12  }
0x61c: {  	vm2 =	vlt.s32 v11, $0x0;
	v11 =	vxor.u32 $0xFFFFFFFF, v11;
	v9 =	vand.u32 $0x7FFF, v9  }
0x61d: {  	v10 =	vand.u32 $0x7FFFFFFF, v18;
	vm0 =	vlt.s32 v18, $0x0;
	v9 =	vor.u32 v5, v9  }
0x61e: {  	v16 =	vxor.u32 $0x80000000, v16;
	v18 =	vxor.u32 $0xFFFFFFFF, v18;
	v10 =	vxor.u32 $0x80000000, v10  }
0x61f: {  	s31 =	simm.s32 $0x20;
	v14 =	vand.u32 $0x7FFF, v14;
	v15 =	vand.u32 $0x7FFF, v15;
	v17 =	vand.u32 $0x7FFF, v17  }
0x620: {  	v16 =	vsel vm2, v11, v16;
	v11 =	vor.u32 s31, v0;
	v14 =	vor.u32 v5, v14  }
0x621: {  	v15 =	vor.u32 v5, v15;
	v17 =	vor.u32 v5, v17;
	v10 =	vsel vm0, v18, v10  }
0x622: {  	v18 =	vsel vm1, v12, v8;
	v20 =	vshrl.u32 v16, $0x4;
	vm4 =	vlt.s32 v11, v6;
	v19 =	vld.idx.msk [tilespmem:v9+s2+$0x0], $0xffff  }
0x623: {  	s30 =	simm.s32 $0x10;
	p3 =	sgt.s32 s19, $0x8;
	v8 =	vshrl.u32 v10, $0x4;
	v12 =	vshrl.u32 v18, $0x4;
	vm5 =	veq.s32 v20, v7  }
.Ltmp46:
0x624: {  	vm0 =	veq.s32 v8, v7;
	vm1 =	veq.s32 v12, v7;
	v9 =	vor.u32 s30, v0;
	(pc) =	sbr.rel @!p3 .LBB2_86-.Ltmp46, $4  }
0x625: {  	v8 =	vand.u32 $0xF, v10;
	vm3 =	vmand vm3, vm0;
	vm2 =	vlt.s32 v9, v6  }
0x626: {  	v10 =	vand.u32 $0xF, v16;
	(xrf1) =	vunique.msk.u32 vm3, v8;
	v12 =	vld.idx.msk [tilespmem:v14+s2+$0x0], $0xffff;
	v9 =	vand.u32 $0xF, v18;
	vm0 =	vmand vm2, vm1  }
0x627: {  	v11 =	vld.idx.msk [tilespmem:v15+s2+$0x0], $0xffff;
	vm1 =	vmand vm4, vm5;
	(xrf1) =	vunique.msk.u32 vm0, v9;
	vm0 =	vmmov vm0;
	v14 =	vand.u32 $0x7FFFFFFF, v19  }
0x628: {  	s1 =	simm.s32 $0x100A0;
	s23 =	simm.s32 $0x40;
	p0 =	por $0x1, $0x1;
	v18 =	vld.idx.msk [tilespmem:v17+s2+$0x0], $0xffff;
	(xrf1) =	vunique.msk.u32 vm1, v10;
	vm7 =	vlt.s32 v19, $0x0;
	v25 =	vxor.u32 $0xFFFFFFFF, v19;
	v26 =	vxor.u32 $0x80000000, v14;
	_, v15, vm6 =	vpop (xrf1)  }
0x629: {  	v17 =	vld [tilespmem:s1+$0x10]  }
0x62a: {  	v16 =	vsel vm7, v25, v26;
	s4 =	simm.s32 $0x70;
	vm5 =	vmand vm15, vm6;
	vm4 =	vmmov vm1  }
0x62b: {  	vm2 =	vmmov vm3;
	v21 =	vor.u32 s4, v0;
	v22 =	vshrl.u32 v16, $0x4  }
0x62c: {  	v20 =	vld [tilespmem:s1+$0xFFFFFFF0];
	v14 =	vand.u32 $0x7FFFFFFF, v12;
	vm1 =	vlt.s32 v21, v6;
	vm3 =	veq.s32 v22, v7  }
0x62d: {  	v23 =	vld [tilespmem:s1+$0x0];
	v24 =	vand.u32 $0x7FFFFFFF, v11;
	vm15 =	vmand vm1, vm3;
	v19 =	vand.u32 $0x7FFFFFFF, v18  }
0x62e: {  	v22 =	vxor.u32 $0x80000000, v19;
	v19 =	vand.u32 $0xF, v16;
	v17 =	vand.u32 $0x7FFF, v17  }
0x62f: {  	v14 =	vxor.u32 $0x80000000, v14;
	vm3 =	vlt.s32 v12, $0x0;
	(xrf1) =	vunique.msk.u32 vm15, v19;
	v17 =	vor.u32 v5, v17  }
0x630: {  	v21 =	vld [tilespmem:s1+$0xFFFFFFE0];
	v12 =	vxor.u32 $0xFFFFFFFF, v12;
	vm6 =	vlt.s32 v11, $0x0;
	v11 =	vxor.u32 $0xFFFFFFFF, v11  }
0x631: {  	vm1 =	vlt.s32 v18, $0x0;
	v18 =	vxor.u32 $0xFFFFFFFF, v18;
	v12 =	vsel vm3, v12, v14  }
0x632: {  	v16 =	vxor.u32 $0x80000000, v24;
	v20 =	vand.u32 $0x7FFF, v20;
	v23 =	vand.u32 $0x7FFF, v23  }
0x633: {  	s30 =	simm.s32 $0x50;
	s31 =	simm.s32 $0x60;
	v20 =	vor.u32 v5, v20;
	v23 =	vor.u32 v5, v23;
	v18 =	vsel vm1, v18, v22  }
0x634: {  	v11 =	vsel vm6, v11, v16;
	v16 =	vor.u32 s30, v0;
	v22 =	vor.u32 s31, v0;
	v26 =	vld.idx.msk [tilespmem:v17+s2+$0x0], $0xffff  }
0x635: {  	v21 =	vand.u32 $0x7FFF, v21;
	v14 =	vshrl.u32 v18, $0x4;
	v25 =	vshrl.u32 v11, $0x4  }
0x636: {  	v24 =	vor.u32 v5, v21;
	vm3 =	veq.s32 v14, v7;
	v14 =	vor.u32 s23, v0  }
0x637: {  	vm6 =	vlt.s32 v16, v6;
	vm7 =	vlt.s32 v22, v6;
	v21 =	vshrl.u32 v12, $0x4  }
0x638: {  	p3 =	sgt.s32 s19, $0xC;
	[tilespmem:v13+s11+$0x0] =	vst.idx.add.s32.msk vm5, v15;
	v13 =	vand.u32 $0xF, v18;
	vm8 =	veq.s32 v25, v7;
	vm1 =	veq.s32 v21, v7  }
.Ltmp47:
0x639: {  	vm10 =	vlt.s32 v14, v6;
	v21 =	vand.u32 $0xF, v12;
	_, v16, vm9 =	vpop (xrf1);
	v12 =	vld.idx.msk [tilespmem:v20+s2+$0x0], $0xffff;
	v15 =	vand.u32 $0x7FFFFFFF, v26;
	(pc) =	sbr.rel @!p3 .LBB2_88-.Ltmp47, $4  }
0x63a: {  	vm6 =	vmand vm6, vm1;
	vm1 =	vmand vm7, vm8;
	vm3 =	vmand vm10, vm3;
	_, v14, vm7 =	vpop (xrf1)  }
0x63b: {  	v20 =	vand.u32 $0xF, v11;
	(xrf1) =	vunique.msk.u32 vm3, v13;
	vm5 =	vmand vm2, vm9;
	_, v17, vm8 =	vpop (xrf1);
	v18 =	vld.idx.msk [tilespmem:v24+s2+$0x0], $0xffff  }
0x63c: {  	p1 =	por $0x1, $0x1;
	v11 =	vld.idx.msk [tilespmem:v23+s2+$0x0], $0xffff;
	(xrf1) =	vunique.msk.u32 vm6, v21;
	vm2 =	vmand vm0, vm7;
	vm0 =	vmmov vm6;
	vm4 =	vmand vm4, vm8  }
0x63d: {  	s4 =	simm.s32 $0x100E0;
	s1 =	simm.s32 $0xC;
	s23 =	simm.s32 $0x80;
	(xrf1) =	vunique.msk.u32 vm1, v20;
	vm7 =	vlt.s32 v26, $0x0;
	v25 =	vxor.u32 $0xFFFFFFFF, v26;
	v26 =	vxor.u32 $0x80000000, v15;
	_, v15, vm6 =	vpop (xrf1)  }
.LBB2_89:
0x63e: {  	v23 =	vand.u32 $0x7FFFFFFF, v12;
	v24 =	vsel vm7, v25, v26  }
0x63f: {  	v22 =	vld [tilespmem:s4+$0x10];
	s1 =	sadd.s32 $0x4, s1;
	s6 =	sadd.s32 $0x10, s23;
	s7 =	sadd.s32 $0x30, s23;
	vm8 =	vmand vm15, vm6;
	vm6 =	vmmov vm1;
	vm7 =	vmmov vm3  }
0x640: {  	v26 =	vand.u32 $0x7FFFFFFF, v18;
	s8 =	sadd.s32 $0x20, s23;
	v25 =	vld [tilespmem:s4+$0xFFFFFFF0];
	p3 =	slt.s32 s1, s19;
	v27 =	vor.u32 s7, v0;
	v28 =	vshrl.u32 v24, $0x4  }
0x641: {  	v30 =	vand.u32 $0x7FFFFFFF, v11;
	v29 =	vld [tilespmem:s4+$0x0];
	vm1 =	vlt.s32 v27, v6;
	vm3 =	veq.s32 v28, v7  }
0x642: {  	v26 =	vxor.u32 $0x80000000, v26;
	v24 =	vand.u32 $0xF, v24;
	v27 =	vld [tilespmem:s4+$0xFFFFFFE0];
	vm15 =	vmand vm1, vm3  }
0x643: {  	v23 =	vxor.u32 $0x80000000, v23;
	v28 =	vxor.u32 $0x80000000, v30;
	vm1 =	vlt.s32 v18, $0x0;
	(xrf1) =	vunique.msk.u32 vm15, v24  }
0x644: {  	v18 =	vxor.u32 $0xFFFFFFFF, v18;
	vm3 =	vlt.s32 v12, $0x0;
	v22 =	vand.u32 $0x7FFF, v22;
	[tilespmem:v8+s11+$0x0] =	vst.idx.add.s32.msk vm5, v16;
	v8 =	vmovc v13  }
0x645: {  	v12 =	vxor.u32 $0xFFFFFFFF, v12;
	v13 =	vand.u32 $0x7FFF, v25;
	v16 =	vor.u32 v5, v22;
	[tilespmem:v19+s11+$0x0] =	vst.idx.add.s32.msk vm8, v15;
	v19 =	vmovc v24  }
0x646: {  	vm5 =	vlt.s32 v11, $0x0;
	v13 =	vor.u32 v5, v13;
	v15 =	vand.u32 $0x7FFF, v29;
	[tilespmem:v9+s11+$0x0] =	vst.idx.add.s32.msk vm2, v14;
	v9 =	vmovc v21  }
0x647: {  	v11 =	vxor.u32 $0xFFFFFFFF, v11;
	v14 =	vand.u32 $0x7FFF, v27;
	v15 =	vor.u32 v5, v15;
	[tilespmem:v10+s11+$0x0] =	vst.idx.add.s32.msk vm4, v17;
	v10 =	vmovc v20  }
0x648: {  	v22 =	vsel vm3, v12, v23;
	v21 =	vsel vm1, v18, v26;
	v20 =	vor.u32 v5, v14  }
0x649: {  	v23 =	vsel vm5, v11, v28;
	v29 =	vshrl.u32 v22, $0x4;
	v27 =	vshrl.u32 v21, $0x4  }
0x64a: {  	v25 =	vor.u32 s8, v0;
	v18 =	vor.u32 s6, v0;
	v26 =	vshrl.u32 v23, $0x4;
	v24 =	vld.idx.msk [tilespmem:v16+s2+$0x0], $0xffff;
	_, v16, vm2 =	vpop (xrf1)  }
0x64b: {  	vm1 =	veq.s32 v29, v7;
	vm3 =	veq.s32 v27, v7;
	v12 =	vld.idx.msk [tilespmem:v13+s2+$0x0], $0xffff;
	v13 =	vor.u32 s23, v0;
	_, v14, vm4 =	vpop (xrf1)  }
0x64c: {  	vm8 =	vlt.s32 v25, v6;
	vm5 =	vlt.s32 v18, v6;
	vm9 =	veq.s32 v26, v7;
	v11 =	vld.idx.msk [tilespmem:v15+s2+$0x0], $0xffff;
	_, v17, vm10 =	vpop (xrf1)  }
.Ltmp48:
0x64d: {  	vm12 =	vmand vm5, vm1;
	vm1 =	vmand vm8, vm9;
	vm11 =	vlt.s32 v13, v6;
	v18 =	vld.idx.msk [tilespmem:v20+s2+$0x0], $0xffff;
	(pc) =	sbr.rel @p3 .LBB2_89-.Ltmp48, $4  }
0x64e: {  	v13 =	vand.u32 $0xF, v21;
	v21 =	vand.u32 $0xF, v22;
	vm3 =	vmand vm11, vm3  }
0x64f: {  	vm5 =	vmand vm7, vm2;
	vm2 =	vmand vm0, vm4;
	v20 =	vand.u32 $0xF, v23;
	(xrf1) =	vunique.msk.u32 vm3, v13  }
0x650: {  	vm0 =	vmmov vm12;
	vm4 =	vmand vm6, vm10;
	v22 =	vand.u32 $0x7FFFFFFF, v24;
	(xrf1) =	vunique.msk.u32 vm12, v21  }
0x651: {  	s4 =	sadd.s32 $0x40, s4;
	s23 =	sadd.s32 $0x40, s23;
	vm7 =	vlt.s32 v24, $0x0;
	v25 =	vxor.u32 $0xFFFFFFFF, v24;
	v26 =	vxor.u32 $0x80000000, v22;
	(xrf1) =	vunique.msk.u32 vm1, v20;
	_, v15, vm6 =	vpop (xrf1)  }
0x652: {  	v22 =	vmov v8;
	v23 =	vmov v9  }
0x653: {  	v24 =	vmovc v10;
	v8 =	vmovc v13;
	v13 =	vmov v19;
	v9 =	vmov v21;
	v10 =	vmov v20  }
.LBB2_91:
0x654: {  	v19 =	vand.u32 $0x7FFFFFFF, v12;
	v20 =	vsel vm7, v25, v26  }
0x655: {  	v21 =	vand.u32 $0x7FFFFFFF, v18;
	v27 =	vand.u32 $0x7FFFFFFF, v11;
	v52 =	vxor.u32 $0xFFFFFFFF, v18  }
0x656: {  	s1 =	sadd.s32 $0x30, s23;
	vm9 =	vlt.s32 v12, $0x0;
	v53 =	vxor.u32 $0xFFFFFFFF, v12;
	vm10 =	vlt.s32 v11, $0x0  }
0x657: {  	v54 =	vxor.u32 $0xFFFFFFFF, v11;
	v60 =	vor.u32 s23, v0;
	v50 =	vor.u32 s1, v0  }
0x658: {  	s31 =	sadd.s32 $0x10, s23;
	v26 =	vshrl.u32 v20, $0x4;
	v21 =	vxor.u32 $0x80000000, v21;
	v20 =	vand.u32 $0xF, v20  }
0x659: {  	s4 =	sadd.s32 $0x20, s23;
	v19 =	vxor.u32 $0x80000000, v19;
	v51 =	vxor.u32 $0x80000000, v27;
	v57 =	vor.u32 s31, v0  }
0x65a: {  	v58 =	vor.u32 s4, v0;
	vm7 =	vlt.s32 v50, v6;
	vm8 =	veq.s32 v26, v7  }
0x65b: {  	vm11 =	vlt.s32 v60, v6;
	vm7 =	vmand vm7, vm8;
	vm8 =	vlt.s32 v18, $0x0  }
0x65c: {  	v12 =	vsel vm9, v53, v19;
	v11 =	vsel vm10, v54, v51;
	v18 =	vsel vm8, v52, v21  }
0x65d: {  	vm10 =	vlt.s32 v57, v6;
	v56 =	vshrl.u32 v12, $0x4;
	v55 =	vshrl.u32 v18, $0x4  }
0x65e: {  	v59 =	vshrl.u32 v11, $0x4;
	v12 =	vand.u32 $0xF, v12;
	vm8 =	veq.s32 v55, v7  }
0x65f: {  	(xrf1) =	vunique.msk.u32 vm7, v20;
	vm9 =	veq.s32 v56, v7;
	v18 =	vand.u32 $0xF, v18;
	vm11 =	vmand vm11, vm8  }
0x660: {  	vm9 =	vmand vm10, vm9;
	vm10 =	veq.s32 v59, v7;
	vm8 =	vlt.s32 v58, v6;
	(xrf1) =	vunique.msk.u32 vm11, v18  }
0x661: {  	v11 =	vand.u32 $0xF, v11;
	vm8 =	vmand vm8, vm10;
	(xrf1) =	vunique.msk.u32 vm9, v12  }
0x662: {  	(xrf1) =	vunique.msk.u32 vm8, v11;
	_ =	sdelay $0x5  }
0x663: {  	vm6 =	vmand @p0 vm15, vm6  }
0x664: {  	vm3 =	vmmov @p0 vm3;
	_, v19, vm10 =	vpop @p0 (xrf1)  }
0x665: {  	_, v21, vm12 =	vpop @p0 (xrf1);
	vm3 =	vmand @p0 vm3, vm10  }
0x666: {  	vm1 =	vmmov @p0 vm1;
	_, v25, vm10 =	vpop @p0 (xrf1);
	vm0 =	vmand @p0 vm0, vm12;
	vm3 =	vmmov @p0 vm3  }
0x667: {  	v8 =	vpsel p0, v8, v0;
	vm1 =	vmand @p0 vm1, vm10;
	vm0 =	vmmov @p0 vm0  }
0x668: {  	[tilespmem:v22+s11+$0x0] =	vst.idx.add.s32.msk @p1 vm5, v16;
	v9 =	vpsel p0, v9, v0;
	vm1 =	vmmov @p0 vm1;
	_, v61, vm12 =	vpop (xrf1)  }
0x669: {  	v10 =	vpsel p0, v10, v0;
	[tilespmem:v13+s11+$0x0] =	vst.idx.add.s32.msk @p0 vm6, v15;
	vm5 =	vmmov vm11;
	vm7 =	vmand vm7, vm12;
	_, v13, vm6 =	vpop (xrf1)  }
0x66a: {  	[tilespmem:v23+s11+$0x0] =	vst.idx.add.s32.msk @p1 vm2, v14;
	vm2 =	vmmov vm9;
	_, v62, vm9 =	vpop (xrf1);
	vm5 =	vmand vm5, vm6  }
0x66b: {  	[tilespmem:v24+s11+$0x0] =	vst.idx.add.s32.msk @p1 vm4, v17;
	vm4 =	vmmov vm8;
	v15 =	vpsel p0, v19, v0;
	_, v63, vm6 =	vpop (xrf1);
	vm2 =	vmand vm2, vm9  }
0x66c: {  	[tilespmem:v8+s11+$0x0] =	vst.idx.add.s32.msk @p0 vm3, v15;
	v8 =	vpsel p0, v21, v0;
	vm3 =	vmand vm4, vm6  }
0x66d: {  	v15 =	vpsel p0, v25, v0;
	[tilespmem:v9+s11+$0x0] =	vst.idx.add.s32.msk @p0 vm0, v8  }
0x66e: {  	[tilespmem:v10+s11+$0x0] =	vst.idx.add.s32.msk @p0 vm1, v15  }
0x66f: {  	[tilespmem:v20+s11+$0x0] =	vst.idx.add.s32.msk vm7, v61  }
0x670: {  	[tilespmem:v18+s11+$0x0] =	vst.idx.add.s32.msk vm5, v13  }
0x671: {  	[tilespmem:v12+s11+$0x0] =	vst.idx.add.s32.msk vm2, v62  }
0x672: {  	[tilespmem:v11+s11+$0x0] =	vst.idx.add.s32.msk vm3, v63  }
0x673: {  	v8 =	vld [tilespmem:$0x1FF80];
	_ =	sdelay $0x4  }
0x674: {  	vm7 =	vnez.u8 v8;
	v8 =	vld [tilespmem:$0x1FF90];
	_ =	sdelay $0x4  }
0x675: {  	vm8 =	vnez.u8 v8;
	v8 =	vld [tilespmem:$0x1FFA0];
	_ =	sdelay $0x4  }
0x676: {  	vm9 =	vnez.u8 v8;
	v8 =	vld [tilespmem:$0x1FFB0];
	_ =	sdelay $0x4  }
0x677: {  	vm14 =	vnez.u8 v8;
	v8 =	vld [tilespmem:$0x1FFC0];
	_ =	sdelay $0x4  }
0x678: {  	vm11 =	vnez.u8 v8;
	v8 =	vld [tilespmem:$0x1FFD0];
	_ =	sdelay $0x4  }
0x679: {  	vm12 =	vnez.u8 v8;
	v8 =	vld [tilespmem:$0x1FFE0];
	_ =	sdelay $0x4  }
0x67a: {  	vm15 =	vnez.u8 v8  }
.LBB2_80:
.Ltmp49:
0x67b: {  	(pc) =	sbr.rel @p2 .LBB2_83-.Ltmp49, $1  }
0x67c: {  	_ =	sdelay $0x3  }
0x67d: {  	s1 =	sadd.s32 $0x10000, s21  }
.LBB2_82:
0x67e: {  	v8 =	vld [tilespmem:s1+$0x0];
	_ =	sdelay $0x4  }
0x67f: {  	v8 =	vand.u32 $0x7FFF, v8  }
0x680: {  	v8 =	vor.u32 v5, v8;
	_ =	sdelay $0x4  }
0x681: {  	v8 =	vld.idx.msk [tilespmem:v8+s2+$0x0], $0xffff;
	_ =	sdelay $0x4  }
0x682: {  	v9 =	vand.u32 $0x7FFFFFFF, v8  }
0x683: {  	vm0 =	vlt.s32 v8, $0x0;
	v8 =	vxor.u32 $0xFFFFFFFF, v8;
	v9 =	vxor.u32 $0x80000000, v9  }
0x684: {  	v8 =	vsel vm0, v8, v9  }
0x685: {  	v62 =	vor.u32 s20, v0;
	v10 =	vshrl.u32 v8, $0x4  }
0x686: {  	vm0 =	vlt.s32 v62, v6;
	vm1 =	veq.s32 v10, v7  }
0x687: {  	v8 =	vand.u32 $0xF, v8;
	vm0 =	vmand vm0, vm1  }
0x688: {  	(xrf1) =	vunique.msk.u32 vm0, v8;
	_ =	sdelay $0xd  }
0x689: {  	_, v63, vm1 =	vpop (xrf1)  }
0x68a: {  	s19 =	sadd.s32 $0x1, s19;
	vm0 =	vmand vm0, vm1  }
0x68b: {  	p0 =	slt.s32 s19, s18  }
.Ltmp50:
0x68c: {  	_ = 	snop;
	(pc) =	sbr.rel @p0 .LBB2_82-.Ltmp50, $2  }
0x68d: {  	_ =	sdelay $0x2  }
0x68e: {  	s1 =	sadd.s32 $0x10, s1;
	s20 =	sadd.s32 $0x10, s20;
	[tilespmem:v8+s11+$0x0] =	vst.idx.add.s32.msk vm0, v63  }
.LBB2_83:
0x68f: {  	v7 =	vld [tilespmem:$0x18080];
	_ =	sdelay $0x4  }
0x690: {  	v7 =	vperm.xlane v7, v2;
	_ =	sdelay $0x1  }
0x691: {  	(xrf0) =	vadd.scan.msk.s32 $0xffff, v7;
	_ =	sdelay $0x3  }
0x692: {  	s1 =	sxor.u32 $0x80000000, s3;
	s28 =	sxor.u32 $0x80000000, s22  }
0x693: {  	s1 =	ssub.s32 s28, s1  }
0x694: {  	s1 =	sadd.s32 s5, s1;
	v8, _, _ =	vpop (xrf0)  }
0x695: {  	vm0 =	vge.s32 v8, s1  }
0x696: {  	v9 =	vmctz.xlane vm0;
	_ =	sdelay $0x1  }
0x697: {  	v9 =	vxor.u32 $0x80000000, v9  }
0x698: {  	(xrf0) =	vmax.scan.msk.u32 $0xffff, v9;
	_ =	sdelay $0x5  }
0x699: {  	v9, _, _ =	vpop (xrf0)  }
0x69a: {  	(v2sf) =	vpush v9, $0xF;
	_ =	sdelay $0xe  }
0x69b: {  	s29 =	spop (v2sf)  }
0x69c: {  	s3 =	sxor.u32 $0x80000000, s29  }
0x69d: {  	v9 =	vmov s3  }
0x69e: {  	v8 =	vxor.u32 $0x80000000, v8;
	vm0 =	veq.s32 v9, v0  }
0x69f: {  	v7 =	vxor.u32 $0x80000000, v7;
	v8 =	vnsel vm0, $0x80000000, v8  }
0x6a0: {  	v7 =	vnsel vm0, $0x80000000, v7;
	(xrf0) =	vmax.scan.msk.u32 $0xffff, v8  }
0x6a1: {  	(xrf0) =	vmax.scan.msk.u32 $0xffff, v7;
	_ =	sdelay $0x4  }
0x6a2: {  	v7, _, _ =	vpop (xrf0)  }
0x6a3: {  	(v2sf) =	vpush v7, $0xF;
	v7, _, _ =	vpop (xrf0)  }
0x6a4: {  	(v2sf) =	vpush v7, $0xF;
	_ =	sdelay $0xd  }
0x6a5: {  	p0 =	sgt.s32 s18, $0x0;
	s4 =	spop (v2sf)  }
.Ltmp51:
0x6a6: {  	s30 =	spop (v2sf);
	(pc) =	sbr.rel @!p0 .LBB2_84-.Ltmp51, $4  }
0x6a7: {  	s4 =	sxor.u32 $0x80000000, s4;
	s5 =	sxor.u32 $0x80000000, s30  }
0x6a8: {  	s31 =	sshll.u32 s0, $0x4;
	s3 =	ssub.s32 $0xF, s3;
	s4 =	ssub.s32 s5, s4  }
0x6a9: {  	s0 =	sadd.s32 s1, s4;
	s1 =	sor.u32 s31, s3  }
0x6aa: {  	v7 =	vmov s0;
	v8 =	vmov s1  }
0x6ab: {  	s3 =	simm.s32 $0x10000  }
0x6ac: {  	v9 =	vld [tilespmem:s3+$0x0];
	_ =	sdelay $0x4  }
0x6ad: {  	v10 =	vand.u32 $0x7FFF, v9  }
0x6ae: {  	v10 =	vor.u32 v5, v10;
	_ =	sdelay $0x4  }
0x6af: {  	v10 =	vld.idx.msk [tilespmem:v10+s2+$0x0], $0xffff;
	_ =	sdelay $0x4  }
0x6b0: {  	v8 =	vmov s1;
	v11 =	vand.u32 $0x7FFFFFFF, v10  }
0x6b1: {  	s1 =	simm.s32 $0x0;
	vm0 =	vlt.s32 v10, $0x0;
	v10 =	vxor.u32 $0xFFFFFFFF, v10;
	v11 =	vxor.u32 $0x80000000, v11  }
0x6b2: {  	v10 =	vsel vm0, v10, v11;
	v11 =	vor.u32 s1, v0  }
0x6b3: {  	p1 =	seq.s32 s18, $0x1;
	vm0 =	vlt.s32 v11, v6;
	vm1 =	veq.s32 v10, v8  }
.Ltmp52:
0x6b4: {  	vm0 =	vmand vm0, vm1;
	(pc) =	sbr.rel @p1 .LBB2_93-.Ltmp52, $4  }
0x6b5: {  	v10 =	vmpcnt.ones.xlane vm0  }
0x6b6: {  	v11 =	vsel vm0, $0x1, v1  }
0x6b7: {  	(xrf0) =	vadd.scan.msk.s32 $0xffff, v11;
	v11 =	vxor.u32 $0x80000000, v10  }
0x6b8: {  	s5 =	sadd.s32 $0xFFFFFFFF, s18;
	p0 =	por $0x0, $0x0;
	v10 =	vsel vm0, $0xFFFFFFFF, v1;
	(xrf0) =	vmax.scan.msk.u32 $0xffff, v11  }
0x6b9: {  	_ =	sdelay $0x3  }
0x6ba: {  	v10 =	vadd.s32 s1, v10;
	v11, _, _ =	vpop (xrf0)  }
0x6bb: {  	v10 =	vadd.s32 v11, v10  }
0x6bc: {  	vm1 =	vlt.s32 v10, v7  }
0x6bd: {  	vm0 =	vmand vm0, vm1  }
0x6be: {  	v10 =	vmpcnt.ones.xlane vm0  }
0x6bf: {  	s3 =	simm.s32 $0x10010;
	[tilespmem:s1+$0x18A00] =	vst.msk vm0, v9  }
0x6c0: {  	v9 =	vld [tilespmem:s3+$0x0];
	v10 =	vxor.u32 $0x80000000, v10  }
0x6c1: {  	(xrf0) =	vmax.scan.msk.u32 $0xffff, v10;
	_ =	sdelay $0x3  }
0x6c2: {  	v10 =	vand.u32 $0x7FFF, v9  }
0x6c3: {  	v11, _, _ =	vpop (xrf0);
	v10 =	vor.u32 v5, v10  }
0x6c4: {  	(v2sf) =	vpush v11, $0xF;
	v11, _, _ =	vpop (xrf0)  }
0x6c5: {  	(v2sf) =	vpush v11, $0xF;
	_ =	sdelay $0x2  }
0x6c6: {  	v10 =	vld.idx.msk [tilespmem:v10+s2+$0x0], $0xffff;
	_ =	sdelay $0x4  }
0x6c7: {  	v11 =	vand.u32 $0x7FFFFFFF, v10  }
0x6c8: {  	s4 =	simm.s32 $0x10;
	vm0 =	vlt.s32 v10, $0x0;
	v10 =	vxor.u32 $0xFFFFFFFF, v10;
	v11 =	vxor.u32 $0x80000000, v11  }
0x6c9: {  	v10 =	vsel vm0, v10, v11;
	v11 =	vor.u32 s4, v0  }
0x6ca: {  	p1 =	seq.s32 s5, $0x1;
	vm0 =	vlt.s32 v11, v6;
	vm1 =	veq.s32 v10, v8  }
.Ltmp53:
0x6cb: {  	vm0 =	vmand vm0, vm1;
	(pc) =	sbr.rel @p1 .LBB2_96-.Ltmp53, $4  }
0x6cc: {  	v10 =	vmpcnt.ones.xlane vm0;
	v11 =	vsel vm0, $0x1, v1  }
0x6cd: {  	s5 =	sadd.s32 $0xFFFFFFFF, s5;
	s6 =	spop (v2sf);
	(xrf0) =	vadd.scan.msk.s32 $0xffff, v11  }
0x6ce: {  	p0 =	por $0x1, $0x1;
	s6 =	sadd.s32 $0x0, s6;
	v11 =	vxor.u32 $0x80000000, v10;
	s7 =	spop (v2sf)  }
0x6cf: {  	s10 =	rddreg [dreg:$0xa];
	s6 =	sadd.s32 $0x80000000, s6;
	v10 =	vsel vm0, $0xFFFFFFFF, v1;
	(xrf0) =	vmax.scan.msk.u32 $0xffff, v11;
	s7 =	sadd.s32 $0x0, s7  }
.LBB2_95:
0x6d0: {  	p1 =	seq.s32 s5, $0x1;
	s5 =	sadd.s32 $0xFFFFFFFF, s5;
	s7 =	sadd.s32 $0x80000000, s7  }
0x6d1: {  	_ =	sdelay $0x1  }
0x6d2: {  	v12 =	vadd.s32 s6, v10;
	v11, _, _ =	vpop (xrf0)  }
0x6d3: {  	v11 =	vadd.s32 v11, v12  }
0x6d4: {  	vm1 =	vlt.s32 v11, v7;
	v10, _, _ =	vpop (xrf0)  }
0x6d5: {  	vm0 =	vmand vm0, vm1;
	(v2sf) =	vpush v10, $0xF  }
0x6d6: {  	s3 =	sadd.s32 $0x10, s3;
	[tilespmem:s7+$0x18A00] =	vst.msk vm0, v9;
	v10 =	vmpcnt.ones.xlane vm0  }
0x6d7: {  	v9 =	vld [tilespmem:s3+$0x0]  }
0x6d8: {  	v10 =	vxor.u32 $0x80000000, v10  }
0x6d9: {  	(xrf0) =	vmax.scan.msk.u32 $0xffff, v10;
	_ =	sdelay $0x2  }
0x6da: {  	v10 =	vand.u32 $0x7FFF, v9  }
0x6db: {  	v10 =	vor.u32 v5, v10;
	_ =	sdelay $0x1  }
0x6dc: {  	v11, _, _ =	vpop (xrf0)  }
0x6dd: {  	(v2sf) =	vpush v11, $0xF;
	_ =	sdelay $0x1  }
0x6de: {  	v10 =	vld.idx.msk [tilespmem:v10+s2+$0x0], $0xffff;
	_ =	sdelay $0x1  }
0x6df: {  	s8 =	spop (v2sf)  }
0x6e0: {  	s6 =	sadd.s32 s8, s6  }
0x6e1: {  	s6 =	sadd.s32 $0x80000000, s6;
	_ =	sdelay $0x1  }
0x6e2: {  	v11 =	vand.u32 $0x7FFFFFFF, v10  }
0x6e3: {  	s4 =	sadd.s32 $0x10, s4;
	vm0 =	vlt.s32 v10, $0x0;
	v10 =	vxor.u32 $0xFFFFFFFF, v10;
	v11 =	vxor.u32 $0x80000000, v11  }
0x6e4: {  	v10 =	vsel vm0, v10, v11;
	v11 =	vor.u32 s4, v0  }
0x6e5: {  	vm0 =	vlt.s32 v11, v6;
	vm1 =	veq.s32 v10, v8  }
.Ltmp54:
0x6e6: {  	vm0 =	vmand vm0, vm1;
	(pc) =	sbr.rel @!p1 .LBB2_95-.Ltmp54, $4  }
0x6e7: {  	v10 =	vsel vm0, $0xFFFFFFFF, v1;
	v11 =	vsel vm0, $0x1, v1;
	v12 =	vmpcnt.ones.xlane vm0  }
0x6e8: {  	(xrf0) =	vadd.scan.msk.s32 $0xffff, v11  }
0x6e9: {  	v11 =	vxor.u32 $0x80000000, v12;
	s8 =	spop (v2sf)  }
0x6ea: {  	(xrf0) =	vmax.scan.msk.u32 $0xffff, v11;
	s7 =	sadd.s32 s8, s7  }
.LBB2_96:
0x6eb: {  	_ =	sdelay $0x2  }
0x6ec: {  	v6 =	vadd.s32 s6, v10;
	v10, _, _ =	vpop (xrf0)  }
0x6ed: {  	v6 =	vadd.s32 v10, v6  }
0x6ee: {  	vm1 =	vlt.s32 v6, v7  }
0x6ef: {  	vm0 =	vmand vm0, vm1  }
0x6f0: {  	v6 =	vmpcnt.ones.xlane vm0;
	_ =	sdelay $0x1  }
0x6f1: {  	v6 =	vxor.u32 $0x80000000, v6  }
0x6f2: {  	(xrf0) =	vmax.scan.msk.u32 $0xffff, v6;
	_ =	sdelay $0x4  }
0x6f3: {  	v6, _, _ =	vpop (xrf0)  }
0x6f4: {  	(v2sf) =	vpush v6, $0xF;
	v6, _, _ =	vpop (xrf0)  }
0x6f5: {  	(v2sf) =	vpush v6, $0xF;
	_ =	sdelay $0xa  }
.Ltmp55:
0x6f6: {  	_ = 	snop;
	(pc) =	sbr.rel .LBB2_97-.Ltmp55, $4  }
0x6f7: {  	_ = 	snop  }
0x6f8: {  	s3 =	sadd.s32 @p0 $0x80000000, s7  }
0x6f9: {  	s1 =	smov.u32 @p0 s3;
	s30 =	spop (v2sf)  }
0x6fa: {  	[tilespmem:s1+$0x18A00] =	vst.msk vm0, v9;
	s31 =	spop (v2sf)  }
.LBB2_84:
0x6fb: {  	s10 =	rddreg [dreg:$0xa]  }
.LBB2_97:
0x6fc: {  	v6 =	vld [tilespmem:s15+$0x30]  }
0x6fd: {  	v9 =	vld [tilespmem:s15+$0xFFFFFFD0]  }
0x6fe: {  	v10 =	vld [tilespmem:s15+$0xFFFFFFE0]  }
0x6ff: {  	v11 =	vld [tilespmem:s15+$0xFFFFFFF0]  }
0x700: {  	v12 =	vld [tilespmem:s15+$0x0]  }
0x701: {  	v14 =	vld [tilespmem:s15+$0x10];
	vm0 =	vlt.s32 v6, $0x0;
	v13 =	vxor.u32 $0xFFFFFFFF, v6;
	v6 =	vor.u32 $0x80000000, v6  }
0x702: {  	vm1 =	vlt.s32 v9, $0x0;
	v15 =	vxor.u32 $0xFFFFFFFF, v9;
	v16 =	vor.u32 $0x80000000, v9;
	v9 =	vld [tilespmem:s15+$0x20]  }
0x703: {  	vm2 =	vlt.s32 v10, $0x0;
	v17 =	vxor.u32 $0xFFFFFFFF, v10;
	v6 =	vsel vm0, v13, v6;
	v13 =	vld [tilespmem:s15+$0xFFFFFFC0]  }
0x704: {  	v10 =	vor.u32 $0x80000000, v10;
	vm3 =	vlt.s32 v11, $0x0;
	v19 =	vxor.u32 $0xFFFFFFFF, v11  }
0x705: {  	v11 =	vor.u32 $0x80000000, v11;
	vm4 =	vlt.s32 v12, $0x0;
	v20 =	vxor.u32 $0xFFFFFFFF, v12  }
0x706: {  	v21 =	vor.u32 $0x80000000, v12;
	vm5 =	vlt.s32 v14, $0x0;
	v22 =	vxor.u32 $0xFFFFFFFF, v14  }
0x707: {  	v23 =	vor.u32 $0x80000000, v14;
	v15 =	vsel vm1, v15, v16;
	vm0 =	vgt.u32 v6, v8  }
0x708: {  	v18 =	vsel vm0, $0x0, v3;
	vm0 =	vlt.s32 v9, $0x0;
	vm6 =	vlt.s32 v13, $0x0  }
0x709: {  	v6 =	vxor.u32 $0xFFFFFFFF, v13;
	v12 =	vor.u32 $0x80000000, v13;
	v13 =	vsel vm2, v17, v10  }
0x70a: {  	v10 =	vsel vm5, v22, v23;
	v14 =	vsel vm6, v6, v12;
	v6 =	vxor.u32 $0xFFFFFFFF, v9  }
0x70b: {  	s1 =	simm.s32 $0x0;
	s3 =	sadd.s32 $0x80, s15;
	[tilespmem:s15+$0x30] =	vst v18;
	v9 =	vor.u32 $0x80000000, v9;
	v12 =	vsel vm3, v19, v11;
	v11 =	vsel vm4, v20, v21  }
.LBB2_98:
0x70c: {  	v16 =	vld [tilespmem:s3+$0x30];
	s1 =	sadd.s32 $0x8, s1;
	vm1 =	vgt.u32 v14, v8;
	vm2 =	vgt.u32 v15, v8;
	v6 =	vsel vm0, v6, v9  }
0x70d: {  	vm0 =	vgt.u32 v13, v8;
	vm3 =	vgt.u32 v12, v8;
	vm4 =	vgt.u32 v11, v8;
	v9 =	vld [tilespmem:s3+$0xFFFFFFD0];
	p0 =	slt.u32 s1, $0x7F8  }
0x70e: {  	v12 =	vsel vm1, $0x0, v3;
	vm1 =	vgt.u32 v10, v8;
	vm5 =	vgt.u32 v6, v8;
	v11 =	vld [tilespmem:s3+$0xFFFFFFE0]  }
0x70f: {  	v10 =	vsel vm2, $0x0, v3;
	v13 =	vsel vm3, $0x0, v3;
	v6 =	vld [tilespmem:s3+$0xFFFFFFF0];
	[tilespmem:s15+$0xFFFFFFC0] =	vst v12;
	v12 =	vsel vm0, $0x0, v3  }
0x710: {  	v15 =	vsel vm1, $0x0, v3;
	v17 =	vsel vm5, $0x0, v3;
	v14 =	vld [tilespmem:s3+$0x0];
	[tilespmem:s15+$0xFFFFFFD0] =	vst v10;
	v10 =	vsel vm4, $0x0, v3  }
0x711: {  	v18 =	vld [tilespmem:s3+$0x10];
	vm0 =	vlt.s32 v16, $0x0;
	v19 =	vxor.u32 $0xFFFFFFFF, v16;
	v16 =	vor.u32 $0x80000000, v16;
	[tilespmem:s15+$0xFFFFFFE0] =	vst v12  }
0x712: {  	vm1 =	vlt.s32 v9, $0x0;
	v12 =	vxor.u32 $0xFFFFFFFF, v9;
	v20 =	vld [tilespmem:s3+$0x20];
	v16 =	vsel vm0, v19, v16;
	[tilespmem:s15+$0xFFFFFFF0] =	vst v13  }
0x713: {  	v19 =	vor.u32 $0x80000000, v9;
	v13 =	vld [tilespmem:s3+$0xFFFFFFC0];
	vm2 =	vlt.s32 v11, $0x0;
	vm0 =	vgt.u32 v16, v8;
	[tilespmem:s15+$0x0] =	vst v10  }
0x714: {  	v10 =	vxor.u32 $0xFFFFFFFF, v11;
	v11 =	vor.u32 $0x80000000, v11;
	v9 =	vsel vm0, $0x0, v3;
	[tilespmem:s15+$0x10] =	vst v15  }
0x715: {  	vm3 =	vlt.s32 v6, $0x0;
	v16 =	vxor.u32 $0xFFFFFFFF, v6;
	v21 =	vor.u32 $0x80000000, v6;
	[tilespmem:s3+$0x30] =	vst v9  }
0x716: {  	vm4 =	vlt.s32 v14, $0x0;
	v22 =	vxor.u32 $0xFFFFFFFF, v14;
	v23 =	vor.u32 $0x80000000, v14;
	[tilespmem:s15+$0x20] =	vst v17;
	s15 =	smov.u32 s3  }
.Ltmp56:
0x717: {  	vm5 =	vlt.s32 v18, $0x0;
	v17 =	vxor.u32 $0xFFFFFFFF, v18;
	v18 =	vor.u32 $0x80000000, v18;
	(pc) =	sbr.rel @p0 .LBB2_98-.Ltmp56, $4  }
0x718: {  	vm6 =	vlt.s32 v13, $0x0;
	v14 =	vxor.u32 $0xFFFFFFFF, v13;
	v13 =	vor.u32 $0x80000000, v13  }
0x719: {  	vm0 =	vlt.s32 v20, $0x0;
	v6 =	vxor.u32 $0xFFFFFFFF, v20;
	v9 =	vor.u32 $0x80000000, v20  }
0x71a: {  	v15 =	vsel vm1, v12, v19;
	v14 =	vsel vm6, v14, v13;
	v13 =	vsel vm2, v10, v11  }
0x71b: {  	v12 =	vsel vm3, v16, v21;
	s3 =	sadd.s32 $0x80, s3;
	v11 =	vsel vm4, v22, v23;
	v10 =	vsel vm5, v17, v18  }
0x71c: {  	s0 =	sadd.s32 $0xF, s0  }
0x71d: {  	s1 =	sand.u32 $0xF, s0  }
0x71e: {  	s31 =	sshra.s32 s0, $0x1F;
	p1 =	slt.s32 s0, $0x1;
	p0 =	sne.s32 s1, $0x0  }
0x71f: {  	s1 =	sshrl.u32 s31, $0x1C;
	p0 =	por !p1, !p0  }
0x720: {  	vm1 =	vgt.u32 v14, v8;
	s0 =	sadd.s32 s1, s0;
	s1 =	simm.s32 $0x1;
	p0 =	por !p0, !p0  }
0x721: {  	vm2 =	vgt.u32 v15, v8;
	v14 =	vsel vm1, $0x0, v3;
	s0 =	sshra.s32 s0, $0x4;
	s1 =	simm.s32 @!p0 $0x0  }
0x722: {  	vm1 =	vgt.u32 v13, v8;
	v60 =	vsel vm2, $0x0, v3;
	[tilespmem:s15+$0xFFFFFFC0] =	vst v14;
	s1 =	ssub.s32 s0, s1  }
0x723: {  	vm2 =	vgt.u32 v12, v8;
	v61 =	vsel vm1, $0x0, v3;
	[tilespmem:s15+$0xFFFFFFD0] =	vst v60;
	p0 =	slt.s32 s1, $0x1  }
.Ltmp57:
0x724: {  	vm1 =	vgt.u32 v11, v8;
	v62 =	vsel vm2, $0x0, v3;
	[tilespmem:s15+$0xFFFFFFE0] =	vst v61;
	(pc) =	sbr.rel @p0 .LBB2_106-.Ltmp57, $4  }
0x725: {  	v6 =	vsel vm0, v6, v9;
	vm0 =	vgt.u32 v10, v8;
	v63 =	vsel vm1, $0x0, v3;
	[tilespmem:s15+$0xFFFFFFF0] =	vst v62  }
0x726: {  	vm1 =	vgt.u32 v6, v8;
	v6 =	vsel vm0, $0x0, v3;
	[tilespmem:s15+$0x0] =	vst v63  }
0x727: {  	v8 =	vsel vm1, $0x0, v3;
	[tilespmem:s15+$0x10] =	vst v6  }
0x728: {  	[tilespmem:s15+$0x20] =	vst v8  }
0x729: {  	p1 =	sne.s32 s1, $0x1  }
.Ltmp58:
0x72a: {  	_ = 	snop;
	(pc) =	sbr.rel @!p1 .LBB2_101-.Ltmp58, $4  }
0x72b: {  	_ = 	snop  }
0x72c: {  	s3 =	simm.s32 $0x18A00  }
0x72d: {  	v6 =	vld [tilespmem:s3+$0x0]  }
0x72e: {  	s0 =	simm.s32 $0x0;
	s1 =	sadd.s32 $0xFFFFFFFF, s1;
	p0 =	por $0x0, $0x0  }
0x72f: {  	_ =	sdelay $0x1  }
0x730: {  	v8 =	vor.u32 s0, v0  }
0x731: {  	vm0 =	vlt.s32 v8, v7;
	v6 =	vand.u32 $0x7FFF, v6  }
0x732: {  	v6 =	vor.u32 v5, v6;
	_ =	sdelay $0x1  }
0x733: {  	p1 =	sne.s32 s1, $0x1  }
.Ltmp59:
0x734: {  	_ = 	snop;
	(pc) =	sbr.rel @!p1 .LBB2_103-.Ltmp59, $4  }
0x735: {  	_ = 	snop  }
0x736: {  	s3 =	simm.s32 $0x18A10;
	[tilespmem:v6+s2+$0x0] =	vst.idx.msk vm0, v4  }
0x737: {  	v6 =	vld [tilespmem:s3+$0x0]  }
0x738: {  	s4 =	sadd.s32 $0xFFFFFFFF, s1;
	p0 =	por $0x1, $0x1;
	s1 =	simm.s32 $0x0  }
.LBB2_104:
0x739: {  	p1 =	sne.s32 s4, $0x1;
	_ =	sdelay $0x1  }
0x73a: {  	s1 =	sadd.s32 $0x10, s1  }
0x73b: {  	v8 =	vor.u32 s1, v0  }
0x73c: {  	v6 =	vand.u32 $0x7FFF, v6;
	vm0 =	vlt.s32 v8, v7  }
0x73d: {  	v6 =	vor.u32 v5, v6;
	_ =	sdelay $0x1  }
.Ltmp60:
0x73e: {  	(pc) =	sbr.rel @p1 .LBB2_104-.Ltmp60, $3  }
0x73f: {  	_ =	sdelay $0x1  }
0x740: {  	s3 =	sadd.s32 $0x10, s3;
	[tilespmem:v6+s2+$0x0] =	vst.idx.msk vm0, v4  }
0x741: {  	s4 =	sadd.s32 $0xFFFFFFFF, s4;
	v6 =	vld [tilespmem:s3+$0x0]  }
.Ltmp61:
0x742: {  	_ = 	snop;
	(pc) =	sbr.rel .LBB2_105-.Ltmp61, $1  }
0x743: {  	_ =	sdelay $0x3  }
.LBB2_14:
.Ltmp62:
0x744: {  	(pc) =	sbr.rel .LBB2_27-.Ltmp62, $2  }
0x745: {  	_ =	sdelay $0x2  }
0x746: {  	_ = 	snop  }
.LBB2_20:
.Ltmp63:
0x747: {  	(pc) =	sbr.rel .LBB2_40-.Ltmp63, $2  }
0x748: {  	_ =	sdelay $0x2  }
0x749: {  	_ = 	snop  }
.LBB2_33:
.Ltmp64:
0x74a: {  	(pc) =	sbr.rel .LBB2_53-.Ltmp64, $2  }
0x74b: {  	_ =	sdelay $0x2  }
0x74c: {  	_ = 	snop  }
.LBB2_46:
.Ltmp65:
0x74d: {  	(pc) =	sbr.rel .LBB2_66-.Ltmp65, $2  }
0x74e: {  	_ =	sdelay $0x2  }
0x74f: {  	_ = 	snop  }
.LBB2_59:
.Ltmp66:
0x750: {  	(pc) =	sbr.rel .LBB2_79-.Ltmp66, $2  }
0x751: {  	_ =	sdelay $0x2  }
0x752: {  	_ = 	snop  }
.LBB2_72:
.Ltmp67:
0x753: {  	(pc) =	sbr.rel .LBB2_91-.Ltmp67, $2  }
0x754: {  	_ =	sdelay $0x2  }
0x755: {  	_ = 	snop  }
.LBB2_93:
.Ltmp68:
0x756: {  	(pc) =	sbr.rel .LBB2_96-.Ltmp68, $2  }
0x757: {  	_ =	sdelay $0x2  }
0x758: {  	s6 =	simm.s32 $0x0;
	s10 =	rddreg [dreg:$0xa]  }
.LBB2_22:
.Ltmp69:
0x759: {  	(pc) =	sbr.rel .LBB2_27-.Ltmp69, $2  }
0x75a: {  	_ =	sdelay $0x2  }
0x75b: {  	_ = 	snop  }
.LBB2_35:
.Ltmp70:
0x75c: {  	(pc) =	sbr.rel .LBB2_40-.Ltmp70, $2  }
0x75d: {  	_ =	sdelay $0x2  }
0x75e: {  	_ = 	snop  }
.LBB2_48:
.Ltmp71:
0x75f: {  	(pc) =	sbr.rel .LBB2_53-.Ltmp71, $2  }
0x760: {  	_ =	sdelay $0x2  }
0x761: {  	_ = 	snop  }
.LBB2_61:
.Ltmp72:
0x762: {  	(pc) =	sbr.rel .LBB2_66-.Ltmp72, $2  }
0x763: {  	_ =	sdelay $0x2  }
0x764: {  	_ = 	snop  }
.LBB2_74:
.Ltmp73:
0x765: {  	(pc) =	sbr.rel .LBB2_79-.Ltmp73, $2  }
0x766: {  	_ =	sdelay $0x2  }
0x767: {  	_ = 	snop  }
.LBB2_86:
.Ltmp74:
0x768: {  	(pc) =	sbr.rel .LBB2_91-.Ltmp74, $2  }
0x769: {  	_ =	sdelay $0x2  }
0x76a: {  	_ = 	snop  }
.LBB2_103:
.Ltmp75:
0x76b: {  	(pc) =	sbr.rel .LBB2_105-.Ltmp75, $2  }
0x76c: {  	_ =	sdelay $0x2  }
0x76d: {  	s1 =	simm.s32 $0x0  }
.LBB2_24:
.Ltmp76:
0x76e: {  	(pc) =	sbr.rel .LBB2_27-.Ltmp76, $3  }
0x76f: {  	_ =	sdelay $0x1  }
0x770: {  	v26 =	vmov v8;
	v27 =	vmov v10  }
0x771: {  	v28 =	vmovc v9;
	v15 =	vmovc v18;
	v8 =	vmov v25;
	v10 =	vmov v22;
	v9 =	vmov v23  }
.LBB2_37:
.Ltmp77:
0x772: {  	(pc) =	sbr.rel .LBB2_40-.Ltmp77, $3  }
0x773: {  	_ =	sdelay $0x1  }
0x774: {  	v26 =	vmov v8;
	v27 =	vmov v10  }
0x775: {  	v28 =	vmovc v9;
	v15 =	vmovc v18;
	v8 =	vmov v25;
	v10 =	vmov v22;
	v9 =	vmov v23  }
.LBB2_50:
.Ltmp78:
0x776: {  	(pc) =	sbr.rel .LBB2_53-.Ltmp78, $3  }
0x777: {  	_ =	sdelay $0x1  }
0x778: {  	v26 =	vmov v8;
	v27 =	vmov v10  }
0x779: {  	v28 =	vmovc v9;
	v15 =	vmovc v18;
	v8 =	vmov v25;
	v10 =	vmov v22;
	v9 =	vmov v23  }
.LBB2_63:
.Ltmp79:
0x77a: {  	(pc) =	sbr.rel .LBB2_66-.Ltmp79, $3  }
0x77b: {  	_ =	sdelay $0x1  }
0x77c: {  	v26 =	vmov v8;
	v27 =	vmov v10  }
0x77d: {  	v28 =	vmovc v9;
	v15 =	vmovc v18;
	v8 =	vmov v25;
	v10 =	vmov v22;
	v9 =	vmov v23  }
.LBB2_76:
.Ltmp80:
0x77e: {  	(pc) =	sbr.rel .LBB2_79-.Ltmp80, $3  }
0x77f: {  	_ =	sdelay $0x1  }
0x780: {  	v26 =	vmov v8;
	v27 =	vmov v10  }
0x781: {  	v28 =	vmovc v9;
	v15 =	vmovc v18;
	v8 =	vmov v25;
	v10 =	vmov v22;
	v9 =	vmov v23  }
.LBB2_88:
.Ltmp81:
0x782: {  	(pc) =	sbr.rel .LBB2_91-.Ltmp81, $3  }
0x783: {  	_ =	sdelay $0x1  }
0x784: {  	v22 =	vmov v8;
	v23 =	vmov v9  }
0x785: {  	v24 =	vmovc v10;
	v8 =	vmovc v13;
	v13 =	vmov v19;
	v9 =	vmov v21;
	v10 =	vmov v20  }
.LBB2_108:
0x786: {  	_ =	sfence.sel $0x180000  }
0x787: {  	[bflag:$0x0] =	sbarrier.arrive $0xFFFF  }
0x788: {  	_ =	strace $0x90000047  }
0x789: {  	s0 =	stileid.u32;
	[bflag:$0x2] =	sbarrier.arrive $0xFFFF  }
0x78a: {  	p0 =	sne.s32 s0, $0x0;
	s0 =	rddreg [dreg:$0x2]  }
0x78b: {  	s0 =	sadd.s32 @!p0 $0x100000, s0  }
0x78c: {  	[sflag:s0] =	ssyncadd.tile.s32 @!p0 $0x1;
	_ =	shalt  }
.Lfunc_end2:
_tile_overlayer_lowered:
.L_overlay_start_2:
0x78d: {  	(tag) =	ssettag $0x2  }
0x78e: {  	s0 =	rddreg [dreg:$0x0];
	s2 =	stileid.u32  }
0x78f: {  	s1 =	rddreg [dreg:$0x1];
	p0 =	sne.s32 s2, $0x0  }
0x790: {  	s3 =	rddreg [dreg:$0x2];
	[bflag:$0x3] =	sbarrier.arrive $0xFFFF;
	s2 =	simm.s32 @!p0 $0x1C03  }
0x791: {  	[timem:s3], [sflag:s2] =	dma.local @!p0 [hbm:s0], s1  }
0x792: {  	s0 =	simm.s32 @!p0 $0x3  }
0x793: {  	_ =	swait.ge @!p0 [sflag:s0], s1  }
0x794: {  	s1 =	ssub.s32 @!p0 $0x0, s1;
	[sflag:s0] =	ssyncset.done @!p0 $0x0  }
0x795: {  	[sflag:s0] =	ssyncadd.s32 @!p0 s1  }
0x796: {  	[bflag:$0x3] =	sbarrier.arrive $0xFFFF  }
0x797: {  	_ =	shalt  }

</sc_bundles>
